<compile_context>
chip_gen: v7x
topology: tpu7x:2x2x1
jax: 0.10.2.dev20260603
libtpu: 0.0.44.dev20260713+nightly
codegen_flags: <defaults>
</compile_context>

<pallas_src>
import jax
import jax.numpy as jnp
from jax import lax
from jax.experimental import pallas as pl
from jax.experimental.pallas import tpu as pltpu
from jax.experimental.pallas import tpu_sc as plsc

N_NODES = 10000
N_EDGES = 320000
D_IN = 128
D_HID = 32
D_OUT = 128

NP_ = 10112

NC, NS = 2, 16
CH = 128
NCH = N_EDGES // CH
KB = 78
KMAX = KB + 1

R = NP_ // NS
R2 = R // 2

_mesh = plsc.VectorSubcoreMesh(
    core_axis_name="c", subcore_axis_name="s", num_cores=NC, num_subcores=NS)

NQUAD = 19


def _edge_pipeline(table_s, acc_s, src_v, dst_v, bufs, gs, ss, extra,
                   counts=None):
    if counts is not None:
        cnt_s, ones_v, cs = counts

    def gather(j, b):
        return pltpu.async_copy(table_s.at[src_v.at[j]], bufs[b], gs[b])

    def wait_g(j, b):
        pltpu.make_async_copy(table_s.at[src_v.at[j]], bufs[b], gs[b]).wait()

    def scat(j, b, sb=None):
        sb = b if sb is None else sb
        pltpu.async_copy(bufs[b], acc_s.at[dst_v.at[j]], ss[sb], add=True)
        if counts is not None:
            pltpu.async_copy(ones_v, cnt_s.at[dst_v.at[j]], cs[sb], add=True)

    def wait_s(j, sb):
        pltpu.make_async_copy(bufs[0], acc_s.at[dst_v.at[j]], ss[sb]).wait()
        if counts is not None:
            pltpu.make_async_copy(
                ones_v, cnt_s.at[dst_v.at[j]], cs[sb]).wait()

    gather(0, 0)
    gather(1, 1)

    def quad(i, carry):
        q = 4 * i
        wait_g(q, 0)

        @pl.when(i > 0)
        def _():
            wait_s(q - 2, 2)

        gather(q + 2, 2)
        scat(q, 0)
        wait_g(q + 1, 1)

        @pl.when(i > 0)
        def _():
            wait_s(q - 1, 3)

        gather(q + 3, 3)
        scat(q + 1, 1)
        wait_g(q + 2, 2)
        wait_s(q, 0)

        @pl.when(i < NQUAD - 1)
        def _():
            gather(q + 4, 0)

        scat(q + 2, 2)
        wait_g(q + 3, 3)
        wait_s(q + 1, 1)

        @pl.when(i < NQUAD - 1)
        def _():
            gather(q + 5, 1)

        scat(q + 3, 3)
        return carry

    lax.fori_loop(0, NQUAD, quad, 0)

    gather(76, 0)
    gather(77, 1)
    wait_g(76, 0)
    wait_s(74, 2)
    scat(76, 0, 0)
    wait_g(77, 1)
    wait_s(75, 3)
    scat(77, 1, 1)

    @pl.when(extra)
    def _():
        gather(78, 2)
        wait_g(78, 2)
        scat(78, 2, 2)

    wait_s(76, 0)
    wait_s(77, 1)

    @pl.when(extra)
    def _():
        wait_s(78, 2)


def _make_sc_pass(with_counts: bool):
    out_type = [jax.ShapeDtypeStruct((NC, NP_, 32), jnp.float32)]
    if with_counts:
        out_type.append(jax.ShapeDtypeStruct((NC, NP_, 16), jnp.float32))

    scratch = [
        pltpu.VMEM_SHARED((NP_, 32), jnp.float32),
        pltpu.VMEM_SHARED((NP_, 32), jnp.float32),
        pltpu.VMEM((KMAX, CH), jnp.int32),
        pltpu.VMEM((KMAX, CH), jnp.int32),
        pltpu.VMEM((4, CH, 32), jnp.float32),
    ] + [pltpu.SemaphoreType.DMA] * 8
    if with_counts:
        scratch += [
            pltpu.VMEM_SHARED((NP_, 16), jnp.float32),
            pltpu.VMEM((CH, 16), jnp.float32),
        ] + [pltpu.SemaphoreType.DMA] * 4

    def body(*refs):
        if with_counts:
            (table_h, e_h, z32_h, z16_h, ones_h,
             parts_h, cntp_h,
             table_s, acc_s, src_v, dst_v, rowsb,
             g0, g1, g2, g3, s0, s1, s2, s3,
             cnt_s, ones_v, c0, c1, c2, c3) = refs
            cs = (c0, c1, c2, c3)
        else:
            (table_h, e_h, z32_h,
             parts_h,
             table_s, acc_s, src_v, dst_v, rowsb,
             g0, g1, g2, g3, s0, s1, s2, s3) = refs
        gs = (g0, g1, g2, g3)
        ss = (s0, s1, s2, s3)
        bufs = tuple(rowsb.at[b] for b in range(4))
        c = lax.axis_index("c")
        s = lax.axis_index("s")
        base = jnp.where(c == 0, s * KB,
                         NS * KB + s * KB + jnp.maximum(s - 12, 0))
        extra = jnp.logical_and(c == 1, s >= 12)

        pltpu.sync_copy(table_h.at[pl.ds(s * R, R), pl.ds(0, 32)],
                        table_s.at[pl.ds(s * R, R)])
        pltpu.sync_copy(z32_h.at[pl.ds(s * R, R)], acc_s.at[pl.ds(s * R, R)])
        if with_counts:
            pltpu.sync_copy(z16_h.at[pl.ds(s * R, R)], cnt_s.at[pl.ds(s * R, R)])
            pltpu.sync_copy(ones_h, ones_v)
        pltpu.sync_copy(e_h.at[0, pl.ds(base, KMAX)], src_v)
        pltpu.sync_copy(e_h.at[1, pl.ds(base, KMAX)], dst_v)
        plsc.subcore_barrier()

        _edge_pipeline(table_s, acc_s, src_v, dst_v, bufs, gs, ss, extra,
                       counts=(cnt_s, ones_v, cs) if with_counts else None)
        plsc.subcore_barrier()

        pltpu.sync_copy(acc_s.at[pl.ds(s * R, R)], parts_h.at[c, pl.ds(s * R, R)])
        if with_counts:
            pltpu.sync_copy(cnt_s.at[pl.ds(s * R, R)], cntp_h.at[c, pl.ds(s * R, R)])

    return pl.kernel(body, out_type=out_type, mesh=_mesh, scratch_types=scratch,
                     compiler_params=pltpu.CompilerParams(use_tc_tiling_on_sc=False))


_sc_pass1 = _make_sc_pass(with_counts=True)


def _sc_pass2f_body(parts1_h, cntp_h, r1_h, b1_h, e_h, z32_h,
                    h_out, parts2_h,
                    table_s, acc_s, src_v, dst_v, rowsb,
                    g0, g1, g2, g3, s0, s1, s2, s3,
                    av, bv, cv, dv, b1_v):
    c = lax.axis_index("c")
    s = lax.axis_index("s")
    base = jnp.where(c == 0, s * KB,
                     NS * KB + s * KB + jnp.maximum(s - 12, 0))
    extra = jnp.logical_and(c == 1, s >= 12)
    row0 = s * R

    pltpu.sync_copy(b1_h, b1_v)
    for half in range(2):
        r0h = row0 + half * R2

        pltpu.sync_copy(parts1_h.at[0, pl.ds(r0h, R2)], av)
        pltpu.sync_copy(parts1_h.at[1, pl.ds(r0h, R2)], bv)
        pltpu.sync_copy(cntp_h.at[0, pl.ds(r0h, R2)], cv)
        pltpu.sync_copy(cntp_h.at[1, pl.ds(r0h, R2)], dv)

        @plsc.parallel_loop(0, R2, unroll=8)
        def psum_inv(i):
            av[i, 0:16] = av[i, 0:16] + bv[i, 0:16]
            av[i, 16:32] = av[i, 16:32] + bv[i, 16:32]
            cv[i, 0:16] = 1.0 / jnp.maximum(cv[i, 0:16] + dv[i, 0:16], 1.0)

        pltpu.sync_copy(r1_h.at[pl.ds(r0h, R2), pl.ds(32, 32)], bv)

        @plsc.parallel_loop(0, R2, unroll=8)
        def hloop(i):
            iv = cv[i, 0:16]
            av[i, 0:16] = jnp.maximum(
                av[i, 0:16] * iv + b1_v[0, :] + bv[i, 0:16], 0.0)
            av[i, 16:32] = jnp.maximum(
                av[i, 16:32] * iv + b1_v[1, :] + bv[i, 16:32], 0.0)

        pltpu.sync_copy(av, table_s.at[pl.ds(r0h, R2)])

        @pl.when(c == 0)
        def _():
            pltpu.sync_copy(av, h_out.at[pl.ds(r0h, R2)])

    pltpu.sync_copy(z32_h.at[pl.ds(row0, R)], acc_s.at[pl.ds(row0, R)])
    pltpu.sync_copy(e_h.at[0, pl.ds(base, KMAX)], src_v)
    pltpu.sync_copy(e_h.at[1, pl.ds(base, KMAX)], dst_v)
    plsc.subcore_barrier()

    _edge_pipeline(table_s, acc_s, src_v, dst_v,
                   tuple(rowsb.at[b] for b in range(4)),
                   (g0, g1, g2, g3), (s0, s1, s2, s3), extra)
    plsc.subcore_barrier()

    for half in range(2):
        r0h = row0 + half * R2
        pltpu.sync_copy(acc_s.at[pl.ds(r0h, R2)], bv)
        pltpu.sync_copy(cntp_h.at[0, pl.ds(r0h, R2)], cv)
        pltpu.sync_copy(cntp_h.at[1, pl.ds(r0h, R2)], dv)

        @plsc.parallel_loop(0, R2, unroll=8)
        def ndump(i):
            iv = 1.0 / jnp.maximum(cv[i, 0:16] + dv[i, 0:16], 1.0)
            bv[i, 0:16] = bv[i, 0:16] * iv
            bv[i, 16:32] = bv[i, 16:32] * iv

        pltpu.sync_copy(bv, parts2_h.at[c, pl.ds(r0h, R2)])


_sc_pass2 = pl.kernel(
    _sc_pass2f_body,
    out_type=[
        jax.ShapeDtypeStruct((NP_, 32), jnp.float32),
        jax.ShapeDtypeStruct((NC, NP_, 32), jnp.float32),
    ],
    mesh=_mesh,
    scratch_types=[
        pltpu.VMEM_SHARED((NP_, 32), jnp.float32),
        pltpu.VMEM_SHARED((NP_, 32), jnp.float32),
        pltpu.VMEM((KMAX, CH), jnp.int32),
        pltpu.VMEM((KMAX, CH), jnp.int32),
        pltpu.VMEM((4, CH, 32), jnp.float32),
        pltpu.SemaphoreType.DMA,
        pltpu.SemaphoreType.DMA,
        pltpu.SemaphoreType.DMA,
        pltpu.SemaphoreType.DMA,
        pltpu.SemaphoreType.DMA,
        pltpu.SemaphoreType.DMA,
        pltpu.SemaphoreType.DMA,
        pltpu.SemaphoreType.DMA,
        pltpu.VMEM((R2, 32), jnp.float32),
        pltpu.VMEM((R2, 32), jnp.float32),
        pltpu.VMEM((R2, 16), jnp.float32),
        pltpu.VMEM((R2, 16), jnp.float32),
        pltpu.VMEM((2, 16), jnp.float32),
    ],
    compiler_params=pltpu.CompilerParams(use_tc_tiling_on_sc=False))



_BR = NP_ // 4
_BR3 = _BR


def _rowmask(blk):
    rows = (pl.program_id(0) * blk
            + lax.broadcasted_iota(jnp.int32, (blk, 1), 0))
    return rows < N_NODES


def _tc1_body(x_ref, w_ref, y_ref):
    m = _rowmask(_BR)
    y = jnp.dot(x_ref[...], w_ref[...], preferred_element_type=jnp.float32)
    y_ref[...] = jnp.where(m, y, 0.0)


def _tc1(x, w1catT):
    return pl.pallas_call(
        _tc1_body,
        grid=(4,),
        in_specs=[
            pl.BlockSpec((_BR, D_IN), lambda i: (i, 0)),
            pl.BlockSpec((D_IN, 2 * D_HID), lambda i: (0, 0)),
        ],
        out_specs=pl.BlockSpec((_BR, 2 * D_HID), lambda i: (i, 0)),
        out_shape=jax.ShapeDtypeStruct((NP_, 2 * D_HID), jnp.float32),
    )(x, w1catT)


def _tc3_body(p_ref, h_ref, wl_ref, wr_ref, b_ref, o_ref):
    agg = p_ref[0] + p_ref[1]
    o_ref[...] = (
        jnp.dot(agg, wl_ref[...], preferred_element_type=jnp.float32)
        + jnp.dot(h_ref[...], wr_ref[...], preferred_element_type=jnp.float32)
        + b_ref[...])


def _tc3(parts2, h, w2lT, w2rT, b2):
    return pl.pallas_call(
        _tc3_body,
        grid=(4,),
        in_specs=[
            pl.BlockSpec((NC, _BR3, D_HID), lambda i: (0, i, 0)),
            pl.BlockSpec((_BR3, D_HID), lambda i: (i, 0)),
            pl.BlockSpec((D_HID, D_OUT), lambda i: (0, 0)),
            pl.BlockSpec((D_HID, D_OUT), lambda i: (0, 0)),
            pl.BlockSpec((1, D_OUT), lambda i: (0, 0)),
        ],
        out_specs=pl.BlockSpec((_BR3, D_OUT), lambda i: (i, 0)),
        out_shape=jax.ShapeDtypeStruct((N_NODES, D_OUT), jnp.float32),
    )(parts2, h, w2lT, w2rT, b2)


def kernel(x, edge_index, W1l, b1, W1r, W2l, b2, W2r):
    e3 = edge_index.astype(jnp.int32).reshape(2, NCH, CH)

    z32 = jnp.zeros((NP_, 32), jnp.float32)
    z16 = jnp.zeros((NP_, 16), jnp.float32)
    ones = jnp.ones((CH, 16), jnp.float32)

    w1catT = jnp.concatenate([W1l, W1r], axis=0).T
    y = _tc1(x, w1catT)

    parts1, cntp = _sc_pass1(y, e3, z32, z16, ones)

    h, parts2 = _sc_pass2(parts1, cntp, y, b1.reshape(2, 16), e3, z32)

    return _tc3(parts2, h, W2l.T, W2r.T, b2.reshape(1, D_OUT))

# --- scband reference (transcript-rebuilt; emitter-appended) ---
"""Pipeline reference for scband-graph-sage-10282151706738 (READ-ONLY COPY).

The authoritative reference and input builder live on the scoring server;
editing this copy changes nothing except your own understanding.
"""

import jax, jax.numpy as jnp
import numpy as np

N_NODES = 10000
N_EDGES = 320000
D_IN = 128
D_HID = 32
D_OUT = 128

def setup_inputs(seed: int = 0) -> dict:
    key = jax.random.key(seed)
    k = jax.random.split(key, 8)
    x = jax.random.normal(k[0], (N_NODES, D_IN), dtype=jnp.float32)
    edge_index = jax.random.randint(k[1], (2, N_EDGES), 0, N_NODES, dtype=jnp.int64)
    # SAGEConv layer 1: lin_l (aggregated neighbors, with bias), lin_r (root, no bias)
    s1 = 1.0 / np.sqrt(D_IN)
    W1l = jax.random.uniform(k[2], (D_HID, D_IN), dtype=jnp.float32, minval=-s1, maxval=s1)
    b1 = jax.random.uniform(k[3], (D_HID,), dtype=jnp.float32, minval=-s1, maxval=s1)
    W1r = jax.random.uniform(k[4], (D_HID, D_IN), dtype=jnp.float32, minval=-s1, maxval=s1)
    s2 = 1.0 / np.sqrt(D_HID)
    W2l = jax.random.uniform(k[5], (D_OUT, D_HID), dtype=jnp.float32, minval=-s2, maxval=s2)
    b2 = jax.random.uniform(k[6], (D_OUT,), dtype=jnp.float32, minval=-s2, maxval=s2)
    W2r = jax.random.uniform(k[7], (D_OUT, D_HID), dtype=jnp.float32, minval=-s2, maxval=s2)
    return {"x": x, "edge_index": edge_index, "W1l": W1l, "b1": b1, "W1r": W1r, "W2l": W2l, "b2": b2, "W2r": W2r}

def _sage_conv(x, edge_index, Wl, b, Wr):
    src = edge_index[0]
    dst = edge_index[1]
    msgs = jnp.take(x, src, axis=0)                       # gather
    agg = jax.ops.segment_sum(msgs, dst, num_segments=N_NODES)  # scatter-add
    cnt = jax.ops.segment_sum(jnp.ones((src.shape[0],), dtype=x.dtype), dst, num_segments=N_NODES)
    agg = agg / jnp.clip(cnt, 1.0)[:, None]               # mean aggregation
    return agg @ Wl.T + b + x @ Wr.T

def reference(x, edge_index, W1l, b1, W1r, W2l, b2, W2r):
    h = _sage_conv(x, edge_index, W1l, b1, W1r)
    h = jax.nn.relu(h)
    # dropout is identity in eval mode
    out = _sage_conv(h, edge_index, W2l, b2, W2r)
    return out

if __name__ == "__main__":
    import jax
    _d = setup_inputs()
    print(jax.jit(kernel)(*tuple(_d.values())))

</pallas_src>

<mosaic_0001>
#map = affine_map<(d0, d1) -> (0, 0, 0)>
#map1 = affine_map<(d0, d1) -> (0, 0)>
module attributes {stable_mosaic.version = 14 : i64} {
  func.func @_sc_pass2f_body(%arg0: i32, %arg1: i32, %arg2: memref<2x10112x32xf32, #tpu.memory_space<hbm>>, %arg3: memref<2x10112x16xf32, #tpu.memory_space<hbm>>, %arg4: memref<10112x64xf32, #tpu.memory_space<hbm>>, %arg5: memref<2x16xf32, #tpu.memory_space<hbm>>, %arg6: memref<2x2500x128xi32, #tpu.memory_space<hbm>>, %arg7: memref<10112x32xf32, #tpu.memory_space<hbm>>, %arg8: memref<10112x32xf32, #tpu.memory_space<hbm>>, %arg9: memref<2x10112x32xf32, #tpu.memory_space<hbm>>, %arg10: memref<10112x32xf32, #tpu.memory_space<vmem_shared>>, %arg11: memref<10112x32xf32, #tpu.memory_space<vmem_shared>>, %arg12: memref<79x128xi32, #tpu.memory_space<vmem>>, %arg13: memref<79x128xi32, #tpu.memory_space<vmem>>, %arg14: memref<4x128x32xf32, #tpu.memory_space<vmem>>, %arg15: memref<!tpu.dma_semaphore, #tpu.memory_space<semaphore_mem>>, %arg16: memref<!tpu.dma_semaphore, #tpu.memory_space<semaphore_mem>>, %arg17: memref<!tpu.dma_semaphore, #tpu.memory_space<semaphore_mem>>, %arg18: memref<!tpu.dma_semaphore, #tpu.memory_space<semaphore_mem>>, %arg19: memref<!tpu.dma_semaphore, #tpu.memory_space<semaphore_mem>>, %arg20: memref<!tpu.dma_semaphore, #tpu.memory_space<semaphore_mem>>, %arg21: memref<!tpu.dma_semaphore, #tpu.memory_space<semaphore_mem>>, %arg22: memref<!tpu.dma_semaphore, #tpu.memory_space<semaphore_mem>>, %arg23: memref<316x32xf32, #tpu.memory_space<vmem>>, %arg24: memref<316x32xf32, #tpu.memory_space<vmem>>, %arg25: memref<316x16xf32, #tpu.memory_space<vmem>>, %arg26: memref<316x16xf32, #tpu.memory_space<vmem>>, %arg27: memref<2x16xf32, #tpu.memory_space<vmem>>) attributes {dimension_semantics = [#tpu.dimension_semantics<core_parallel>, #tpu.dimension_semantics<subcore_parallel>], iteration_bounds = array<i64: 2, 16>, scalar_prefetch = 0 : i64, scratch_operands = 18 : i64, tpu.core_type = #tpu.core_type<sc_vector_subcore>, window_params = [{transform_indices = #map}, {transform_indices = #map}, {transform_indices = #map1}, {transform_indices = #map1}, {transform_indices = #map}, {transform_indices = #map1}, {transform_indices = #map1}, {transform_indices = #map}]} {
    %eq3A = arith.constant 0 : i32
    %eq3A_0 = arith.cmpi eq, %arg0, %eq3A : i32
    %mul3A = arith.constant 78 : i32
    %mul3A_1 = arith.muli %arg1, %mul3A : i32
    %mul3A_2 = arith.constant 78 : i32
    %mul3A_3 = arith.muli %arg1, %mul3A_2 : i32
    %add3A = arith.constant 1248 : i32
    %add3A_4 = arith.addi %add3A, %mul3A_3 : i32
    %sub3A = arith.constant 12 : i32
    %sub3A_5 = arith.subi %arg1, %sub3A : i32
    %max3A = arith.constant 0 : i32
    %max3A_6 = arith.maxsi %sub3A_5, %max3A : i32
    %add3A_7 = arith.addi %add3A_4, %max3A_6 : i32
    %select_n3A = arith.select %eq3A_0, %mul3A_1, %add3A_7 : i32
    %eq3A_8 = arith.constant 1 : i32
    %eq3A_9 = arith.cmpi eq, %arg0, %eq3A_8 : i32
    %ge3A = arith.constant 12 : i32
    %ge3A_10 = arith.cmpi sge, %arg1, %ge3A : i32
    %and3A = arith.andi %eq3A_9, %ge3A_10 : i1
    %mul3A_11 = arith.constant 632 : i32
    %mul3A_12 = arith.muli %arg1, %mul3A_11 : i32
    "tpu.region"() ({
      %run_scoped3A_219 = tpu.sem_alloc : memref<!tpu.dma_semaphore, #tpu.memory_space<semaphore_mem>>
      tpu.enqueue_dma source(%arg5 : memref<2x16xf32, #tpu.memory_space<hbm>>) target(%arg27 : memref<2x16xf32, #tpu.memory_space<vmem>>) target_semaphore(%run_scoped3A_219 : memref<!tpu.dma_semaphore, #tpu.memory_space<semaphore_mem>>)
      tpu.wait_dma2 semaphore(%run_scoped3A_219 : memref<!tpu.dma_semaphore, #tpu.memory_space<semaphore_mem>>) src(%arg5 : memref<2x16xf32, #tpu.memory_space<hbm>>) dst(%arg27 : memref<2x16xf32, #tpu.memory_space<vmem>>)
      tpu.yield
    }) : () -> ()
    %add3A_13 = arith.constant 0 : i32
    %add3A_14 = arith.addi %mul3A_12, %add3A_13 : i32
    %run_scoped3A = arith.constant 0 : i32
    "tpu.region"() ({
      %run_scoped3A_219 = tpu.sem_alloc : memref<!tpu.dma_semaphore, #tpu.memory_space<semaphore_mem>>
      %dma_start3A_220 = arith.constant 0 : i32
      %dma_start3A_221 = tpu.memref_slice %arg2[%run_scoped3A, %add3A_14, %dma_start3A_220] : memref<2x10112x32xf32, #tpu.memory_space<hbm>> -> memref<1x316x32xf32, #tpu.memory_space<hbm>>
      %dma_start3A_222 = tpu.memref_squeeze %dma_start3A_221 : memref<1x316x32xf32, #tpu.memory_space<hbm>> -> memref<316x32xf32, #tpu.memory_space<hbm>>
      %dma_start3A_223 = arith.constant 0 : i32
      %dma_start3A_224 = tpu.memref_slice %arg2[%run_scoped3A, %add3A_14, %dma_start3A_223] : memref<2x10112x32xf32, #tpu.memory_space<hbm>> -> memref<1x316x32xf32, #tpu.memory_space<hbm>>
      %dma_start3A_225 = tpu.memref_squeeze %dma_start3A_224 : memref<1x316x32xf32, #tpu.memory_space<hbm>> -> memref<316x32xf32, #tpu.memory_space<hbm>>
      tpu.enqueue_dma source(%dma_start3A_225 : memref<316x32xf32, #tpu.memory_space<hbm>>) target(%arg23 : memref<316x32xf32, #tpu.memory_space<vmem>>) target_semaphore(%run_scoped3A_219 : memref<!tpu.dma_semaphore, #tpu.memory_space<semaphore_mem>>)
      %dma_wait3A_226 = arith.constant 0 : i32
      %dma_wait3A_227 = tpu.memref_slice %arg2[%run_scoped3A, %add3A_14, %dma_wait3A_226] : memref<2x10112x32xf32, #tpu.memory_space<hbm>> -> memref<1x316x32xf32, #tpu.memory_space<hbm>>
      %dma_wait3A_228 = tpu.memref_squeeze %dma_wait3A_227 : memref<1x316x32xf32, #tpu.memory_space<hbm>> -> memref<316x32xf32, #tpu.memory_space<hbm>>
      %dma_wait3A_229 = arith.constant 0 : i32
      %dma_wait3A_230 = tpu.memref_slice %arg2[%run_scoped3A, %add3A_14, %dma_wait3A_229] : memref<2x10112x32xf32, #tpu.memory_space<hbm>> -> memref<1x316x32xf32, #tpu.memory_space<hbm>>
      %dma_wait3A_231 = tpu.memref_squeeze %dma_wait3A_230 : memref<1x316x32xf32, #tpu.memory_space<hbm>> -> memref<316x32xf32, #tpu.memory_space<hbm>>
      tpu.wait_dma2 semaphore(%run_scoped3A_219 : memref<!tpu.dma_semaphore, #tpu.memory_space<semaphore_mem>>) src(%dma_wait3A_231 : memref<316x32xf32, #tpu.memory_space<hbm>>) dst(%arg23 : memref<316x32xf32, #tpu.memory_space<vmem>>)
      tpu.yield
    }) : () -> ()
    %run_scoped3A_15 = arith.constant 1 : i32
    "tpu.region"() ({
      %run_scoped3A_219 = tpu.sem_alloc : memref<!tpu.dma_semaphore, #tpu.memory_space<semaphore_mem>>
      %dma_start3A_220 = arith.constant 0 : i32
      %dma_start3A_221 = tpu.memref_slice %arg2[%run_scoped3A_15, %add3A_14, %dma_start3A_220] : memref<2x10112x32xf32, #tpu.memory_space<hbm>> -> memref<1x316x32xf32, #tpu.memory_space<hbm>>
      %dma_start3A_222 = tpu.memref_squeeze %dma_start3A_221 : memref<1x316x32xf32, #tpu.memory_space<hbm>> -> memref<316x32xf32, #tpu.memory_space<hbm>>
      %dma_start3A_223 = arith.constant 0 : i32
      %dma_start3A_224 = tpu.memref_slice %arg2[%run_scoped3A_15, %add3A_14, %dma_start3A_223] : memref<2x10112x32xf32, #tpu.memory_space<hbm>> -> memref<1x316x32xf32, #tpu.memory_space<hbm>>
      %dma_start3A_225 = tpu.memref_squeeze %dma_start3A_224 : memref<1x316x32xf32, #tpu.memory_space<hbm>> -> memref<316x32xf32, #tpu.memory_space<hbm>>
      tpu.enqueue_dma source(%dma_start3A_225 : memref<316x32xf32, #tpu.memory_space<hbm>>) target(%arg24 : memref<316x32xf32, #tpu.memory_space<vmem>>) target_semaphore(%run_scoped3A_219 : memref<!tpu.dma_semaphore, #tpu.memory_space<semaphore_mem>>)
      %dma_wait3A_226 = arith.constant 0 : i32
      %dma_wait3A_227 = tpu.memref_slice %arg2[%run_scoped3A_15, %add3A_14, %dma_wait3A_226] : memref<2x10112x32xf32, #tpu.memory_space<hbm>> -> memref<1x316x32xf32, #tpu.memory_space<hbm>>
      %dma_wait3A_228 = tpu.memref_squeeze %dma_wait3A_227 : memref<1x316x32xf32, #tpu.memory_space<hbm>> -> memref<316x32xf32, #tpu.memory_space<hbm>>
      %dma_wait3A_229 = arith.constant 0 : i32
      %dma_wait3A_230 = tpu.memref_slice %arg2[%run_scoped3A_15, %add3A_14, %dma_wait3A_229] : memref<2x10112x32xf32, #tpu.memory_space<hbm>> -> memref<1x316x32xf32, #tpu.memory_space<hbm>>
      %dma_wait3A_231 = tpu.memref_squeeze %dma_wait3A_230 : memref<1x316x32xf32, #tpu.memory_space<hbm>> -> memref<316x32xf32, #tpu.memory_space<hbm>>
      tpu.wait_dma2 semaphore(%run_scoped3A_219 : memref<!tpu.dma_semaphore, #tpu.memory_space<semaphore_mem>>) src(%dma_wait3A_231 : memref<316x32xf32, #tpu.memory_space<hbm>>) dst(%arg24 : memref<316x32xf32, #tpu.memory_space<vmem>>)
      tpu.yield
    }) : () -> ()
    %run_scoped3A_16 = arith.constant 0 : i32
    "tpu.region"() ({
      %run_scoped3A_219 = tpu.sem_alloc : memref<!tpu.dma_semaphore, #tpu.memory_space<semaphore_mem>>
      %dma_start3A_220 = arith.constant 0 : i32
      %dma_start3A_221 = tpu.memref_slice %arg3[%run_scoped3A_16, %add3A_14, %dma_start3A_220] : memref<2x10112x16xf32, #tpu.memory_space<hbm>> -> memref<1x316x16xf32, #tpu.memory_space<hbm>>
      %dma_start3A_222 = tpu.memref_squeeze %dma_start3A_221 : memref<1x316x16xf32, #tpu.memory_space<hbm>> -> memref<316x16xf32, #tpu.memory_space<hbm>>
      %dma_start3A_223 = arith.constant 0 : i32
      %dma_start3A_224 = tpu.memref_slice %arg3[%run_scoped3A_16, %add3A_14, %dma_start3A_223] : memref<2x10112x16xf32, #tpu.memory_space<hbm>> -> memref<1x316x16xf32, #tpu.memory_space<hbm>>
      %dma_start3A_225 = tpu.memref_squeeze %dma_start3A_224 : memref<1x316x16xf32, #tpu.memory_space<hbm>> -> memref<316x16xf32, #tpu.memory_space<hbm>>
      tpu.enqueue_dma source(%dma_start3A_225 : memref<316x16xf32, #tpu.memory_space<hbm>>) target(%arg25 : memref<316x16xf32, #tpu.memory_space<vmem>>) target_semaphore(%run_scoped3A_219 : memref<!tpu.dma_semaphore, #tpu.memory_space<semaphore_mem>>)
      %dma_wait3A_226 = arith.constant 0 : i32
      %dma_wait3A_227 = tpu.memref_slice %arg3[%run_scoped3A_16, %add3A_14, %dma_wait3A_226] : memref<2x10112x16xf32, #tpu.memory_space<hbm>> -> memref<1x316x16xf32, #tpu.memory_space<hbm>>
      %dma_wait3A_228 = tpu.memref_squeeze %dma_wait3A_227 : memref<1x316x16xf32, #tpu.memory_space<hbm>> -> memref<316x16xf32, #tpu.memory_space<hbm>>
      %dma_wait3A_229 = arith.constant 0 : i32
      %dma_wait3A_230 = tpu.memref_slice %arg3[%run_scoped3A_16, %add3A_14, %dma_wait3A_229] : memref<2x10112x16xf32, #tpu.memory_space<hbm>> -> memref<1x316x16xf32, #tpu.memory_space<hbm>>
      %dma_wait3A_231 = tpu.memref_squeeze %dma_wait3A_230 : memref<1x316x16xf32, #tpu.memory_space<hbm>> -> memref<316x16xf32, #tpu.memory_space<hbm>>
      tpu.wait_dma2 semaphore(%run_scoped3A_219 : memref<!tpu.dma_semaphore, #tpu.memory_space<semaphore_mem>>) src(%dma_wait3A_231 : memref<316x16xf32, #tpu.memory_space<hbm>>) dst(%arg25 : memref<316x16xf32, #tpu.memory_space<vmem>>)
      tpu.yield
    }) : () -> ()
    %run_scoped3A_17 = arith.constant 1 : i32
    "tpu.region"() ({
      %run_scoped3A_219 = tpu.sem_alloc : memref<!tpu.dma_semaphore, #tpu.memory_space<semaphore_mem>>
      %dma_start3A_220 = arith.constant 0 : i32
      %dma_start3A_221 = tpu.memref_slice %arg3[%run_scoped3A_17, %add3A_14, %dma_start3A_220] : memref<2x10112x16xf32, #tpu.memory_space<hbm>> -> memref<1x316x16xf32, #tpu.memory_space<hbm>>
      %dma_start3A_222 = tpu.memref_squeeze %dma_start3A_221 : memref<1x316x16xf32, #tpu.memory_space<hbm>> -> memref<316x16xf32, #tpu.memory_space<hbm>>
      %dma_start3A_223 = arith.constant 0 : i32
      %dma_start3A_224 = tpu.memref_slice %arg3[%run_scoped3A_17, %add3A_14, %dma_start3A_223] : memref<2x10112x16xf32, #tpu.memory_space<hbm>> -> memref<1x316x16xf32, #tpu.memory_space<hbm>>
      %dma_start3A_225 = tpu.memref_squeeze %dma_start3A_224 : memref<1x316x16xf32, #tpu.memory_space<hbm>> -> memref<316x16xf32, #tpu.memory_space<hbm>>
      tpu.enqueue_dma source(%dma_start3A_225 : memref<316x16xf32, #tpu.memory_space<hbm>>) target(%arg26 : memref<316x16xf32, #tpu.memory_space<vmem>>) target_semaphore(%run_scoped3A_219 : memref<!tpu.dma_semaphore, #tpu.memory_space<semaphore_mem>>)
      %dma_wait3A_226 = arith.constant 0 : i32
      %dma_wait3A_227 = tpu.memref_slice %arg3[%run_scoped3A_17, %add3A_14, %dma_wait3A_226] : memref<2x10112x16xf32, #tpu.memory_space<hbm>> -> memref<1x316x16xf32, #tpu.memory_space<hbm>>
      %dma_wait3A_228 = tpu.memref_squeeze %dma_wait3A_227 : memref<1x316x16xf32, #tpu.memory_space<hbm>> -> memref<316x16xf32, #tpu.memory_space<hbm>>
      %dma_wait3A_229 = arith.constant 0 : i32
      %dma_wait3A_230 = tpu.memref_slice %arg3[%run_scoped3A_17, %add3A_14, %dma_wait3A_229] : memref<2x10112x16xf32, #tpu.memory_space<hbm>> -> memref<1x316x16xf32, #tpu.memory_space<hbm>>
      %dma_wait3A_231 = tpu.memref_squeeze %dma_wait3A_230 : memref<1x316x16xf32, #tpu.memory_space<hbm>> -> memref<316x16xf32, #tpu.memory_space<hbm>>
      tpu.wait_dma2 semaphore(%run_scoped3A_219 : memref<!tpu.dma_semaphore, #tpu.memory_space<semaphore_mem>>) src(%dma_wait3A_231 : memref<316x16xf32, #tpu.memory_space<hbm>>) dst(%arg26 : memref<316x16xf32, #tpu.memory_space<vmem>>)
      tpu.yield
    }) : () -> ()
    %parallel_loop3A = arith.constant 0 : i32
    %parallel_loop3A_18 = arith.constant 316 : i32
    %parallel_loop3A_19 = arith.constant 1 : i32
    scf.for %parallel_loop3A_219 = %parallel_loop3A to %parallel_loop3A_18 step %parallel_loop3A_19  : i32 {
      %parallel_loop3A_220 = arith.index_cast %parallel_loop3A_219 : i32 to index
      %parallel_loop3A_221 = arith.constant 0 : index
      %parallel_loop3A_222 = tpu.vector_load %arg23[%parallel_loop3A_220, %parallel_loop3A_221] {strides = array<i32>} : memref<316x32xf32, #tpu.memory_space<vmem>>, vector<1x16xf32>,
      %parallel_loop3A_223 = vector.shape_cast %parallel_loop3A_222 : vector<1x16xf32> to vector<16xf32>
      %parallel_loop3A_224 = arith.index_cast %parallel_loop3A_219 : i32 to index
      %parallel_loop3A_225 = arith.constant 0 : index
      %parallel_loop3A_226 = tpu.vector_load %arg24[%parallel_loop3A_224, %parallel_loop3A_225] {strides = array<i32>} : memref<316x32xf32, #tpu.memory_space<vmem>>, vector<1x16xf32>,
      %parallel_loop3A_227 = vector.shape_cast %parallel_loop3A_226 : vector<1x16xf32> to vector<16xf32>
      %parallel_loop3A_228 = arith.addf %parallel_loop3A_223, %parallel_loop3A_227 : vector<16xf32>
      %parallel_loop3A_229 = arith.index_cast %parallel_loop3A_219 : i32 to index
      %parallel_loop3A_230 = arith.constant 0 : index
      %parallel_loop3A_231 = tpu.vector_load %arg23[%parallel_loop3A_229, %parallel_loop3A_230] {strides = array<i32>} : memref<316x32xf32, #tpu.memory_space<vmem>>, vector<1x16xf32>,
      %parallel_loop3A_232 = vector.shape_cast %parallel_loop3A_231 : vector<1x16xf32> to vector<16xf32>
      %parallel_loop3A_233 = vector.shape_cast %parallel_loop3A_228 : vector<16xf32> to vector<1x16xf32>
      tpu.vector_store %arg23[%parallel_loop3A_229, %parallel_loop3A_230], %parallel_loop3A_233 {strides = array<i32>} : memref<316x32xf32, #tpu.memory_space<vmem>>, vector<1x16xf32>,
      %parallel_loop3A_234 = arith.index_cast %parallel_loop3A_219 : i32 to index
      %parallel_loop3A_235 = arith.constant 16 : index
      %parallel_loop3A_236 = tpu.vector_load %arg23[%parallel_loop3A_234, %parallel_loop3A_235] {strides = array<i32>} : memref<316x32xf32, #tpu.memory_space<vmem>>, vector<1x16xf32>,
      %parallel_loop3A_237 = vector.shape_cast %parallel_loop3A_236 : vector<1x16xf32> to vector<16xf32>
      %parallel_loop3A_238 = arith.index_cast %parallel_loop3A_219 : i32 to index
      %parallel_loop3A_239 = arith.constant 16 : index
      %parallel_loop3A_240 = tpu.vector_load %arg24[%parallel_loop3A_238, %parallel_loop3A_239] {strides = array<i32>} : memref<316x32xf32, #tpu.memory_space<vmem>>, vector<1x16xf32>,
      %parallel_loop3A_241 = vector.shape_cast %parallel_loop3A_240 : vector<1x16xf32> to vector<16xf32>
      %parallel_loop3A_242 = arith.addf %parallel_loop3A_237, %parallel_loop3A_241 : vector<16xf32>
      %parallel_loop3A_243 = arith.index_cast %parallel_loop3A_219 : i32 to index
      %parallel_loop3A_244 = arith.constant 16 : index
      %parallel_loop3A_245 = tpu.vector_load %arg23[%parallel_loop3A_243, %parallel_loop3A_244] {strides = array<i32>} : memref<316x32xf32, #tpu.memory_space<vmem>>, vector<1x16xf32>,
      %parallel_loop3A_246 = vector.shape_cast %parallel_loop3A_245 : vector<1x16xf32> to vector<16xf32>
      %parallel_loop3A_247 = vector.shape_cast %parallel_loop3A_242 : vector<16xf32> to vector<1x16xf32>
      tpu.vector_store %arg23[%parallel_loop3A_243, %parallel_loop3A_244], %parallel_loop3A_247 {strides = array<i32>} : memref<316x32xf32, #tpu.memory_space<vmem>>, vector<1x16xf32>,
      %parallel_loop3A_248 = arith.index_cast %parallel_loop3A_219 : i32 to index
      %parallel_loop3A_249 = arith.constant 0 : index
      %parallel_loop3A_250 = tpu.vector_load %arg25[%parallel_loop3A_248, %parallel_loop3A_249] {strides = array<i32>} : memref<316x16xf32, #tpu.memory_space<vmem>>, vector<1x16xf32>,
      %parallel_loop3A_251 = vector.shape_cast %parallel_loop3A_250 : vector<1x16xf32> to vector<16xf32>
      %parallel_loop3A_252 = arith.index_cast %parallel_loop3A_219 : i32 to index
      %parallel_loop3A_253 = arith.constant 0 : index
      %parallel_loop3A_254 = tpu.vector_load %arg26[%parallel_loop3A_252, %parallel_loop3A_253] {strides = array<i32>} : memref<316x16xf32, #tpu.memory_space<vmem>>, vector<1x16xf32>,
      %parallel_loop3A_255 = vector.shape_cast %parallel_loop3A_254 : vector<1x16xf32> to vector<16xf32>
      %parallel_loop3A_256 = arith.addf %parallel_loop3A_251, %parallel_loop3A_255 : vector<16xf32>
      %parallel_loop3A_257 = arith.constant 1.000000e+00 : f32
      %parallel_loop3A_258 = vector.broadcast %parallel_loop3A_257 : f32 to vector<16xf32>
      %parallel_loop3A_259 = arith.maximumf %parallel_loop3A_256, %parallel_loop3A_258 : vector<16xf32>
      %parallel_loop3A_260 = arith.constant 1.000000e+00 : f32
      %parallel_loop3A_261 = vector.broadcast %parallel_loop3A_260 : f32 to vector<16xf32>
      %parallel_loop3A_262 = arith.divf %parallel_loop3A_261, %parallel_loop3A_259 : vector<16xf32>
      %parallel_loop3A_263 = arith.index_cast %parallel_loop3A_219 : i32 to index
      %parallel_loop3A_264 = arith.constant 0 : index
      %parallel_loop3A_265 = tpu.vector_load %arg25[%parallel_loop3A_263, %parallel_loop3A_264] {strides = array<i32>} : memref<316x16xf32, #tpu.memory_space<vmem>>, vector<1x16xf32>,
      %parallel_loop3A_266 = vector.shape_cast %parallel_loop3A_265 : vector<1x16xf32> to vector<16xf32>
      %parallel_loop3A_267 = vector.shape_cast %parallel_loop3A_262 : vector<16xf32> to vector<1x16xf32>
      tpu.vector_store %arg25[%parallel_loop3A_263, %parallel_loop3A_264], %parallel_loop3A_267 {strides = array<i32>} : memref<316x16xf32, #tpu.memory_space<vmem>>, vector<1x16xf32>,
    } {sc.loop_unroll_factor = 8 : i64, sc.parallel_access}
    "tpu.region"() ({
      %run_scoped3A_219 = tpu.sem_alloc : memref<!tpu.dma_semaphore, #tpu.memory_space<semaphore_mem>>
      %dma_start3A_220 = arith.constant 32 : i32
      %dma_start3A_221 = tpu.memref_slice %arg4[%add3A_14, %dma_start3A_220] : memref<10112x64xf32, #tpu.memory_space<hbm>> -> memref<316x32xf32, #tpu.memory_space<hbm>>
      %dma_start3A_222 = arith.constant 32 : i32
      %dma_start3A_223 = tpu.memref_slice %arg4[%add3A_14, %dma_start3A_222] : memref<10112x64xf32, #tpu.memory_space<hbm>> -> memref<316x32xf32, #tpu.memory_space<hbm>>
      tpu.enqueue_dma source(%dma_start3A_223 : memref<316x32xf32, #tpu.memory_space<hbm>>) target(%arg24 : memref<316x32xf32, #tpu.memory_space<vmem>>) target_semaphore(%run_scoped3A_219 : memref<!tpu.dma_semaphore, #tpu.memory_space<semaphore_mem>>)
      %dma_wait3A_224 = arith.constant 32 : i32
      %dma_wait3A_225 = tpu.memref_slice %arg4[%add3A_14, %dma_wait3A_224] : memref<10112x64xf32, #tpu.memory_space<hbm>> -> memref<316x32xf32, #tpu.memory_space<hbm>>
      %dma_wait3A_226 = arith.constant 32 : i32
      %dma_wait3A_227 = tpu.memref_slice %arg4[%add3A_14, %dma_wait3A_226] : memref<10112x64xf32, #tpu.memory_space<hbm>> -> memref<316x32xf32, #tpu.memory_space<hbm>>
      tpu.wait_dma2 semaphore(%run_scoped3A_219 : memref<!tpu.dma_semaphore, #tpu.memory_space<semaphore_mem>>) src(%dma_wait3A_227 : memref<316x32xf32, #tpu.memory_space<hbm>>) dst(%arg24 : memref<316x32xf32, #tpu.memory_space<vmem>>)
      tpu.yield
    }) : () -> ()
    %parallel_loop3A_20 = arith.constant 0 : i32
    %parallel_loop3A_21 = arith.constant 316 : i32
    %parallel_loop3A_22 = arith.constant 1 : i32
    scf.for %parallel_loop3A_219 = %parallel_loop3A_20 to %parallel_loop3A_21 step %parallel_loop3A_22  : i32 {
      %parallel_loop3A_220 = arith.index_cast %parallel_loop3A_219 : i32 to index
      %parallel_loop3A_221 = arith.constant 0 : index
      %parallel_loop3A_222 = tpu.vector_load %arg25[%parallel_loop3A_220, %parallel_loop3A_221] {strides = array<i32>} : memref<316x16xf32, #tpu.memory_space<vmem>>, vector<1x16xf32>,
      %parallel_loop3A_223 = vector.shape_cast %parallel_loop3A_222 : vector<1x16xf32> to vector<16xf32>
      %parallel_loop3A_224 = arith.index_cast %parallel_loop3A_219 : i32 to index
      %parallel_loop3A_225 = arith.constant 0 : index
      %parallel_loop3A_226 = tpu.vector_load %arg23[%parallel_loop3A_224, %parallel_loop3A_225] {strides = array<i32>} : memref<316x32xf32, #tpu.memory_space<vmem>>, vector<1x16xf32>,
      %parallel_loop3A_227 = vector.shape_cast %parallel_loop3A_226 : vector<1x16xf32> to vector<16xf32>
      %parallel_loop3A_228 = arith.mulf %parallel_loop3A_227, %parallel_loop3A_223 : vector<16xf32>
      %parallel_loop3A_229 = arith.constant 0 : i32
      %parallel_loop3A_230 = arith.index_cast %parallel_loop3A_229 : i32 to index
      %parallel_loop3A_231 = arith.constant 0 : index
      %parallel_loop3A_232 = tpu.vector_load %arg27[%parallel_loop3A_230, %parallel_loop3A_231] {strides = array<i32>} : memref<2x16xf32, #tpu.memory_space<vmem>>, vector<1x16xf32>,
      %parallel_loop3A_233 = vector.shape_cast %parallel_loop3A_232 : vector<1x16xf32> to vector<16xf32>
      %parallel_loop3A_234 = arith.addf %parallel_loop3A_228, %parallel_loop3A_233 : vector<16xf32>
      %parallel_loop3A_235 = arith.index_cast %parallel_loop3A_219 : i32 to index
      %parallel_loop3A_236 = arith.constant 0 : index
      %parallel_loop3A_237 = tpu.vector_load %arg24[%parallel_loop3A_235, %parallel_loop3A_236] {strides = array<i32>} : memref<316x32xf32, #tpu.memory_space<vmem>>, vector<1x16xf32>,
      %parallel_loop3A_238 = vector.shape_cast %parallel_loop3A_237 : vector<1x16xf32> to vector<16xf32>
      %parallel_loop3A_239 = arith.addf %parallel_loop3A_234, %parallel_loop3A_238 : vector<16xf32>
      %parallel_loop3A_240 = arith.constant 0.000000e+00 : f32
      %parallel_loop3A_241 = vector.broadcast %parallel_loop3A_240 : f32 to vector<16xf32>
      %parallel_loop3A_242 = arith.maximumf %parallel_loop3A_239, %parallel_loop3A_241 : vector<16xf32>
      %parallel_loop3A_243 = arith.index_cast %parallel_loop3A_219 : i32 to index
      %parallel_loop3A_244 = arith.constant 0 : index
      %parallel_loop3A_245 = tpu.vector_load %arg23[%parallel_loop3A_243, %parallel_loop3A_244] {strides = array<i32>} : memref<316x32xf32, #tpu.memory_space<vmem>>, vector<1x16xf32>,
      %parallel_loop3A_246 = vector.shape_cast %parallel_loop3A_245 : vector<1x16xf32> to vector<16xf32>
      %parallel_loop3A_247 = vector.shape_cast %parallel_loop3A_242 : vector<16xf32> to vector<1x16xf32>
      tpu.vector_store %arg23[%parallel_loop3A_243, %parallel_loop3A_244], %parallel_loop3A_247 {strides = array<i32>} : memref<316x32xf32, #tpu.memory_space<vmem>>, vector<1x16xf32>,
      %parallel_loop3A_248 = arith.index_cast %parallel_loop3A_219 : i32 to index
      %parallel_loop3A_249 = arith.constant 16 : index
      %parallel_loop3A_250 = tpu.vector_load %arg23[%parallel_loop3A_248, %parallel_loop3A_249] {strides = array<i32>} : memref<316x32xf32, #tpu.memory_space<vmem>>, vector<1x16xf32>,
      %parallel_loop3A_251 = vector.shape_cast %parallel_loop3A_250 : vector<1x16xf32> to vector<16xf32>
      %parallel_loop3A_252 = arith.mulf %parallel_loop3A_251, %parallel_loop3A_223 : vector<16xf32>
      %parallel_loop3A_253 = arith.constant 1 : i32
      %parallel_loop3A_254 = arith.index_cast %parallel_loop3A_253 : i32 to index
      %parallel_loop3A_255 = arith.constant 0 : index
      %parallel_loop3A_256 = tpu.vector_load %arg27[%parallel_loop3A_254, %parallel_loop3A_255] {strides = array<i32>} : memref<2x16xf32, #tpu.memory_space<vmem>>, vector<1x16xf32>,
      %parallel_loop3A_257 = vector.shape_cast %parallel_loop3A_256 : vector<1x16xf32> to vector<16xf32>
      %parallel_loop3A_258 = arith.addf %parallel_loop3A_252, %parallel_loop3A_257 : vector<16xf32>
      %parallel_loop3A_259 = arith.index_cast %parallel_loop3A_219 : i32 to index
      %parallel_loop3A_260 = arith.constant 16 : index
      %parallel_loop3A_261 = tpu.vector_load %arg24[%parallel_loop3A_259, %parallel_loop3A_260] {strides = array<i32>} : memref<316x32xf32, #tpu.memory_space<vmem>>, vector<1x16xf32>,
      %parallel_loop3A_262 = vector.shape_cast %parallel_loop3A_261 : vector<1x16xf32> to vector<16xf32>
      %parallel_loop3A_263 = arith.addf %parallel_loop3A_258, %parallel_loop3A_262 : vector<16xf32>
      %parallel_loop3A_264 = arith.constant 0.000000e+00 : f32
      %parallel_loop3A_265 = vector.broadcast %parallel_loop3A_264 : f32 to vector<16xf32>
      %parallel_loop3A_266 = arith.maximumf %parallel_loop3A_263, %parallel_loop3A_265 : vector<16xf32>
      %parallel_loop3A_267 = arith.index_cast %parallel_loop3A_219 : i32 to index
      %parallel_loop3A_268 = arith.constant 16 : index
      %parallel_loop3A_269 = tpu.vector_load %arg23[%parallel_loop3A_267, %parallel_loop3A_268] {strides = array<i32>} : memref<316x32xf32, #tpu.memory_space<vmem>>, vector<1x16xf32>,
      %parallel_loop3A_270 = vector.shape_cast %parallel_loop3A_269 : vector<1x16xf32> to vector<16xf32>
      %parallel_loop3A_271 = vector.shape_cast %parallel_loop3A_266 : vector<16xf32> to vector<1x16xf32>
      tpu.vector_store %arg23[%parallel_loop3A_267, %parallel_loop3A_268], %parallel_loop3A_271 {strides = array<i32>} : memref<316x32xf32, #tpu.memory_space<vmem>>, vector<1x16xf32>,
    } {sc.loop_unroll_factor = 8 : i64, sc.parallel_access}
    "tpu.region"() ({
      %run_scoped3A_219 = tpu.sem_alloc : memref<!tpu.dma_semaphore, #tpu.memory_space<semaphore_mem>>
      %dma_start3A_220 = arith.constant 0 : i32
      %dma_start3A_221 = tpu.memref_slice %arg10[%add3A_14, %dma_start3A_220] : memref<10112x32xf32, #tpu.memory_space<vmem_shared>> -> memref<316x32xf32, #tpu.memory_space<vmem_shared>>
      %dma_start3A_222 = arith.constant 0 : i32
      %dma_start3A_223 = tpu.memref_slice %arg10[%add3A_14, %dma_start3A_222] : memref<10112x32xf32, #tpu.memory_space<vmem_shared>> -> memref<316x32xf32, #tpu.memory_space<vmem_shared>>
      tpu.enqueue_dma source(%arg23 : memref<316x32xf32, #tpu.memory_space<vmem>>) target(%dma_start3A_223 : memref<316x32xf32, #tpu.memory_space<vmem_shared>>) target_semaphore(%run_scoped3A_219 : memref<!tpu.dma_semaphore, #tpu.memory_space<semaphore_mem>>)
      %dma_wait3A_224 = arith.constant 0 : i32
      %dma_wait3A_225 = tpu.memref_slice %arg10[%add3A_14, %dma_wait3A_224] : memref<10112x32xf32, #tpu.memory_space<vmem_shared>> -> memref<316x32xf32, #tpu.memory_space<vmem_shared>>
      %dma_wait3A_226 = arith.constant 0 : i32
      %dma_wait3A_227 = tpu.memref_slice %arg10[%add3A_14, %dma_wait3A_226] : memref<10112x32xf32, #tpu.memory_space<vmem_shared>> -> memref<316x32xf32, #tpu.memory_space<vmem_shared>>
      tpu.wait_dma2 semaphore(%run_scoped3A_219 : memref<!tpu.dma_semaphore, #tpu.memory_space<semaphore_mem>>) src(%arg23 : memref<316x32xf32, #tpu.memory_space<vmem>>) dst(%dma_wait3A_227 : memref<316x32xf32, #tpu.memory_space<vmem_shared>>)
      tpu.yield
    }) : () -> ()
    %eq3A_23 = arith.constant 0 : i32
    %eq3A_24 = arith.cmpi eq, %arg0, %eq3A_23 : i32
    %convert_element_type3A = arith.extui %eq3A_24 : i1 to i32
    %cond3A = arith.constant 0 : i32
    %cond3A_25 = arith.cmpi ne, %convert_element_type3A, %cond3A : i32
    scf.if %cond3A_25 {
      "tpu.region"() ({
        %run_scoped3A_219 = tpu.sem_alloc : memref<!tpu.dma_semaphore, #tpu.memory_space<semaphore_mem>>
        %dma_start3A_220 = arith.constant 0 : i32
        %dma_start3A_221 = tpu.memref_slice %arg8[%add3A_14, %dma_start3A_220] : memref<10112x32xf32, #tpu.memory_space<hbm>> -> memref<316x32xf32, #tpu.memory_space<hbm>>
        %dma_start3A_222 = arith.constant 0 : i32
        %dma_start3A_223 = tpu.memref_slice %arg8[%add3A_14, %dma_start3A_222] : memref<10112x32xf32, #tpu.memory_space<hbm>> -> memref<316x32xf32, #tpu.memory_space<hbm>>
        tpu.enqueue_dma source(%arg23 : memref<316x32xf32, #tpu.memory_space<vmem>>) target(%dma_start3A_223 : memref<316x32xf32, #tpu.memory_space<hbm>>) target_semaphore(%run_scoped3A_219 : memref<!tpu.dma_semaphore, #tpu.memory_space<semaphore_mem>>)
        %dma_wait3A_224 = arith.constant 0 : i32
        %dma_wait3A_225 = tpu.memref_slice %arg8[%add3A_14, %dma_wait3A_224] : memref<10112x32xf32, #tpu.memory_space<hbm>> -> memref<316x32xf32, #tpu.memory_space<hbm>>
        %dma_wait3A_226 = arith.constant 0 : i32
        %dma_wait3A_227 = tpu.memref_slice %arg8[%add3A_14, %dma_wait3A_226] : memref<10112x32xf32, #tpu.memory_space<hbm>> -> memref<316x32xf32, #tpu.memory_space<hbm>>
        tpu.wait_dma2 semaphore(%run_scoped3A_219 : memref<!tpu.dma_semaphore, #tpu.memory_space<semaphore_mem>>) src(%arg23 : memref<316x32xf32, #tpu.memory_space<vmem>>) dst(%dma_wait3A_227 : memref<316x32xf32, #tpu.memory_space<hbm>>)
        tpu.yield
      }) : () -> ()
    } else {
    }
    %add3A_26 = arith.constant 316 : i32
    %add3A_27 = arith.addi %mul3A_12, %add3A_26 : i32
    %run_scoped3A_28 = arith.constant 0 : i32
    "tpu.region"() ({
      %run_scoped3A_219 = tpu.sem_alloc : memref<!tpu.dma_semaphore, #tpu.memory_space<semaphore_mem>>
      %dma_start3A_220 = arith.constant 0 : i32
      %dma_start3A_221 = tpu.memref_slice %arg2[%run_scoped3A_28, %add3A_27, %dma_start3A_220] : memref<2x10112x32xf32, #tpu.memory_space<hbm>> -> memref<1x316x32xf32, #tpu.memory_space<hbm>>
      %dma_start3A_222 = tpu.memref_squeeze %dma_start3A_221 : memref<1x316x32xf32, #tpu.memory_space<hbm>> -> memref<316x32xf32, #tpu.memory_space<hbm>>
      %dma_start3A_223 = arith.constant 0 : i32
      %dma_start3A_224 = tpu.memref_slice %arg2[%run_scoped3A_28, %add3A_27, %dma_start3A_223] : memref<2x10112x32xf32, #tpu.memory_space<hbm>> -> memref<1x316x32xf32, #tpu.memory_space<hbm>>
      %dma_start3A_225 = tpu.memref_squeeze %dma_start3A_224 : memref<1x316x32xf32, #tpu.memory_space<hbm>> -> memref<316x32xf32, #tpu.memory_space<hbm>>
      tpu.enqueue_dma source(%dma_start3A_225 : memref<316x32xf32, #tpu.memory_space<hbm>>) target(%arg23 : memref<316x32xf32, #tpu.memory_space<vmem>>) target_semaphore(%run_scoped3A_219 : memref<!tpu.dma_semaphore, #tpu.memory_space<semaphore_mem>>)
      %dma_wait3A_226 = arith.constant 0 : i32
      %dma_wait3A_227 = tpu.memref_slice %arg2[%run_scoped3A_28, %add3A_27, %dma_wait3A_226] : memref<2x10112x32xf32, #tpu.memory_space<hbm>> -> memref<1x316x32xf32, #tpu.memory_space<hbm>>
      %dma_wait3A_228 = tpu.memref_squeeze %dma_wait3A_227 : memref<1x316x32xf32, #tpu.memory_space<hbm>> -> memref<316x32xf32, #tpu.memory_space<hbm>>
      %dma_wait3A_229 = arith.constant 0 : i32
      %dma_wait3A_230 = tpu.memref_slice %arg2[%run_scoped3A_28, %add3A_27, %dma_wait3A_229] : memref<2x10112x32xf32, #tpu.memory_space<hbm>> -> memref<1x316x32xf32, #tpu.memory_space<hbm>>
      %dma_wait3A_231 = tpu.memref_squeeze %dma_wait3A_230 : memref<1x316x32xf32, #tpu.memory_space<hbm>> -> memref<316x32xf32, #tpu.memory_space<hbm>>
      tpu.wait_dma2 semaphore(%run_scoped3A_219 : memref<!tpu.dma_semaphore, #tpu.memory_space<semaphore_mem>>) src(%dma_wait3A_231 : memref<316x32xf32, #tpu.memory_space<hbm>>) dst(%arg23 : memref<316x32xf32, #tpu.memory_space<vmem>>)
      tpu.yield
    }) : () -> ()
    %run_scoped3A_29 = arith.constant 1 : i32
    "tpu.region"() ({
      %run_scoped3A_219 = tpu.sem_alloc : memref<!tpu.dma_semaphore, #tpu.memory_space<semaphore_mem>>
      %dma_start3A_220 = arith.constant 0 : i32
      %dma_start3A_221 = tpu.memref_slice %arg2[%run_scoped3A_29, %add3A_27, %dma_start3A_220] : memref<2x10112x32xf32, #tpu.memory_space<hbm>> -> memref<1x316x32xf32, #tpu.memory_space<hbm>>
      %dma_start3A_222 = tpu.memref_squeeze %dma_start3A_221 : memref<1x316x32xf32, #tpu.memory_space<hbm>> -> memref<316x32xf32, #tpu.memory_space<hbm>>
      %dma_start3A_223 = arith.constant 0 : i32
      %dma_start3A_224 = tpu.memref_slice %arg2[%run_scoped3A_29, %add3A_27, %dma_start3A_223] : memref<2x10112x32xf32, #tpu.memory_space<hbm>> -> memref<1x316x32xf32, #tpu.memory_space<hbm>>
      %dma_start3A_225 = tpu.memref_squeeze %dma_start3A_224 : memref<1x316x32xf32, #tpu.memory_space<hbm>> -> memref<316x32xf32, #tpu.memory_space<hbm>>
      tpu.enqueue_dma source(%dma_start3A_225 : memref<316x32xf32, #tpu.memory_space<hbm>>) target(%arg24 : memref<316x32xf32, #tpu.memory_space<vmem>>) target_semaphore(%run_scoped3A_219 : memref<!tpu.dma_semaphore, #tpu.memory_space<semaphore_mem>>)
      %dma_wait3A_226 = arith.constant 0 : i32
      %dma_wait3A_227 = tpu.memref_slice %arg2[%run_scoped3A_29, %add3A_27, %dma_wait3A_226] : memref<2x10112x32xf32, #tpu.memory_space<hbm>> -> memref<1x316x32xf32, #tpu.memory_space<hbm>>
      %dma_wait3A_228 = tpu.memref_squeeze %dma_wait3A_227 : memref<1x316x32xf32, #tpu.memory_space<hbm>> -> memref<316x32xf32, #tpu.memory_space<hbm>>
      %dma_wait3A_229 = arith.constant 0 : i32
      %dma_wait3A_230 = tpu.memref_slice %arg2[%run_scoped3A_29, %add3A_27, %dma_wait3A_229] : memref<2x10112x32xf32, #tpu.memory_space<hbm>> -> memref<1x316x32xf32, #tpu.memory_space<hbm>>
      %dma_wait3A_231 = tpu.memref_squeeze %dma_wait3A_230 : memref<1x316x32xf32, #tpu.memory_space<hbm>> -> memref<316x32xf32, #tpu.memory_space<hbm>>
      tpu.wait_dma2 semaphore(%run_scoped3A_219 : memref<!tpu.dma_semaphore, #tpu.memory_space<semaphore_mem>>) src(%dma_wait3A_231 : memref<316x32xf32, #tpu.memory_space<hbm>>) dst(%arg24 : memref<316x32xf32, #tpu.memory_space<vmem>>)
      tpu.yield
    }) : () -> ()
    %run_scoped3A_30 = arith.constant 0 : i32
    "tpu.region"() ({
      %run_scoped3A_219 = tpu.sem_alloc : memref<!tpu.dma_semaphore, #tpu.memory_space<semaphore_mem>>
      %dma_start3A_220 = arith.constant 0 : i32
      %dma_start3A_221 = tpu.memref_slice %arg3[%run_scoped3A_30, %add3A_27, %dma_start3A_220] : memref<2x10112x16xf32, #tpu.memory_space<hbm>> -> memref<1x316x16xf32, #tpu.memory_space<hbm>>
      %dma_start3A_222 = tpu.memref_squeeze %dma_start3A_221 : memref<1x316x16xf32, #tpu.memory_space<hbm>> -> memref<316x16xf32, #tpu.memory_space<hbm>>
      %dma_start3A_223 = arith.constant 0 : i32
      %dma_start3A_224 = tpu.memref_slice %arg3[%run_scoped3A_30, %add3A_27, %dma_start3A_223] : memref<2x10112x16xf32, #tpu.memory_space<hbm>> -> memref<1x316x16xf32, #tpu.memory_space<hbm>>
      %dma_start3A_225 = tpu.memref_squeeze %dma_start3A_224 : memref<1x316x16xf32, #tpu.memory_space<hbm>> -> memref<316x16xf32, #tpu.memory_space<hbm>>
      tpu.enqueue_dma source(%dma_start3A_225 : memref<316x16xf32, #tpu.memory_space<hbm>>) target(%arg25 : memref<316x16xf32, #tpu.memory_space<vmem>>) target_semaphore(%run_scoped3A_219 : memref<!tpu.dma_semaphore, #tpu.memory_space<semaphore_mem>>)
      %dma_wait3A_226 = arith.constant 0 : i32
      %dma_wait3A_227 = tpu.memref_slice %arg3[%run_scoped3A_30, %add3A_27, %dma_wait3A_226] : memref<2x10112x16xf32, #tpu.memory_space<hbm>> -> memref<1x316x16xf32, #tpu.memory_space<hbm>>
      %dma_wait3A_228 = tpu.memref_squeeze %dma_wait3A_227 : memref<1x316x16xf32, #tpu.memory_space<hbm>> -> memref<316x16xf32, #tpu.memory_space<hbm>>
      %dma_wait3A_229 = arith.constant 0 : i32
      %dma_wait3A_230 = tpu.memref_slice %arg3[%run_scoped3A_30, %add3A_27, %dma_wait3A_229] : memref<2x10112x16xf32, #tpu.memory_space<hbm>> -> memref<1x316x16xf32, #tpu.memory_space<hbm>>
      %dma_wait3A_231 = tpu.memref_squeeze %dma_wait3A_230 : memref<1x316x16xf32, #tpu.memory_space<hbm>> -> memref<316x16xf32, #tpu.memory_space<hbm>>
      tpu.wait_dma2 semaphore(%run_scoped3A_219 : memref<!tpu.dma_semaphore, #tpu.memory_space<semaphore_mem>>) src(%dma_wait3A_231 : memref<316x16xf32, #tpu.memory_space<hbm>>) dst(%arg25 : memref<316x16xf32, #tpu.memory_space<vmem>>)
      tpu.yield
    }) : () -> ()
    %run_scoped3A_31 = arith.constant 1 : i32
    "tpu.region"() ({
      %run_scoped3A_219 = tpu.sem_alloc : memref<!tpu.dma_semaphore, #tpu.memory_space<semaphore_mem>>
      %dma_start3A_220 = arith.constant 0 : i32
      %dma_start3A_221 = tpu.memref_slice %arg3[%run_scoped3A_31, %add3A_27, %dma_start3A_220] : memref<2x10112x16xf32, #tpu.memory_space<hbm>> -> memref<1x316x16xf32, #tpu.memory_space<hbm>>
      %dma_start3A_222 = tpu.memref_squeeze %dma_start3A_221 : memref<1x316x16xf32, #tpu.memory_space<hbm>> -> memref<316x16xf32, #tpu.memory_space<hbm>>
      %dma_start3A_223 = arith.constant 0 : i32
      %dma_start3A_224 = tpu.memref_slice %arg3[%run_scoped3A_31, %add3A_27, %dma_start3A_223] : memref<2x10112x16xf32, #tpu.memory_space<hbm>> -> memref<1x316x16xf32, #tpu.memory_space<hbm>>
      %dma_start3A_225 = tpu.memref_squeeze %dma_start3A_224 : memref<1x316x16xf32, #tpu.memory_space<hbm>> -> memref<316x16xf32, #tpu.memory_space<hbm>>
      tpu.enqueue_dma source(%dma_start3A_225 : memref<316x16xf32, #tpu.memory_space<hbm>>) target(%arg26 : memref<316x16xf32, #tpu.memory_space<vmem>>) target_semaphore(%run_scoped3A_219 : memref<!tpu.dma_semaphore, #tpu.memory_space<semaphore_mem>>)
      %dma_wait3A_226 = arith.constant 0 : i32
      %dma_wait3A_227 = tpu.memref_slice %arg3[%run_scoped3A_31, %add3A_27, %dma_wait3A_226] : memref<2x10112x16xf32, #tpu.memory_space<hbm>> -> memref<1x316x16xf32, #tpu.memory_space<hbm>>
      %dma_wait3A_228 = tpu.memref_squeeze %dma_wait3A_227 : memref<1x316x16xf32, #tpu.memory_space<hbm>> -> memref<316x16xf32, #tpu.memory_space<hbm>>
      %dma_wait3A_229 = arith.constant 0 : i32
      %dma_wait3A_230 = tpu.memref_slice %arg3[%run_scoped3A_31, %add3A_27, %dma_wait3A_229] : memref<2x10112x16xf32, #tpu.memory_space<hbm>> -> memref<1x316x16xf32, #tpu.memory_space<hbm>>
      %dma_wait3A_231 = tpu.memref_squeeze %dma_wait3A_230 : memref<1x316x16xf32, #tpu.memory_space<hbm>> -> memref<316x16xf32, #tpu.memory_space<hbm>>
      tpu.wait_dma2 semaphore(%run_scoped3A_219 : memref<!tpu.dma_semaphore, #tpu.memory_space<semaphore_mem>>) src(%dma_wait3A_231 : memref<316x16xf32, #tpu.memory_space<hbm>>) dst(%arg26 : memref<316x16xf32, #tpu.memory_space<vmem>>)
      tpu.yield
    }) : () -> ()
    %parallel_loop3A_32 = arith.constant 0 : i32
    %parallel_loop3A_33 = arith.constant 316 : i32
    %parallel_loop3A_34 = arith.constant 1 : i32
    scf.for %parallel_loop3A_219 = %parallel_loop3A_32 to %parallel_loop3A_33 step %parallel_loop3A_34  : i32 {
      %parallel_loop3A_220 = arith.index_cast %parallel_loop3A_219 : i32 to index
      %parallel_loop3A_221 = arith.constant 0 : index
      %parallel_loop3A_222 = tpu.vector_load %arg23[%parallel_loop3A_220, %parallel_loop3A_221] {strides = array<i32>} : memref<316x32xf32, #tpu.memory_space<vmem>>, vector<1x16xf32>,
      %parallel_loop3A_223 = vector.shape_cast %parallel_loop3A_222 : vector<1x16xf32> to vector<16xf32>
      %parallel_loop3A_224 = arith.index_cast %parallel_loop3A_219 : i32 to index
      %parallel_loop3A_225 = arith.constant 0 : index
      %parallel_loop3A_226 = tpu.vector_load %arg24[%parallel_loop3A_224, %parallel_loop3A_225] {strides = array<i32>} : memref<316x32xf32, #tpu.memory_space<vmem>>, vector<1x16xf32>,
      %parallel_loop3A_227 = vector.shape_cast %parallel_loop3A_226 : vector<1x16xf32> to vector<16xf32>
      %parallel_loop3A_228 = arith.addf %parallel_loop3A_223, %parallel_loop3A_227 : vector<16xf32>
      %parallel_loop3A_229 = arith.index_cast %parallel_loop3A_219 : i32 to index
      %parallel_loop3A_230 = arith.constant 0 : index
      %parallel_loop3A_231 = tpu.vector_load %arg23[%parallel_loop3A_229, %parallel_loop3A_230] {strides = array<i32>} : memref<316x32xf32, #tpu.memory_space<vmem>>, vector<1x16xf32>,
      %parallel_loop3A_232 = vector.shape_cast %parallel_loop3A_231 : vector<1x16xf32> to vector<16xf32>
      %parallel_loop3A_233 = vector.shape_cast %parallel_loop3A_228 : vector<16xf32> to vector<1x16xf32>
      tpu.vector_store %arg23[%parallel_loop3A_229, %parallel_loop3A_230], %parallel_loop3A_233 {strides = array<i32>} : memref<316x32xf32, #tpu.memory_space<vmem>>, vector<1x16xf32>,
      %parallel_loop3A_234 = arith.index_cast %parallel_loop3A_219 : i32 to index
      %parallel_loop3A_235 = arith.constant 16 : index
      %parallel_loop3A_236 = tpu.vector_load %arg23[%parallel_loop3A_234, %parallel_loop3A_235] {strides = array<i32>} : memref<316x32xf32, #tpu.memory_space<vmem>>, vector<1x16xf32>,
      %parallel_loop3A_237 = vector.shape_cast %parallel_loop3A_236 : vector<1x16xf32> to vector<16xf32>
      %parallel_loop3A_238 = arith.index_cast %parallel_loop3A_219 : i32 to index
      %parallel_loop3A_239 = arith.constant 16 : index
      %parallel_loop3A_240 = tpu.vector_load %arg24[%parallel_loop3A_238, %parallel_loop3A_239] {strides = array<i32>} : memref<316x32xf32, #tpu.memory_space<vmem>>, vector<1x16xf32>,
      %parallel_loop3A_241 = vector.shape_cast %parallel_loop3A_240 : vector<1x16xf32> to vector<16xf32>
      %parallel_loop3A_242 = arith.addf %parallel_loop3A_237, %parallel_loop3A_241 : vector<16xf32>
      %parallel_loop3A_243 = arith.index_cast %parallel_loop3A_219 : i32 to index
      %parallel_loop3A_244 = arith.constant 16 : index
      %parallel_loop3A_245 = tpu.vector_load %arg23[%parallel_loop3A_243, %parallel_loop3A_244] {strides = array<i32>} : memref<316x32xf32, #tpu.memory_space<vmem>>, vector<1x16xf32>,
      %parallel_loop3A_246 = vector.shape_cast %parallel_loop3A_245 : vector<1x16xf32> to vector<16xf32>
      %parallel_loop3A_247 = vector.shape_cast %parallel_loop3A_242 : vector<16xf32> to vector<1x16xf32>
      tpu.vector_store %arg23[%parallel_loop3A_243, %parallel_loop3A_244], %parallel_loop3A_247 {strides = array<i32>} : memref<316x32xf32, #tpu.memory_space<vmem>>, vector<1x16xf32>,
      %parallel_loop3A_248 = arith.index_cast %parallel_loop3A_219 : i32 to index
      %parallel_loop3A_249 = arith.constant 0 : index
      %parallel_loop3A_250 = tpu.vector_load %arg25[%parallel_loop3A_248, %parallel_loop3A_249] {strides = array<i32>} : memref<316x16xf32, #tpu.memory_space<vmem>>, vector<1x16xf32>,
      %parallel_loop3A_251 = vector.shape_cast %parallel_loop3A_250 : vector<1x16xf32> to vector<16xf32>
      %parallel_loop3A_252 = arith.index_cast %parallel_loop3A_219 : i32 to index
      %parallel_loop3A_253 = arith.constant 0 : index
      %parallel_loop3A_254 = tpu.vector_load %arg26[%parallel_loop3A_252, %parallel_loop3A_253] {strides = array<i32>} : memref<316x16xf32, #tpu.memory_space<vmem>>, vector<1x16xf32>,
      %parallel_loop3A_255 = vector.shape_cast %parallel_loop3A_254 : vector<1x16xf32> to vector<16xf32>
      %parallel_loop3A_256 = arith.addf %parallel_loop3A_251, %parallel_loop3A_255 : vector<16xf32>
      %parallel_loop3A_257 = arith.constant 1.000000e+00 : f32
      %parallel_loop3A_258 = vector.broadcast %parallel_loop3A_257 : f32 to vector<16xf32>
      %parallel_loop3A_259 = arith.maximumf %parallel_loop3A_256, %parallel_loop3A_258 : vector<16xf32>
      %parallel_loop3A_260 = arith.constant 1.000000e+00 : f32
      %parallel_loop3A_261 = vector.broadcast %parallel_loop3A_260 : f32 to vector<16xf32>
      %parallel_loop3A_262 = arith.divf %parallel_loop3A_261, %parallel_loop3A_259 : vector<16xf32>
      %parallel_loop3A_263 = arith.index_cast %parallel_loop3A_219 : i32 to index
      %parallel_loop3A_264 = arith.constant 0 : index
      %parallel_loop3A_265 = tpu.vector_load %arg25[%parallel_loop3A_263, %parallel_loop3A_264] {strides = array<i32>} : memref<316x16xf32, #tpu.memory_space<vmem>>, vector<1x16xf32>,
      %parallel_loop3A_266 = vector.shape_cast %parallel_loop3A_265 : vector<1x16xf32> to vector<16xf32>
      %parallel_loop3A_267 = vector.shape_cast %parallel_loop3A_262 : vector<16xf32> to vector<1x16xf32>
      tpu.vector_store %arg25[%parallel_loop3A_263, %parallel_loop3A_264], %parallel_loop3A_267 {strides = array<i32>} : memref<316x16xf32, #tpu.memory_space<vmem>>, vector<1x16xf32>,
    } {sc.loop_unroll_factor = 8 : i64, sc.parallel_access}
    "tpu.region"() ({
      %run_scoped3A_219 = tpu.sem_alloc : memref<!tpu.dma_semaphore, #tpu.memory_space<semaphore_mem>>
      %dma_start3A_220 = arith.constant 32 : i32
      %dma_start3A_221 = tpu.memref_slice %arg4[%add3A_27, %dma_start3A_220] : memref<10112x64xf32, #tpu.memory_space<hbm>> -> memref<316x32xf32, #tpu.memory_space<hbm>>
      %dma_start3A_222 = arith.constant 32 : i32
      %dma_start3A_223 = tpu.memref_slice %arg4[%add3A_27, %dma_start3A_222] : memref<10112x64xf32, #tpu.memory_space<hbm>> -> memref<316x32xf32, #tpu.memory_space<hbm>>
      tpu.enqueue_dma source(%dma_start3A_223 : memref<316x32xf32, #tpu.memory_space<hbm>>) target(%arg24 : memref<316x32xf32, #tpu.memory_space<vmem>>) target_semaphore(%run_scoped3A_219 : memref<!tpu.dma_semaphore, #tpu.memory_space<semaphore_mem>>)
      %dma_wait3A_224 = arith.constant 32 : i32
      %dma_wait3A_225 = tpu.memref_slice %arg4[%add3A_27, %dma_wait3A_224] : memref<10112x64xf32, #tpu.memory_space<hbm>> -> memref<316x32xf32, #tpu.memory_space<hbm>>
      %dma_wait3A_226 = arith.constant 32 : i32
      %dma_wait3A_227 = tpu.memref_slice %arg4[%add3A_27, %dma_wait3A_226] : memref<10112x64xf32, #tpu.memory_space<hbm>> -> memref<316x32xf32, #tpu.memory_space<hbm>>
      tpu.wait_dma2 semaphore(%run_scoped3A_219 : memref<!tpu.dma_semaphore, #tpu.memory_space<semaphore_mem>>) src(%dma_wait3A_227 : memref<316x32xf32, #tpu.memory_space<hbm>>) dst(%arg24 : memref<316x32xf32, #tpu.memory_space<vmem>>)
      tpu.yield
    }) : () -> ()
    %parallel_loop3A_35 = arith.constant 0 : i32
    %parallel_loop3A_36 = arith.constant 316 : i32
    %parallel_loop3A_37 = arith.constant 1 : i32
    scf.for %parallel_loop3A_219 = %parallel_loop3A_35 to %parallel_loop3A_36 step %parallel_loop3A_37  : i32 {
      %parallel_loop3A_220 = arith.index_cast %parallel_loop3A_219 : i32 to index
      %parallel_loop3A_221 = arith.constant 0 : index
      %parallel_loop3A_222 = tpu.vector_load %arg25[%parallel_loop3A_220, %parallel_loop3A_221] {strides = array<i32>} : memref<316x16xf32, #tpu.memory_space<vmem>>, vector<1x16xf32>,
      %parallel_loop3A_223 = vector.shape_cast %parallel_loop3A_222 : vector<1x16xf32> to vector<16xf32>
      %parallel_loop3A_224 = arith.index_cast %parallel_loop3A_219 : i32 to index
      %parallel_loop3A_225 = arith.constant 0 : index
      %parallel_loop3A_226 = tpu.vector_load %arg23[%parallel_loop3A_224, %parallel_loop3A_225] {strides = array<i32>} : memref<316x32xf32, #tpu.memory_space<vmem>>, vector<1x16xf32>,
      %parallel_loop3A_227 = vector.shape_cast %parallel_loop3A_226 : vector<1x16xf32> to vector<16xf32>
      %parallel_loop3A_228 = arith.mulf %parallel_loop3A_227, %parallel_loop3A_223 : vector<16xf32>
      %parallel_loop3A_229 = arith.constant 0 : i32
      %parallel_loop3A_230 = arith.index_cast %parallel_loop3A_229 : i32 to index
      %parallel_loop3A_231 = arith.constant 0 : index
      %parallel_loop3A_232 = tpu.vector_load %arg27[%parallel_loop3A_230, %parallel_loop3A_231] {strides = array<i32>} : memref<2x16xf32, #tpu.memory_space<vmem>>, vector<1x16xf32>,
      %parallel_loop3A_233 = vector.shape_cast %parallel_loop3A_232 : vector<1x16xf32> to vector<16xf32>
      %parallel_loop3A_234 = arith.addf %parallel_loop3A_228, %parallel_loop3A_233 : vector<16xf32>
      %parallel_loop3A_235 = arith.index_cast %parallel_loop3A_219 : i32 to index
      %parallel_loop3A_236 = arith.constant 0 : index
      %parallel_loop3A_237 = tpu.vector_load %arg24[%parallel_loop3A_235, %parallel_loop3A_236] {strides = array<i32>} : memref<316x32xf32, #tpu.memory_space<vmem>>, vector<1x16xf32>,
      %parallel_loop3A_238 = vector.shape_cast %parallel_loop3A_237 : vector<1x16xf32> to vector<16xf32>
      %parallel_loop3A_239 = arith.addf %parallel_loop3A_234, %parallel_loop3A_238 : vector<16xf32>
      %parallel_loop3A_240 = arith.constant 0.000000e+00 : f32
      %parallel_loop3A_241 = vector.broadcast %parallel_loop3A_240 : f32 to vector<16xf32>
      %parallel_loop3A_242 = arith.maximumf %parallel_loop3A_239, %parallel_loop3A_241 : vector<16xf32>
      %parallel_loop3A_243 = arith.index_cast %parallel_loop3A_219 : i32 to index
      %parallel_loop3A_244 = arith.constant 0 : index
      %parallel_loop3A_245 = tpu.vector_load %arg23[%parallel_loop3A_243, %parallel_loop3A_244] {strides = array<i32>} : memref<316x32xf32, #tpu.memory_space<vmem>>, vector<1x16xf32>,
      %parallel_loop3A_246 = vector.shape_cast %parallel_loop3A_245 : vector<1x16xf32> to vector<16xf32>
      %parallel_loop3A_247 = vector.shape_cast %parallel_loop3A_242 : vector<16xf32> to vector<1x16xf32>
      tpu.vector_store %arg23[%parallel_loop3A_243, %parallel_loop3A_244], %parallel_loop3A_247 {strides = array<i32>} : memref<316x32xf32, #tpu.memory_space<vmem>>, vector<1x16xf32>,
      %parallel_loop3A_248 = arith.index_cast %parallel_loop3A_219 : i32 to index
      %parallel_loop3A_249 = arith.constant 16 : index
      %parallel_loop3A_250 = tpu.vector_load %arg23[%parallel_loop3A_248, %parallel_loop3A_249] {strides = array<i32>} : memref<316x32xf32, #tpu.memory_space<vmem>>, vector<1x16xf32>,
      %parallel_loop3A_251 = vector.shape_cast %parallel_loop3A_250 : vector<1x16xf32> to vector<16xf32>
      %parallel_loop3A_252 = arith.mulf %parallel_loop3A_251, %parallel_loop3A_223 : vector<16xf32>
      %parallel_loop3A_253 = arith.constant 1 : i32
      %parallel_loop3A_254 = arith.index_cast %parallel_loop3A_253 : i32 to index
      %parallel_loop3A_255 = arith.constant 0 : index
      %parallel_loop3A_256 = tpu.vector_load %arg27[%parallel_loop3A_254, %parallel_loop3A_255] {strides = array<i32>} : memref<2x16xf32, #tpu.memory_space<vmem>>, vector<1x16xf32>,
      %parallel_loop3A_257 = vector.shape_cast %parallel_loop3A_256 : vector<1x16xf32> to vector<16xf32>
      %parallel_loop3A_258 = arith.addf %parallel_loop3A_252, %parallel_loop3A_257 : vector<16xf32>
      %parallel_loop3A_259 = arith.index_cast %parallel_loop3A_219 : i32 to index
      %parallel_loop3A_260 = arith.constant 16 : index
      %parallel_loop3A_261 = tpu.vector_load %arg24[%parallel_loop3A_259, %parallel_loop3A_260] {strides = array<i32>} : memref<316x32xf32, #tpu.memory_space<vmem>>, vector<1x16xf32>,
      %parallel_loop3A_262 = vector.shape_cast %parallel_loop3A_261 : vector<1x16xf32> to vector<16xf32>
      %parallel_loop3A_263 = arith.addf %parallel_loop3A_258, %parallel_loop3A_262 : vector<16xf32>
      %parallel_loop3A_264 = arith.constant 0.000000e+00 : f32
      %parallel_loop3A_265 = vector.broadcast %parallel_loop3A_264 : f32 to vector<16xf32>
      %parallel_loop3A_266 = arith.maximumf %parallel_loop3A_263, %parallel_loop3A_265 : vector<16xf32>
      %parallel_loop3A_267 = arith.index_cast %parallel_loop3A_219 : i32 to index
      %parallel_loop3A_268 = arith.constant 16 : index
      %parallel_loop3A_269 = tpu.vector_load %arg23[%parallel_loop3A_267, %parallel_loop3A_268] {strides = array<i32>} : memref<316x32xf32, #tpu.memory_space<vmem>>, vector<1x16xf32>,
      %parallel_loop3A_270 = vector.shape_cast %parallel_loop3A_269 : vector<1x16xf32> to vector<16xf32>
      %parallel_loop3A_271 = vector.shape_cast %parallel_loop3A_266 : vector<16xf32> to vector<1x16xf32>
      tpu.vector_store %arg23[%parallel_loop3A_267, %parallel_loop3A_268], %parallel_loop3A_271 {strides = array<i32>} : memref<316x32xf32, #tpu.memory_space<vmem>>, vector<1x16xf32>,
    } {sc.loop_unroll_factor = 8 : i64, sc.parallel_access}
    "tpu.region"() ({
      %run_scoped3A_219 = tpu.sem_alloc : memref<!tpu.dma_semaphore, #tpu.memory_space<semaphore_mem>>
      %dma_start3A_220 = arith.constant 0 : i32
      %dma_start3A_221 = tpu.memref_slice %arg10[%add3A_27, %dma_start3A_220] : memref<10112x32xf32, #tpu.memory_space<vmem_shared>> -> memref<316x32xf32, #tpu.memory_space<vmem_shared>>
      %dma_start3A_222 = arith.constant 0 : i32
      %dma_start3A_223 = tpu.memref_slice %arg10[%add3A_27, %dma_start3A_222] : memref<10112x32xf32, #tpu.memory_space<vmem_shared>> -> memref<316x32xf32, #tpu.memory_space<vmem_shared>>
      tpu.enqueue_dma source(%arg23 : memref<316x32xf32, #tpu.memory_space<vmem>>) target(%dma_start3A_223 : memref<316x32xf32, #tpu.memory_space<vmem_shared>>) target_semaphore(%run_scoped3A_219 : memref<!tpu.dma_semaphore, #tpu.memory_space<semaphore_mem>>)
      %dma_wait3A_224 = arith.constant 0 : i32
      %dma_wait3A_225 = tpu.memref_slice %arg10[%add3A_27, %dma_wait3A_224] : memref<10112x32xf32, #tpu.memory_space<vmem_shared>> -> memref<316x32xf32, #tpu.memory_space<vmem_shared>>
      %dma_wait3A_226 = arith.constant 0 : i32
      %dma_wait3A_227 = tpu.memref_slice %arg10[%add3A_27, %dma_wait3A_226] : memref<10112x32xf32, #tpu.memory_space<vmem_shared>> -> memref<316x32xf32, #tpu.memory_space<vmem_shared>>
      tpu.wait_dma2 semaphore(%run_scoped3A_219 : memref<!tpu.dma_semaphore, #tpu.memory_space<semaphore_mem>>) src(%arg23 : memref<316x32xf32, #tpu.memory_space<vmem>>) dst(%dma_wait3A_227 : memref<316x32xf32, #tpu.memory_space<vmem_shared>>)
      tpu.yield
    }) : () -> ()
    %eq3A_38 = arith.constant 0 : i32
    %eq3A_39 = arith.cmpi eq, %arg0, %eq3A_38 : i32
    %convert_element_type3A_40 = arith.extui %eq3A_39 : i1 to i32
    %cond3A_41 = arith.constant 0 : i32
    %cond3A_42 = arith.cmpi ne, %convert_element_type3A_40, %cond3A_41 : i32
    scf.if %cond3A_42 {
      "tpu.region"() ({
        %run_scoped3A_219 = tpu.sem_alloc : memref<!tpu.dma_semaphore, #tpu.memory_space<semaphore_mem>>
        %dma_start3A_220 = arith.constant 0 : i32
        %dma_start3A_221 = tpu.memref_slice %arg8[%add3A_27, %dma_start3A_220] : memref<10112x32xf32, #tpu.memory_space<hbm>> -> memref<316x32xf32, #tpu.memory_space<hbm>>
        %dma_start3A_222 = arith.constant 0 : i32
        %dma_start3A_223 = tpu.memref_slice %arg8[%add3A_27, %dma_start3A_222] : memref<10112x32xf32, #tpu.memory_space<hbm>> -> memref<316x32xf32, #tpu.memory_space<hbm>>
        tpu.enqueue_dma source(%arg23 : memref<316x32xf32, #tpu.memory_space<vmem>>) target(%dma_start3A_223 : memref<316x32xf32, #tpu.memory_space<hbm>>) target_semaphore(%run_scoped3A_219 : memref<!tpu.dma_semaphore, #tpu.memory_space<semaphore_mem>>)
        %dma_wait3A_224 = arith.constant 0 : i32
        %dma_wait3A_225 = tpu.memref_slice %arg8[%add3A_27, %dma_wait3A_224] : memref<10112x32xf32, #tpu.memory_space<hbm>> -> memref<316x32xf32, #tpu.memory_space<hbm>>
        %dma_wait3A_226 = arith.constant 0 : i32
        %dma_wait3A_227 = tpu.memref_slice %arg8[%add3A_27, %dma_wait3A_226] : memref<10112x32xf32, #tpu.memory_space<hbm>> -> memref<316x32xf32, #tpu.memory_space<hbm>>
        tpu.wait_dma2 semaphore(%run_scoped3A_219 : memref<!tpu.dma_semaphore, #tpu.memory_space<semaphore_mem>>) src(%arg23 : memref<316x32xf32, #tpu.memory_space<vmem>>) dst(%dma_wait3A_227 : memref<316x32xf32, #tpu.memory_space<hbm>>)
        tpu.yield
      }) : () -> ()
    } else {
    }
    "tpu.region"() ({
      %run_scoped3A_219 = tpu.sem_alloc : memref<!tpu.dma_semaphore, #tpu.memory_space<semaphore_mem>>
      %dma_start3A_220 = arith.constant 0 : i32
      %dma_start3A_221 = tpu.memref_slice %arg11[%mul3A_12, %dma_start3A_220] : memref<10112x32xf32, #tpu.memory_space<vmem_shared>> -> memref<632x32xf32, #tpu.memory_space<vmem_shared>>
      %dma_start3A_222 = arith.constant 0 : i32
      %dma_start3A_223 = tpu.memref_slice %arg7[%mul3A_12, %dma_start3A_222] : memref<10112x32xf32, #tpu.memory_space<hbm>> -> memref<632x32xf32, #tpu.memory_space<hbm>>
      tpu.enqueue_dma source(%dma_start3A_223 : memref<632x32xf32, #tpu.memory_space<hbm>>) target(%dma_start3A_221 : memref<632x32xf32, #tpu.memory_space<vmem_shared>>) target_semaphore(%run_scoped3A_219 : memref<!tpu.dma_semaphore, #tpu.memory_space<semaphore_mem>>)
      %dma_wait3A_224 = arith.constant 0 : i32
      %dma_wait3A_225 = tpu.memref_slice %arg11[%mul3A_12, %dma_wait3A_224] : memref<10112x32xf32, #tpu.memory_space<vmem_shared>> -> memref<632x32xf32, #tpu.memory_space<vmem_shared>>
      %dma_wait3A_226 = arith.constant 0 : i32
      %dma_wait3A_227 = tpu.memref_slice %arg7[%mul3A_12, %dma_wait3A_226] : memref<10112x32xf32, #tpu.memory_space<hbm>> -> memref<632x32xf32, #tpu.memory_space<hbm>>
      tpu.wait_dma2 semaphore(%run_scoped3A_219 : memref<!tpu.dma_semaphore, #tpu.memory_space<semaphore_mem>>) src(%dma_wait3A_227 : memref<632x32xf32, #tpu.memory_space<hbm>>) dst(%dma_wait3A_225 : memref<632x32xf32, #tpu.memory_space<vmem_shared>>)
      tpu.yield
    }) : () -> ()
    %run_scoped3A_43 = arith.constant 0 : i32
    "tpu.region"() ({
      %run_scoped3A_219 = tpu.sem_alloc : memref<!tpu.dma_semaphore, #tpu.memory_space<semaphore_mem>>
      %dma_start3A_220 = arith.constant 0 : i32
      %dma_start3A_221 = tpu.memref_slice %arg6[%run_scoped3A_43, %select_n3A, %dma_start3A_220] : memref<2x2500x128xi32, #tpu.memory_space<hbm>> -> memref<1x79x128xi32, #tpu.memory_space<hbm>>
      %dma_start3A_222 = tpu.memref_squeeze %dma_start3A_221 : memref<1x79x128xi32, #tpu.memory_space<hbm>> -> memref<79x128xi32, #tpu.memory_space<hbm>>
      %dma_start3A_223 = arith.constant 0 : i32
      %dma_start3A_224 = tpu.memref_slice %arg6[%run_scoped3A_43, %select_n3A, %dma_start3A_223] : memref<2x2500x128xi32, #tpu.memory_space<hbm>> -> memref<1x79x128xi32, #tpu.memory_space<hbm>>
      %dma_start3A_225 = tpu.memref_squeeze %dma_start3A_224 : memref<1x79x128xi32, #tpu.memory_space<hbm>> -> memref<79x128xi32, #tpu.memory_space<hbm>>
      tpu.enqueue_dma source(%dma_start3A_225 : memref<79x128xi32, #tpu.memory_space<hbm>>) target(%arg12 : memref<79x128xi32, #tpu.memory_space<vmem>>) target_semaphore(%run_scoped3A_219 : memref<!tpu.dma_semaphore, #tpu.memory_space<semaphore_mem>>)
      %dma_wait3A_226 = arith.constant 0 : i32
      %dma_wait3A_227 = tpu.memref_slice %arg6[%run_scoped3A_43, %select_n3A, %dma_wait3A_226] : memref<2x2500x128xi32, #tpu.memory_space<hbm>> -> memref<1x79x128xi32, #tpu.memory_space<hbm>>
      %dma_wait3A_228 = tpu.memref_squeeze %dma_wait3A_227 : memref<1x79x128xi32, #tpu.memory_space<hbm>> -> memref<79x128xi32, #tpu.memory_space<hbm>>
      %dma_wait3A_229 = arith.constant 0 : i32
      %dma_wait3A_230 = tpu.memref_slice %arg6[%run_scoped3A_43, %select_n3A, %dma_wait3A_229] : memref<2x2500x128xi32, #tpu.memory_space<hbm>> -> memref<1x79x128xi32, #tpu.memory_space<hbm>>
      %dma_wait3A_231 = tpu.memref_squeeze %dma_wait3A_230 : memref<1x79x128xi32, #tpu.memory_space<hbm>> -> memref<79x128xi32, #tpu.memory_space<hbm>>
      tpu.wait_dma2 semaphore(%run_scoped3A_219 : memref<!tpu.dma_semaphore, #tpu.memory_space<semaphore_mem>>) src(%dma_wait3A_231 : memref<79x128xi32, #tpu.memory_space<hbm>>) dst(%arg12 : memref<79x128xi32, #tpu.memory_space<vmem>>)
      tpu.yield
    }) : () -> ()
    %run_scoped3A_44 = arith.constant 1 : i32
    "tpu.region"() ({
      %run_scoped3A_219 = tpu.sem_alloc : memref<!tpu.dma_semaphore, #tpu.memory_space<semaphore_mem>>
      %dma_start3A_220 = arith.constant 0 : i32
      %dma_start3A_221 = tpu.memref_slice %arg6[%run_scoped3A_44, %select_n3A, %dma_start3A_220] : memref<2x2500x128xi32, #tpu.memory_space<hbm>> -> memref<1x79x128xi32, #tpu.memory_space<hbm>>
      %dma_start3A_222 = tpu.memref_squeeze %dma_start3A_221 : memref<1x79x128xi32, #tpu.memory_space<hbm>> -> memref<79x128xi32, #tpu.memory_space<hbm>>
      %dma_start3A_223 = arith.constant 0 : i32
      %dma_start3A_224 = tpu.memref_slice %arg6[%run_scoped3A_44, %select_n3A, %dma_start3A_223] : memref<2x2500x128xi32, #tpu.memory_space<hbm>> -> memref<1x79x128xi32, #tpu.memory_space<hbm>>
      %dma_start3A_225 = tpu.memref_squeeze %dma_start3A_224 : memref<1x79x128xi32, #tpu.memory_space<hbm>> -> memref<79x128xi32, #tpu.memory_space<hbm>>
      tpu.enqueue_dma source(%dma_start3A_225 : memref<79x128xi32, #tpu.memory_space<hbm>>) target(%arg13 : memref<79x128xi32, #tpu.memory_space<vmem>>) target_semaphore(%run_scoped3A_219 : memref<!tpu.dma_semaphore, #tpu.memory_space<semaphore_mem>>)
      %dma_wait3A_226 = arith.constant 0 : i32
      %dma_wait3A_227 = tpu.memref_slice %arg6[%run_scoped3A_44, %select_n3A, %dma_wait3A_226] : memref<2x2500x128xi32, #tpu.memory_space<hbm>> -> memref<1x79x128xi32, #tpu.memory_space<hbm>>
      %dma_wait3A_228 = tpu.memref_squeeze %dma_wait3A_227 : memref<1x79x128xi32, #tpu.memory_space<hbm>> -> memref<79x128xi32, #tpu.memory_space<hbm>>
      %dma_wait3A_229 = arith.constant 0 : i32
      %dma_wait3A_230 = tpu.memref_slice %arg6[%run_scoped3A_44, %select_n3A, %dma_wait3A_229] : memref<2x2500x128xi32, #tpu.memory_space<hbm>> -> memref<1x79x128xi32, #tpu.memory_space<hbm>>
      %dma_wait3A_231 = tpu.memref_squeeze %dma_wait3A_230 : memref<1x79x128xi32, #tpu.memory_space<hbm>> -> memref<79x128xi32, #tpu.memory_space<hbm>>
      tpu.wait_dma2 semaphore(%run_scoped3A_219 : memref<!tpu.dma_semaphore, #tpu.memory_space<semaphore_mem>>) src(%dma_wait3A_231 : memref<79x128xi32, #tpu.memory_space<hbm>>) dst(%arg13 : memref<79x128xi32, #tpu.memory_space<vmem>>)
      tpu.yield
    }) : () -> ()
    %barrier3A = arith.constant 0 : index
    tpu.barrier barrier_id(%barrier3A)
    %dma_start3A = arith.constant 0 : i32
    %dma_start3A_45 = arith.constant 0 : i32
    %dma_start3A_46 = arith.constant 0 : i32
    %dma_start3A_47 = arith.constant 0 : i32
    %dma_start3A_48 = tpu.memref_slice %arg14[%dma_start3A_45, %dma_start3A_46, %dma_start3A_47] : memref<4x128x32xf32, #tpu.memory_space<vmem>> -> memref<1x128x32xf32, #tpu.memory_space<vmem>>
    %dma_start3A_49 = tpu.memref_squeeze %dma_start3A_48 : memref<1x128x32xf32, #tpu.memory_space<vmem>> -> memref<128x32xf32, #tpu.memory_space<vmem>>
    %dma_start3A_50 = arith.constant 0 : i32
    %dma_start3A_51 = tpu.memref_slice %arg12[%dma_start3A, %dma_start3A_50] : memref<79x128xi32, #tpu.memory_space<vmem>> -> memref<1x128xi32, #tpu.memory_space<vmem>>
    %dma_start3A_52 = tpu.memref_squeeze %dma_start3A_51 : memref<1x128xi32, #tpu.memory_space<vmem>> -> memref<128xi32, #tpu.memory_space<vmem>>
    %dma_start3A_53 = arith.constant 0 : i32
    %dma_start3A_54 = arith.constant 0 : i32
    %dma_start3A_55 = tpu.memref_slice %arg10[%dma_start3A_53, %dma_start3A_54] : memref<10112x32xf32, #tpu.memory_space<vmem_shared>> -> memref<10112x32xf32, #tpu.memory_space<vmem_shared>>
    tpu.enqueue_indirect_dma source(%dma_start3A_55 : memref<10112x32xf32, #tpu.memory_space<vmem_shared>>) target(%dma_start3A_49 : memref<128x32xf32, #tpu.memory_space<vmem>>) offsets(%dma_start3A_52 : memref<128xi32, #tpu.memory_space<vmem>>) semaphore(%arg15 : memref<!tpu.dma_semaphore, #tpu.memory_space<semaphore_mem>>)
    %dma_start3A_56 = arith.constant 1 : i32
    %dma_start3A_57 = arith.constant 1 : i32
    %dma_start3A_58 = arith.constant 0 : i32
    %dma_start3A_59 = arith.constant 0 : i32
    %dma_start3A_60 = tpu.memref_slice %arg14[%dma_start3A_57, %dma_start3A_58, %dma_start3A_59] : memref<4x128x32xf32, #tpu.memory_space<vmem>> -> memref<1x128x32xf32, #tpu.memory_space<vmem>>
    %dma_start3A_61 = tpu.memref_squeeze %dma_start3A_60 : memref<1x128x32xf32, #tpu.memory_space<vmem>> -> memref<128x32xf32, #tpu.memory_space<vmem>>
    %dma_start3A_62 = arith.constant 0 : i32
    %dma_start3A_63 = tpu.memref_slice %arg12[%dma_start3A_56, %dma_start3A_62] : memref<79x128xi32, #tpu.memory_space<vmem>> -> memref<1x128xi32, #tpu.memory_space<vmem>>
    %dma_start3A_64 = tpu.memref_squeeze %dma_start3A_63 : memref<1x128xi32, #tpu.memory_space<vmem>> -> memref<128xi32, #tpu.memory_space<vmem>>
    %dma_start3A_65 = arith.constant 0 : i32
    %dma_start3A_66 = arith.constant 0 : i32
    %dma_start3A_67 = tpu.memref_slice %arg10[%dma_start3A_65, %dma_start3A_66] : memref<10112x32xf32, #tpu.memory_space<vmem_shared>> -> memref<10112x32xf32, #tpu.memory_space<vmem_shared>>
    tpu.enqueue_indirect_dma source(%dma_start3A_67 : memref<10112x32xf32, #tpu.memory_space<vmem_shared>>) target(%dma_start3A_61 : memref<128x32xf32, #tpu.memory_space<vmem>>) offsets(%dma_start3A_64 : memref<128xi32, #tpu.memory_space<vmem>>) semaphore(%arg16 : memref<!tpu.dma_semaphore, #tpu.memory_space<semaphore_mem>>)
    %scan3A = arith.constant 0 : i32
    %scan3A_68 = arith.constant 0 : i32
    %scan3A_69 = arith.constant 2 : i32
    %scan3A_70 = arith.constant 1 : i32
    %scan3A_71 = arith.constant 3 : i32
    %scan3A_72 = arith.constant 0 : i32
    %scan3A_73 = arith.constant 19 : i32
    %scan3A_74 = arith.addi %scan3A_72, %scan3A_73 : i32
    %scan3A_75 = arith.constant 1 : i32
    scf.for %scan3A_219 = %scan3A_72 to %scan3A_74 step %scan3A_75  : i32 {
      %mul3A_220 = arith.constant 4 : i32
      %mul3A_221 = arith.muli %mul3A_220, %scan3A_219 : i32
      %dma_wait3A_222 = arith.constant 0 : i32
      %dma_wait3A_223 = arith.constant 0 : i32
      %dma_wait3A_224 = tpu.memref_slice %arg14[%scan3A_68, %dma_wait3A_222, %dma_wait3A_223] : memref<4x128x32xf32, #tpu.memory_space<vmem>> -> memref<1x128x32xf32, #tpu.memory_space<vmem>>
      %dma_wait3A_225 = tpu.memref_squeeze %dma_wait3A_224 : memref<1x128x32xf32, #tpu.memory_space<vmem>> -> memref<128x32xf32, #tpu.memory_space<vmem>>
      %dma_wait3A_226 = arith.constant 0 : i32
      %dma_wait3A_227 = tpu.memref_slice %arg12[%mul3A_221, %dma_wait3A_226] : memref<79x128xi32, #tpu.memory_space<vmem>> -> memref<1x128xi32, #tpu.memory_space<vmem>>
      %dma_wait3A_228 = tpu.memref_squeeze %dma_wait3A_227 : memref<1x128xi32, #tpu.memory_space<vmem>> -> memref<128xi32, #tpu.memory_space<vmem>>
      %dma_wait3A_229 = arith.constant 0 : i32
      %dma_wait3A_230 = arith.constant 0 : i32
      %dma_wait3A_231 = tpu.memref_slice %arg10[%dma_wait3A_229, %dma_wait3A_230] : memref<10112x32xf32, #tpu.memory_space<vmem_shared>> -> memref<10112x32xf32, #tpu.memory_space<vmem_shared>>
      tpu.wait_indirect_dma semaphore(%arg15 : memref<!tpu.dma_semaphore, #tpu.memory_space<semaphore_mem>>) src(%dma_wait3A_231 : memref<10112x32xf32, #tpu.memory_space<vmem_shared>>) dst(%dma_wait3A_225 : memref<128x32xf32, #tpu.memory_space<vmem>>)
      %gt3A = arith.constant 0 : i32
      %gt3A_232 = arith.cmpi sgt, %scan3A_219, %gt3A : i32
      %convert_element_type3A_233 = arith.extui %gt3A_232 : i1 to i32
      %cond3A_234 = arith.constant 0 : i32
      %cond3A_235 = arith.cmpi ne, %convert_element_type3A_233, %cond3A_234 : i32
      scf.if %cond3A_235 {
        %sub3A_378 = arith.constant 2 : i32
        %sub3A_379 = arith.subi %mul3A_221, %sub3A_378 : i32
        %dma_wait3A_380 = arith.constant 0 : i32
        %dma_wait3A_381 = arith.constant 0 : i32
        %dma_wait3A_382 = tpu.memref_slice %arg14[%scan3A_68, %dma_wait3A_380, %dma_wait3A_381] : memref<4x128x32xf32, #tpu.memory_space<vmem>> -> memref<1x128x32xf32, #tpu.memory_space<vmem>>
        %dma_wait3A_383 = tpu.memref_squeeze %dma_wait3A_382 : memref<1x128x32xf32, #tpu.memory_space<vmem>> -> memref<128x32xf32, #tpu.memory_space<vmem>>
        %dma_wait3A_384 = arith.constant 0 : i32
        %dma_wait3A_385 = tpu.memref_slice %arg13[%sub3A_379, %dma_wait3A_384] : memref<79x128xi32, #tpu.memory_space<vmem>> -> memref<1x128xi32, #tpu.memory_space<vmem>>
        %dma_wait3A_386 = tpu.memref_squeeze %dma_wait3A_385 : memref<1x128xi32, #tpu.memory_space<vmem>> -> memref<128xi32, #tpu.memory_space<vmem>>
        %dma_wait3A_387 = arith.constant 0 : i32
        %dma_wait3A_388 = arith.constant 0 : i32
        %dma_wait3A_389 = tpu.memref_slice %arg11[%dma_wait3A_387, %dma_wait3A_388] : memref<10112x32xf32, #tpu.memory_space<vmem_shared>> -> memref<10112x32xf32, #tpu.memory_space<vmem_shared>>
        tpu.wait_indirect_dma semaphore(%arg21 : memref<!tpu.dma_semaphore, #tpu.memory_space<semaphore_mem>>) src(%dma_wait3A_383 : memref<128x32xf32, #tpu.memory_space<vmem>>) dst(%dma_wait3A_389 : memref<10112x32xf32, #tpu.memory_space<vmem_shared>>)
      } else {
      }
      %add3A_236 = arith.constant 2 : i32
      %add3A_237 = arith.addi %mul3A_221, %add3A_236 : i32
      %dma_start3A_238 = arith.constant 0 : i32
      %dma_start3A_239 = arith.constant 0 : i32
      %dma_start3A_240 = tpu.memref_slice %arg14[%scan3A_69, %dma_start3A_238, %dma_start3A_239] : memref<4x128x32xf32, #tpu.memory_space<vmem>> -> memref<1x128x32xf32, #tpu.memory_space<vmem>>
      %dma_start3A_241 = tpu.memref_squeeze %dma_start3A_240 : memref<1x128x32xf32, #tpu.memory_space<vmem>> -> memref<128x32xf32, #tpu.memory_space<vmem>>
      %dma_start3A_242 = arith.constant 0 : i32
      %dma_start3A_243 = tpu.memref_slice %arg12[%add3A_237, %dma_start3A_242] : memref<79x128xi32, #tpu.memory_space<vmem>> -> memref<1x128xi32, #tpu.memory_space<vmem>>
      %dma_start3A_244 = tpu.memref_squeeze %dma_start3A_243 : memref<1x128xi32, #tpu.memory_space<vmem>> -> memref<128xi32, #tpu.memory_space<vmem>>
      %dma_start3A_245 = arith.constant 0 : i32
      %dma_start3A_246 = arith.constant 0 : i32
      %dma_start3A_247 = tpu.memref_slice %arg10[%dma_start3A_245, %dma_start3A_246] : memref<10112x32xf32, #tpu.memory_space<vmem_shared>> -> memref<10112x32xf32, #tpu.memory_space<vmem_shared>>
      tpu.enqueue_indirect_dma source(%dma_start3A_247 : memref<10112x32xf32, #tpu.memory_space<vmem_shared>>) target(%dma_start3A_241 : memref<128x32xf32, #tpu.memory_space<vmem>>) offsets(%dma_start3A_244 : memref<128xi32, #tpu.memory_space<vmem>>) semaphore(%arg17 : memref<!tpu.dma_semaphore, #tpu.memory_space<semaphore_mem>>)
      %dma_start3A_248 = arith.constant 0 : i32
      %dma_start3A_249 = arith.constant 0 : i32
      %dma_start3A_250 = tpu.memref_slice %arg14[%scan3A_68, %dma_start3A_248, %dma_start3A_249] : memref<4x128x32xf32, #tpu.memory_space<vmem>> -> memref<1x128x32xf32, #tpu.memory_space<vmem>>
      %dma_start3A_251 = tpu.memref_squeeze %dma_start3A_250 : memref<1x128x32xf32, #tpu.memory_space<vmem>> -> memref<128x32xf32, #tpu.memory_space<vmem>>
      %dma_start3A_252 = arith.constant 0 : i32
      %dma_start3A_253 = tpu.memref_slice %arg13[%mul3A_221, %dma_start3A_252] : memref<79x128xi32, #tpu.memory_space<vmem>> -> memref<1x128xi32, #tpu.memory_space<vmem>>
      %dma_start3A_254 = tpu.memref_squeeze %dma_start3A_253 : memref<1x128xi32, #tpu.memory_space<vmem>> -> memref<128xi32, #tpu.memory_space<vmem>>
      %dma_start3A_255 = arith.constant 0 : i32
      %dma_start3A_256 = arith.constant 0 : i32
      %dma_start3A_257 = tpu.memref_slice %arg11[%dma_start3A_255, %dma_start3A_256] : memref<10112x32xf32, #tpu.memory_space<vmem_shared>> -> memref<10112x32xf32, #tpu.memory_space<vmem_shared>>
      tpu.enqueue_indirect_dma source(%dma_start3A_251 : memref<128x32xf32, #tpu.memory_space<vmem>>) target(%dma_start3A_257 : memref<10112x32xf32, #tpu.memory_space<vmem_shared>>) offsets(%dma_start3A_254 : memref<128xi32, #tpu.memory_space<vmem>>) semaphore(%arg19 : memref<!tpu.dma_semaphore, #tpu.memory_space<semaphore_mem>>) {add = true}
      %add3A_258 = arith.constant 1 : i32
      %add3A_259 = arith.addi %mul3A_221, %add3A_258 : i32
      %dma_wait3A_260 = arith.constant 0 : i32
      %dma_wait3A_261 = arith.constant 0 : i32
      %dma_wait3A_262 = tpu.memref_slice %arg14[%scan3A_70, %dma_wait3A_260, %dma_wait3A_261] : memref<4x128x32xf32, #tpu.memory_space<vmem>> -> memref<1x128x32xf32, #tpu.memory_space<vmem>>
      %dma_wait3A_263 = tpu.memref_squeeze %dma_wait3A_262 : memref<1x128x32xf32, #tpu.memory_space<vmem>> -> memref<128x32xf32, #tpu.memory_space<vmem>>
      %dma_wait3A_264 = arith.constant 0 : i32
      %dma_wait3A_265 = tpu.memref_slice %arg12[%add3A_259, %dma_wait3A_264] : memref<79x128xi32, #tpu.memory_space<vmem>> -> memref<1x128xi32, #tpu.memory_space<vmem>>
      %dma_wait3A_266 = tpu.memref_squeeze %dma_wait3A_265 : memref<1x128xi32, #tpu.memory_space<vmem>> -> memref<128xi32, #tpu.memory_space<vmem>>
      %dma_wait3A_267 = arith.constant 0 : i32
      %dma_wait3A_268 = arith.constant 0 : i32
      %dma_wait3A_269 = tpu.memref_slice %arg10[%dma_wait3A_267, %dma_wait3A_268] : memref<10112x32xf32, #tpu.memory_space<vmem_shared>> -> memref<10112x32xf32, #tpu.memory_space<vmem_shared>>
      tpu.wait_indirect_dma semaphore(%arg16 : memref<!tpu.dma_semaphore, #tpu.memory_space<semaphore_mem>>) src(%dma_wait3A_269 : memref<10112x32xf32, #tpu.memory_space<vmem_shared>>) dst(%dma_wait3A_263 : memref<128x32xf32, #tpu.memory_space<vmem>>)
      %gt3A_270 = arith.constant 0 : i32
      %gt3A_271 = arith.cmpi sgt, %scan3A_219, %gt3A_270 : i32
      %convert_element_type3A_272 = arith.extui %gt3A_271 : i1 to i32
      %cond3A_273 = arith.constant 0 : i32
      %cond3A_274 = arith.cmpi ne, %convert_element_type3A_272, %cond3A_273 : i32
      scf.if %cond3A_274 {
        %sub3A_378 = arith.constant 1 : i32
        %sub3A_379 = arith.subi %mul3A_221, %sub3A_378 : i32
        %dma_wait3A_380 = arith.constant 0 : i32
        %dma_wait3A_381 = arith.constant 0 : i32
        %dma_wait3A_382 = tpu.memref_slice %arg14[%scan3A_68, %dma_wait3A_380, %dma_wait3A_381] : memref<4x128x32xf32, #tpu.memory_space<vmem>> -> memref<1x128x32xf32, #tpu.memory_space<vmem>>
        %dma_wait3A_383 = tpu.memref_squeeze %dma_wait3A_382 : memref<1x128x32xf32, #tpu.memory_space<vmem>> -> memref<128x32xf32, #tpu.memory_space<vmem>>
        %dma_wait3A_384 = arith.constant 0 : i32
        %dma_wait3A_385 = tpu.memref_slice %arg13[%sub3A_379, %dma_wait3A_384] : memref<79x128xi32, #tpu.memory_space<vmem>> -> memref<1x128xi32, #tpu.memory_space<vmem>>
        %dma_wait3A_386 = tpu.memref_squeeze %dma_wait3A_385 : memref<1x128xi32, #tpu.memory_space<vmem>> -> memref<128xi32, #tpu.memory_space<vmem>>
        %dma_wait3A_387 = arith.constant 0 : i32
        %dma_wait3A_388 = arith.constant 0 : i32
        %dma_wait3A_389 = tpu.memref_slice %arg11[%dma_wait3A_387, %dma_wait3A_388] : memref<10112x32xf32, #tpu.memory_space<vmem_shared>> -> memref<10112x32xf32, #tpu.memory_space<vmem_shared>>
        tpu.wait_indirect_dma semaphore(%arg22 : memref<!tpu.dma_semaphore, #tpu.memory_space<semaphore_mem>>) src(%dma_wait3A_383 : memref<128x32xf32, #tpu.memory_space<vmem>>) dst(%dma_wait3A_389 : memref<10112x32xf32, #tpu.memory_space<vmem_shared>>)
      } else {
      }
      %add3A_275 = arith.constant 3 : i32
      %add3A_276 = arith.addi %mul3A_221, %add3A_275 : i32
      %dma_start3A_277 = arith.constant 0 : i32
      %dma_start3A_278 = arith.constant 0 : i32
      %dma_start3A_279 = tpu.memref_slice %arg14[%scan3A_71, %dma_start3A_277, %dma_start3A_278] : memref<4x128x32xf32, #tpu.memory_space<vmem>> -> memref<1x128x32xf32, #tpu.memory_space<vmem>>
      %dma_start3A_280 = tpu.memref_squeeze %dma_start3A_279 : memref<1x128x32xf32, #tpu.memory_space<vmem>> -> memref<128x32xf32, #tpu.memory_space<vmem>>
      %dma_start3A_281 = arith.constant 0 : i32
      %dma_start3A_282 = tpu.memref_slice %arg12[%add3A_276, %dma_start3A_281] : memref<79x128xi32, #tpu.memory_space<vmem>> -> memref<1x128xi32, #tpu.memory_space<vmem>>
      %dma_start3A_283 = tpu.memref_squeeze %dma_start3A_282 : memref<1x128xi32, #tpu.memory_space<vmem>> -> memref<128xi32, #tpu.memory_space<vmem>>
      %dma_start3A_284 = arith.constant 0 : i32
      %dma_start3A_285 = arith.constant 0 : i32
      %dma_start3A_286 = tpu.memref_slice %arg10[%dma_start3A_284, %dma_start3A_285] : memref<10112x32xf32, #tpu.memory_space<vmem_shared>> -> memref<10112x32xf32, #tpu.memory_space<vmem_shared>>
      tpu.enqueue_indirect_dma source(%dma_start3A_286 : memref<10112x32xf32, #tpu.memory_space<vmem_shared>>) target(%dma_start3A_280 : memref<128x32xf32, #tpu.memory_space<vmem>>) offsets(%dma_start3A_283 : memref<128xi32, #tpu.memory_space<vmem>>) semaphore(%arg18 : memref<!tpu.dma_semaphore, #tpu.memory_space<semaphore_mem>>)
      %add3A_287 = arith.constant 1 : i32
      %add3A_288 = arith.addi %mul3A_221, %add3A_287 : i32
      %dma_start3A_289 = arith.constant 0 : i32
      %dma_start3A_290 = arith.constant 0 : i32
      %dma_start3A_291 = tpu.memref_slice %arg14[%scan3A_70, %dma_start3A_289, %dma_start3A_290] : memref<4x128x32xf32, #tpu.memory_space<vmem>> -> memref<1x128x32xf32, #tpu.memory_space<vmem>>
      %dma_start3A_292 = tpu.memref_squeeze %dma_start3A_291 : memref<1x128x32xf32, #tpu.memory_space<vmem>> -> memref<128x32xf32, #tpu.memory_space<vmem>>
      %dma_start3A_293 = arith.constant 0 : i32
      %dma_start3A_294 = tpu.memref_slice %arg13[%add3A_288, %dma_start3A_293] : memref<79x128xi32, #tpu.memory_space<vmem>> -> memref<1x128xi32, #tpu.memory_space<vmem>>
      %dma_start3A_295 = tpu.memref_squeeze %dma_start3A_294 : memref<1x128xi32, #tpu.memory_space<vmem>> -> memref<128xi32, #tpu.memory_space<vmem>>
      %dma_start3A_296 = arith.constant 0 : i32
      %dma_start3A_297 = arith.constant 0 : i32
      %dma_start3A_298 = tpu.memref_slice %arg11[%dma_start3A_296, %dma_start3A_297] : memref<10112x32xf32, #tpu.memory_space<vmem_shared>> -> memref<10112x32xf32, #tpu.memory_space<vmem_shared>>
      tpu.enqueue_indirect_dma source(%dma_start3A_292 : memref<128x32xf32, #tpu.memory_space<vmem>>) target(%dma_start3A_298 : memref<10112x32xf32, #tpu.memory_space<vmem_shared>>) offsets(%dma_start3A_295 : memref<128xi32, #tpu.memory_space<vmem>>) semaphore(%arg20 : memref<!tpu.dma_semaphore, #tpu.memory_space<semaphore_mem>>) {add = true}
      %add3A_299 = arith.constant 2 : i32
      %add3A_300 = arith.addi %mul3A_221, %add3A_299 : i32
      %dma_wait3A_301 = arith.constant 0 : i32
      %dma_wait3A_302 = arith.constant 0 : i32
      %dma_wait3A_303 = tpu.memref_slice %arg14[%scan3A_69, %dma_wait3A_301, %dma_wait3A_302] : memref<4x128x32xf32, #tpu.memory_space<vmem>> -> memref<1x128x32xf32, #tpu.memory_space<vmem>>
      %dma_wait3A_304 = tpu.memref_squeeze %dma_wait3A_303 : memref<1x128x32xf32, #tpu.memory_space<vmem>> -> memref<128x32xf32, #tpu.memory_space<vmem>>
      %dma_wait3A_305 = arith.constant 0 : i32
      %dma_wait3A_306 = tpu.memref_slice %arg12[%add3A_300, %dma_wait3A_305] : memref<79x128xi32, #tpu.memory_space<vmem>> -> memref<1x128xi32, #tpu.memory_space<vmem>>
      %dma_wait3A_307 = tpu.memref_squeeze %dma_wait3A_306 : memref<1x128xi32, #tpu.memory_space<vmem>> -> memref<128xi32, #tpu.memory_space<vmem>>
      %dma_wait3A_308 = arith.constant 0 : i32
      %dma_wait3A_309 = arith.constant 0 : i32
      %dma_wait3A_310 = tpu.memref_slice %arg10[%dma_wait3A_308, %dma_wait3A_309] : memref<10112x32xf32, #tpu.memory_space<vmem_shared>> -> memref<10112x32xf32, #tpu.memory_space<vmem_shared>>
      tpu.wait_indirect_dma semaphore(%arg17 : memref<!tpu.dma_semaphore, #tpu.memory_space<semaphore_mem>>) src(%dma_wait3A_310 : memref<10112x32xf32, #tpu.memory_space<vmem_shared>>) dst(%dma_wait3A_304 : memref<128x32xf32, #tpu.memory_space<vmem>>)
      %dma_wait3A_311 = arith.constant 0 : i32
      %dma_wait3A_312 = arith.constant 0 : i32
      %dma_wait3A_313 = tpu.memref_slice %arg14[%scan3A_68, %dma_wait3A_311, %dma_wait3A_312] : memref<4x128x32xf32, #tpu.memory_space<vmem>> -> memref<1x128x32xf32, #tpu.memory_space<vmem>>
      %dma_wait3A_314 = tpu.memref_squeeze %dma_wait3A_313 : memref<1x128x32xf32, #tpu.memory_space<vmem>> -> memref<128x32xf32, #tpu.memory_space<vmem>>
      %dma_wait3A_315 = arith.constant 0 : i32
      %dma_wait3A_316 = tpu.memref_slice %arg13[%mul3A_221, %dma_wait3A_315] : memref<79x128xi32, #tpu.memory_space<vmem>> -> memref<1x128xi32, #tpu.memory_space<vmem>>
      %dma_wait3A_317 = tpu.memref_squeeze %dma_wait3A_316 : memref<1x128xi32, #tpu.memory_space<vmem>> -> memref<128xi32, #tpu.memory_space<vmem>>
      %dma_wait3A_318 = arith.constant 0 : i32
      %dma_wait3A_319 = arith.constant 0 : i32
      %dma_wait3A_320 = tpu.memref_slice %arg11[%dma_wait3A_318, %dma_wait3A_319] : memref<10112x32xf32, #tpu.memory_space<vmem_shared>> -> memref<10112x32xf32, #tpu.memory_space<vmem_shared>>
      tpu.wait_indirect_dma semaphore(%arg19 : memref<!tpu.dma_semaphore, #tpu.memory_space<semaphore_mem>>) src(%dma_wait3A_314 : memref<128x32xf32, #tpu.memory_space<vmem>>) dst(%dma_wait3A_320 : memref<10112x32xf32, #tpu.memory_space<vmem_shared>>)
      %lt3A = arith.constant 18 : i32
      %lt3A_321 = arith.cmpi slt, %scan3A_219, %lt3A : i32
      %convert_element_type3A_322 = arith.extui %lt3A_321 : i1 to i32
      %cond3A_323 = arith.constant 0 : i32
      %cond3A_324 = arith.cmpi ne, %convert_element_type3A_322, %cond3A_323 : i32
      scf.if %cond3A_324 {
        %add3A_378 = arith.constant 4 : i32
        %add3A_379 = arith.addi %mul3A_221, %add3A_378 : i32
        %dma_start3A_380 = arith.constant 0 : i32
        %dma_start3A_381 = arith.constant 0 : i32
        %dma_start3A_382 = tpu.memref_slice %arg14[%scan3A_68, %dma_start3A_380, %dma_start3A_381] : memref<4x128x32xf32, #tpu.memory_space<vmem>> -> memref<1x128x32xf32, #tpu.memory_space<vmem>>
        %dma_start3A_383 = tpu.memref_squeeze %dma_start3A_382 : memref<1x128x32xf32, #tpu.memory_space<vmem>> -> memref<128x32xf32, #tpu.memory_space<vmem>>
        %dma_start3A_384 = arith.constant 0 : i32
        %dma_start3A_385 = tpu.memref_slice %arg12[%add3A_379, %dma_start3A_384] : memref<79x128xi32, #tpu.memory_space<vmem>> -> memref<1x128xi32, #tpu.memory_space<vmem>>
        %dma_start3A_386 = tpu.memref_squeeze %dma_start3A_385 : memref<1x128xi32, #tpu.memory_space<vmem>> -> memref<128xi32, #tpu.memory_space<vmem>>
        %dma_start3A_387 = arith.constant 0 : i32
        %dma_start3A_388 = arith.constant 0 : i32
        %dma_start3A_389 = tpu.memref_slice %arg10[%dma_start3A_387, %dma_start3A_388] : memref<10112x32xf32, #tpu.memory_space<vmem_shared>> -> memref<10112x32xf32, #tpu.memory_space<vmem_shared>>
        tpu.enqueue_indirect_dma source(%dma_start3A_389 : memref<10112x32xf32, #tpu.memory_space<vmem_shared>>) target(%dma_start3A_383 : memref<128x32xf32, #tpu.memory_space<vmem>>) offsets(%dma_start3A_386 : memref<128xi32, #tpu.memory_space<vmem>>) semaphore(%arg15 : memref<!tpu.dma_semaphore, #tpu.memory_space<semaphore_mem>>)
      } else {
      }
      %add3A_325 = arith.constant 2 : i32
      %add3A_326 = arith.addi %mul3A_221, %add3A_325 : i32
      %dma_start3A_327 = arith.constant 0 : i32
      %dma_start3A_328 = arith.constant 0 : i32
      %dma_start3A_329 = tpu.memref_slice %arg14[%scan3A_69, %dma_start3A_327, %dma_start3A_328] : memref<4x128x32xf32, #tpu.memory_space<vmem>> -> memref<1x128x32xf32, #tpu.memory_space<vmem>>
      %dma_start3A_330 = tpu.memref_squeeze %dma_start3A_329 : memref<1x128x32xf32, #tpu.memory_space<vmem>> -> memref<128x32xf32, #tpu.memory_space<vmem>>
      %dma_start3A_331 = arith.constant 0 : i32
      %dma_start3A_332 = tpu.memref_slice %arg13[%add3A_326, %dma_start3A_331] : memref<79x128xi32, #tpu.memory_space<vmem>> -> memref<1x128xi32, #tpu.memory_space<vmem>>
      %dma_start3A_333 = tpu.memref_squeeze %dma_start3A_332 : memref<1x128xi32, #tpu.memory_space<vmem>> -> memref<128xi32, #tpu.memory_space<vmem>>
      %dma_start3A_334 = arith.constant 0 : i32
      %dma_start3A_335 = arith.constant 0 : i32
      %dma_start3A_336 = tpu.memref_slice %arg11[%dma_start3A_334, %dma_start3A_335] : memref<10112x32xf32, #tpu.memory_space<vmem_shared>> -> memref<10112x32xf32, #tpu.memory_space<vmem_shared>>
      tpu.enqueue_indirect_dma source(%dma_start3A_330 : memref<128x32xf32, #tpu.memory_space<vmem>>) target(%dma_start3A_336 : memref<10112x32xf32, #tpu.memory_space<vmem_shared>>) offsets(%dma_start3A_333 : memref<128xi32, #tpu.memory_space<vmem>>) semaphore(%arg21 : memref<!tpu.dma_semaphore, #tpu.memory_space<semaphore_mem>>) {add = true}
      %add3A_337 = arith.constant 3 : i32
      %add3A_338 = arith.addi %mul3A_221, %add3A_337 : i32
      %dma_wait3A_339 = arith.constant 0 : i32
      %dma_wait3A_340 = arith.constant 0 : i32
      %dma_wait3A_341 = tpu.memref_slice %arg14[%scan3A_71, %dma_wait3A_339, %dma_wait3A_340] : memref<4x128x32xf32, #tpu.memory_space<vmem>> -> memref<1x128x32xf32, #tpu.memory_space<vmem>>
      %dma_wait3A_342 = tpu.memref_squeeze %dma_wait3A_341 : memref<1x128x32xf32, #tpu.memory_space<vmem>> -> memref<128x32xf32, #tpu.memory_space<vmem>>
      %dma_wait3A_343 = arith.constant 0 : i32
      %dma_wait3A_344 = tpu.memref_slice %arg12[%add3A_338, %dma_wait3A_343] : memref<79x128xi32, #tpu.memory_space<vmem>> -> memref<1x128xi32, #tpu.memory_space<vmem>>
      %dma_wait3A_345 = tpu.memref_squeeze %dma_wait3A_344 : memref<1x128xi32, #tpu.memory_space<vmem>> -> memref<128xi32, #tpu.memory_space<vmem>>
      %dma_wait3A_346 = arith.constant 0 : i32
      %dma_wait3A_347 = arith.constant 0 : i32
      %dma_wait3A_348 = tpu.memref_slice %arg10[%dma_wait3A_346, %dma_wait3A_347] : memref<10112x32xf32, #tpu.memory_space<vmem_shared>> -> memref<10112x32xf32, #tpu.memory_space<vmem_shared>>
      tpu.wait_indirect_dma semaphore(%arg18 : memref<!tpu.dma_semaphore, #tpu.memory_space<semaphore_mem>>) src(%dma_wait3A_348 : memref<10112x32xf32, #tpu.memory_space<vmem_shared>>) dst(%dma_wait3A_342 : memref<128x32xf32, #tpu.memory_space<vmem>>)
      %add3A_349 = arith.constant 1 : i32
      %add3A_350 = arith.addi %mul3A_221, %add3A_349 : i32
      %dma_wait3A_351 = arith.constant 0 : i32
      %dma_wait3A_352 = arith.constant 0 : i32
      %dma_wait3A_353 = tpu.memref_slice %arg14[%scan3A_68, %dma_wait3A_351, %dma_wait3A_352] : memref<4x128x32xf32, #tpu.memory_space<vmem>> -> memref<1x128x32xf32, #tpu.memory_space<vmem>>
      %dma_wait3A_354 = tpu.memref_squeeze %dma_wait3A_353 : memref<1x128x32xf32, #tpu.memory_space<vmem>> -> memref<128x32xf32, #tpu.memory_space<vmem>>
      %dma_wait3A_355 = arith.constant 0 : i32
      %dma_wait3A_356 = tpu.memref_slice %arg13[%add3A_350, %dma_wait3A_355] : memref<79x128xi32, #tpu.memory_space<vmem>> -> memref<1x128xi32, #tpu.memory_space<vmem>>
      %dma_wait3A_357 = tpu.memref_squeeze %dma_wait3A_356 : memref<1x128xi32, #tpu.memory_space<vmem>> -> memref<128xi32, #tpu.memory_space<vmem>>
      %dma_wait3A_358 = arith.constant 0 : i32
      %dma_wait3A_359 = arith.constant 0 : i32
      %dma_wait3A_360 = tpu.memref_slice %arg11[%dma_wait3A_358, %dma_wait3A_359] : memref<10112x32xf32, #tpu.memory_space<vmem_shared>> -> memref<10112x32xf32, #tpu.memory_space<vmem_shared>>
      tpu.wait_indirect_dma semaphore(%arg20 : memref<!tpu.dma_semaphore, #tpu.memory_space<semaphore_mem>>) src(%dma_wait3A_354 : memref<128x32xf32, #tpu.memory_space<vmem>>) dst(%dma_wait3A_360 : memref<10112x32xf32, #tpu.memory_space<vmem_shared>>)
      %lt3A_361 = arith.constant 18 : i32
      %lt3A_362 = arith.cmpi slt, %scan3A_219, %lt3A_361 : i32
      %convert_element_type3A_363 = arith.extui %lt3A_362 : i1 to i32
      %cond3A_364 = arith.constant 0 : i32
      %cond3A_365 = arith.cmpi ne, %convert_element_type3A_363, %cond3A_364 : i32
      scf.if %cond3A_365 {
        %add3A_378 = arith.constant 5 : i32
        %add3A_379 = arith.addi %mul3A_221, %add3A_378 : i32
        %dma_start3A_380 = arith.constant 0 : i32
        %dma_start3A_381 = arith.constant 0 : i32
        %dma_start3A_382 = tpu.memref_slice %arg14[%scan3A_70, %dma_start3A_380, %dma_start3A_381] : memref<4x128x32xf32, #tpu.memory_space<vmem>> -> memref<1x128x32xf32, #tpu.memory_space<vmem>>
        %dma_start3A_383 = tpu.memref_squeeze %dma_start3A_382 : memref<1x128x32xf32, #tpu.memory_space<vmem>> -> memref<128x32xf32, #tpu.memory_space<vmem>>
        %dma_start3A_384 = arith.constant 0 : i32
        %dma_start3A_385 = tpu.memref_slice %arg12[%add3A_379, %dma_start3A_384] : memref<79x128xi32, #tpu.memory_space<vmem>> -> memref<1x128xi32, #tpu.memory_space<vmem>>
        %dma_start3A_386 = tpu.memref_squeeze %dma_start3A_385 : memref<1x128xi32, #tpu.memory_space<vmem>> -> memref<128xi32, #tpu.memory_space<vmem>>
        %dma_start3A_387 = arith.constant 0 : i32
        %dma_start3A_388 = arith.constant 0 : i32
        %dma_start3A_389 = tpu.memref_slice %arg10[%dma_start3A_387, %dma_start3A_388] : memref<10112x32xf32, #tpu.memory_space<vmem_shared>> -> memref<10112x32xf32, #tpu.memory_space<vmem_shared>>
        tpu.enqueue_indirect_dma source(%dma_start3A_389 : memref<10112x32xf32, #tpu.memory_space<vmem_shared>>) target(%dma_start3A_383 : memref<128x32xf32, #tpu.memory_space<vmem>>) offsets(%dma_start3A_386 : memref<128xi32, #tpu.memory_space<vmem>>) semaphore(%arg16 : memref<!tpu.dma_semaphore, #tpu.memory_space<semaphore_mem>>)
      } else {
      }
      %add3A_366 = arith.constant 3 : i32
      %add3A_367 = arith.addi %mul3A_221, %add3A_366 : i32
      %dma_start3A_368 = arith.constant 0 : i32
      %dma_start3A_369 = arith.constant 0 : i32
      %dma_start3A_370 = tpu.memref_slice %arg14[%scan3A_71, %dma_start3A_368, %dma_start3A_369] : memref<4x128x32xf32, #tpu.memory_space<vmem>> -> memref<1x128x32xf32, #tpu.memory_space<vmem>>
      %dma_start3A_371 = tpu.memref_squeeze %dma_start3A_370 : memref<1x128x32xf32, #tpu.memory_space<vmem>> -> memref<128x32xf32, #tpu.memory_space<vmem>>
      %dma_start3A_372 = arith.constant 0 : i32
      %dma_start3A_373 = tpu.memref_slice %arg13[%add3A_367, %dma_start3A_372] : memref<79x128xi32, #tpu.memory_space<vmem>> -> memref<1x128xi32, #tpu.memory_space<vmem>>
      %dma_start3A_374 = tpu.memref_squeeze %dma_start3A_373 : memref<1x128xi32, #tpu.memory_space<vmem>> -> memref<128xi32, #tpu.memory_space<vmem>>
      %dma_start3A_375 = arith.constant 0 : i32
      %dma_start3A_376 = arith.constant 0 : i32
      %dma_start3A_377 = tpu.memref_slice %arg11[%dma_start3A_375, %dma_start3A_376] : memref<10112x32xf32, #tpu.memory_space<vmem_shared>> -> memref<10112x32xf32, #tpu.memory_space<vmem_shared>>
      tpu.enqueue_indirect_dma source(%dma_start3A_371 : memref<128x32xf32, #tpu.memory_space<vmem>>) target(%dma_start3A_377 : memref<10112x32xf32, #tpu.memory_space<vmem_shared>>) offsets(%dma_start3A_374 : memref<128xi32, #tpu.memory_space<vmem>>) semaphore(%arg22 : memref<!tpu.dma_semaphore, #tpu.memory_space<semaphore_mem>>) {add = true}
    }
    %scan3A_76 = arith.constant 19 : i32
    %dma_start3A_77 = arith.constant 76 : i32
    %dma_start3A_78 = arith.constant 0 : i32
    %dma_start3A_79 = arith.constant 0 : i32
    %dma_start3A_80 = arith.constant 0 : i32
    %dma_start3A_81 = tpu.memref_slice %arg14[%dma_start3A_78, %dma_start3A_79, %dma_start3A_80] : memref<4x128x32xf32, #tpu.memory_space<vmem>> -> memref<1x128x32xf32, #tpu.memory_space<vmem>>
    %dma_start3A_82 = tpu.memref_squeeze %dma_start3A_81 : memref<1x128x32xf32, #tpu.memory_space<vmem>> -> memref<128x32xf32, #tpu.memory_space<vmem>>
    %dma_start3A_83 = arith.constant 0 : i32
    %dma_start3A_84 = tpu.memref_slice %arg12[%dma_start3A_77, %dma_start3A_83] : memref<79x128xi32, #tpu.memory_space<vmem>> -> memref<1x128xi32, #tpu.memory_space<vmem>>
    %dma_start3A_85 = tpu.memref_squeeze %dma_start3A_84 : memref<1x128xi32, #tpu.memory_space<vmem>> -> memref<128xi32, #tpu.memory_space<vmem>>
    %dma_start3A_86 = arith.constant 0 : i32
    %dma_start3A_87 = arith.constant 0 : i32
    %dma_start3A_88 = tpu.memref_slice %arg10[%dma_start3A_86, %dma_start3A_87] : memref<10112x32xf32, #tpu.memory_space<vmem_shared>> -> memref<10112x32xf32, #tpu.memory_space<vmem_shared>>
    tpu.enqueue_indirect_dma source(%dma_start3A_88 : memref<10112x32xf32, #tpu.memory_space<vmem_shared>>) target(%dma_start3A_82 : memref<128x32xf32, #tpu.memory_space<vmem>>) offsets(%dma_start3A_85 : memref<128xi32, #tpu.memory_space<vmem>>) semaphore(%arg15 : memref<!tpu.dma_semaphore, #tpu.memory_space<semaphore_mem>>)
    %dma_start3A_89 = arith.constant 77 : i32
    %dma_start3A_90 = arith.constant 1 : i32
    %dma_start3A_91 = arith.constant 0 : i32
    %dma_start3A_92 = arith.constant 0 : i32
    %dma_start3A_93 = tpu.memref_slice %arg14[%dma_start3A_90, %dma_start3A_91, %dma_start3A_92] : memref<4x128x32xf32, #tpu.memory_space<vmem>> -> memref<1x128x32xf32, #tpu.memory_space<vmem>>
    %dma_start3A_94 = tpu.memref_squeeze %dma_start3A_93 : memref<1x128x32xf32, #tpu.memory_space<vmem>> -> memref<128x32xf32, #tpu.memory_space<vmem>>
    %dma_start3A_95 = arith.constant 0 : i32
    %dma_start3A_96 = tpu.memref_slice %arg12[%dma_start3A_89, %dma_start3A_95] : memref<79x128xi32, #tpu.memory_space<vmem>> -> memref<1x128xi32, #tpu.memory_space<vmem>>
    %dma_start3A_97 = tpu.memref_squeeze %dma_start3A_96 : memref<1x128xi32, #tpu.memory_space<vmem>> -> memref<128xi32, #tpu.memory_space<vmem>>
    %dma_start3A_98 = arith.constant 0 : i32
    %dma_start3A_99 = arith.constant 0 : i32
    %dma_start3A_100 = tpu.memref_slice %arg10[%dma_start3A_98, %dma_start3A_99] : memref<10112x32xf32, #tpu.memory_space<vmem_shared>> -> memref<10112x32xf32, #tpu.memory_space<vmem_shared>>
    tpu.enqueue_indirect_dma source(%dma_start3A_100 : memref<10112x32xf32, #tpu.memory_space<vmem_shared>>) target(%dma_start3A_94 : memref<128x32xf32, #tpu.memory_space<vmem>>) offsets(%dma_start3A_97 : memref<128xi32, #tpu.memory_space<vmem>>) semaphore(%arg16 : memref<!tpu.dma_semaphore, #tpu.memory_space<semaphore_mem>>)
    %dma_wait3A = arith.constant 76 : i32
    %dma_wait3A_101 = arith.constant 0 : i32
    %dma_wait3A_102 = arith.constant 0 : i32
    %dma_wait3A_103 = arith.constant 0 : i32
    %dma_wait3A_104 = tpu.memref_slice %arg14[%dma_wait3A_101, %dma_wait3A_102, %dma_wait3A_103] : memref<4x128x32xf32, #tpu.memory_space<vmem>> -> memref<1x128x32xf32, #tpu.memory_space<vmem>>
    %dma_wait3A_105 = tpu.memref_squeeze %dma_wait3A_104 : memref<1x128x32xf32, #tpu.memory_space<vmem>> -> memref<128x32xf32, #tpu.memory_space<vmem>>
    %dma_wait3A_106 = arith.constant 0 : i32
    %dma_wait3A_107 = tpu.memref_slice %arg12[%dma_wait3A, %dma_wait3A_106] : memref<79x128xi32, #tpu.memory_space<vmem>> -> memref<1x128xi32, #tpu.memory_space<vmem>>
    %dma_wait3A_108 = tpu.memref_squeeze %dma_wait3A_107 : memref<1x128xi32, #tpu.memory_space<vmem>> -> memref<128xi32, #tpu.memory_space<vmem>>
    %dma_wait3A_109 = arith.constant 0 : i32
    %dma_wait3A_110 = arith.constant 0 : i32
    %dma_wait3A_111 = tpu.memref_slice %arg10[%dma_wait3A_109, %dma_wait3A_110] : memref<10112x32xf32, #tpu.memory_space<vmem_shared>> -> memref<10112x32xf32, #tpu.memory_space<vmem_shared>>
    tpu.wait_indirect_dma semaphore(%arg15 : memref<!tpu.dma_semaphore, #tpu.memory_space<semaphore_mem>>) src(%dma_wait3A_111 : memref<10112x32xf32, #tpu.memory_space<vmem_shared>>) dst(%dma_wait3A_105 : memref<128x32xf32, #tpu.memory_space<vmem>>)
    %dma_wait3A_112 = arith.constant 0 : i32
    %dma_wait3A_113 = arith.constant 74 : i32
    %dma_wait3A_114 = arith.constant 0 : i32
    %dma_wait3A_115 = arith.constant 0 : i32
    %dma_wait3A_116 = tpu.memref_slice %arg14[%dma_wait3A_112, %dma_wait3A_114, %dma_wait3A_115] : memref<4x128x32xf32, #tpu.memory_space<vmem>> -> memref<1x128x32xf32, #tpu.memory_space<vmem>>
    %dma_wait3A_117 = tpu.memref_squeeze %dma_wait3A_116 : memref<1x128x32xf32, #tpu.memory_space<vmem>> -> memref<128x32xf32, #tpu.memory_space<vmem>>
    %dma_wait3A_118 = arith.constant 0 : i32
    %dma_wait3A_119 = tpu.memref_slice %arg13[%dma_wait3A_113, %dma_wait3A_118] : memref<79x128xi32, #tpu.memory_space<vmem>> -> memref<1x128xi32, #tpu.memory_space<vmem>>
    %dma_wait3A_120 = tpu.memref_squeeze %dma_wait3A_119 : memref<1x128xi32, #tpu.memory_space<vmem>> -> memref<128xi32, #tpu.memory_space<vmem>>
    %dma_wait3A_121 = arith.constant 0 : i32
    %dma_wait3A_122 = arith.constant 0 : i32
    %dma_wait3A_123 = tpu.memref_slice %arg11[%dma_wait3A_121, %dma_wait3A_122] : memref<10112x32xf32, #tpu.memory_space<vmem_shared>> -> memref<10112x32xf32, #tpu.memory_space<vmem_shared>>
    tpu.wait_indirect_dma semaphore(%arg21 : memref<!tpu.dma_semaphore, #tpu.memory_space<semaphore_mem>>) src(%dma_wait3A_117 : memref<128x32xf32, #tpu.memory_space<vmem>>) dst(%dma_wait3A_123 : memref<10112x32xf32, #tpu.memory_space<vmem_shared>>)
    %dma_start3A_124 = arith.constant 0 : i32
    %dma_start3A_125 = arith.constant 76 : i32
    %dma_start3A_126 = arith.constant 0 : i32
    %dma_start3A_127 = arith.constant 0 : i32
    %dma_start3A_128 = tpu.memref_slice %arg14[%dma_start3A_124, %dma_start3A_126, %dma_start3A_127] : memref<4x128x32xf32, #tpu.memory_space<vmem>> -> memref<1x128x32xf32, #tpu.memory_space<vmem>>
    %dma_start3A_129 = tpu.memref_squeeze %dma_start3A_128 : memref<1x128x32xf32, #tpu.memory_space<vmem>> -> memref<128x32xf32, #tpu.memory_space<vmem>>
    %dma_start3A_130 = arith.constant 0 : i32
    %dma_start3A_131 = tpu.memref_slice %arg13[%dma_start3A_125, %dma_start3A_130] : memref<79x128xi32, #tpu.memory_space<vmem>> -> memref<1x128xi32, #tpu.memory_space<vmem>>
    %dma_start3A_132 = tpu.memref_squeeze %dma_start3A_131 : memref<1x128xi32, #tpu.memory_space<vmem>> -> memref<128xi32, #tpu.memory_space<vmem>>
    %dma_start3A_133 = arith.constant 0 : i32
    %dma_start3A_134 = arith.constant 0 : i32
    %dma_start3A_135 = tpu.memref_slice %arg11[%dma_start3A_133, %dma_start3A_134] : memref<10112x32xf32, #tpu.memory_space<vmem_shared>> -> memref<10112x32xf32, #tpu.memory_space<vmem_shared>>
    tpu.enqueue_indirect_dma source(%dma_start3A_129 : memref<128x32xf32, #tpu.memory_space<vmem>>) target(%dma_start3A_135 : memref<10112x32xf32, #tpu.memory_space<vmem_shared>>) offsets(%dma_start3A_132 : memref<128xi32, #tpu.memory_space<vmem>>) semaphore(%arg19 : memref<!tpu.dma_semaphore, #tpu.memory_space<semaphore_mem>>) {add = true}
    %dma_wait3A_136 = arith.constant 77 : i32
    %dma_wait3A_137 = arith.constant 1 : i32
    %dma_wait3A_138 = arith.constant 0 : i32
    %dma_wait3A_139 = arith.constant 0 : i32
    %dma_wait3A_140 = tpu.memref_slice %arg14[%dma_wait3A_137, %dma_wait3A_138, %dma_wait3A_139] : memref<4x128x32xf32, #tpu.memory_space<vmem>> -> memref<1x128x32xf32, #tpu.memory_space<vmem>>
    %dma_wait3A_141 = tpu.memref_squeeze %dma_wait3A_140 : memref<1x128x32xf32, #tpu.memory_space<vmem>> -> memref<128x32xf32, #tpu.memory_space<vmem>>
    %dma_wait3A_142 = arith.constant 0 : i32
    %dma_wait3A_143 = tpu.memref_slice %arg12[%dma_wait3A_136, %dma_wait3A_142] : memref<79x128xi32, #tpu.memory_space<vmem>> -> memref<1x128xi32, #tpu.memory_space<vmem>>
    %dma_wait3A_144 = tpu.memref_squeeze %dma_wait3A_143 : memref<1x128xi32, #tpu.memory_space<vmem>> -> memref<128xi32, #tpu.memory_space<vmem>>
    %dma_wait3A_145 = arith.constant 0 : i32
    %dma_wait3A_146 = arith.constant 0 : i32
    %dma_wait3A_147 = tpu.memref_slice %arg10[%dma_wait3A_145, %dma_wait3A_146] : memref<10112x32xf32, #tpu.memory_space<vmem_shared>> -> memref<10112x32xf32, #tpu.memory_space<vmem_shared>>
    tpu.wait_indirect_dma semaphore(%arg16 : memref<!tpu.dma_semaphore, #tpu.memory_space<semaphore_mem>>) src(%dma_wait3A_147 : memref<10112x32xf32, #tpu.memory_space<vmem_shared>>) dst(%dma_wait3A_141 : memref<128x32xf32, #tpu.memory_space<vmem>>)
    %dma_wait3A_148 = arith.constant 0 : i32
    %dma_wait3A_149 = arith.constant 75 : i32
    %dma_wait3A_150 = arith.constant 0 : i32
    %dma_wait3A_151 = arith.constant 0 : i32
    %dma_wait3A_152 = tpu.memref_slice %arg14[%dma_wait3A_148, %dma_wait3A_150, %dma_wait3A_151] : memref<4x128x32xf32, #tpu.memory_space<vmem>> -> memref<1x128x32xf32, #tpu.memory_space<vmem>>
    %dma_wait3A_153 = tpu.memref_squeeze %dma_wait3A_152 : memref<1x128x32xf32, #tpu.memory_space<vmem>> -> memref<128x32xf32, #tpu.memory_space<vmem>>
    %dma_wait3A_154 = arith.constant 0 : i32
    %dma_wait3A_155 = tpu.memref_slice %arg13[%dma_wait3A_149, %dma_wait3A_154] : memref<79x128xi32, #tpu.memory_space<vmem>> -> memref<1x128xi32, #tpu.memory_space<vmem>>
    %dma_wait3A_156 = tpu.memref_squeeze %dma_wait3A_155 : memref<1x128xi32, #tpu.memory_space<vmem>> -> memref<128xi32, #tpu.memory_space<vmem>>
    %dma_wait3A_157 = arith.constant 0 : i32
    %dma_wait3A_158 = arith.constant 0 : i32
    %dma_wait3A_159 = tpu.memref_slice %arg11[%dma_wait3A_157, %dma_wait3A_158] : memref<10112x32xf32, #tpu.memory_space<vmem_shared>> -> memref<10112x32xf32, #tpu.memory_space<vmem_shared>>
    tpu.wait_indirect_dma semaphore(%arg22 : memref<!tpu.dma_semaphore, #tpu.memory_space<semaphore_mem>>) src(%dma_wait3A_153 : memref<128x32xf32, #tpu.memory_space<vmem>>) dst(%dma_wait3A_159 : memref<10112x32xf32, #tpu.memory_space<vmem_shared>>)
    %dma_start3A_160 = arith.constant 1 : i32
    %dma_start3A_161 = arith.constant 77 : i32
    %dma_start3A_162 = arith.constant 0 : i32
    %dma_start3A_163 = arith.constant 0 : i32
    %dma_start3A_164 = tpu.memref_slice %arg14[%dma_start3A_160, %dma_start3A_162, %dma_start3A_163] : memref<4x128x32xf32, #tpu.memory_space<vmem>> -> memref<1x128x32xf32, #tpu.memory_space<vmem>>
    %dma_start3A_165 = tpu.memref_squeeze %dma_start3A_164 : memref<1x128x32xf32, #tpu.memory_space<vmem>> -> memref<128x32xf32, #tpu.memory_space<vmem>>
    %dma_start3A_166 = arith.constant 0 : i32
    %dma_start3A_167 = tpu.memref_slice %arg13[%dma_start3A_161, %dma_start3A_166] : memref<79x128xi32, #tpu.memory_space<vmem>> -> memref<1x128xi32, #tpu.memory_space<vmem>>
    %dma_start3A_168 = tpu.memref_squeeze %dma_start3A_167 : memref<1x128xi32, #tpu.memory_space<vmem>> -> memref<128xi32, #tpu.memory_space<vmem>>
    %dma_start3A_169 = arith.constant 0 : i32
    %dma_start3A_170 = arith.constant 0 : i32
    %dma_start3A_171 = tpu.memref_slice %arg11[%dma_start3A_169, %dma_start3A_170] : memref<10112x32xf32, #tpu.memory_space<vmem_shared>> -> memref<10112x32xf32, #tpu.memory_space<vmem_shared>>
    tpu.enqueue_indirect_dma source(%dma_start3A_165 : memref<128x32xf32, #tpu.memory_space<vmem>>) target(%dma_start3A_171 : memref<10112x32xf32, #tpu.memory_space<vmem_shared>>) offsets(%dma_start3A_168 : memref<128xi32, #tpu.memory_space<vmem>>) semaphore(%arg20 : memref<!tpu.dma_semaphore, #tpu.memory_space<semaphore_mem>>) {add = true}
    %convert_element_type3A_172 = arith.extui %and3A : i1 to i32
    %cond3A_173 = arith.constant 2 : i32
    %cond3A_174 = arith.constant 0 : i32
    %cond3A_175 = arith.cmpi ne, %convert_element_type3A_172, %cond3A_174 : i32
    scf.if %cond3A_175 {
      %dma_start3A_219 = arith.constant 78 : i32
      %dma_start3A_220 = arith.constant 0 : i32
      %dma_start3A_221 = arith.constant 0 : i32
      %dma_start3A_222 = tpu.memref_slice %arg14[%cond3A_173, %dma_start3A_220, %dma_start3A_221] : memref<4x128x32xf32, #tpu.memory_space<vmem>> -> memref<1x128x32xf32, #tpu.memory_space<vmem>>
      %dma_start3A_223 = tpu.memref_squeeze %dma_start3A_222 : memref<1x128x32xf32, #tpu.memory_space<vmem>> -> memref<128x32xf32, #tpu.memory_space<vmem>>
      %dma_start3A_224 = arith.constant 0 : i32
      %dma_start3A_225 = tpu.memref_slice %arg12[%dma_start3A_219, %dma_start3A_224] : memref<79x128xi32, #tpu.memory_space<vmem>> -> memref<1x128xi32, #tpu.memory_space<vmem>>
      %dma_start3A_226 = tpu.memref_squeeze %dma_start3A_225 : memref<1x128xi32, #tpu.memory_space<vmem>> -> memref<128xi32, #tpu.memory_space<vmem>>
      %dma_start3A_227 = arith.constant 0 : i32
      %dma_start3A_228 = arith.constant 0 : i32
      %dma_start3A_229 = tpu.memref_slice %arg10[%dma_start3A_227, %dma_start3A_228] : memref<10112x32xf32, #tpu.memory_space<vmem_shared>> -> memref<10112x32xf32, #tpu.memory_space<vmem_shared>>
      tpu.enqueue_indirect_dma source(%dma_start3A_229 : memref<10112x32xf32, #tpu.memory_space<vmem_shared>>) target(%dma_start3A_223 : memref<128x32xf32, #tpu.memory_space<vmem>>) offsets(%dma_start3A_226 : memref<128xi32, #tpu.memory_space<vmem>>) semaphore(%arg17 : memref<!tpu.dma_semaphore, #tpu.memory_space<semaphore_mem>>)
      %dma_wait3A_230 = arith.constant 78 : i32
      %dma_wait3A_231 = arith.constant 0 : i32
      %dma_wait3A_232 = arith.constant 0 : i32
      %dma_wait3A_233 = tpu.memref_slice %arg14[%cond3A_173, %dma_wait3A_231, %dma_wait3A_232] : memref<4x128x32xf32, #tpu.memory_space<vmem>> -> memref<1x128x32xf32, #tpu.memory_space<vmem>>
      %dma_wait3A_234 = tpu.memref_squeeze %dma_wait3A_233 : memref<1x128x32xf32, #tpu.memory_space<vmem>> -> memref<128x32xf32, #tpu.memory_space<vmem>>
      %dma_wait3A_235 = arith.constant 0 : i32
      %dma_wait3A_236 = tpu.memref_slice %arg12[%dma_wait3A_230, %dma_wait3A_235] : memref<79x128xi32, #tpu.memory_space<vmem>> -> memref<1x128xi32, #tpu.memory_space<vmem>>
      %dma_wait3A_237 = tpu.memref_squeeze %dma_wait3A_236 : memref<1x128xi32, #tpu.memory_space<vmem>> -> memref<128xi32, #tpu.memory_space<vmem>>
      %dma_wait3A_238 = arith.constant 0 : i32
      %dma_wait3A_239 = arith.constant 0 : i32
      %dma_wait3A_240 = tpu.memref_slice %arg10[%dma_wait3A_238, %dma_wait3A_239] : memref<10112x32xf32, #tpu.memory_space<vmem_shared>> -> memref<10112x32xf32, #tpu.memory_space<vmem_shared>>
      tpu.wait_indirect_dma semaphore(%arg17 : memref<!tpu.dma_semaphore, #tpu.memory_space<semaphore_mem>>) src(%dma_wait3A_240 : memref<10112x32xf32, #tpu.memory_space<vmem_shared>>) dst(%dma_wait3A_234 : memref<128x32xf32, #tpu.memory_space<vmem>>)
      %dma_start3A_241 = arith.constant 78 : i32
      %dma_start3A_242 = arith.constant 0 : i32
      %dma_start3A_243 = arith.constant 0 : i32
      %dma_start3A_244 = tpu.memref_slice %arg14[%cond3A_173, %dma_start3A_242, %dma_start3A_243] : memref<4x128x32xf32, #tpu.memory_space<vmem>> -> memref<1x128x32xf32, #tpu.memory_space<vmem>>
      %dma_start3A_245 = tpu.memref_squeeze %dma_start3A_244 : memref<1x128x32xf32, #tpu.memory_space<vmem>> -> memref<128x32xf32, #tpu.memory_space<vmem>>
      %dma_start3A_246 = arith.constant 0 : i32
      %dma_start3A_247 = tpu.memref_slice %arg13[%dma_start3A_241, %dma_start3A_246] : memref<79x128xi32, #tpu.memory_space<vmem>> -> memref<1x128xi32, #tpu.memory_space<vmem>>
      %dma_start3A_248 = tpu.memref_squeeze %dma_start3A_247 : memref<1x128xi32, #tpu.memory_space<vmem>> -> memref<128xi32, #tpu.memory_space<vmem>>
      %dma_start3A_249 = arith.constant 0 : i32
      %dma_start3A_250 = arith.constant 0 : i32
      %dma_start3A_251 = tpu.memref_slice %arg11[%dma_start3A_249, %dma_start3A_250] : memref<10112x32xf32, #tpu.memory_space<vmem_shared>> -> memref<10112x32xf32, #tpu.memory_space<vmem_shared>>
      tpu.enqueue_indirect_dma source(%dma_start3A_245 : memref<128x32xf32, #tpu.memory_space<vmem>>) target(%dma_start3A_251 : memref<10112x32xf32, #tpu.memory_space<vmem_shared>>) offsets(%dma_start3A_248 : memref<128xi32, #tpu.memory_space<vmem>>) semaphore(%arg21 : memref<!tpu.dma_semaphore, #tpu.memory_space<semaphore_mem>>) {add = true}
    } else {
    }
    %dma_wait3A_176 = arith.constant 0 : i32
    %dma_wait3A_177 = arith.constant 76 : i32
    %dma_wait3A_178 = arith.constant 0 : i32
    %dma_wait3A_179 = arith.constant 0 : i32
    %dma_wait3A_180 = tpu.memref_slice %arg14[%dma_wait3A_176, %dma_wait3A_178, %dma_wait3A_179] : memref<4x128x32xf32, #tpu.memory_space<vmem>> -> memref<1x128x32xf32, #tpu.memory_space<vmem>>
    %dma_wait3A_181 = tpu.memref_squeeze %dma_wait3A_180 : memref<1x128x32xf32, #tpu.memory_space<vmem>> -> memref<128x32xf32, #tpu.memory_space<vmem>>
    %dma_wait3A_182 = arith.constant 0 : i32
    %dma_wait3A_183 = tpu.memref_slice %arg13[%dma_wait3A_177, %dma_wait3A_182] : memref<79x128xi32, #tpu.memory_space<vmem>> -> memref<1x128xi32, #tpu.memory_space<vmem>>
    %dma_wait3A_184 = tpu.memref_squeeze %dma_wait3A_183 : memref<1x128xi32, #tpu.memory_space<vmem>> -> memref<128xi32, #tpu.memory_space<vmem>>
    %dma_wait3A_185 = arith.constant 0 : i32
    %dma_wait3A_186 = arith.constant 0 : i32
    %dma_wait3A_187 = tpu.memref_slice %arg11[%dma_wait3A_185, %dma_wait3A_186] : memref<10112x32xf32, #tpu.memory_space<vmem_shared>> -> memref<10112x32xf32, #tpu.memory_space<vmem_shared>>
    tpu.wait_indirect_dma semaphore(%arg19 : memref<!tpu.dma_semaphore, #tpu.memory_space<semaphore_mem>>) src(%dma_wait3A_181 : memref<128x32xf32, #tpu.memory_space<vmem>>) dst(%dma_wait3A_187 : memref<10112x32xf32, #tpu.memory_space<vmem_shared>>)
    %dma_wait3A_188 = arith.constant 0 : i32
    %dma_wait3A_189 = arith.constant 77 : i32
    %dma_wait3A_190 = arith.constant 0 : i32
    %dma_wait3A_191 = arith.constant 0 : i32
    %dma_wait3A_192 = tpu.memref_slice %arg14[%dma_wait3A_188, %dma_wait3A_190, %dma_wait3A_191] : memref<4x128x32xf32, #tpu.memory_space<vmem>> -> memref<1x128x32xf32, #tpu.memory_space<vmem>>
    %dma_wait3A_193 = tpu.memref_squeeze %dma_wait3A_192 : memref<1x128x32xf32, #tpu.memory_space<vmem>> -> memref<128x32xf32, #tpu.memory_space<vmem>>
    %dma_wait3A_194 = arith.constant 0 : i32
    %dma_wait3A_195 = tpu.memref_slice %arg13[%dma_wait3A_189, %dma_wait3A_194] : memref<79x128xi32, #tpu.memory_space<vmem>> -> memref<1x128xi32, #tpu.memory_space<vmem>>
    %dma_wait3A_196 = tpu.memref_squeeze %dma_wait3A_195 : memref<1x128xi32, #tpu.memory_space<vmem>> -> memref<128xi32, #tpu.memory_space<vmem>>
    %dma_wait3A_197 = arith.constant 0 : i32
    %dma_wait3A_198 = arith.constant 0 : i32
    %dma_wait3A_199 = tpu.memref_slice %arg11[%dma_wait3A_197, %dma_wait3A_198] : memref<10112x32xf32, #tpu.memory_space<vmem_shared>> -> memref<10112x32xf32, #tpu.memory_space<vmem_shared>>
    tpu.wait_indirect_dma semaphore(%arg20 : memref<!tpu.dma_semaphore, #tpu.memory_space<semaphore_mem>>) src(%dma_wait3A_193 : memref<128x32xf32, #tpu.memory_space<vmem>>) dst(%dma_wait3A_199 : memref<10112x32xf32, #tpu.memory_space<vmem_shared>>)
    %convert_element_type3A_200 = arith.extui %and3A : i1 to i32
    %cond3A_201 = arith.constant 0 : i32
    %cond3A_202 = arith.constant 0 : i32
    %cond3A_203 = arith.cmpi ne, %convert_element_type3A_200, %cond3A_202 : i32
    scf.if %cond3A_203 {
      %dma_wait3A_219 = arith.constant 78 : i32
      %dma_wait3A_220 = arith.constant 0 : i32
      %dma_wait3A_221 = arith.constant 0 : i32
      %dma_wait3A_222 = tpu.memref_slice %arg14[%cond3A_201, %dma_wait3A_220, %dma_wait3A_221] : memref<4x128x32xf32, #tpu.memory_space<vmem>> -> memref<1x128x32xf32, #tpu.memory_space<vmem>>
      %dma_wait3A_223 = tpu.memref_squeeze %dma_wait3A_222 : memref<1x128x32xf32, #tpu.memory_space<vmem>> -> memref<128x32xf32, #tpu.memory_space<vmem>>
      %dma_wait3A_224 = arith.constant 0 : i32
      %dma_wait3A_225 = tpu.memref_slice %arg13[%dma_wait3A_219, %dma_wait3A_224] : memref<79x128xi32, #tpu.memory_space<vmem>> -> memref<1x128xi32, #tpu.memory_space<vmem>>
      %dma_wait3A_226 = tpu.memref_squeeze %dma_wait3A_225 : memref<1x128xi32, #tpu.memory_space<vmem>> -> memref<128xi32, #tpu.memory_space<vmem>>
      %dma_wait3A_227 = arith.constant 0 : i32
      %dma_wait3A_228 = arith.constant 0 : i32
      %dma_wait3A_229 = tpu.memref_slice %arg11[%dma_wait3A_227, %dma_wait3A_228] : memref<10112x32xf32, #tpu.memory_space<vmem_shared>> -> memref<10112x32xf32, #tpu.memory_space<vmem_shared>>
      tpu.wait_indirect_dma semaphore(%arg21 : memref<!tpu.dma_semaphore, #tpu.memory_space<semaphore_mem>>) src(%dma_wait3A_223 : memref<128x32xf32, #tpu.memory_space<vmem>>) dst(%dma_wait3A_229 : memref<10112x32xf32, #tpu.memory_space<vmem_shared>>)
    } else {
    }
    %barrier3A_204 = arith.constant 0 : index
    tpu.barrier barrier_id(%barrier3A_204)
    %add3A_205 = arith.constant 0 : i32
    %add3A_206 = arith.addi %mul3A_12, %add3A_205 : i32
    "tpu.region"() ({
      %run_scoped3A_219 = tpu.sem_alloc : memref<!tpu.dma_semaphore, #tpu.memory_space<semaphore_mem>>
      %dma_start3A_220 = arith.constant 0 : i32
      %dma_start3A_221 = tpu.memref_slice %arg11[%add3A_206, %dma_start3A_220] : memref<10112x32xf32, #tpu.memory_space<vmem_shared>> -> memref<316x32xf32, #tpu.memory_space<vmem_shared>>
      %dma_start3A_222 = arith.constant 0 : i32
      %dma_start3A_223 = tpu.memref_slice %arg11[%add3A_206, %dma_start3A_222] : memref<10112x32xf32, #tpu.memory_space<vmem_shared>> -> memref<316x32xf32, #tpu.memory_space<vmem_shared>>
      tpu.enqueue_dma source(%dma_start3A_223 : memref<316x32xf32, #tpu.memory_space<vmem_shared>>) target(%arg24 : memref<316x32xf32, #tpu.memory_space<vmem>>) target_semaphore(%run_scoped3A_219 : memref<!tpu.dma_semaphore, #tpu.memory_space<semaphore_mem>>)
      %dma_wait3A_224 = arith.constant 0 : i32
      %dma_wait3A_225 = tpu.memref_slice %arg11[%add3A_206, %dma_wait3A_224] : memref<10112x32xf32, #tpu.memory_space<vmem_shared>> -> memref<316x32xf32, #tpu.memory_space<vmem_shared>>
      %dma_wait3A_226 = arith.constant 0 : i32
      %dma_wait3A_227 = tpu.memref_slice %arg11[%add3A_206, %dma_wait3A_226] : memref<10112x32xf32, #tpu.memory_space<vmem_shared>> -> memref<316x32xf32, #tpu.memory_space<vmem_shared>>
      tpu.wait_dma2 semaphore(%run_scoped3A_219 : memref<!tpu.dma_semaphore, #tpu.memory_space<semaphore_mem>>) src(%dma_wait3A_227 : memref<316x32xf32, #tpu.memory_space<vmem_shared>>) dst(%arg24 : memref<316x32xf32, #tpu.memory_space<vmem>>)
      tpu.yield
    }) : () -> ()
    %run_scoped3A_207 = arith.constant 0 : i32
    "tpu.region"() ({
      %run_scoped3A_219 = tpu.sem_alloc : memref<!tpu.dma_semaphore, #tpu.memory_space<semaphore_mem>>
      %dma_start3A_220 = arith.constant 0 : i32
      %dma_start3A_221 = tpu.memref_slice %arg3[%run_scoped3A_207, %add3A_206, %dma_start3A_220] : memref<2x10112x16xf32, #tpu.memory_space<hbm>> -> memref<1x316x16xf32, #tpu.memory_space<hbm>>
      %dma_start3A_222 = tpu.memref_squeeze %dma_start3A_221 : memref<1x316x16xf32, #tpu.memory_space<hbm>> -> memref<316x16xf32, #tpu.memory_space<hbm>>
      %dma_start3A_223 = arith.constant 0 : i32
      %dma_start3A_224 = tpu.memref_slice %arg3[%run_scoped3A_207, %add3A_206, %dma_start3A_223] : memref<2x10112x16xf32, #tpu.memory_space<hbm>> -> memref<1x316x16xf32, #tpu.memory_space<hbm>>
      %dma_start3A_225 = tpu.memref_squeeze %dma_start3A_224 : memref<1x316x16xf32, #tpu.memory_space<hbm>> -> memref<316x16xf32, #tpu.memory_space<hbm>>
      tpu.enqueue_dma source(%dma_start3A_225 : memref<316x16xf32, #tpu.memory_space<hbm>>) target(%arg25 : memref<316x16xf32, #tpu.memory_space<vmem>>) target_semaphore(%run_scoped3A_219 : memref<!tpu.dma_semaphore, #tpu.memory_space<semaphore_mem>>)
      %dma_wait3A_226 = arith.constant 0 : i32
      %dma_wait3A_227 = tpu.memref_slice %arg3[%run_scoped3A_207, %add3A_206, %dma_wait3A_226] : memref<2x10112x16xf32, #tpu.memory_space<hbm>> -> memref<1x316x16xf32, #tpu.memory_space<hbm>>
      %dma_wait3A_228 = tpu.memref_squeeze %dma_wait3A_227 : memref<1x316x16xf32, #tpu.memory_space<hbm>> -> memref<316x16xf32, #tpu.memory_space<hbm>>
      %dma_wait3A_229 = arith.constant 0 : i32
      %dma_wait3A_230 = tpu.memref_slice %arg3[%run_scoped3A_207, %add3A_206, %dma_wait3A_229] : memref<2x10112x16xf32, #tpu.memory_space<hbm>> -> memref<1x316x16xf32, #tpu.memory_space<hbm>>
      %dma_wait3A_231 = tpu.memref_squeeze %dma_wait3A_230 : memref<1x316x16xf32, #tpu.memory_space<hbm>> -> memref<316x16xf32, #tpu.memory_space<hbm>>
      tpu.wait_dma2 semaphore(%run_scoped3A_219 : memref<!tpu.dma_semaphore, #tpu.memory_space<semaphore_mem>>) src(%dma_wait3A_231 : memref<316x16xf32, #tpu.memory_space<hbm>>) dst(%arg25 : memref<316x16xf32, #tpu.memory_space<vmem>>)
      tpu.yield
    }) : () -> ()
    %run_scoped3A_208 = arith.constant 1 : i32
    "tpu.region"() ({
      %run_scoped3A_219 = tpu.sem_alloc : memref<!tpu.dma_semaphore, #tpu.memory_space<semaphore_mem>>
      %dma_start3A_220 = arith.constant 0 : i32
      %dma_start3A_221 = tpu.memref_slice %arg3[%run_scoped3A_208, %add3A_206, %dma_start3A_220] : memref<2x10112x16xf32, #tpu.memory_space<hbm>> -> memref<1x316x16xf32, #tpu.memory_space<hbm>>
      %dma_start3A_222 = tpu.memref_squeeze %dma_start3A_221 : memref<1x316x16xf32, #tpu.memory_space<hbm>> -> memref<316x16xf32, #tpu.memory_space<hbm>>
      %dma_start3A_223 = arith.constant 0 : i32
      %dma_start3A_224 = tpu.memref_slice %arg3[%run_scoped3A_208, %add3A_206, %dma_start3A_223] : memref<2x10112x16xf32, #tpu.memory_space<hbm>> -> memref<1x316x16xf32, #tpu.memory_space<hbm>>
      %dma_start3A_225 = tpu.memref_squeeze %dma_start3A_224 : memref<1x316x16xf32, #tpu.memory_space<hbm>> -> memref<316x16xf32, #tpu.memory_space<hbm>>
      tpu.enqueue_dma source(%dma_start3A_225 : memref<316x16xf32, #tpu.memory_space<hbm>>) target(%arg26 : memref<316x16xf32, #tpu.memory_space<vmem>>) target_semaphore(%run_scoped3A_219 : memref<!tpu.dma_semaphore, #tpu.memory_space<semaphore_mem>>)
      %dma_wait3A_226 = arith.constant 0 : i32
      %dma_wait3A_227 = tpu.memref_slice %arg3[%run_scoped3A_208, %add3A_206, %dma_wait3A_226] : memref<2x10112x16xf32, #tpu.memory_space<hbm>> -> memref<1x316x16xf32, #tpu.memory_space<hbm>>
      %dma_wait3A_228 = tpu.memref_squeeze %dma_wait3A_227 : memref<1x316x16xf32, #tpu.memory_space<hbm>> -> memref<316x16xf32, #tpu.memory_space<hbm>>
      %dma_wait3A_229 = arith.constant 0 : i32
      %dma_wait3A_230 = tpu.memref_slice %arg3[%run_scoped3A_208, %add3A_206, %dma_wait3A_229] : memref<2x10112x16xf32, #tpu.memory_space<hbm>> -> memref<1x316x16xf32, #tpu.memory_space<hbm>>
      %dma_wait3A_231 = tpu.memref_squeeze %dma_wait3A_230 : memref<1x316x16xf32, #tpu.memory_space<hbm>> -> memref<316x16xf32, #tpu.memory_space<hbm>>
      tpu.wait_dma2 semaphore(%run_scoped3A_219 : memref<!tpu.dma_semaphore, #tpu.memory_space<semaphore_mem>>) src(%dma_wait3A_231 : memref<316x16xf32, #tpu.memory_space<hbm>>) dst(%arg26 : memref<316x16xf32, #tpu.memory_space<vmem>>)
      tpu.yield
    }) : () -> ()
    %parallel_loop3A_209 = arith.constant 0 : i32
    %parallel_loop3A_210 = arith.constant 316 : i32
    %parallel_loop3A_211 = arith.constant 1 : i32
    scf.for %parallel_loop3A_219 = %parallel_loop3A_209 to %parallel_loop3A_210 step %parallel_loop3A_211  : i32 {
      %parallel_loop3A_220 = arith.index_cast %parallel_loop3A_219 : i32 to index
      %parallel_loop3A_221 = arith.constant 0 : index
      %parallel_loop3A_222 = tpu.vector_load %arg25[%parallel_loop3A_220, %parallel_loop3A_221] {strides = array<i32>} : memref<316x16xf32, #tpu.memory_space<vmem>>, vector<1x16xf32>,
      %parallel_loop3A_223 = vector.shape_cast %parallel_loop3A_222 : vector<1x16xf32> to vector<16xf32>
      %parallel_loop3A_224 = arith.index_cast %parallel_loop3A_219 : i32 to index
      %parallel_loop3A_225 = arith.constant 0 : index
      %parallel_loop3A_226 = tpu.vector_load %arg26[%parallel_loop3A_224, %parallel_loop3A_225] {strides = array<i32>} : memref<316x16xf32, #tpu.memory_space<vmem>>, vector<1x16xf32>,
      %parallel_loop3A_227 = vector.shape_cast %parallel_loop3A_226 : vector<1x16xf32> to vector<16xf32>
      %parallel_loop3A_228 = arith.addf %parallel_loop3A_223, %parallel_loop3A_227 : vector<16xf32>
      %parallel_loop3A_229 = arith.constant 1.000000e+00 : f32
      %parallel_loop3A_230 = vector.broadcast %parallel_loop3A_229 : f32 to vector<16xf32>
      %parallel_loop3A_231 = arith.maximumf %parallel_loop3A_228, %parallel_loop3A_230 : vector<16xf32>
      %parallel_loop3A_232 = arith.constant 1.000000e+00 : f32
      %parallel_loop3A_233 = vector.broadcast %parallel_loop3A_232 : f32 to vector<16xf32>
      %parallel_loop3A_234 = arith.divf %parallel_loop3A_233, %parallel_loop3A_231 : vector<16xf32>
      %parallel_loop3A_235 = arith.index_cast %parallel_loop3A_219 : i32 to index
      %parallel_loop3A_236 = arith.constant 0 : index
      %parallel_loop3A_237 = tpu.vector_load %arg24[%parallel_loop3A_235, %parallel_loop3A_236] {strides = array<i32>} : memref<316x32xf32, #tpu.memory_space<vmem>>, vector<1x16xf32>,
      %parallel_loop3A_238 = vector.shape_cast %parallel_loop3A_237 : vector<1x16xf32> to vector<16xf32>
      %parallel_loop3A_239 = arith.mulf %parallel_loop3A_238, %parallel_loop3A_234 : vector<16xf32>
      %parallel_loop3A_240 = arith.index_cast %parallel_loop3A_219 : i32 to index
      %parallel_loop3A_241 = arith.constant 0 : index
      %parallel_loop3A_242 = tpu.vector_load %arg24[%parallel_loop3A_240, %parallel_loop3A_241] {strides = array<i32>} : memref<316x32xf32, #tpu.memory_space<vmem>>, vector<1x16xf32>,
      %parallel_loop3A_243 = vector.shape_cast %parallel_loop3A_242 : vector<1x16xf32> to vector<16xf32>
      %parallel_loop3A_244 = vector.shape_cast %parallel_loop3A_239 : vector<16xf32> to vector<1x16xf32>
      tpu.vector_store %arg24[%parallel_loop3A_240, %parallel_loop3A_241], %parallel_loop3A_244 {strides = array<i32>} : memref<316x32xf32, #tpu.memory_space<vmem>>, vector<1x16xf32>,
      %parallel_loop3A_245 = arith.index_cast %parallel_loop3A_219 : i32 to index
      %parallel_loop3A_246 = arith.constant 16 : index
      %parallel_loop3A_247 = tpu.vector_load %arg24[%parallel_loop3A_245, %parallel_loop3A_246] {strides = array<i32>} : memref<316x32xf32, #tpu.memory_space<vmem>>, vector<1x16xf32>,
      %parallel_loop3A_248 = vector.shape_cast %parallel_loop3A_247 : vector<1x16xf32> to vector<16xf32>
      %parallel_loop3A_249 = arith.mulf %parallel_loop3A_248, %parallel_loop3A_234 : vector<16xf32>
      %parallel_loop3A_250 = arith.index_cast %parallel_loop3A_219 : i32 to index
      %parallel_loop3A_251 = arith.constant 16 : index
      %parallel_loop3A_252 = tpu.vector_load %arg24[%parallel_loop3A_250, %parallel_loop3A_251] {strides = array<i32>} : memref<316x32xf32, #tpu.memory_space<vmem>>, vector<1x16xf32>,
      %parallel_loop3A_253 = vector.shape_cast %parallel_loop3A_252 : vector<1x16xf32> to vector<16xf32>
      %parallel_loop3A_254 = vector.shape_cast %parallel_loop3A_249 : vector<16xf32> to vector<1x16xf32>
      tpu.vector_store %arg24[%parallel_loop3A_250, %parallel_loop3A_251], %parallel_loop3A_254 {strides = array<i32>} : memref<316x32xf32, #tpu.memory_space<vmem>>, vector<1x16xf32>,
    } {sc.loop_unroll_factor = 8 : i64, sc.parallel_access}
    "tpu.region"() ({
      %run_scoped3A_219 = tpu.sem_alloc : memref<!tpu.dma_semaphore, #tpu.memory_space<semaphore_mem>>
      %dma_start3A_220 = arith.constant 0 : i32
      %dma_start3A_221 = tpu.memref_slice %arg9[%arg0, %add3A_206, %dma_start3A_220] : memref<2x10112x32xf32, #tpu.memory_space<hbm>> -> memref<1x316x32xf32, #tpu.memory_space<hbm>>
      %dma_start3A_222 = tpu.memref_squeeze %dma_start3A_221 : memref<1x316x32xf32, #tpu.memory_space<hbm>> -> memref<316x32xf32, #tpu.memory_space<hbm>>
      %dma_start3A_223 = arith.constant 0 : i32
      %dma_start3A_224 = tpu.memref_slice %arg9[%arg0, %add3A_206, %dma_start3A_223] : memref<2x10112x32xf32, #tpu.memory_space<hbm>> -> memref<1x316x32xf32, #tpu.memory_space<hbm>>
      %dma_start3A_225 = tpu.memref_squeeze %dma_start3A_224 : memref<1x316x32xf32, #tpu.memory_space<hbm>> -> memref<316x32xf32, #tpu.memory_space<hbm>>
      tpu.enqueue_dma source(%arg24 : memref<316x32xf32, #tpu.memory_space<vmem>>) target(%dma_start3A_225 : memref<316x32xf32, #tpu.memory_space<hbm>>) target_semaphore(%run_scoped3A_219 : memref<!tpu.dma_semaphore, #tpu.memory_space<semaphore_mem>>)
      %dma_wait3A_226 = arith.constant 0 : i32
      %dma_wait3A_227 = tpu.memref_slice %arg9[%arg0, %add3A_206, %dma_wait3A_226] : memref<2x10112x32xf32, #tpu.memory_space<hbm>> -> memref<1x316x32xf32, #tpu.memory_space<hbm>>
      %dma_wait3A_228 = tpu.memref_squeeze %dma_wait3A_227 : memref<1x316x32xf32, #tpu.memory_space<hbm>> -> memref<316x32xf32, #tpu.memory_space<hbm>>
      %dma_wait3A_229 = arith.constant 0 : i32
      %dma_wait3A_230 = tpu.memref_slice %arg9[%arg0, %add3A_206, %dma_wait3A_229] : memref<2x10112x32xf32, #tpu.memory_space<hbm>> -> memref<1x316x32xf32, #tpu.memory_space<hbm>>
      %dma_wait3A_231 = tpu.memref_squeeze %dma_wait3A_230 : memref<1x316x32xf32, #tpu.memory_space<hbm>> -> memref<316x32xf32, #tpu.memory_space<hbm>>
      tpu.wait_dma2 semaphore(%run_scoped3A_219 : memref<!tpu.dma_semaphore, #tpu.memory_space<semaphore_mem>>) src(%arg24 : memref<316x32xf32, #tpu.memory_space<vmem>>) dst(%dma_wait3A_231 : memref<316x32xf32, #tpu.memory_space<hbm>>)
      tpu.yield
    }) : () -> ()
    %add3A_212 = arith.constant 316 : i32
    %add3A_213 = arith.addi %mul3A_12, %add3A_212 : i32
    "tpu.region"() ({
      %run_scoped3A_219 = tpu.sem_alloc : memref<!tpu.dma_semaphore, #tpu.memory_space<semaphore_mem>>
      %dma_start3A_220 = arith.constant 0 : i32
      %dma_start3A_221 = tpu.memref_slice %arg11[%add3A_213, %dma_start3A_220] : memref<10112x32xf32, #tpu.memory_space<vmem_shared>> -> memref<316x32xf32, #tpu.memory_space<vmem_shared>>
      %dma_start3A_222 = arith.constant 0 : i32
      %dma_start3A_223 = tpu.memref_slice %arg11[%add3A_213, %dma_start3A_222] : memref<10112x32xf32, #tpu.memory_space<vmem_shared>> -> memref<316x32xf32, #tpu.memory_space<vmem_shared>>
      tpu.enqueue_dma source(%dma_start3A_223 : memref<316x32xf32, #tpu.memory_space<vmem_shared>>) target(%arg24 : memref<316x32xf32, #tpu.memory_space<vmem>>) target_semaphore(%run_scoped3A_219 : memref<!tpu.dma_semaphore, #tpu.memory_space<semaphore_mem>>)
      %dma_wait3A_224 = arith.constant 0 : i32
      %dma_wait3A_225 = tpu.memref_slice %arg11[%add3A_213, %dma_wait3A_224] : memref<10112x32xf32, #tpu.memory_space<vmem_shared>> -> memref<316x32xf32, #tpu.memory_space<vmem_shared>>
      %dma_wait3A_226 = arith.constant 0 : i32
      %dma_wait3A_227 = tpu.memref_slice %arg11[%add3A_213, %dma_wait3A_226] : memref<10112x32xf32, #tpu.memory_space<vmem_shared>> -> memref<316x32xf32, #tpu.memory_space<vmem_shared>>
      tpu.wait_dma2 semaphore(%run_scoped3A_219 : memref<!tpu.dma_semaphore, #tpu.memory_space<semaphore_mem>>) src(%dma_wait3A_227 : memref<316x32xf32, #tpu.memory_space<vmem_shared>>) dst(%arg24 : memref<316x32xf32, #tpu.memory_space<vmem>>)
      tpu.yield
    }) : () -> ()
    %run_scoped3A_214 = arith.constant 0 : i32
    "tpu.region"() ({
      %run_scoped3A_219 = tpu.sem_alloc : memref<!tpu.dma_semaphore, #tpu.memory_space<semaphore_mem>>
      %dma_start3A_220 = arith.constant 0 : i32
      %dma_start3A_221 = tpu.memref_slice %arg3[%run_scoped3A_214, %add3A_213, %dma_start3A_220] : memref<2x10112x16xf32, #tpu.memory_space<hbm>> -> memref<1x316x16xf32, #tpu.memory_space<hbm>>
      %dma_start3A_222 = tpu.memref_squeeze %dma_start3A_221 : memref<1x316x16xf32, #tpu.memory_space<hbm>> -> memref<316x16xf32, #tpu.memory_space<hbm>>
      %dma_start3A_223 = arith.constant 0 : i32
      %dma_start3A_224 = tpu.memref_slice %arg3[%run_scoped3A_214, %add3A_213, %dma_start3A_223] : memref<2x10112x16xf32, #tpu.memory_space<hbm>> -> memref<1x316x16xf32, #tpu.memory_space<hbm>>
      %dma_start3A_225 = tpu.memref_squeeze %dma_start3A_224 : memref<1x316x16xf32, #tpu.memory_space<hbm>> -> memref<316x16xf32, #tpu.memory_space<hbm>>
      tpu.enqueue_dma source(%dma_start3A_225 : memref<316x16xf32, #tpu.memory_space<hbm>>) target(%arg25 : memref<316x16xf32, #tpu.memory_space<vmem>>) target_semaphore(%run_scoped3A_219 : memref<!tpu.dma_semaphore, #tpu.memory_space<semaphore_mem>>)
      %dma_wait3A_226 = arith.constant 0 : i32
      %dma_wait3A_227 = tpu.memref_slice %arg3[%run_scoped3A_214, %add3A_213, %dma_wait3A_226] : memref<2x10112x16xf32, #tpu.memory_space<hbm>> -> memref<1x316x16xf32, #tpu.memory_space<hbm>>
      %dma_wait3A_228 = tpu.memref_squeeze %dma_wait3A_227 : memref<1x316x16xf32, #tpu.memory_space<hbm>> -> memref<316x16xf32, #tpu.memory_space<hbm>>
      %dma_wait3A_229 = arith.constant 0 : i32
      %dma_wait3A_230 = tpu.memref_slice %arg3[%run_scoped3A_214, %add3A_213, %dma_wait3A_229] : memref<2x10112x16xf32, #tpu.memory_space<hbm>> -> memref<1x316x16xf32, #tpu.memory_space<hbm>>
      %dma_wait3A_231 = tpu.memref_squeeze %dma_wait3A_230 : memref<1x316x16xf32, #tpu.memory_space<hbm>> -> memref<316x16xf32, #tpu.memory_space<hbm>>
      tpu.wait_dma2 semaphore(%run_scoped3A_219 : memref<!tpu.dma_semaphore, #tpu.memory_space<semaphore_mem>>) src(%dma_wait3A_231 : memref<316x16xf32, #tpu.memory_space<hbm>>) dst(%arg25 : memref<316x16xf32, #tpu.memory_space<vmem>>)
      tpu.yield
    }) : () -> ()
    %run_scoped3A_215 = arith.constant 1 : i32
    "tpu.region"() ({
      %run_scoped3A_219 = tpu.sem_alloc : memref<!tpu.dma_semaphore, #tpu.memory_space<semaphore_mem>>
      %dma_start3A_220 = arith.constant 0 : i32
      %dma_start3A_221 = tpu.memref_slice %arg3[%run_scoped3A_215, %add3A_213, %dma_start3A_220] : memref<2x10112x16xf32, #tpu.memory_space<hbm>> -> memref<1x316x16xf32, #tpu.memory_space<hbm>>
      %dma_start3A_222 = tpu.memref_squeeze %dma_start3A_221 : memref<1x316x16xf32, #tpu.memory_space<hbm>> -> memref<316x16xf32, #tpu.memory_space<hbm>>
      %dma_start3A_223 = arith.constant 0 : i32
      %dma_start3A_224 = tpu.memref_slice %arg3[%run_scoped3A_215, %add3A_213, %dma_start3A_223] : memref<2x10112x16xf32, #tpu.memory_space<hbm>> -> memref<1x316x16xf32, #tpu.memory_space<hbm>>
      %dma_start3A_225 = tpu.memref_squeeze %dma_start3A_224 : memref<1x316x16xf32, #tpu.memory_space<hbm>> -> memref<316x16xf32, #tpu.memory_space<hbm>>
      tpu.enqueue_dma source(%dma_start3A_225 : memref<316x16xf32, #tpu.memory_space<hbm>>) target(%arg26 : memref<316x16xf32, #tpu.memory_space<vmem>>) target_semaphore(%run_scoped3A_219 : memref<!tpu.dma_semaphore, #tpu.memory_space<semaphore_mem>>)
      %dma_wait3A_226 = arith.constant 0 : i32
      %dma_wait3A_227 = tpu.memref_slice %arg3[%run_scoped3A_215, %add3A_213, %dma_wait3A_226] : memref<2x10112x16xf32, #tpu.memory_space<hbm>> -> memref<1x316x16xf32, #tpu.memory_space<hbm>>
      %dma_wait3A_228 = tpu.memref_squeeze %dma_wait3A_227 : memref<1x316x16xf32, #tpu.memory_space<hbm>> -> memref<316x16xf32, #tpu.memory_space<hbm>>
      %dma_wait3A_229 = arith.constant 0 : i32
      %dma_wait3A_230 = tpu.memref_slice %arg3[%run_scoped3A_215, %add3A_213, %dma_wait3A_229] : memref<2x10112x16xf32, #tpu.memory_space<hbm>> -> memref<1x316x16xf32, #tpu.memory_space<hbm>>
      %dma_wait3A_231 = tpu.memref_squeeze %dma_wait3A_230 : memref<1x316x16xf32, #tpu.memory_space<hbm>> -> memref<316x16xf32, #tpu.memory_space<hbm>>
      tpu.wait_dma2 semaphore(%run_scoped3A_219 : memref<!tpu.dma_semaphore, #tpu.memory_space<semaphore_mem>>) src(%dma_wait3A_231 : memref<316x16xf32, #tpu.memory_space<hbm>>) dst(%arg26 : memref<316x16xf32, #tpu.memory_space<vmem>>)
      tpu.yield
    }) : () -> ()
    %parallel_loop3A_216 = arith.constant 0 : i32
    %parallel_loop3A_217 = arith.constant 316 : i32
    %parallel_loop3A_218 = arith.constant 1 : i32
    scf.for %parallel_loop3A_219 = %parallel_loop3A_216 to %parallel_loop3A_217 step %parallel_loop3A_218  : i32 {
      %parallel_loop3A_220 = arith.index_cast %parallel_loop3A_219 : i32 to index
      %parallel_loop3A_221 = arith.constant 0 : index
      %parallel_loop3A_222 = tpu.vector_load %arg25[%parallel_loop3A_220, %parallel_loop3A_221] {strides = array<i32>} : memref<316x16xf32, #tpu.memory_space<vmem>>, vector<1x16xf32>,
      %parallel_loop3A_223 = vector.shape_cast %parallel_loop3A_222 : vector<1x16xf32> to vector<16xf32>
      %parallel_loop3A_224 = arith.index_cast %parallel_loop3A_219 : i32 to index
      %parallel_loop3A_225 = arith.constant 0 : index
      %parallel_loop3A_226 = tpu.vector_load %arg26[%parallel_loop3A_224, %parallel_loop3A_225] {strides = array<i32>} : memref<316x16xf32, #tpu.memory_space<vmem>>, vector<1x16xf32>,
      %parallel_loop3A_227 = vector.shape_cast %parallel_loop3A_226 : vector<1x16xf32> to vector<16xf32>
      %parallel_loop3A_228 = arith.addf %parallel_loop3A_223, %parallel_loop3A_227 : vector<16xf32>
      %parallel_loop3A_229 = arith.constant 1.000000e+00 : f32
      %parallel_loop3A_230 = vector.broadcast %parallel_loop3A_229 : f32 to vector<16xf32>
      %parallel_loop3A_231 = arith.maximumf %parallel_loop3A_228, %parallel_loop3A_230 : vector<16xf32>
      %parallel_loop3A_232 = arith.constant 1.000000e+00 : f32
      %parallel_loop3A_233 = vector.broadcast %parallel_loop3A_232 : f32 to vector<16xf32>
      %parallel_loop3A_234 = arith.divf %parallel_loop3A_233, %parallel_loop3A_231 : vector<16xf32>
      %parallel_loop3A_235 = arith.index_cast %parallel_loop3A_219 : i32 to index
      %parallel_loop3A_236 = arith.constant 0 : index
      %parallel_loop3A_237 = tpu.vector_load %arg24[%parallel_loop3A_235, %parallel_loop3A_236] {strides = array<i32>} : memref<316x32xf32, #tpu.memory_space<vmem>>, vector<1x16xf32>,
      %parallel_loop3A_238 = vector.shape_cast %parallel_loop3A_237 : vector<1x16xf32> to vector<16xf32>
      %parallel_loop3A_239 = arith.mulf %parallel_loop3A_238, %parallel_loop3A_234 : vector<16xf32>
      %parallel_loop3A_240 = arith.index_cast %parallel_loop3A_219 : i32 to index
      %parallel_loop3A_241 = arith.constant 0 : index
      %parallel_loop3A_242 = tpu.vector_load %arg24[%parallel_loop3A_240, %parallel_loop3A_241] {strides = array<i32>} : memref<316x32xf32, #tpu.memory_space<vmem>>, vector<1x16xf32>,
      %parallel_loop3A_243 = vector.shape_cast %parallel_loop3A_242 : vector<1x16xf32> to vector<16xf32>
      %parallel_loop3A_244 = vector.shape_cast %parallel_loop3A_239 : vector<16xf32> to vector<1x16xf32>
      tpu.vector_store %arg24[%parallel_loop3A_240, %parallel_loop3A_241], %parallel_loop3A_244 {strides = array<i32>} : memref<316x32xf32, #tpu.memory_space<vmem>>, vector<1x16xf32>,
      %parallel_loop3A_245 = arith.index_cast %parallel_loop3A_219 : i32 to index
      %parallel_loop3A_246 = arith.constant 16 : index
      %parallel_loop3A_247 = tpu.vector_load %arg24[%parallel_loop3A_245, %parallel_loop3A_246] {strides = array<i32>} : memref<316x32xf32, #tpu.memory_space<vmem>>, vector<1x16xf32>,
      %parallel_loop3A_248 = vector.shape_cast %parallel_loop3A_247 : vector<1x16xf32> to vector<16xf32>
      %parallel_loop3A_249 = arith.mulf %parallel_loop3A_248, %parallel_loop3A_234 : vector<16xf32>
      %parallel_loop3A_250 = arith.index_cast %parallel_loop3A_219 : i32 to index
      %parallel_loop3A_251 = arith.constant 16 : index
      %parallel_loop3A_252 = tpu.vector_load %arg24[%parallel_loop3A_250, %parallel_loop3A_251] {strides = array<i32>} : memref<316x32xf32, #tpu.memory_space<vmem>>, vector<1x16xf32>,
      %parallel_loop3A_253 = vector.shape_cast %parallel_loop3A_252 : vector<1x16xf32> to vector<16xf32>
      %parallel_loop3A_254 = vector.shape_cast %parallel_loop3A_249 : vector<16xf32> to vector<1x16xf32>
      tpu.vector_store %arg24[%parallel_loop3A_250, %parallel_loop3A_251], %parallel_loop3A_254 {strides = array<i32>} : memref<316x32xf32, #tpu.memory_space<vmem>>, vector<1x16xf32>,
    } {sc.loop_unroll_factor = 8 : i64, sc.parallel_access}
    "tpu.region"() ({
      %run_scoped3A_219 = tpu.sem_alloc : memref<!tpu.dma_semaphore, #tpu.memory_space<semaphore_mem>>
      %dma_start3A_220 = arith.constant 0 : i32
      %dma_start3A_221 = tpu.memref_slice %arg9[%arg0, %add3A_213, %dma_start3A_220] : memref<2x10112x32xf32, #tpu.memory_space<hbm>> -> memref<1x316x32xf32, #tpu.memory_space<hbm>>
      %dma_start3A_222 = tpu.memref_squeeze %dma_start3A_221 : memref<1x316x32xf32, #tpu.memory_space<hbm>> -> memref<316x32xf32, #tpu.memory_space<hbm>>
      %dma_start3A_223 = arith.constant 0 : i32
      %dma_start3A_224 = tpu.memref_slice %arg9[%arg0, %add3A_213, %dma_start3A_223] : memref<2x10112x32xf32, #tpu.memory_space<hbm>> -> memref<1x316x32xf32, #tpu.memory_space<hbm>>
      %dma_start3A_225 = tpu.memref_squeeze %dma_start3A_224 : memref<1x316x32xf32, #tpu.memory_space<hbm>> -> memref<316x32xf32, #tpu.memory_space<hbm>>
      tpu.enqueue_dma source(%arg24 : memref<316x32xf32, #tpu.memory_space<vmem>>) target(%dma_start3A_225 : memref<316x32xf32, #tpu.memory_space<hbm>>) target_semaphore(%run_scoped3A_219 : memref<!tpu.dma_semaphore, #tpu.memory_space<semaphore_mem>>)
      %dma_wait3A_226 = arith.constant 0 : i32
      %dma_wait3A_227 = tpu.memref_slice %arg9[%arg0, %add3A_213, %dma_wait3A_226] : memref<2x10112x32xf32, #tpu.memory_space<hbm>> -> memref<1x316x32xf32, #tpu.memory_space<hbm>>
      %dma_wait3A_228 = tpu.memref_squeeze %dma_wait3A_227 : memref<1x316x32xf32, #tpu.memory_space<hbm>> -> memref<316x32xf32, #tpu.memory_space<hbm>>
      %dma_wait3A_229 = arith.constant 0 : i32
      %dma_wait3A_230 = tpu.memref_slice %arg9[%arg0, %add3A_213, %dma_wait3A_229] : memref<2x10112x32xf32, #tpu.memory_space<hbm>> -> memref<1x316x32xf32, #tpu.memory_space<hbm>>
      %dma_wait3A_231 = tpu.memref_squeeze %dma_wait3A_230 : memref<1x316x32xf32, #tpu.memory_space<hbm>> -> memref<316x32xf32, #tpu.memory_space<hbm>>
      tpu.wait_dma2 semaphore(%run_scoped3A_219 : memref<!tpu.dma_semaphore, #tpu.memory_space<semaphore_mem>>) src(%arg24 : memref<316x32xf32, #tpu.memory_space<vmem>>) dst(%dma_wait3A_231 : memref<316x32xf32, #tpu.memory_space<hbm>>)
      tpu.yield
    }) : () -> ()
    return
  }
}

#map = affine_map<(d0, d1) -> (0, 0)>
#map1 = affine_map<(d0, d1) -> (0, 0, 0)>
module attributes {stable_mosaic.version = 14 : i64} {
  func.func @body(%arg0: i32, %arg1: i32, %arg2: memref<10112x64xf32, #tpu.memory_space<hbm>>, %arg3: memref<2x2500x128xi32, #tpu.memory_space<hbm>>, %arg4: memref<10112x32xf32, #tpu.memory_space<hbm>>, %arg5: memref<10112x16xf32, #tpu.memory_space<hbm>>, %arg6: memref<128x16xf32, #tpu.memory_space<hbm>>, %arg7: memref<2x10112x32xf32, #tpu.memory_space<hbm>>, %arg8: memref<2x10112x16xf32, #tpu.memory_space<hbm>>, %arg9: memref<10112x32xf32, #tpu.memory_space<vmem_shared>>, %arg10: memref<10112x32xf32, #tpu.memory_space<vmem_shared>>, %arg11: memref<79x128xi32, #tpu.memory_space<vmem>>, %arg12: memref<79x128xi32, #tpu.memory_space<vmem>>, %arg13: memref<4x128x32xf32, #tpu.memory_space<vmem>>, %arg14: memref<!tpu.dma_semaphore, #tpu.memory_space<semaphore_mem>>, %arg15: memref<!tpu.dma_semaphore, #tpu.memory_space<semaphore_mem>>, %arg16: memref<!tpu.dma_semaphore, #tpu.memory_space<semaphore_mem>>, %arg17: memref<!tpu.dma_semaphore, #tpu.memory_space<semaphore_mem>>, %arg18: memref<!tpu.dma_semaphore, #tpu.memory_space<semaphore_mem>>, %arg19: memref<!tpu.dma_semaphore, #tpu.memory_space<semaphore_mem>>, %arg20: memref<!tpu.dma_semaphore, #tpu.memory_space<semaphore_mem>>, %arg21: memref<!tpu.dma_semaphore, #tpu.memory_space<semaphore_mem>>, %arg22: memref<10112x16xf32, #tpu.memory_space<vmem_shared>>, %arg23: memref<128x16xf32, #tpu.memory_space<vmem>>, %arg24: memref<!tpu.dma_semaphore, #tpu.memory_space<semaphore_mem>>, %arg25: memref<!tpu.dma_semaphore, #tpu.memory_space<semaphore_mem>>, %arg26: memref<!tpu.dma_semaphore, #tpu.memory_space<semaphore_mem>>, %arg27: memref<!tpu.dma_semaphore, #tpu.memory_space<semaphore_mem>>) attributes {dimension_semantics = [#tpu.dimension_semantics<core_parallel>, #tpu.dimension_semantics<subcore_parallel>], iteration_bounds = array<i64: 2, 16>, scalar_prefetch = 0 : i64, scratch_operands = 19 : i64, tpu.core_type = #tpu.core_type<sc_vector_subcore>, window_params = [{transform_indices = #map}, {transform_indices = #map1}, {transform_indices = #map}, {transform_indices = #map}, {transform_indices = #map}, {transform_indices = #map1}, {transform_indices = #map1}]} {
    %eq3A = arith.constant 0 : i32
    %eq3A_0 = arith.cmpi eq, %arg0, %eq3A : i32
    %mul3A = arith.constant 78 : i32
    %mul3A_1 = arith.muli %arg1, %mul3A : i32
    %mul3A_2 = arith.constant 78 : i32
    %mul3A_3 = arith.muli %arg1, %mul3A_2 : i32
    %add3A = arith.constant 1248 : i32
    %add3A_4 = arith.addi %add3A, %mul3A_3 : i32
    %sub3A = arith.constant 12 : i32
    %sub3A_5 = arith.subi %arg1, %sub3A : i32
    %max3A = arith.constant 0 : i32
    %max3A_6 = arith.maxsi %sub3A_5, %max3A : i32
    %add3A_7 = arith.addi %add3A_4, %max3A_6 : i32
    %select_n3A = arith.select %eq3A_0, %mul3A_1, %add3A_7 : i32
    %eq3A_8 = arith.constant 1 : i32
    %eq3A_9 = arith.cmpi eq, %arg0, %eq3A_8 : i32
    %ge3A = arith.constant 12 : i32
    %ge3A_10 = arith.cmpi sge, %arg1, %ge3A : i32
    %and3A = arith.andi %eq3A_9, %ge3A_10 : i1
    %mul3A_11 = arith.constant 632 : i32
    %mul3A_12 = arith.muli %arg1, %mul3A_11 : i32
    %mul3A_13 = arith.constant 632 : i32
    %mul3A_14 = arith.muli %arg1, %mul3A_13 : i32
    "tpu.region"() ({
      %run_scoped3A_232 = tpu.sem_alloc : memref<!tpu.dma_semaphore, #tpu.memory_space<semaphore_mem>>
      %dma_start3A_233 = arith.constant 0 : i32
      %dma_start3A_234 = tpu.memref_slice %arg9[%mul3A_14, %dma_start3A_233] : memref<10112x32xf32, #tpu.memory_space<vmem_shared>> -> memref<632x32xf32, #tpu.memory_space<vmem_shared>>
      %dma_start3A_235 = arith.constant 0 : i32
      %dma_start3A_236 = tpu.memref_slice %arg2[%mul3A_12, %dma_start3A_235] : memref<10112x64xf32, #tpu.memory_space<hbm>> -> memref<632x32xf32, #tpu.memory_space<hbm>>
      tpu.enqueue_dma source(%dma_start3A_236 : memref<632x32xf32, #tpu.memory_space<hbm>>) target(%dma_start3A_234 : memref<632x32xf32, #tpu.memory_space<vmem_shared>>) target_semaphore(%run_scoped3A_232 : memref<!tpu.dma_semaphore, #tpu.memory_space<semaphore_mem>>)
      %dma_wait3A_237 = arith.constant 0 : i32
      %dma_wait3A_238 = tpu.memref_slice %arg9[%mul3A_14, %dma_wait3A_237] : memref<10112x32xf32, #tpu.memory_space<vmem_shared>> -> memref<632x32xf32, #tpu.memory_space<vmem_shared>>
      %dma_wait3A_239 = arith.constant 0 : i32
      %dma_wait3A_240 = tpu.memref_slice %arg2[%mul3A_12, %dma_wait3A_239] : memref<10112x64xf32, #tpu.memory_space<hbm>> -> memref<632x32xf32, #tpu.memory_space<hbm>>
      tpu.wait_dma2 semaphore(%run_scoped3A_232 : memref<!tpu.dma_semaphore, #tpu.memory_space<semaphore_mem>>) src(%dma_wait3A_240 : memref<632x32xf32, #tpu.memory_space<hbm>>) dst(%dma_wait3A_238 : memref<632x32xf32, #tpu.memory_space<vmem_shared>>)
      tpu.yield
    }) : () -> ()
    %mul3A_15 = arith.constant 632 : i32
    %mul3A_16 = arith.muli %arg1, %mul3A_15 : i32
    %mul3A_17 = arith.constant 632 : i32
    %mul3A_18 = arith.muli %arg1, %mul3A_17 : i32
    "tpu.region"() ({
      %run_scoped3A_232 = tpu.sem_alloc : memref<!tpu.dma_semaphore, #tpu.memory_space<semaphore_mem>>
      %dma_start3A_233 = arith.constant 0 : i32
      %dma_start3A_234 = tpu.memref_slice %arg10[%mul3A_18, %dma_start3A_233] : memref<10112x32xf32, #tpu.memory_space<vmem_shared>> -> memref<632x32xf32, #tpu.memory_space<vmem_shared>>
      %dma_start3A_235 = arith.constant 0 : i32
      %dma_start3A_236 = tpu.memref_slice %arg4[%mul3A_16, %dma_start3A_235] : memref<10112x32xf32, #tpu.memory_space<hbm>> -> memref<632x32xf32, #tpu.memory_space<hbm>>
      tpu.enqueue_dma source(%dma_start3A_236 : memref<632x32xf32, #tpu.memory_space<hbm>>) target(%dma_start3A_234 : memref<632x32xf32, #tpu.memory_space<vmem_shared>>) target_semaphore(%run_scoped3A_232 : memref<!tpu.dma_semaphore, #tpu.memory_space<semaphore_mem>>)
      %dma_wait3A_237 = arith.constant 0 : i32
      %dma_wait3A_238 = tpu.memref_slice %arg10[%mul3A_18, %dma_wait3A_237] : memref<10112x32xf32, #tpu.memory_space<vmem_shared>> -> memref<632x32xf32, #tpu.memory_space<vmem_shared>>
      %dma_wait3A_239 = arith.constant 0 : i32
      %dma_wait3A_240 = tpu.memref_slice %arg4[%mul3A_16, %dma_wait3A_239] : memref<10112x32xf32, #tpu.memory_space<hbm>> -> memref<632x32xf32, #tpu.memory_space<hbm>>
      tpu.wait_dma2 semaphore(%run_scoped3A_232 : memref<!tpu.dma_semaphore, #tpu.memory_space<semaphore_mem>>) src(%dma_wait3A_240 : memref<632x32xf32, #tpu.memory_space<hbm>>) dst(%dma_wait3A_238 : memref<632x32xf32, #tpu.memory_space<vmem_shared>>)
      tpu.yield
    }) : () -> ()
    %mul3A_19 = arith.constant 632 : i32
    %mul3A_20 = arith.muli %arg1, %mul3A_19 : i32
    %mul3A_21 = arith.constant 632 : i32
    %mul3A_22 = arith.muli %arg1, %mul3A_21 : i32
    "tpu.region"() ({
      %run_scoped3A_232 = tpu.sem_alloc : memref<!tpu.dma_semaphore, #tpu.memory_space<semaphore_mem>>
      %dma_start3A_233 = arith.constant 0 : i32
      %dma_start3A_234 = tpu.memref_slice %arg22[%mul3A_22, %dma_start3A_233] : memref<10112x16xf32, #tpu.memory_space<vmem_shared>> -> memref<632x16xf32, #tpu.memory_space<vmem_shared>>
      %dma_start3A_235 = arith.constant 0 : i32
      %dma_start3A_236 = tpu.memref_slice %arg5[%mul3A_20, %dma_start3A_235] : memref<10112x16xf32, #tpu.memory_space<hbm>> -> memref<632x16xf32, #tpu.memory_space<hbm>>
      tpu.enqueue_dma source(%dma_start3A_236 : memref<632x16xf32, #tpu.memory_space<hbm>>) target(%dma_start3A_234 : memref<632x16xf32, #tpu.memory_space<vmem_shared>>) target_semaphore(%run_scoped3A_232 : memref<!tpu.dma_semaphore, #tpu.memory_space<semaphore_mem>>)
      %dma_wait3A_237 = arith.constant 0 : i32
      %dma_wait3A_238 = tpu.memref_slice %arg22[%mul3A_22, %dma_wait3A_237] : memref<10112x16xf32, #tpu.memory_space<vmem_shared>> -> memref<632x16xf32, #tpu.memory_space<vmem_shared>>
      %dma_wait3A_239 = arith.constant 0 : i32
      %dma_wait3A_240 = tpu.memref_slice %arg5[%mul3A_20, %dma_wait3A_239] : memref<10112x16xf32, #tpu.memory_space<hbm>> -> memref<632x16xf32, #tpu.memory_space<hbm>>
      tpu.wait_dma2 semaphore(%run_scoped3A_232 : memref<!tpu.dma_semaphore, #tpu.memory_space<semaphore_mem>>) src(%dma_wait3A_240 : memref<632x16xf32, #tpu.memory_space<hbm>>) dst(%dma_wait3A_238 : memref<632x16xf32, #tpu.memory_space<vmem_shared>>)
      tpu.yield
    }) : () -> ()
    "tpu.region"() ({
      %run_scoped3A_232 = tpu.sem_alloc : memref<!tpu.dma_semaphore, #tpu.memory_space<semaphore_mem>>
      tpu.enqueue_dma source(%arg6 : memref<128x16xf32, #tpu.memory_space<hbm>>) target(%arg23 : memref<128x16xf32, #tpu.memory_space<vmem>>) target_semaphore(%run_scoped3A_232 : memref<!tpu.dma_semaphore, #tpu.memory_space<semaphore_mem>>)
      tpu.wait_dma2 semaphore(%run_scoped3A_232 : memref<!tpu.dma_semaphore, #tpu.memory_space<semaphore_mem>>) src(%arg6 : memref<128x16xf32, #tpu.memory_space<hbm>>) dst(%arg23 : memref<128x16xf32, #tpu.memory_space<vmem>>)
      tpu.yield
    }) : () -> ()
    %run_scoped3A = arith.constant 0 : i32
    "tpu.region"() ({
      %run_scoped3A_232 = tpu.sem_alloc : memref<!tpu.dma_semaphore, #tpu.memory_space<semaphore_mem>>
      %dma_start3A_233 = arith.constant 0 : i32
      %dma_start3A_234 = tpu.memref_slice %arg3[%run_scoped3A, %select_n3A, %dma_start3A_233] : memref<2x2500x128xi32, #tpu.memory_space<hbm>> -> memref<1x79x128xi32, #tpu.memory_space<hbm>>
      %dma_start3A_235 = tpu.memref_squeeze %dma_start3A_234 : memref<1x79x128xi32, #tpu.memory_space<hbm>> -> memref<79x128xi32, #tpu.memory_space<hbm>>
      %dma_start3A_236 = arith.constant 0 : i32
      %dma_start3A_237 = tpu.memref_slice %arg3[%run_scoped3A, %select_n3A, %dma_start3A_236] : memref<2x2500x128xi32, #tpu.memory_space<hbm>> -> memref<1x79x128xi32, #tpu.memory_space<hbm>>
      %dma_start3A_238 = tpu.memref_squeeze %dma_start3A_237 : memref<1x79x128xi32, #tpu.memory_space<hbm>> -> memref<79x128xi32, #tpu.memory_space<hbm>>
      tpu.enqueue_dma source(%dma_start3A_238 : memref<79x128xi32, #tpu.memory_space<hbm>>) target(%arg11 : memref<79x128xi32, #tpu.memory_space<vmem>>) target_semaphore(%run_scoped3A_232 : memref<!tpu.dma_semaphore, #tpu.memory_space<semaphore_mem>>)
      %dma_wait3A_239 = arith.constant 0 : i32
      %dma_wait3A_240 = tpu.memref_slice %arg3[%run_scoped3A, %select_n3A, %dma_wait3A_239] : memref<2x2500x128xi32, #tpu.memory_space<hbm>> -> memref<1x79x128xi32, #tpu.memory_space<hbm>>
      %dma_wait3A_241 = tpu.memref_squeeze %dma_wait3A_240 : memref<1x79x128xi32, #tpu.memory_space<hbm>> -> memref<79x128xi32, #tpu.memory_space<hbm>>
      %dma_wait3A_242 = arith.constant 0 : i32
      %dma_wait3A_243 = tpu.memref_slice %arg3[%run_scoped3A, %select_n3A, %dma_wait3A_242] : memref<2x2500x128xi32, #tpu.memory_space<hbm>> -> memref<1x79x128xi32, #tpu.memory_space<hbm>>
      %dma_wait3A_244 = tpu.memref_squeeze %dma_wait3A_243 : memref<1x79x128xi32, #tpu.memory_space<hbm>> -> memref<79x128xi32, #tpu.memory_space<hbm>>
      tpu.wait_dma2 semaphore(%run_scoped3A_232 : memref<!tpu.dma_semaphore, #tpu.memory_space<semaphore_mem>>) src(%dma_wait3A_244 : memref<79x128xi32, #tpu.memory_space<hbm>>) dst(%arg11 : memref<79x128xi32, #tpu.memory_space<vmem>>)
      tpu.yield
    }) : () -> ()
    %run_scoped3A_23 = arith.constant 1 : i32
    "tpu.region"() ({
      %run_scoped3A_232 = tpu.sem_alloc : memref<!tpu.dma_semaphore, #tpu.memory_space<semaphore_mem>>
      %dma_start3A_233 = arith.constant 0 : i32
      %dma_start3A_234 = tpu.memref_slice %arg3[%run_scoped3A_23, %select_n3A, %dma_start3A_233] : memref<2x2500x128xi32, #tpu.memory_space<hbm>> -> memref<1x79x128xi32, #tpu.memory_space<hbm>>
      %dma_start3A_235 = tpu.memref_squeeze %dma_start3A_234 : memref<1x79x128xi32, #tpu.memory_space<hbm>> -> memref<79x128xi32, #tpu.memory_space<hbm>>
      %dma_start3A_236 = arith.constant 0 : i32
      %dma_start3A_237 = tpu.memref_slice %arg3[%run_scoped3A_23, %select_n3A, %dma_start3A_236] : memref<2x2500x128xi32, #tpu.memory_space<hbm>> -> memref<1x79x128xi32, #tpu.memory_space<hbm>>
      %dma_start3A_238 = tpu.memref_squeeze %dma_start3A_237 : memref<1x79x128xi32, #tpu.memory_space<hbm>> -> memref<79x128xi32, #tpu.memory_space<hbm>>
      tpu.enqueue_dma source(%dma_start3A_238 : memref<79x128xi32, #tpu.memory_space<hbm>>) target(%arg12 : memref<79x128xi32, #tpu.memory_space<vmem>>) target_semaphore(%run_scoped3A_232 : memref<!tpu.dma_semaphore, #tpu.memory_space<semaphore_mem>>)
      %dma_wait3A_239 = arith.constant 0 : i32
      %dma_wait3A_240 = tpu.memref_slice %arg3[%run_scoped3A_23, %select_n3A, %dma_wait3A_239] : memref<2x2500x128xi32, #tpu.memory_space<hbm>> -> memref<1x79x128xi32, #tpu.memory_space<hbm>>
      %dma_wait3A_241 = tpu.memref_squeeze %dma_wait3A_240 : memref<1x79x128xi32, #tpu.memory_space<hbm>> -> memref<79x128xi32, #tpu.memory_space<hbm>>
      %dma_wait3A_242 = arith.constant 0 : i32
      %dma_wait3A_243 = tpu.memref_slice %arg3[%run_scoped3A_23, %select_n3A, %dma_wait3A_242] : memref<2x2500x128xi32, #tpu.memory_space<hbm>> -> memref<1x79x128xi32, #tpu.memory_space<hbm>>
      %dma_wait3A_244 = tpu.memref_squeeze %dma_wait3A_243 : memref<1x79x128xi32, #tpu.memory_space<hbm>> -> memref<79x128xi32, #tpu.memory_space<hbm>>
      tpu.wait_dma2 semaphore(%run_scoped3A_232 : memref<!tpu.dma_semaphore, #tpu.memory_space<semaphore_mem>>) src(%dma_wait3A_244 : memref<79x128xi32, #tpu.memory_space<hbm>>) dst(%arg12 : memref<79x128xi32, #tpu.memory_space<vmem>>)
      tpu.yield
    }) : () -> ()
    %barrier3A = arith.constant 0 : index
    tpu.barrier barrier_id(%barrier3A)
    %dma_start3A = arith.constant 0 : i32
    %dma_start3A_24 = arith.constant 0 : i32
    %dma_start3A_25 = arith.constant 0 : i32
    %dma_start3A_26 = arith.constant 0 : i32
    %dma_start3A_27 = tpu.memref_slice %arg13[%dma_start3A_24, %dma_start3A_25, %dma_start3A_26] : memref<4x128x32xf32, #tpu.memory_space<vmem>> -> memref<1x128x32xf32, #tpu.memory_space<vmem>>
    %dma_start3A_28 = tpu.memref_squeeze %dma_start3A_27 : memref<1x128x32xf32, #tpu.memory_space<vmem>> -> memref<128x32xf32, #tpu.memory_space<vmem>>
    %dma_start3A_29 = arith.constant 0 : i32
    %dma_start3A_30 = tpu.memref_slice %arg11[%dma_start3A, %dma_start3A_29] : memref<79x128xi32, #tpu.memory_space<vmem>> -> memref<1x128xi32, #tpu.memory_space<vmem>>
    %dma_start3A_31 = tpu.memref_squeeze %dma_start3A_30 : memref<1x128xi32, #tpu.memory_space<vmem>> -> memref<128xi32, #tpu.memory_space<vmem>>
    %dma_start3A_32 = arith.constant 0 : i32
    %dma_start3A_33 = arith.constant 0 : i32
    %dma_start3A_34 = tpu.memref_slice %arg9[%dma_start3A_32, %dma_start3A_33] : memref<10112x32xf32, #tpu.memory_space<vmem_shared>> -> memref<10112x32xf32, #tpu.memory_space<vmem_shared>>
    tpu.enqueue_indirect_dma source(%dma_start3A_34 : memref<10112x32xf32, #tpu.memory_space<vmem_shared>>) target(%dma_start3A_28 : memref<128x32xf32, #tpu.memory_space<vmem>>) offsets(%dma_start3A_31 : memref<128xi32, #tpu.memory_space<vmem>>) semaphore(%arg14 : memref<!tpu.dma_semaphore, #tpu.memory_space<semaphore_mem>>)
    %dma_start3A_35 = arith.constant 1 : i32
    %dma_start3A_36 = arith.constant 1 : i32
    %dma_start3A_37 = arith.constant 0 : i32
    %dma_start3A_38 = arith.constant 0 : i32
    %dma_start3A_39 = tpu.memref_slice %arg13[%dma_start3A_36, %dma_start3A_37, %dma_start3A_38] : memref<4x128x32xf32, #tpu.memory_space<vmem>> -> memref<1x128x32xf32, #tpu.memory_space<vmem>>
    %dma_start3A_40 = tpu.memref_squeeze %dma_start3A_39 : memref<1x128x32xf32, #tpu.memory_space<vmem>> -> memref<128x32xf32, #tpu.memory_space<vmem>>
    %dma_start3A_41 = arith.constant 0 : i32
    %dma_start3A_42 = tpu.memref_slice %arg11[%dma_start3A_35, %dma_start3A_41] : memref<79x128xi32, #tpu.memory_space<vmem>> -> memref<1x128xi32, #tpu.memory_space<vmem>>
    %dma_start3A_43 = tpu.memref_squeeze %dma_start3A_42 : memref<1x128xi32, #tpu.memory_space<vmem>> -> memref<128xi32, #tpu.memory_space<vmem>>
    %dma_start3A_44 = arith.constant 0 : i32
    %dma_start3A_45 = arith.constant 0 : i32
    %dma_start3A_46 = tpu.memref_slice %arg9[%dma_start3A_44, %dma_start3A_45] : memref<10112x32xf32, #tpu.memory_space<vmem_shared>> -> memref<10112x32xf32, #tpu.memory_space<vmem_shared>>
    tpu.enqueue_indirect_dma source(%dma_start3A_46 : memref<10112x32xf32, #tpu.memory_space<vmem_shared>>) target(%dma_start3A_40 : memref<128x32xf32, #tpu.memory_space<vmem>>) offsets(%dma_start3A_43 : memref<128xi32, #tpu.memory_space<vmem>>) semaphore(%arg15 : memref<!tpu.dma_semaphore, #tpu.memory_space<semaphore_mem>>)
    %scan3A = arith.constant 0 : i32
    %scan3A_47 = arith.constant 0 : i32
    %scan3A_48 = arith.constant 2 : i32
    %scan3A_49 = arith.constant 1 : i32
    %scan3A_50 = arith.constant 3 : i32
    %scan3A_51 = arith.constant 0 : i32
    %scan3A_52 = arith.constant 19 : i32
    %scan3A_53 = arith.addi %scan3A_51, %scan3A_52 : i32
    %scan3A_54 = arith.constant 1 : i32
    scf.for %scan3A_232 = %scan3A_51 to %scan3A_53 step %scan3A_54  : i32 {
      %mul3A_233 = arith.constant 4 : i32
      %mul3A_234 = arith.muli %mul3A_233, %scan3A_232 : i32
      %dma_wait3A_235 = arith.constant 0 : i32
      %dma_wait3A_236 = arith.constant 0 : i32
      %dma_wait3A_237 = tpu.memref_slice %arg13[%scan3A_47, %dma_wait3A_235, %dma_wait3A_236] : memref<4x128x32xf32, #tpu.memory_space<vmem>> -> memref<1x128x32xf32, #tpu.memory_space<vmem>>
      %dma_wait3A_238 = tpu.memref_squeeze %dma_wait3A_237 : memref<1x128x32xf32, #tpu.memory_space<vmem>> -> memref<128x32xf32, #tpu.memory_space<vmem>>
      %dma_wait3A_239 = arith.constant 0 : i32
      %dma_wait3A_240 = tpu.memref_slice %arg11[%mul3A_234, %dma_wait3A_239] : memref<79x128xi32, #tpu.memory_space<vmem>> -> memref<1x128xi32, #tpu.memory_space<vmem>>
      %dma_wait3A_241 = tpu.memref_squeeze %dma_wait3A_240 : memref<1x128xi32, #tpu.memory_space<vmem>> -> memref<128xi32, #tpu.memory_space<vmem>>
      %dma_wait3A_242 = arith.constant 0 : i32
      %dma_wait3A_243 = arith.constant 0 : i32
      %dma_wait3A_244 = tpu.memref_slice %arg9[%dma_wait3A_242, %dma_wait3A_243] : memref<10112x32xf32, #tpu.memory_space<vmem_shared>> -> memref<10112x32xf32, #tpu.memory_space<vmem_shared>>
      tpu.wait_indirect_dma semaphore(%arg14 : memref<!tpu.dma_semaphore, #tpu.memory_space<semaphore_mem>>) src(%dma_wait3A_244 : memref<10112x32xf32, #tpu.memory_space<vmem_shared>>) dst(%dma_wait3A_238 : memref<128x32xf32, #tpu.memory_space<vmem>>)
      %gt3A = arith.constant 0 : i32
      %gt3A_245 = arith.cmpi sgt, %scan3A_232, %gt3A : i32
      %convert_element_type3A_246 = arith.extui %gt3A_245 : i1 to i32
      %cond3A_247 = arith.constant 0 : i32
      %cond3A_248 = arith.cmpi ne, %convert_element_type3A_246, %cond3A_247 : i32
      scf.if %cond3A_248 {
        %sub3A_427 = arith.constant 2 : i32
        %sub3A_428 = arith.subi %mul3A_234, %sub3A_427 : i32
        %dma_wait3A_429 = arith.constant 0 : i32
        %dma_wait3A_430 = arith.constant 0 : i32
        %dma_wait3A_431 = tpu.memref_slice %arg13[%scan3A_47, %dma_wait3A_429, %dma_wait3A_430] : memref<4x128x32xf32, #tpu.memory_space<vmem>> -> memref<1x128x32xf32, #tpu.memory_space<vmem>>
        %dma_wait3A_432 = tpu.memref_squeeze %dma_wait3A_431 : memref<1x128x32xf32, #tpu.memory_space<vmem>> -> memref<128x32xf32, #tpu.memory_space<vmem>>
        %dma_wait3A_433 = arith.constant 0 : i32
        %dma_wait3A_434 = tpu.memref_slice %arg12[%sub3A_428, %dma_wait3A_433] : memref<79x128xi32, #tpu.memory_space<vmem>> -> memref<1x128xi32, #tpu.memory_space<vmem>>
        %dma_wait3A_435 = tpu.memref_squeeze %dma_wait3A_434 : memref<1x128xi32, #tpu.memory_space<vmem>> -> memref<128xi32, #tpu.memory_space<vmem>>
        %dma_wait3A_436 = arith.constant 0 : i32
        %dma_wait3A_437 = arith.constant 0 : i32
        %dma_wait3A_438 = tpu.memref_slice %arg10[%dma_wait3A_436, %dma_wait3A_437] : memref<10112x32xf32, #tpu.memory_space<vmem_shared>> -> memref<10112x32xf32, #tpu.memory_space<vmem_shared>>
        tpu.wait_indirect_dma semaphore(%arg20 : memref<!tpu.dma_semaphore, #tpu.memory_space<semaphore_mem>>) src(%dma_wait3A_432 : memref<128x32xf32, #tpu.memory_space<vmem>>) dst(%dma_wait3A_438 : memref<10112x32xf32, #tpu.memory_space<vmem_shared>>)
        %dma_wait3A_439 = arith.constant 0 : i32
        %dma_wait3A_440 = tpu.memref_slice %arg12[%sub3A_428, %dma_wait3A_439] : memref<79x128xi32, #tpu.memory_space<vmem>> -> memref<1x128xi32, #tpu.memory_space<vmem>>
        %dma_wait3A_441 = tpu.memref_squeeze %dma_wait3A_440 : memref<1x128xi32, #tpu.memory_space<vmem>> -> memref<128xi32, #tpu.memory_space<vmem>>
        %dma_wait3A_442 = arith.constant 0 : i32
        %dma_wait3A_443 = arith.constant 0 : i32
        %dma_wait3A_444 = tpu.memref_slice %arg22[%dma_wait3A_442, %dma_wait3A_443] : memref<10112x16xf32, #tpu.memory_space<vmem_shared>> -> memref<10112x16xf32, #tpu.memory_space<vmem_shared>>
        tpu.wait_indirect_dma semaphore(%arg26 : memref<!tpu.dma_semaphore, #tpu.memory_space<semaphore_mem>>) src(%arg23 : memref<128x16xf32, #tpu.memory_space<vmem>>) dst(%dma_wait3A_444 : memref<10112x16xf32, #tpu.memory_space<vmem_shared>>)
      } else {
      }
      %add3A_249 = arith.constant 2 : i32
      %add3A_250 = arith.addi %mul3A_234, %add3A_249 : i32
      %dma_start3A_251 = arith.constant 0 : i32
      %dma_start3A_252 = arith.constant 0 : i32
      %dma_start3A_253 = tpu.memref_slice %arg13[%scan3A_48, %dma_start3A_251, %dma_start3A_252] : memref<4x128x32xf32, #tpu.memory_space<vmem>> -> memref<1x128x32xf32, #tpu.memory_space<vmem>>
      %dma_start3A_254 = tpu.memref_squeeze %dma_start3A_253 : memref<1x128x32xf32, #tpu.memory_space<vmem>> -> memref<128x32xf32, #tpu.memory_space<vmem>>
      %dma_start3A_255 = arith.constant 0 : i32
      %dma_start3A_256 = tpu.memref_slice %arg11[%add3A_250, %dma_start3A_255] : memref<79x128xi32, #tpu.memory_space<vmem>> -> memref<1x128xi32, #tpu.memory_space<vmem>>
      %dma_start3A_257 = tpu.memref_squeeze %dma_start3A_256 : memref<1x128xi32, #tpu.memory_space<vmem>> -> memref<128xi32, #tpu.memory_space<vmem>>
      %dma_start3A_258 = arith.constant 0 : i32
      %dma_start3A_259 = arith.constant 0 : i32
      %dma_start3A_260 = tpu.memref_slice %arg9[%dma_start3A_258, %dma_start3A_259] : memref<10112x32xf32, #tpu.memory_space<vmem_shared>> -> memref<10112x32xf32, #tpu.memory_space<vmem_shared>>
      tpu.enqueue_indirect_dma source(%dma_start3A_260 : memref<10112x32xf32, #tpu.memory_space<vmem_shared>>) target(%dma_start3A_254 : memref<128x32xf32, #tpu.memory_space<vmem>>) offsets(%dma_start3A_257 : memref<128xi32, #tpu.memory_space<vmem>>) semaphore(%arg16 : memref<!tpu.dma_semaphore, #tpu.memory_space<semaphore_mem>>)
      %dma_start3A_261 = arith.constant 0 : i32
      %dma_start3A_262 = arith.constant 0 : i32
      %dma_start3A_263 = tpu.memref_slice %arg13[%scan3A_47, %dma_start3A_261, %dma_start3A_262] : memref<4x128x32xf32, #tpu.memory_space<vmem>> -> memref<1x128x32xf32, #tpu.memory_space<vmem>>
      %dma_start3A_264 = tpu.memref_squeeze %dma_start3A_263 : memref<1x128x32xf32, #tpu.memory_space<vmem>> -> memref<128x32xf32, #tpu.memory_space<vmem>>
      %dma_start3A_265 = arith.constant 0 : i32
      %dma_start3A_266 = tpu.memref_slice %arg12[%mul3A_234, %dma_start3A_265] : memref<79x128xi32, #tpu.memory_space<vmem>> -> memref<1x128xi32, #tpu.memory_space<vmem>>
      %dma_start3A_267 = tpu.memref_squeeze %dma_start3A_266 : memref<1x128xi32, #tpu.memory_space<vmem>> -> memref<128xi32, #tpu.memory_space<vmem>>
      %dma_start3A_268 = arith.constant 0 : i32
      %dma_start3A_269 = arith.constant 0 : i32
      %dma_start3A_270 = tpu.memref_slice %arg10[%dma_start3A_268, %dma_start3A_269] : memref<10112x32xf32, #tpu.memory_space<vmem_shared>> -> memref<10112x32xf32, #tpu.memory_space<vmem_shared>>
      tpu.enqueue_indirect_dma source(%dma_start3A_264 : memref<128x32xf32, #tpu.memory_space<vmem>>) target(%dma_start3A_270 : memref<10112x32xf32, #tpu.memory_space<vmem_shared>>) offsets(%dma_start3A_267 : memref<128xi32, #tpu.memory_space<vmem>>) semaphore(%arg18 : memref<!tpu.dma_semaphore, #tpu.memory_space<semaphore_mem>>) {add = true}
      %dma_start3A_271 = arith.constant 0 : i32
      %dma_start3A_272 = tpu.memref_slice %arg12[%mul3A_234, %dma_start3A_271] : memref<79x128xi32, #tpu.memory_space<vmem>> -> memref<1x128xi32, #tpu.memory_space<vmem>>
      %dma_start3A_273 = tpu.memref_squeeze %dma_start3A_272 : memref<1x128xi32, #tpu.memory_space<vmem>> -> memref<128xi32, #tpu.memory_space<vmem>>
      %dma_start3A_274 = arith.constant 0 : i32
      %dma_start3A_275 = arith.constant 0 : i32
      %dma_start3A_276 = tpu.memref_slice %arg22[%dma_start3A_274, %dma_start3A_275] : memref<10112x16xf32, #tpu.memory_space<vmem_shared>> -> memref<10112x16xf32, #tpu.memory_space<vmem_shared>>
      tpu.enqueue_indirect_dma source(%arg23 : memref<128x16xf32, #tpu.memory_space<vmem>>) target(%dma_start3A_276 : memref<10112x16xf32, #tpu.memory_space<vmem_shared>>) offsets(%dma_start3A_273 : memref<128xi32, #tpu.memory_space<vmem>>) semaphore(%arg24 : memref<!tpu.dma_semaphore, #tpu.memory_space<semaphore_mem>>) {add = true}
      %add3A_277 = arith.constant 1 : i32
      %add3A_278 = arith.addi %mul3A_234, %add3A_277 : i32
      %dma_wait3A_279 = arith.constant 0 : i32
      %dma_wait3A_280 = arith.constant 0 : i32
      %dma_wait3A_281 = tpu.memref_slice %arg13[%scan3A_49, %dma_wait3A_279, %dma_wait3A_280] : memref<4x128x32xf32, #tpu.memory_space<vmem>> -> memref<1x128x32xf32, #tpu.memory_space<vmem>>
      %dma_wait3A_282 = tpu.memref_squeeze %dma_wait3A_281 : memref<1x128x32xf32, #tpu.memory_space<vmem>> -> memref<128x32xf32, #tpu.memory_space<vmem>>
      %dma_wait3A_283 = arith.constant 0 : i32
      %dma_wait3A_284 = tpu.memref_slice %arg11[%add3A_278, %dma_wait3A_283] : memref<79x128xi32, #tpu.memory_space<vmem>> -> memref<1x128xi32, #tpu.memory_space<vmem>>
      %dma_wait3A_285 = tpu.memref_squeeze %dma_wait3A_284 : memref<1x128xi32, #tpu.memory_space<vmem>> -> memref<128xi32, #tpu.memory_space<vmem>>
      %dma_wait3A_286 = arith.constant 0 : i32
      %dma_wait3A_287 = arith.constant 0 : i32
      %dma_wait3A_288 = tpu.memref_slice %arg9[%dma_wait3A_286, %dma_wait3A_287] : memref<10112x32xf32, #tpu.memory_space<vmem_shared>> -> memref<10112x32xf32, #tpu.memory_space<vmem_shared>>
      tpu.wait_indirect_dma semaphore(%arg15 : memref<!tpu.dma_semaphore, #tpu.memory_space<semaphore_mem>>) src(%dma_wait3A_288 : memref<10112x32xf32, #tpu.memory_space<vmem_shared>>) dst(%dma_wait3A_282 : memref<128x32xf32, #tpu.memory_space<vmem>>)
      %gt3A_289 = arith.constant 0 : i32
      %gt3A_290 = arith.cmpi sgt, %scan3A_232, %gt3A_289 : i32
      %convert_element_type3A_291 = arith.extui %gt3A_290 : i1 to i32
      %cond3A_292 = arith.constant 0 : i32
      %cond3A_293 = arith.cmpi ne, %convert_element_type3A_291, %cond3A_292 : i32
      scf.if %cond3A_293 {
        %sub3A_427 = arith.constant 1 : i32
        %sub3A_428 = arith.subi %mul3A_234, %sub3A_427 : i32
        %dma_wait3A_429 = arith.constant 0 : i32
        %dma_wait3A_430 = arith.constant 0 : i32
        %dma_wait3A_431 = tpu.memref_slice %arg13[%scan3A_47, %dma_wait3A_429, %dma_wait3A_430] : memref<4x128x32xf32, #tpu.memory_space<vmem>> -> memref<1x128x32xf32, #tpu.memory_space<vmem>>
        %dma_wait3A_432 = tpu.memref_squeeze %dma_wait3A_431 : memref<1x128x32xf32, #tpu.memory_space<vmem>> -> memref<128x32xf32, #tpu.memory_space<vmem>>
        %dma_wait3A_433 = arith.constant 0 : i32
        %dma_wait3A_434 = tpu.memref_slice %arg12[%sub3A_428, %dma_wait3A_433] : memref<79x128xi32, #tpu.memory_space<vmem>> -> memref<1x128xi32, #tpu.memory_space<vmem>>
        %dma_wait3A_435 = tpu.memref_squeeze %dma_wait3A_434 : memref<1x128xi32, #tpu.memory_space<vmem>> -> memref<128xi32, #tpu.memory_space<vmem>>
        %dma_wait3A_436 = arith.constant 0 : i32
        %dma_wait3A_437 = arith.constant 0 : i32
        %dma_wait3A_438 = tpu.memref_slice %arg10[%dma_wait3A_436, %dma_wait3A_437] : memref<10112x32xf32, #tpu.memory_space<vmem_shared>> -> memref<10112x32xf32, #tpu.memory_space<vmem_shared>>
        tpu.wait_indirect_dma semaphore(%arg21 : memref<!tpu.dma_semaphore, #tpu.memory_space<semaphore_mem>>) src(%dma_wait3A_432 : memref<128x32xf32, #tpu.memory_space<vmem>>) dst(%dma_wait3A_438 : memref<10112x32xf32, #tpu.memory_space<vmem_shared>>)
        %dma_wait3A_439 = arith.constant 0 : i32
        %dma_wait3A_440 = tpu.memref_slice %arg12[%sub3A_428, %dma_wait3A_439] : memref<79x128xi32, #tpu.memory_space<vmem>> -> memref<1x128xi32, #tpu.memory_space<vmem>>
        %dma_wait3A_441 = tpu.memref_squeeze %dma_wait3A_440 : memref<1x128xi32, #tpu.memory_space<vmem>> -> memref<128xi32, #tpu.memory_space<vmem>>
        %dma_wait3A_442 = arith.constant 0 : i32
        %dma_wait3A_443 = arith.constant 0 : i32
        %dma_wait3A_444 = tpu.memref_slice %arg22[%dma_wait3A_442, %dma_wait3A_443] : memref<10112x16xf32, #tpu.memory_space<vmem_shared>> -> memref<10112x16xf32, #tpu.memory_space<vmem_shared>>
        tpu.wait_indirect_dma semaphore(%arg27 : memref<!tpu.dma_semaphore, #tpu.memory_space<semaphore_mem>>) src(%arg23 : memref<128x16xf32, #tpu.memory_space<vmem>>) dst(%dma_wait3A_444 : memref<10112x16xf32, #tpu.memory_space<vmem_shared>>)
      } else {
      }
      %add3A_294 = arith.constant 3 : i32
      %add3A_295 = arith.addi %mul3A_234, %add3A_294 : i32
      %dma_start3A_296 = arith.constant 0 : i32
      %dma_start3A_297 = arith.constant 0 : i32
      %dma_start3A_298 = tpu.memref_slice %arg13[%scan3A_50, %dma_start3A_296, %dma_start3A_297] : memref<4x128x32xf32, #tpu.memory_space<vmem>> -> memref<1x128x32xf32, #tpu.memory_space<vmem>>
      %dma_start3A_299 = tpu.memref_squeeze %dma_start3A_298 : memref<1x128x32xf32, #tpu.memory_space<vmem>> -> memref<128x32xf32, #tpu.memory_space<vmem>>
      %dma_start3A_300 = arith.constant 0 : i32
      %dma_start3A_301 = tpu.memref_slice %arg11[%add3A_295, %dma_start3A_300] : memref<79x128xi32, #tpu.memory_space<vmem>> -> memref<1x128xi32, #tpu.memory_space<vmem>>
      %dma_start3A_302 = tpu.memref_squeeze %dma_start3A_301 : memref<1x128xi32, #tpu.memory_space<vmem>> -> memref<128xi32, #tpu.memory_space<vmem>>
      %dma_start3A_303 = arith.constant 0 : i32
      %dma_start3A_304 = arith.constant 0 : i32
      %dma_start3A_305 = tpu.memref_slice %arg9[%dma_start3A_303, %dma_start3A_304] : memref<10112x32xf32, #tpu.memory_space<vmem_shared>> -> memref<10112x32xf32, #tpu.memory_space<vmem_shared>>
      tpu.enqueue_indirect_dma source(%dma_start3A_305 : memref<10112x32xf32, #tpu.memory_space<vmem_shared>>) target(%dma_start3A_299 : memref<128x32xf32, #tpu.memory_space<vmem>>) offsets(%dma_start3A_302 : memref<128xi32, #tpu.memory_space<vmem>>) semaphore(%arg17 : memref<!tpu.dma_semaphore, #tpu.memory_space<semaphore_mem>>)
      %add3A_306 = arith.constant 1 : i32
      %add3A_307 = arith.addi %mul3A_234, %add3A_306 : i32
      %dma_start3A_308 = arith.constant 0 : i32
      %dma_start3A_309 = arith.constant 0 : i32
      %dma_start3A_310 = tpu.memref_slice %arg13[%scan3A_49, %dma_start3A_308, %dma_start3A_309] : memref<4x128x32xf32, #tpu.memory_space<vmem>> -> memref<1x128x32xf32, #tpu.memory_space<vmem>>
      %dma_start3A_311 = tpu.memref_squeeze %dma_start3A_310 : memref<1x128x32xf32, #tpu.memory_space<vmem>> -> memref<128x32xf32, #tpu.memory_space<vmem>>
      %dma_start3A_312 = arith.constant 0 : i32
      %dma_start3A_313 = tpu.memref_slice %arg12[%add3A_307, %dma_start3A_312] : memref<79x128xi32, #tpu.memory_space<vmem>> -> memref<1x128xi32, #tpu.memory_space<vmem>>
      %dma_start3A_314 = tpu.memref_squeeze %dma_start3A_313 : memref<1x128xi32, #tpu.memory_space<vmem>> -> memref<128xi32, #tpu.memory_space<vmem>>
      %dma_start3A_315 = arith.constant 0 : i32
      %dma_start3A_316 = arith.constant 0 : i32
      %dma_start3A_317 = tpu.memref_slice %arg10[%dma_start3A_315, %dma_start3A_316] : memref<10112x32xf32, #tpu.memory_space<vmem_shared>> -> memref<10112x32xf32, #tpu.memory_space<vmem_shared>>
      tpu.enqueue_indirect_dma source(%dma_start3A_311 : memref<128x32xf32, #tpu.memory_space<vmem>>) target(%dma_start3A_317 : memref<10112x32xf32, #tpu.memory_space<vmem_shared>>) offsets(%dma_start3A_314 : memref<128xi32, #tpu.memory_space<vmem>>) semaphore(%arg19 : memref<!tpu.dma_semaphore, #tpu.memory_space<semaphore_mem>>) {add = true}
      %dma_start3A_318 = arith.constant 0 : i32
      %dma_start3A_319 = tpu.memref_slice %arg12[%add3A_307, %dma_start3A_318] : memref<79x128xi32, #tpu.memory_space<vmem>> -> memref<1x128xi32, #tpu.memory_space<vmem>>
      %dma_start3A_320 = tpu.memref_squeeze %dma_start3A_319 : memref<1x128xi32, #tpu.memory_space<vmem>> -> memref<128xi32, #tpu.memory_space<vmem>>
      %dma_start3A_321 = arith.constant 0 : i32
      %dma_start3A_322 = arith.constant 0 : i32
      %dma_start3A_323 = tpu.memref_slice %arg22[%dma_start3A_321, %dma_start3A_322] : memref<10112x16xf32, #tpu.memory_space<vmem_shared>> -> memref<10112x16xf32, #tpu.memory_space<vmem_shared>>
      tpu.enqueue_indirect_dma source(%arg23 : memref<128x16xf32, #tpu.memory_space<vmem>>) target(%dma_start3A_323 : memref<10112x16xf32, #tpu.memory_space<vmem_shared>>) offsets(%dma_start3A_320 : memref<128xi32, #tpu.memory_space<vmem>>) semaphore(%arg25 : memref<!tpu.dma_semaphore, #tpu.memory_space<semaphore_mem>>) {add = true}
      %add3A_324 = arith.constant 2 : i32
      %add3A_325 = arith.addi %mul3A_234, %add3A_324 : i32
      %dma_wait3A_326 = arith.constant 0 : i32
      %dma_wait3A_327 = arith.constant 0 : i32
      %dma_wait3A_328 = tpu.memref_slice %arg13[%scan3A_48, %dma_wait3A_326, %dma_wait3A_327] : memref<4x128x32xf32, #tpu.memory_space<vmem>> -> memref<1x128x32xf32, #tpu.memory_space<vmem>>
      %dma_wait3A_329 = tpu.memref_squeeze %dma_wait3A_328 : memref<1x128x32xf32, #tpu.memory_space<vmem>> -> memref<128x32xf32, #tpu.memory_space<vmem>>
      %dma_wait3A_330 = arith.constant 0 : i32
      %dma_wait3A_331 = tpu.memref_slice %arg11[%add3A_325, %dma_wait3A_330] : memref<79x128xi32, #tpu.memory_space<vmem>> -> memref<1x128xi32, #tpu.memory_space<vmem>>
      %dma_wait3A_332 = tpu.memref_squeeze %dma_wait3A_331 : memref<1x128xi32, #tpu.memory_space<vmem>> -> memref<128xi32, #tpu.memory_space<vmem>>
      %dma_wait3A_333 = arith.constant 0 : i32
      %dma_wait3A_334 = arith.constant 0 : i32
      %dma_wait3A_335 = tpu.memref_slice %arg9[%dma_wait3A_333, %dma_wait3A_334] : memref<10112x32xf32, #tpu.memory_space<vmem_shared>> -> memref<10112x32xf32, #tpu.memory_space<vmem_shared>>
      tpu.wait_indirect_dma semaphore(%arg16 : memref<!tpu.dma_semaphore, #tpu.memory_space<semaphore_mem>>) src(%dma_wait3A_335 : memref<10112x32xf32, #tpu.memory_space<vmem_shared>>) dst(%dma_wait3A_329 : memref<128x32xf32, #tpu.memory_space<vmem>>)
      %dma_wait3A_336 = arith.constant 0 : i32
      %dma_wait3A_337 = arith.constant 0 : i32
      %dma_wait3A_338 = tpu.memref_slice %arg13[%scan3A_47, %dma_wait3A_336, %dma_wait3A_337] : memref<4x128x32xf32, #tpu.memory_space<vmem>> -> memref<1x128x32xf32, #tpu.memory_space<vmem>>
      %dma_wait3A_339 = tpu.memref_squeeze %dma_wait3A_338 : memref<1x128x32xf32, #tpu.memory_space<vmem>> -> memref<128x32xf32, #tpu.memory_space<vmem>>
      %dma_wait3A_340 = arith.constant 0 : i32
      %dma_wait3A_341 = tpu.memref_slice %arg12[%mul3A_234, %dma_wait3A_340] : memref<79x128xi32, #tpu.memory_space<vmem>> -> memref<1x128xi32, #tpu.memory_space<vmem>>
      %dma_wait3A_342 = tpu.memref_squeeze %dma_wait3A_341 : memref<1x128xi32, #tpu.memory_space<vmem>> -> memref<128xi32, #tpu.memory_space<vmem>>
      %dma_wait3A_343 = arith.constant 0 : i32
      %dma_wait3A_344 = arith.constant 0 : i32
      %dma_wait3A_345 = tpu.memref_slice %arg10[%dma_wait3A_343, %dma_wait3A_344] : memref<10112x32xf32, #tpu.memory_space<vmem_shared>> -> memref<10112x32xf32, #tpu.memory_space<vmem_shared>>
      tpu.wait_indirect_dma semaphore(%arg18 : memref<!tpu.dma_semaphore, #tpu.memory_space<semaphore_mem>>) src(%dma_wait3A_339 : memref<128x32xf32, #tpu.memory_space<vmem>>) dst(%dma_wait3A_345 : memref<10112x32xf32, #tpu.memory_space<vmem_shared>>)
      %dma_wait3A_346 = arith.constant 0 : i32
      %dma_wait3A_347 = tpu.memref_slice %arg12[%mul3A_234, %dma_wait3A_346] : memref<79x128xi32, #tpu.memory_space<vmem>> -> memref<1x128xi32, #tpu.memory_space<vmem>>
      %dma_wait3A_348 = tpu.memref_squeeze %dma_wait3A_347 : memref<1x128xi32, #tpu.memory_space<vmem>> -> memref<128xi32, #tpu.memory_space<vmem>>
      %dma_wait3A_349 = arith.constant 0 : i32
      %dma_wait3A_350 = arith.constant 0 : i32
      %dma_wait3A_351 = tpu.memref_slice %arg22[%dma_wait3A_349, %dma_wait3A_350] : memref<10112x16xf32, #tpu.memory_space<vmem_shared>> -> memref<10112x16xf32, #tpu.memory_space<vmem_shared>>
      tpu.wait_indirect_dma semaphore(%arg24 : memref<!tpu.dma_semaphore, #tpu.memory_space<semaphore_mem>>) src(%arg23 : memref<128x16xf32, #tpu.memory_space<vmem>>) dst(%dma_wait3A_351 : memref<10112x16xf32, #tpu.memory_space<vmem_shared>>)
      %lt3A = arith.constant 18 : i32
      %lt3A_352 = arith.cmpi slt, %scan3A_232, %lt3A : i32
      %convert_element_type3A_353 = arith.extui %lt3A_352 : i1 to i32
      %cond3A_354 = arith.constant 0 : i32
      %cond3A_355 = arith.cmpi ne, %convert_element_type3A_353, %cond3A_354 : i32
      scf.if %cond3A_355 {
        %add3A_427 = arith.constant 4 : i32
        %add3A_428 = arith.addi %mul3A_234, %add3A_427 : i32
        %dma_start3A_429 = arith.constant 0 : i32
        %dma_start3A_430 = arith.constant 0 : i32
        %dma_start3A_431 = tpu.memref_slice %arg13[%scan3A_47, %dma_start3A_429, %dma_start3A_430] : memref<4x128x32xf32, #tpu.memory_space<vmem>> -> memref<1x128x32xf32, #tpu.memory_space<vmem>>
        %dma_start3A_432 = tpu.memref_squeeze %dma_start3A_431 : memref<1x128x32xf32, #tpu.memory_space<vmem>> -> memref<128x32xf32, #tpu.memory_space<vmem>>
        %dma_start3A_433 = arith.constant 0 : i32
        %dma_start3A_434 = tpu.memref_slice %arg11[%add3A_428, %dma_start3A_433] : memref<79x128xi32, #tpu.memory_space<vmem>> -> memref<1x128xi32, #tpu.memory_space<vmem>>
        %dma_start3A_435 = tpu.memref_squeeze %dma_start3A_434 : memref<1x128xi32, #tpu.memory_space<vmem>> -> memref<128xi32, #tpu.memory_space<vmem>>
        %dma_start3A_436 = arith.constant 0 : i32
        %dma_start3A_437 = arith.constant 0 : i32
        %dma_start3A_438 = tpu.memref_slice %arg9[%dma_start3A_436, %dma_start3A_437] : memref<10112x32xf32, #tpu.memory_space<vmem_shared>> -> memref<10112x32xf32, #tpu.memory_space<vmem_shared>>
        tpu.enqueue_indirect_dma source(%dma_start3A_438 : memref<10112x32xf32, #tpu.memory_space<vmem_shared>>) target(%dma_start3A_432 : memref<128x32xf32, #tpu.memory_space<vmem>>) offsets(%dma_start3A_435 : memref<128xi32, #tpu.memory_space<vmem>>) semaphore(%arg14 : memref<!tpu.dma_semaphore, #tpu.memory_space<semaphore_mem>>)
      } else {
      }
      %add3A_356 = arith.constant 2 : i32
      %add3A_357 = arith.addi %mul3A_234, %add3A_356 : i32
      %dma_start3A_358 = arith.constant 0 : i32
      %dma_start3A_359 = arith.constant 0 : i32
      %dma_start3A_360 = tpu.memref_slice %arg13[%scan3A_48, %dma_start3A_358, %dma_start3A_359] : memref<4x128x32xf32, #tpu.memory_space<vmem>> -> memref<1x128x32xf32, #tpu.memory_space<vmem>>
      %dma_start3A_361 = tpu.memref_squeeze %dma_start3A_360 : memref<1x128x32xf32, #tpu.memory_space<vmem>> -> memref<128x32xf32, #tpu.memory_space<vmem>>
      %dma_start3A_362 = arith.constant 0 : i32
      %dma_start3A_363 = tpu.memref_slice %arg12[%add3A_357, %dma_start3A_362] : memref<79x128xi32, #tpu.memory_space<vmem>> -> memref<1x128xi32, #tpu.memory_space<vmem>>
      %dma_start3A_364 = tpu.memref_squeeze %dma_start3A_363 : memref<1x128xi32, #tpu.memory_space<vmem>> -> memref<128xi32, #tpu.memory_space<vmem>>
      %dma_start3A_365 = arith.constant 0 : i32
      %dma_start3A_366 = arith.constant 0 : i32
      %dma_start3A_367 = tpu.memref_slice %arg10[%dma_start3A_365, %dma_start3A_366] : memref<10112x32xf32, #tpu.memory_space<vmem_shared>> -> memref<10112x32xf32, #tpu.memory_space<vmem_shared>>
      tpu.enqueue_indirect_dma source(%dma_start3A_361 : memref<128x32xf32, #tpu.memory_space<vmem>>) target(%dma_start3A_367 : memref<10112x32xf32, #tpu.memory_space<vmem_shared>>) offsets(%dma_start3A_364 : memref<128xi32, #tpu.memory_space<vmem>>) semaphore(%arg20 : memref<!tpu.dma_semaphore, #tpu.memory_space<semaphore_mem>>) {add = true}
      %dma_start3A_368 = arith.constant 0 : i32
      %dma_start3A_369 = tpu.memref_slice %arg12[%add3A_357, %dma_start3A_368] : memref<79x128xi32, #tpu.memory_space<vmem>> -> memref<1x128xi32, #tpu.memory_space<vmem>>
      %dma_start3A_370 = tpu.memref_squeeze %dma_start3A_369 : memref<1x128xi32, #tpu.memory_space<vmem>> -> memref<128xi32, #tpu.memory_space<vmem>>
      %dma_start3A_371 = arith.constant 0 : i32
      %dma_start3A_372 = arith.constant 0 : i32
      %dma_start3A_373 = tpu.memref_slice %arg22[%dma_start3A_371, %dma_start3A_372] : memref<10112x16xf32, #tpu.memory_space<vmem_shared>> -> memref<10112x16xf32, #tpu.memory_space<vmem_shared>>
      tpu.enqueue_indirect_dma source(%arg23 : memref<128x16xf32, #tpu.memory_space<vmem>>) target(%dma_start3A_373 : memref<10112x16xf32, #tpu.memory_space<vmem_shared>>) offsets(%dma_start3A_370 : memref<128xi32, #tpu.memory_space<vmem>>) semaphore(%arg26 : memref<!tpu.dma_semaphore, #tpu.memory_space<semaphore_mem>>) {add = true}
      %add3A_374 = arith.constant 3 : i32
      %add3A_375 = arith.addi %mul3A_234, %add3A_374 : i32
      %dma_wait3A_376 = arith.constant 0 : i32
      %dma_wait3A_377 = arith.constant 0 : i32
      %dma_wait3A_378 = tpu.memref_slice %arg13[%scan3A_50, %dma_wait3A_376, %dma_wait3A_377] : memref<4x128x32xf32, #tpu.memory_space<vmem>> -> memref<1x128x32xf32, #tpu.memory_space<vmem>>
      %dma_wait3A_379 = tpu.memref_squeeze %dma_wait3A_378 : memref<1x128x32xf32, #tpu.memory_space<vmem>> -> memref<128x32xf32, #tpu.memory_space<vmem>>
      %dma_wait3A_380 = arith.constant 0 : i32
      %dma_wait3A_381 = tpu.memref_slice %arg11[%add3A_375, %dma_wait3A_380] : memref<79x128xi32, #tpu.memory_space<vmem>> -> memref<1x128xi32, #tpu.memory_space<vmem>>
      %dma_wait3A_382 = tpu.memref_squeeze %dma_wait3A_381 : memref<1x128xi32, #tpu.memory_space<vmem>> -> memref<128xi32, #tpu.memory_space<vmem>>
      %dma_wait3A_383 = arith.constant 0 : i32
      %dma_wait3A_384 = arith.constant 0 : i32
      %dma_wait3A_385 = tpu.memref_slice %arg9[%dma_wait3A_383, %dma_wait3A_384] : memref<10112x32xf32, #tpu.memory_space<vmem_shared>> -> memref<10112x32xf32, #tpu.memory_space<vmem_shared>>
      tpu.wait_indirect_dma semaphore(%arg17 : memref<!tpu.dma_semaphore, #tpu.memory_space<semaphore_mem>>) src(%dma_wait3A_385 : memref<10112x32xf32, #tpu.memory_space<vmem_shared>>) dst(%dma_wait3A_379 : memref<128x32xf32, #tpu.memory_space<vmem>>)
      %add3A_386 = arith.constant 1 : i32
      %add3A_387 = arith.addi %mul3A_234, %add3A_386 : i32
      %dma_wait3A_388 = arith.constant 0 : i32
      %dma_wait3A_389 = arith.constant 0 : i32
      %dma_wait3A_390 = tpu.memref_slice %arg13[%scan3A_47, %dma_wait3A_388, %dma_wait3A_389] : memref<4x128x32xf32, #tpu.memory_space<vmem>> -> memref<1x128x32xf32, #tpu.memory_space<vmem>>
      %dma_wait3A_391 = tpu.memref_squeeze %dma_wait3A_390 : memref<1x128x32xf32, #tpu.memory_space<vmem>> -> memref<128x32xf32, #tpu.memory_space<vmem>>
      %dma_wait3A_392 = arith.constant 0 : i32
      %dma_wait3A_393 = tpu.memref_slice %arg12[%add3A_387, %dma_wait3A_392] : memref<79x128xi32, #tpu.memory_space<vmem>> -> memref<1x128xi32, #tpu.memory_space<vmem>>
      %dma_wait3A_394 = tpu.memref_squeeze %dma_wait3A_393 : memref<1x128xi32, #tpu.memory_space<vmem>> -> memref<128xi32, #tpu.memory_space<vmem>>
      %dma_wait3A_395 = arith.constant 0 : i32
      %dma_wait3A_396 = arith.constant 0 : i32
      %dma_wait3A_397 = tpu.memref_slice %arg10[%dma_wait3A_395, %dma_wait3A_396] : memref<10112x32xf32, #tpu.memory_space<vmem_shared>> -> memref<10112x32xf32, #tpu.memory_space<vmem_shared>>
      tpu.wait_indirect_dma semaphore(%arg19 : memref<!tpu.dma_semaphore, #tpu.memory_space<semaphore_mem>>) src(%dma_wait3A_391 : memref<128x32xf32, #tpu.memory_space<vmem>>) dst(%dma_wait3A_397 : memref<10112x32xf32, #tpu.memory_space<vmem_shared>>)
      %dma_wait3A_398 = arith.constant 0 : i32
      %dma_wait3A_399 = tpu.memref_slice %arg12[%add3A_387, %dma_wait3A_398] : memref<79x128xi32, #tpu.memory_space<vmem>> -> memref<1x128xi32, #tpu.memory_space<vmem>>
      %dma_wait3A_400 = tpu.memref_squeeze %dma_wait3A_399 : memref<1x128xi32, #tpu.memory_space<vmem>> -> memref<128xi32, #tpu.memory_space<vmem>>
      %dma_wait3A_401 = arith.constant 0 : i32
      %dma_wait3A_402 = arith.constant 0 : i32
      %dma_wait3A_403 = tpu.memref_slice %arg22[%dma_wait3A_401, %dma_wait3A_402] : memref<10112x16xf32, #tpu.memory_space<vmem_shared>> -> memref<10112x16xf32, #tpu.memory_space<vmem_shared>>
      tpu.wait_indirect_dma semaphore(%arg25 : memref<!tpu.dma_semaphore, #tpu.memory_space<semaphore_mem>>) src(%arg23 : memref<128x16xf32, #tpu.memory_space<vmem>>) dst(%dma_wait3A_403 : memref<10112x16xf32, #tpu.memory_space<vmem_shared>>)
      %lt3A_404 = arith.constant 18 : i32
      %lt3A_405 = arith.cmpi slt, %scan3A_232, %lt3A_404 : i32
      %convert_element_type3A_406 = arith.extui %lt3A_405 : i1 to i32
      %cond3A_407 = arith.constant 0 : i32
      %cond3A_408 = arith.cmpi ne, %convert_element_type3A_406, %cond3A_407 : i32
      scf.if %cond3A_408 {
        %add3A_427 = arith.constant 5 : i32
        %add3A_428 = arith.addi %mul3A_234, %add3A_427 : i32
        %dma_start3A_429 = arith.constant 0 : i32
        %dma_start3A_430 = arith.constant 0 : i32
        %dma_start3A_431 = tpu.memref_slice %arg13[%scan3A_49, %dma_start3A_429, %dma_start3A_430] : memref<4x128x32xf32, #tpu.memory_space<vmem>> -> memref<1x128x32xf32, #tpu.memory_space<vmem>>
        %dma_start3A_432 = tpu.memref_squeeze %dma_start3A_431 : memref<1x128x32xf32, #tpu.memory_space<vmem>> -> memref<128x32xf32, #tpu.memory_space<vmem>>
        %dma_start3A_433 = arith.constant 0 : i32
        %dma_start3A_434 = tpu.memref_slice %arg11[%add3A_428, %dma_start3A_433] : memref<79x128xi32, #tpu.memory_space<vmem>> -> memref<1x128xi32, #tpu.memory_space<vmem>>
        %dma_start3A_435 = tpu.memref_squeeze %dma_start3A_434 : memref<1x128xi32, #tpu.memory_space<vmem>> -> memref<128xi32, #tpu.memory_space<vmem>>
        %dma_start3A_436 = arith.constant 0 : i32
        %dma_start3A_437 = arith.constant 0 : i32
        %dma_start3A_438 = tpu.memref_slice %arg9[%dma_start3A_436, %dma_start3A_437] : memref<10112x32xf32, #tpu.memory_space<vmem_shared>> -> memref<10112x32xf32, #tpu.memory_space<vmem_shared>>
        tpu.enqueue_indirect_dma source(%dma_start3A_438 : memref<10112x32xf32, #tpu.memory_space<vmem_shared>>) target(%dma_start3A_432 : memref<128x32xf32, #tpu.memory_space<vmem>>) offsets(%dma_start3A_435 : memref<128xi32, #tpu.memory_space<vmem>>) semaphore(%arg15 : memref<!tpu.dma_semaphore, #tpu.memory_space<semaphore_mem>>)
      } else {
      }
      %add3A_409 = arith.constant 3 : i32
      %add3A_410 = arith.addi %mul3A_234, %add3A_409 : i32
      %dma_start3A_411 = arith.constant 0 : i32
      %dma_start3A_412 = arith.constant 0 : i32
      %dma_start3A_413 = tpu.memref_slice %arg13[%scan3A_50, %dma_start3A_411, %dma_start3A_412] : memref<4x128x32xf32, #tpu.memory_space<vmem>> -> memref<1x128x32xf32, #tpu.memory_space<vmem>>
      %dma_start3A_414 = tpu.memref_squeeze %dma_start3A_413 : memref<1x128x32xf32, #tpu.memory_space<vmem>> -> memref<128x32xf32, #tpu.memory_space<vmem>>
      %dma_start3A_415 = arith.constant 0 : i32
      %dma_start3A_416 = tpu.memref_slice %arg12[%add3A_410, %dma_start3A_415] : memref<79x128xi32, #tpu.memory_space<vmem>> -> memref<1x128xi32, #tpu.memory_space<vmem>>
      %dma_start3A_417 = tpu.memref_squeeze %dma_start3A_416 : memref<1x128xi32, #tpu.memory_space<vmem>> -> memref<128xi32, #tpu.memory_space<vmem>>
      %dma_start3A_418 = arith.constant 0 : i32
      %dma_start3A_419 = arith.constant 0 : i32
      %dma_start3A_420 = tpu.memref_slice %arg10[%dma_start3A_418, %dma_start3A_419] : memref<10112x32xf32, #tpu.memory_space<vmem_shared>> -> memref<10112x32xf32, #tpu.memory_space<vmem_shared>>
      tpu.enqueue_indirect_dma source(%dma_start3A_414 : memref<128x32xf32, #tpu.memory_space<vmem>>) target(%dma_start3A_420 : memref<10112x32xf32, #tpu.memory_space<vmem_shared>>) offsets(%dma_start3A_417 : memref<128xi32, #tpu.memory_space<vmem>>) semaphore(%arg21 : memref<!tpu.dma_semaphore, #tpu.memory_space<semaphore_mem>>) {add = true}
      %dma_start3A_421 = arith.constant 0 : i32
      %dma_start3A_422 = tpu.memref_slice %arg12[%add3A_410, %dma_start3A_421] : memref<79x128xi32, #tpu.memory_space<vmem>> -> memref<1x128xi32, #tpu.memory_space<vmem>>
      %dma_start3A_423 = tpu.memref_squeeze %dma_start3A_422 : memref<1x128xi32, #tpu.memory_space<vmem>> -> memref<128xi32, #tpu.memory_space<vmem>>
      %dma_start3A_424 = arith.constant 0 : i32
      %dma_start3A_425 = arith.constant 0 : i32
      %dma_start3A_426 = tpu.memref_slice %arg22[%dma_start3A_424, %dma_start3A_425] : memref<10112x16xf32, #tpu.memory_space<vmem_shared>> -> memref<10112x16xf32, #tpu.memory_space<vmem_shared>>
      tpu.enqueue_indirect_dma source(%arg23 : memref<128x16xf32, #tpu.memory_space<vmem>>) target(%dma_start3A_426 : memref<10112x16xf32, #tpu.memory_space<vmem_shared>>) offsets(%dma_start3A_423 : memref<128xi32, #tpu.memory_space<vmem>>) semaphore(%arg27 : memref<!tpu.dma_semaphore, #tpu.memory_space<semaphore_mem>>) {add = true}
    }
    %scan3A_55 = arith.constant 19 : i32
    %dma_start3A_56 = arith.constant 76 : i32
    %dma_start3A_57 = arith.constant 0 : i32
    %dma_start3A_58 = arith.constant 0 : i32
    %dma_start3A_59 = arith.constant 0 : i32
    %dma_start3A_60 = tpu.memref_slice %arg13[%dma_start3A_57, %dma_start3A_58, %dma_start3A_59] : memref<4x128x32xf32, #tpu.memory_space<vmem>> -> memref<1x128x32xf32, #tpu.memory_space<vmem>>
    %dma_start3A_61 = tpu.memref_squeeze %dma_start3A_60 : memref<1x128x32xf32, #tpu.memory_space<vmem>> -> memref<128x32xf32, #tpu.memory_space<vmem>>
    %dma_start3A_62 = arith.constant 0 : i32
    %dma_start3A_63 = tpu.memref_slice %arg11[%dma_start3A_56, %dma_start3A_62] : memref<79x128xi32, #tpu.memory_space<vmem>> -> memref<1x128xi32, #tpu.memory_space<vmem>>
    %dma_start3A_64 = tpu.memref_squeeze %dma_start3A_63 : memref<1x128xi32, #tpu.memory_space<vmem>> -> memref<128xi32, #tpu.memory_space<vmem>>
    %dma_start3A_65 = arith.constant 0 : i32
    %dma_start3A_66 = arith.constant 0 : i32
    %dma_start3A_67 = tpu.memref_slice %arg9[%dma_start3A_65, %dma_start3A_66] : memref<10112x32xf32, #tpu.memory_space<vmem_shared>> -> memref<10112x32xf32, #tpu.memory_space<vmem_shared>>
    tpu.enqueue_indirect_dma source(%dma_start3A_67 : memref<10112x32xf32, #tpu.memory_space<vmem_shared>>) target(%dma_start3A_61 : memref<128x32xf32, #tpu.memory_space<vmem>>) offsets(%dma_start3A_64 : memref<128xi32, #tpu.memory_space<vmem>>) semaphore(%arg14 : memref<!tpu.dma_semaphore, #tpu.memory_space<semaphore_mem>>)
    %dma_start3A_68 = arith.constant 77 : i32
    %dma_start3A_69 = arith.constant 1 : i32
    %dma_start3A_70 = arith.constant 0 : i32
    %dma_start3A_71 = arith.constant 0 : i32
    %dma_start3A_72 = tpu.memref_slice %arg13[%dma_start3A_69, %dma_start3A_70, %dma_start3A_71] : memref<4x128x32xf32, #tpu.memory_space<vmem>> -> memref<1x128x32xf32, #tpu.memory_space<vmem>>
    %dma_start3A_73 = tpu.memref_squeeze %dma_start3A_72 : memref<1x128x32xf32, #tpu.memory_space<vmem>> -> memref<128x32xf32, #tpu.memory_space<vmem>>
    %dma_start3A_74 = arith.constant 0 : i32
    %dma_start3A_75 = tpu.memref_slice %arg11[%dma_start3A_68, %dma_start3A_74] : memref<79x128xi32, #tpu.memory_space<vmem>> -> memref<1x128xi32, #tpu.memory_space<vmem>>
    %dma_start3A_76 = tpu.memref_squeeze %dma_start3A_75 : memref<1x128xi32, #tpu.memory_space<vmem>> -> memref<128xi32, #tpu.memory_space<vmem>>
    %dma_start3A_77 = arith.constant 0 : i32
    %dma_start3A_78 = arith.constant 0 : i32
    %dma_start3A_79 = tpu.memref_slice %arg9[%dma_start3A_77, %dma_start3A_78] : memref<10112x32xf32, #tpu.memory_space<vmem_shared>> -> memref<10112x32xf32, #tpu.memory_space<vmem_shared>>
    tpu.enqueue_indirect_dma source(%dma_start3A_79 : memref<10112x32xf32, #tpu.memory_space<vmem_shared>>) target(%dma_start3A_73 : memref<128x32xf32, #tpu.memory_space<vmem>>) offsets(%dma_start3A_76 : memref<128xi32, #tpu.memory_space<vmem>>) semaphore(%arg15 : memref<!tpu.dma_semaphore, #tpu.memory_space<semaphore_mem>>)
    %dma_wait3A = arith.constant 76 : i32
    %dma_wait3A_80 = arith.constant 0 : i32
    %dma_wait3A_81 = arith.constant 0 : i32
    %dma_wait3A_82 = arith.constant 0 : i32
    %dma_wait3A_83 = tpu.memref_slice %arg13[%dma_wait3A_80, %dma_wait3A_81, %dma_wait3A_82] : memref<4x128x32xf32, #tpu.memory_space<vmem>> -> memref<1x128x32xf32, #tpu.memory_space<vmem>>
    %dma_wait3A_84 = tpu.memref_squeeze %dma_wait3A_83 : memref<1x128x32xf32, #tpu.memory_space<vmem>> -> memref<128x32xf32, #tpu.memory_space<vmem>>
    %dma_wait3A_85 = arith.constant 0 : i32
    %dma_wait3A_86 = tpu.memref_slice %arg11[%dma_wait3A, %dma_wait3A_85] : memref<79x128xi32, #tpu.memory_space<vmem>> -> memref<1x128xi32, #tpu.memory_space<vmem>>
    %dma_wait3A_87 = tpu.memref_squeeze %dma_wait3A_86 : memref<1x128xi32, #tpu.memory_space<vmem>> -> memref<128xi32, #tpu.memory_space<vmem>>
    %dma_wait3A_88 = arith.constant 0 : i32
    %dma_wait3A_89 = arith.constant 0 : i32
    %dma_wait3A_90 = tpu.memref_slice %arg9[%dma_wait3A_88, %dma_wait3A_89] : memref<10112x32xf32, #tpu.memory_space<vmem_shared>> -> memref<10112x32xf32, #tpu.memory_space<vmem_shared>>
    tpu.wait_indirect_dma semaphore(%arg14 : memref<!tpu.dma_semaphore, #tpu.memory_space<semaphore_mem>>) src(%dma_wait3A_90 : memref<10112x32xf32, #tpu.memory_space<vmem_shared>>) dst(%dma_wait3A_84 : memref<128x32xf32, #tpu.memory_space<vmem>>)
    %dma_wait3A_91 = arith.constant 0 : i32
    %dma_wait3A_92 = arith.constant 74 : i32
    %dma_wait3A_93 = arith.constant 0 : i32
    %dma_wait3A_94 = arith.constant 0 : i32
    %dma_wait3A_95 = tpu.memref_slice %arg13[%dma_wait3A_91, %dma_wait3A_93, %dma_wait3A_94] : memref<4x128x32xf32, #tpu.memory_space<vmem>> -> memref<1x128x32xf32, #tpu.memory_space<vmem>>
    %dma_wait3A_96 = tpu.memref_squeeze %dma_wait3A_95 : memref<1x128x32xf32, #tpu.memory_space<vmem>> -> memref<128x32xf32, #tpu.memory_space<vmem>>
    %dma_wait3A_97 = arith.constant 0 : i32
    %dma_wait3A_98 = tpu.memref_slice %arg12[%dma_wait3A_92, %dma_wait3A_97] : memref<79x128xi32, #tpu.memory_space<vmem>> -> memref<1x128xi32, #tpu.memory_space<vmem>>
    %dma_wait3A_99 = tpu.memref_squeeze %dma_wait3A_98 : memref<1x128xi32, #tpu.memory_space<vmem>> -> memref<128xi32, #tpu.memory_space<vmem>>
    %dma_wait3A_100 = arith.constant 0 : i32
    %dma_wait3A_101 = arith.constant 0 : i32
    %dma_wait3A_102 = tpu.memref_slice %arg10[%dma_wait3A_100, %dma_wait3A_101] : memref<10112x32xf32, #tpu.memory_space<vmem_shared>> -> memref<10112x32xf32, #tpu.memory_space<vmem_shared>>
    tpu.wait_indirect_dma semaphore(%arg20 : memref<!tpu.dma_semaphore, #tpu.memory_space<semaphore_mem>>) src(%dma_wait3A_96 : memref<128x32xf32, #tpu.memory_space<vmem>>) dst(%dma_wait3A_102 : memref<10112x32xf32, #tpu.memory_space<vmem_shared>>)
    %dma_wait3A_103 = arith.constant 74 : i32
    %dma_wait3A_104 = arith.constant 0 : i32
    %dma_wait3A_105 = tpu.memref_slice %arg12[%dma_wait3A_103, %dma_wait3A_104] : memref<79x128xi32, #tpu.memory_space<vmem>> -> memref<1x128xi32, #tpu.memory_space<vmem>>
    %dma_wait3A_106 = tpu.memref_squeeze %dma_wait3A_105 : memref<1x128xi32, #tpu.memory_space<vmem>> -> memref<128xi32, #tpu.memory_space<vmem>>
    %dma_wait3A_107 = arith.constant 0 : i32
    %dma_wait3A_108 = arith.constant 0 : i32
    %dma_wait3A_109 = tpu.memref_slice %arg22[%dma_wait3A_107, %dma_wait3A_108] : memref<10112x16xf32, #tpu.memory_space<vmem_shared>> -> memref<10112x16xf32, #tpu.memory_space<vmem_shared>>
    tpu.wait_indirect_dma semaphore(%arg26 : memref<!tpu.dma_semaphore, #tpu.memory_space<semaphore_mem>>) src(%arg23 : memref<128x16xf32, #tpu.memory_space<vmem>>) dst(%dma_wait3A_109 : memref<10112x16xf32, #tpu.memory_space<vmem_shared>>)
    %dma_start3A_110 = arith.constant 0 : i32
    %dma_start3A_111 = arith.constant 76 : i32
    %dma_start3A_112 = arith.constant 0 : i32
    %dma_start3A_113 = arith.constant 0 : i32
    %dma_start3A_114 = tpu.memref_slice %arg13[%dma_start3A_110, %dma_start3A_112, %dma_start3A_113] : memref<4x128x32xf32, #tpu.memory_space<vmem>> -> memref<1x128x32xf32, #tpu.memory_space<vmem>>
    %dma_start3A_115 = tpu.memref_squeeze %dma_start3A_114 : memref<1x128x32xf32, #tpu.memory_space<vmem>> -> memref<128x32xf32, #tpu.memory_space<vmem>>
    %dma_start3A_116 = arith.constant 0 : i32
    %dma_start3A_117 = tpu.memref_slice %arg12[%dma_start3A_111, %dma_start3A_116] : memref<79x128xi32, #tpu.memory_space<vmem>> -> memref<1x128xi32, #tpu.memory_space<vmem>>
    %dma_start3A_118 = tpu.memref_squeeze %dma_start3A_117 : memref<1x128xi32, #tpu.memory_space<vmem>> -> memref<128xi32, #tpu.memory_space<vmem>>
    %dma_start3A_119 = arith.constant 0 : i32
    %dma_start3A_120 = arith.constant 0 : i32
    %dma_start3A_121 = tpu.memref_slice %arg10[%dma_start3A_119, %dma_start3A_120] : memref<10112x32xf32, #tpu.memory_space<vmem_shared>> -> memref<10112x32xf32, #tpu.memory_space<vmem_shared>>
    tpu.enqueue_indirect_dma source(%dma_start3A_115 : memref<128x32xf32, #tpu.memory_space<vmem>>) target(%dma_start3A_121 : memref<10112x32xf32, #tpu.memory_space<vmem_shared>>) offsets(%dma_start3A_118 : memref<128xi32, #tpu.memory_space<vmem>>) semaphore(%arg18 : memref<!tpu.dma_semaphore, #tpu.memory_space<semaphore_mem>>) {add = true}
    %dma_start3A_122 = arith.constant 76 : i32
    %dma_start3A_123 = arith.constant 0 : i32
    %dma_start3A_124 = tpu.memref_slice %arg12[%dma_start3A_122, %dma_start3A_123] : memref<79x128xi32, #tpu.memory_space<vmem>> -> memref<1x128xi32, #tpu.memory_space<vmem>>
    %dma_start3A_125 = tpu.memref_squeeze %dma_start3A_124 : memref<1x128xi32, #tpu.memory_space<vmem>> -> memref<128xi32, #tpu.memory_space<vmem>>
    %dma_start3A_126 = arith.constant 0 : i32
    %dma_start3A_127 = arith.constant 0 : i32
    %dma_start3A_128 = tpu.memref_slice %arg22[%dma_start3A_126, %dma_start3A_127] : memref<10112x16xf32, #tpu.memory_space<vmem_shared>> -> memref<10112x16xf32, #tpu.memory_space<vmem_shared>>
    tpu.enqueue_indirect_dma source(%arg23 : memref<128x16xf32, #tpu.memory_space<vmem>>) target(%dma_start3A_128 : memref<10112x16xf32, #tpu.memory_space<vmem_shared>>) offsets(%dma_start3A_125 : memref<128xi32, #tpu.memory_space<vmem>>) semaphore(%arg24 : memref<!tpu.dma_semaphore, #tpu.memory_space<semaphore_mem>>) {add = true}
    %dma_wait3A_129 = arith.constant 77 : i32
    %dma_wait3A_130 = arith.constant 1 : i32
    %dma_wait3A_131 = arith.constant 0 : i32
    %dma_wait3A_132 = arith.constant 0 : i32
    %dma_wait3A_133 = tpu.memref_slice %arg13[%dma_wait3A_130, %dma_wait3A_131, %dma_wait3A_132] : memref<4x128x32xf32, #tpu.memory_space<vmem>> -> memref<1x128x32xf32, #tpu.memory_space<vmem>>
    %dma_wait3A_134 = tpu.memref_squeeze %dma_wait3A_133 : memref<1x128x32xf32, #tpu.memory_space<vmem>> -> memref<128x32xf32, #tpu.memory_space<vmem>>
    %dma_wait3A_135 = arith.constant 0 : i32
    %dma_wait3A_136 = tpu.memref_slice %arg11[%dma_wait3A_129, %dma_wait3A_135] : memref<79x128xi32, #tpu.memory_space<vmem>> -> memref<1x128xi32, #tpu.memory_space<vmem>>
    %dma_wait3A_137 = tpu.memref_squeeze %dma_wait3A_136 : memref<1x128xi32, #tpu.memory_space<vmem>> -> memref<128xi32, #tpu.memory_space<vmem>>
    %dma_wait3A_138 = arith.constant 0 : i32
    %dma_wait3A_139 = arith.constant 0 : i32
    %dma_wait3A_140 = tpu.memref_slice %arg9[%dma_wait3A_138, %dma_wait3A_139] : memref<10112x32xf32, #tpu.memory_space<vmem_shared>> -> memref<10112x32xf32, #tpu.memory_space<vmem_shared>>
    tpu.wait_indirect_dma semaphore(%arg15 : memref<!tpu.dma_semaphore, #tpu.memory_space<semaphore_mem>>) src(%dma_wait3A_140 : memref<10112x32xf32, #tpu.memory_space<vmem_shared>>) dst(%dma_wait3A_134 : memref<128x32xf32, #tpu.memory_space<vmem>>)
    %dma_wait3A_141 = arith.constant 0 : i32
    %dma_wait3A_142 = arith.constant 75 : i32
    %dma_wait3A_143 = arith.constant 0 : i32
    %dma_wait3A_144 = arith.constant 0 : i32
    %dma_wait3A_145 = tpu.memref_slice %arg13[%dma_wait3A_141, %dma_wait3A_143, %dma_wait3A_144] : memref<4x128x32xf32, #tpu.memory_space<vmem>> -> memref<1x128x32xf32, #tpu.memory_space<vmem>>
    %dma_wait3A_146 = tpu.memref_squeeze %dma_wait3A_145 : memref<1x128x32xf32, #tpu.memory_space<vmem>> -> memref<128x32xf32, #tpu.memory_space<vmem>>
    %dma_wait3A_147 = arith.constant 0 : i32
    %dma_wait3A_148 = tpu.memref_slice %arg12[%dma_wait3A_142, %dma_wait3A_147] : memref<79x128xi32, #tpu.memory_space<vmem>> -> memref<1x128xi32, #tpu.memory_space<vmem>>
    %dma_wait3A_149 = tpu.memref_squeeze %dma_wait3A_148 : memref<1x128xi32, #tpu.memory_space<vmem>> -> memref<128xi32, #tpu.memory_space<vmem>>
    %dma_wait3A_150 = arith.constant 0 : i32
    %dma_wait3A_151 = arith.constant 0 : i32
    %dma_wait3A_152 = tpu.memref_slice %arg10[%dma_wait3A_150, %dma_wait3A_151] : memref<10112x32xf32, #tpu.memory_space<vmem_shared>> -> memref<10112x32xf32, #tpu.memory_space<vmem_shared>>
    tpu.wait_indirect_dma semaphore(%arg21 : memref<!tpu.dma_semaphore, #tpu.memory_space<semaphore_mem>>) src(%dma_wait3A_146 : memref<128x32xf32, #tpu.memory_space<vmem>>) dst(%dma_wait3A_152 : memref<10112x32xf32, #tpu.memory_space<vmem_shared>>)
    %dma_wait3A_153 = arith.constant 75 : i32
    %dma_wait3A_154 = arith.constant 0 : i32
    %dma_wait3A_155 = tpu.memref_slice %arg12[%dma_wait3A_153, %dma_wait3A_154] : memref<79x128xi32, #tpu.memory_space<vmem>> -> memref<1x128xi32, #tpu.memory_space<vmem>>
    %dma_wait3A_156 = tpu.memref_squeeze %dma_wait3A_155 : memref<1x128xi32, #tpu.memory_space<vmem>> -> memref<128xi32, #tpu.memory_space<vmem>>
    %dma_wait3A_157 = arith.constant 0 : i32
    %dma_wait3A_158 = arith.constant 0 : i32
    %dma_wait3A_159 = tpu.memref_slice %arg22[%dma_wait3A_157, %dma_wait3A_158] : memref<10112x16xf32, #tpu.memory_space<vmem_shared>> -> memref<10112x16xf32, #tpu.memory_space<vmem_shared>>
    tpu.wait_indirect_dma semaphore(%arg27 : memref<!tpu.dma_semaphore, #tpu.memory_space<semaphore_mem>>) src(%arg23 : memref<128x16xf32, #tpu.memory_space<vmem>>) dst(%dma_wait3A_159 : memref<10112x16xf32, #tpu.memory_space<vmem_shared>>)
    %dma_start3A_160 = arith.constant 1 : i32
    %dma_start3A_161 = arith.constant 77 : i32
    %dma_start3A_162 = arith.constant 0 : i32
    %dma_start3A_163 = arith.constant 0 : i32
    %dma_start3A_164 = tpu.memref_slice %arg13[%dma_start3A_160, %dma_start3A_162, %dma_start3A_163] : memref<4x128x32xf32, #tpu.memory_space<vmem>> -> memref<1x128x32xf32, #tpu.memory_space<vmem>>
    %dma_start3A_165 = tpu.memref_squeeze %dma_start3A_164 : memref<1x128x32xf32, #tpu.memory_space<vmem>> -> memref<128x32xf32, #tpu.memory_space<vmem>>
    %dma_start3A_166 = arith.constant 0 : i32
    %dma_start3A_167 = tpu.memref_slice %arg12[%dma_start3A_161, %dma_start3A_166] : memref<79x128xi32, #tpu.memory_space<vmem>> -> memref<1x128xi32, #tpu.memory_space<vmem>>
    %dma_start3A_168 = tpu.memref_squeeze %dma_start3A_167 : memref<1x128xi32, #tpu.memory_space<vmem>> -> memref<128xi32, #tpu.memory_space<vmem>>
    %dma_start3A_169 = arith.constant 0 : i32
    %dma_start3A_170 = arith.constant 0 : i32
    %dma_start3A_171 = tpu.memref_slice %arg10[%dma_start3A_169, %dma_start3A_170] : memref<10112x32xf32, #tpu.memory_space<vmem_shared>> -> memref<10112x32xf32, #tpu.memory_space<vmem_shared>>
    tpu.enqueue_indirect_dma source(%dma_start3A_165 : memref<128x32xf32, #tpu.memory_space<vmem>>) target(%dma_start3A_171 : memref<10112x32xf32, #tpu.memory_space<vmem_shared>>) offsets(%dma_start3A_168 : memref<128xi32, #tpu.memory_space<vmem>>) semaphore(%arg19 : memref<!tpu.dma_semaphore, #tpu.memory_space<semaphore_mem>>) {add = true}
    %dma_start3A_172 = arith.constant 77 : i32
    %dma_start3A_173 = arith.constant 0 : i32
    %dma_start3A_174 = tpu.memref_slice %arg12[%dma_start3A_172, %dma_start3A_173] : memref<79x128xi32, #tpu.memory_space<vmem>> -> memref<1x128xi32, #tpu.memory_space<vmem>>
    %dma_start3A_175 = tpu.memref_squeeze %dma_start3A_174 : memref<1x128xi32, #tpu.memory_space<vmem>> -> memref<128xi32, #tpu.memory_space<vmem>>
    %dma_start3A_176 = arith.constant 0 : i32
    %dma_start3A_177 = arith.constant 0 : i32
    %dma_start3A_178 = tpu.memref_slice %arg22[%dma_start3A_176, %dma_start3A_177] : memref<10112x16xf32, #tpu.memory_space<vmem_shared>> -> memref<10112x16xf32, #tpu.memory_space<vmem_shared>>
    tpu.enqueue_indirect_dma source(%arg23 : memref<128x16xf32, #tpu.memory_space<vmem>>) target(%dma_start3A_178 : memref<10112x16xf32, #tpu.memory_space<vmem_shared>>) offsets(%dma_start3A_175 : memref<128xi32, #tpu.memory_space<vmem>>) semaphore(%arg25 : memref<!tpu.dma_semaphore, #tpu.memory_space<semaphore_mem>>) {add = true}
    %convert_element_type3A = arith.extui %and3A : i1 to i32
    %cond3A = arith.constant 2 : i32
    %cond3A_179 = arith.constant 0 : i32
    %cond3A_180 = arith.cmpi ne, %convert_element_type3A, %cond3A_179 : i32
    scf.if %cond3A_180 {
      %dma_start3A_232 = arith.constant 78 : i32
      %dma_start3A_233 = arith.constant 0 : i32
      %dma_start3A_234 = arith.constant 0 : i32
      %dma_start3A_235 = tpu.memref_slice %arg13[%cond3A, %dma_start3A_233, %dma_start3A_234] : memref<4x128x32xf32, #tpu.memory_space<vmem>> -> memref<1x128x32xf32, #tpu.memory_space<vmem>>
      %dma_start3A_236 = tpu.memref_squeeze %dma_start3A_235 : memref<1x128x32xf32, #tpu.memory_space<vmem>> -> memref<128x32xf32, #tpu.memory_space<vmem>>
      %dma_start3A_237 = arith.constant 0 : i32
      %dma_start3A_238 = tpu.memref_slice %arg11[%dma_start3A_232, %dma_start3A_237] : memref<79x128xi32, #tpu.memory_space<vmem>> -> memref<1x128xi32, #tpu.memory_space<vmem>>
      %dma_start3A_239 = tpu.memref_squeeze %dma_start3A_238 : memref<1x128xi32, #tpu.memory_space<vmem>> -> memref<128xi32, #tpu.memory_space<vmem>>
      %dma_start3A_240 = arith.constant 0 : i32
      %dma_start3A_241 = arith.constant 0 : i32
      %dma_start3A_242 = tpu.memref_slice %arg9[%dma_start3A_240, %dma_start3A_241] : memref<10112x32xf32, #tpu.memory_space<vmem_shared>> -> memref<10112x32xf32, #tpu.memory_space<vmem_shared>>
      tpu.enqueue_indirect_dma source(%dma_start3A_242 : memref<10112x32xf32, #tpu.memory_space<vmem_shared>>) target(%dma_start3A_236 : memref<128x32xf32, #tpu.memory_space<vmem>>) offsets(%dma_start3A_239 : memref<128xi32, #tpu.memory_space<vmem>>) semaphore(%arg16 : memref<!tpu.dma_semaphore, #tpu.memory_space<semaphore_mem>>)
      %dma_wait3A_243 = arith.constant 78 : i32
      %dma_wait3A_244 = arith.constant 0 : i32
      %dma_wait3A_245 = arith.constant 0 : i32
      %dma_wait3A_246 = tpu.memref_slice %arg13[%cond3A, %dma_wait3A_244, %dma_wait3A_245] : memref<4x128x32xf32, #tpu.memory_space<vmem>> -> memref<1x128x32xf32, #tpu.memory_space<vmem>>
      %dma_wait3A_247 = tpu.memref_squeeze %dma_wait3A_246 : memref<1x128x32xf32, #tpu.memory_space<vmem>> -> memref<128x32xf32, #tpu.memory_space<vmem>>
      %dma_wait3A_248 = arith.constant 0 : i32
      %dma_wait3A_249 = tpu.memref_slice %arg11[%dma_wait3A_243, %dma_wait3A_248] : memref<79x128xi32, #tpu.memory_space<vmem>> -> memref<1x128xi32, #tpu.memory_space<vmem>>
      %dma_wait3A_250 = tpu.memref_squeeze %dma_wait3A_249 : memref<1x128xi32, #tpu.memory_space<vmem>> -> memref<128xi32, #tpu.memory_space<vmem>>
      %dma_wait3A_251 = arith.constant 0 : i32
      %dma_wait3A_252 = arith.constant 0 : i32
      %dma_wait3A_253 = tpu.memref_slice %arg9[%dma_wait3A_251, %dma_wait3A_252] : memref<10112x32xf32, #tpu.memory_space<vmem_shared>> -> memref<10112x32xf32, #tpu.memory_space<vmem_shared>>
      tpu.wait_indirect_dma semaphore(%arg16 : memref<!tpu.dma_semaphore, #tpu.memory_space<semaphore_mem>>) src(%dma_wait3A_253 : memref<10112x32xf32, #tpu.memory_space<vmem_shared>>) dst(%dma_wait3A_247 : memref<128x32xf32, #tpu.memory_space<vmem>>)
      %dma_start3A_254 = arith.constant 78 : i32
      %dma_start3A_255 = arith.constant 0 : i32
      %dma_start3A_256 = arith.constant 0 : i32
      %dma_start3A_257 = tpu.memref_slice %arg13[%cond3A, %dma_start3A_255, %dma_start3A_256] : memref<4x128x32xf32, #tpu.memory_space<vmem>> -> memref<1x128x32xf32, #tpu.memory_space<vmem>>
      %dma_start3A_258 = tpu.memref_squeeze %dma_start3A_257 : memref<1x128x32xf32, #tpu.memory_space<vmem>> -> memref<128x32xf32, #tpu.memory_space<vmem>>
      %dma_start3A_259 = arith.constant 0 : i32
      %dma_start3A_260 = tpu.memref_slice %arg12[%dma_start3A_254, %dma_start3A_259] : memref<79x128xi32, #tpu.memory_space<vmem>> -> memref<1x128xi32, #tpu.memory_space<vmem>>
      %dma_start3A_261 = tpu.memref_squeeze %dma_start3A_260 : memref<1x128xi32, #tpu.memory_space<vmem>> -> memref<128xi32, #tpu.memory_space<vmem>>
      %dma_start3A_262 = arith.constant 0 : i32
      %dma_start3A_263 = arith.constant 0 : i32
      %dma_start3A_264 = tpu.memref_slice %arg10[%dma_start3A_262, %dma_start3A_263] : memref<10112x32xf32, #tpu.memory_space<vmem_shared>> -> memref<10112x32xf32, #tpu.memory_space<vmem_shared>>
      tpu.enqueue_indirect_dma source(%dma_start3A_258 : memref<128x32xf32, #tpu.memory_space<vmem>>) target(%dma_start3A_264 : memref<10112x32xf32, #tpu.memory_space<vmem_shared>>) offsets(%dma_start3A_261 : memref<128xi32, #tpu.memory_space<vmem>>) semaphore(%arg20 : memref<!tpu.dma_semaphore, #tpu.memory_space<semaphore_mem>>) {add = true}
      %dma_start3A_265 = arith.constant 78 : i32
      %dma_start3A_266 = arith.constant 0 : i32
      %dma_start3A_267 = tpu.memref_slice %arg12[%dma_start3A_265, %dma_start3A_266] : memref<79x128xi32, #tpu.memory_space<vmem>> -> memref<1x128xi32, #tpu.memory_space<vmem>>
      %dma_start3A_268 = tpu.memref_squeeze %dma_start3A_267 : memref<1x128xi32, #tpu.memory_space<vmem>> -> memref<128xi32, #tpu.memory_space<vmem>>
      %dma_start3A_269 = arith.constant 0 : i32
      %dma_start3A_270 = arith.constant 0 : i32
      %dma_start3A_271 = tpu.memref_slice %arg22[%dma_start3A_269, %dma_start3A_270] : memref<10112x16xf32, #tpu.memory_space<vmem_shared>> -> memref<10112x16xf32, #tpu.memory_space<vmem_shared>>
      tpu.enqueue_indirect_dma source(%arg23 : memref<128x16xf32, #tpu.memory_space<vmem>>) target(%dma_start3A_271 : memref<10112x16xf32, #tpu.memory_space<vmem_shared>>) offsets(%dma_start3A_268 : memref<128xi32, #tpu.memory_space<vmem>>) semaphore(%arg26 : memref<!tpu.dma_semaphore, #tpu.memory_space<semaphore_mem>>) {add = true}
    } else {
    }
    %dma_wait3A_181 = arith.constant 0 : i32
    %dma_wait3A_182 = arith.constant 76 : i32
    %dma_wait3A_183 = arith.constant 0 : i32
    %dma_wait3A_184 = arith.constant 0 : i32
    %dma_wait3A_185 = tpu.memref_slice %arg13[%dma_wait3A_181, %dma_wait3A_183, %dma_wait3A_184] : memref<4x128x32xf32, #tpu.memory_space<vmem>> -> memref<1x128x32xf32, #tpu.memory_space<vmem>>
    %dma_wait3A_186 = tpu.memref_squeeze %dma_wait3A_185 : memref<1x128x32xf32, #tpu.memory_space<vmem>> -> memref<128x32xf32, #tpu.memory_space<vmem>>
    %dma_wait3A_187 = arith.constant 0 : i32
    %dma_wait3A_188 = tpu.memref_slice %arg12[%dma_wait3A_182, %dma_wait3A_187] : memref<79x128xi32, #tpu.memory_space<vmem>> -> memref<1x128xi32, #tpu.memory_space<vmem>>
    %dma_wait3A_189 = tpu.memref_squeeze %dma_wait3A_188 : memref<1x128xi32, #tpu.memory_space<vmem>> -> memref<128xi32, #tpu.memory_space<vmem>>
    %dma_wait3A_190 = arith.constant 0 : i32
    %dma_wait3A_191 = arith.constant 0 : i32
    %dma_wait3A_192 = tpu.memref_slice %arg10[%dma_wait3A_190, %dma_wait3A_191] : memref<10112x32xf32, #tpu.memory_space<vmem_shared>> -> memref<10112x32xf32, #tpu.memory_space<vmem_shared>>
    tpu.wait_indirect_dma semaphore(%arg18 : memref<!tpu.dma_semaphore, #tpu.memory_space<semaphore_mem>>) src(%dma_wait3A_186 : memref<128x32xf32, #tpu.memory_space<vmem>>) dst(%dma_wait3A_192 : memref<10112x32xf32, #tpu.memory_space<vmem_shared>>)
    %dma_wait3A_193 = arith.constant 76 : i32
    %dma_wait3A_194 = arith.constant 0 : i32
    %dma_wait3A_195 = tpu.memref_slice %arg12[%dma_wait3A_193, %dma_wait3A_194] : memref<79x128xi32, #tpu.memory_space<vmem>> -> memref<1x128xi32, #tpu.memory_space<vmem>>
    %dma_wait3A_196 = tpu.memref_squeeze %dma_wait3A_195 : memref<1x128xi32, #tpu.memory_space<vmem>> -> memref<128xi32, #tpu.memory_space<vmem>>
    %dma_wait3A_197 = arith.constant 0 : i32
    %dma_wait3A_198 = arith.constant 0 : i32
    %dma_wait3A_199 = tpu.memref_slice %arg22[%dma_wait3A_197, %dma_wait3A_198] : memref<10112x16xf32, #tpu.memory_space<vmem_shared>> -> memref<10112x16xf32, #tpu.memory_space<vmem_shared>>
    tpu.wait_indirect_dma semaphore(%arg24 : memref<!tpu.dma_semaphore, #tpu.memory_space<semaphore_mem>>) src(%arg23 : memref<128x16xf32, #tpu.memory_space<vmem>>) dst(%dma_wait3A_199 : memref<10112x16xf32, #tpu.memory_space<vmem_shared>>)
    %dma_wait3A_200 = arith.constant 0 : i32
    %dma_wait3A_201 = arith.constant 77 : i32
    %dma_wait3A_202 = arith.constant 0 : i32
    %dma_wait3A_203 = arith.constant 0 : i32
    %dma_wait3A_204 = tpu.memref_slice %arg13[%dma_wait3A_200, %dma_wait3A_202, %dma_wait3A_203] : memref<4x128x32xf32, #tpu.memory_space<vmem>> -> memref<1x128x32xf32, #tpu.memory_space<vmem>>
    %dma_wait3A_205 = tpu.memref_squeeze %dma_wait3A_204 : memref<1x128x32xf32, #tpu.memory_space<vmem>> -> memref<128x32xf32, #tpu.memory_space<vmem>>
    %dma_wait3A_206 = arith.constant 0 : i32
    %dma_wait3A_207 = tpu.memref_slice %arg12[%dma_wait3A_201, %dma_wait3A_206] : memref<79x128xi32, #tpu.memory_space<vmem>> -> memref<1x128xi32, #tpu.memory_space<vmem>>
    %dma_wait3A_208 = tpu.memref_squeeze %dma_wait3A_207 : memref<1x128xi32, #tpu.memory_space<vmem>> -> memref<128xi32, #tpu.memory_space<vmem>>
    %dma_wait3A_209 = arith.constant 0 : i32
    %dma_wait3A_210 = arith.constant 0 : i32
    %dma_wait3A_211 = tpu.memref_slice %arg10[%dma_wait3A_209, %dma_wait3A_210] : memref<10112x32xf32, #tpu.memory_space<vmem_shared>> -> memref<10112x32xf32, #tpu.memory_space<vmem_shared>>
    tpu.wait_indirect_dma semaphore(%arg19 : memref<!tpu.dma_semaphore, #tpu.memory_space<semaphore_mem>>) src(%dma_wait3A_205 : memref<128x32xf32, #tpu.memory_space<vmem>>) dst(%dma_wait3A_211 : memref<10112x32xf32, #tpu.memory_space<vmem_shared>>)
    %dma_wait3A_212 = arith.constant 77 : i32
    %dma_wait3A_213 = arith.constant 0 : i32
    %dma_wait3A_214 = tpu.memref_slice %arg12[%dma_wait3A_212, %dma_wait3A_213] : memref<79x128xi32, #tpu.memory_space<vmem>> -> memref<1x128xi32, #tpu.memory_space<vmem>>
    %dma_wait3A_215 = tpu.memref_squeeze %dma_wait3A_214 : memref<1x128xi32, #tpu.memory_space<vmem>> -> memref<128xi32, #tpu.memory_space<vmem>>
    %dma_wait3A_216 = arith.constant 0 : i32
    %dma_wait3A_217 = arith.constant 0 : i32
    %dma_wait3A_218 = tpu.memref_slice %arg22[%dma_wait3A_216, %dma_wait3A_217] : memref<10112x16xf32, #tpu.memory_space<vmem_shared>> -> memref<10112x16xf32, #tpu.memory_space<vmem_shared>>
    tpu.wait_indirect_dma semaphore(%arg25 : memref<!tpu.dma_semaphore, #tpu.memory_space<semaphore_mem>>) src(%arg23 : memref<128x16xf32, #tpu.memory_space<vmem>>) dst(%dma_wait3A_218 : memref<10112x16xf32, #tpu.memory_space<vmem_shared>>)
    %convert_element_type3A_219 = arith.extui %and3A : i1 to i32
    %cond3A_220 = arith.constant 0 : i32
    %cond3A_221 = arith.constant 0 : i32
    %cond3A_222 = arith.cmpi ne, %convert_element_type3A_219, %cond3A_221 : i32
    scf.if %cond3A_222 {
      %dma_wait3A_232 = arith.constant 78 : i32
      %dma_wait3A_233 = arith.constant 0 : i32
      %dma_wait3A_234 = arith.constant 0 : i32
      %dma_wait3A_235 = tpu.memref_slice %arg13[%cond3A_220, %dma_wait3A_233, %dma_wait3A_234] : memref<4x128x32xf32, #tpu.memory_space<vmem>> -> memref<1x128x32xf32, #tpu.memory_space<vmem>>
      %dma_wait3A_236 = tpu.memref_squeeze %dma_wait3A_235 : memref<1x128x32xf32, #tpu.memory_space<vmem>> -> memref<128x32xf32, #tpu.memory_space<vmem>>
      %dma_wait3A_237 = arith.constant 0 : i32
      %dma_wait3A_238 = tpu.memref_slice %arg12[%dma_wait3A_232, %dma_wait3A_237] : memref<79x128xi32, #tpu.memory_space<vmem>> -> memref<1x128xi32, #tpu.memory_space<vmem>>
      %dma_wait3A_239 = tpu.memref_squeeze %dma_wait3A_238 : memref<1x128xi32, #tpu.memory_space<vmem>> -> memref<128xi32, #tpu.memory_space<vmem>>
      %dma_wait3A_240 = arith.constant 0 : i32
      %dma_wait3A_241 = arith.constant 0 : i32
      %dma_wait3A_242 = tpu.memref_slice %arg10[%dma_wait3A_240, %dma_wait3A_241] : memref<10112x32xf32, #tpu.memory_space<vmem_shared>> -> memref<10112x32xf32, #tpu.memory_space<vmem_shared>>
      tpu.wait_indirect_dma semaphore(%arg20 : memref<!tpu.dma_semaphore, #tpu.memory_space<semaphore_mem>>) src(%dma_wait3A_236 : memref<128x32xf32, #tpu.memory_space<vmem>>) dst(%dma_wait3A_242 : memref<10112x32xf32, #tpu.memory_space<vmem_shared>>)
      %dma_wait3A_243 = arith.constant 78 : i32
      %dma_wait3A_244 = arith.constant 0 : i32
      %dma_wait3A_245 = tpu.memref_slice %arg12[%dma_wait3A_243, %dma_wait3A_244] : memref<79x128xi32, #tpu.memory_space<vmem>> -> memref<1x128xi32, #tpu.memory_space<vmem>>
      %dma_wait3A_246 = tpu.memref_squeeze %dma_wait3A_245 : memref<1x128xi32, #tpu.memory_space<vmem>> -> memref<128xi32, #tpu.memory_space<vmem>>
      %dma_wait3A_247 = arith.constant 0 : i32
      %dma_wait3A_248 = arith.constant 0 : i32
      %dma_wait3A_249 = tpu.memref_slice %arg22[%dma_wait3A_247, %dma_wait3A_248] : memref<10112x16xf32, #tpu.memory_space<vmem_shared>> -> memref<10112x16xf32, #tpu.memory_space<vmem_shared>>
      tpu.wait_indirect_dma semaphore(%arg26 : memref<!tpu.dma_semaphore, #tpu.memory_space<semaphore_mem>>) src(%arg23 : memref<128x16xf32, #tpu.memory_space<vmem>>) dst(%dma_wait3A_249 : memref<10112x16xf32, #tpu.memory_space<vmem_shared>>)
    } else {
    }
    %barrier3A_223 = arith.constant 0 : index
    tpu.barrier barrier_id(%barrier3A_223)
    %mul3A_224 = arith.constant 632 : i32
    %mul3A_225 = arith.muli %arg1, %mul3A_224 : i32
    %mul3A_226 = arith.constant 632 : i32
    %mul3A_227 = arith.muli %arg1, %mul3A_226 : i32
    "tpu.region"() ({
      %run_scoped3A_232 = tpu.sem_alloc : memref<!tpu.dma_semaphore, #tpu.memory_space<semaphore_mem>>
      %dma_start3A_233 = arith.constant 0 : i32
      %dma_start3A_234 = tpu.memref_slice %arg7[%arg0, %mul3A_227, %dma_start3A_233] : memref<2x10112x32xf32, #tpu.memory_space<hbm>> -> memref<1x632x32xf32, #tpu.memory_space<hbm>>
      %dma_start3A_235 = tpu.memref_squeeze %dma_start3A_234 : memref<1x632x32xf32, #tpu.memory_space<hbm>> -> memref<632x32xf32, #tpu.memory_space<hbm>>
      %dma_start3A_236 = arith.constant 0 : i32
      %dma_start3A_237 = tpu.memref_slice %arg10[%mul3A_225, %dma_start3A_236] : memref<10112x32xf32, #tpu.memory_space<vmem_shared>> -> memref<632x32xf32, #tpu.memory_space<vmem_shared>>
      tpu.enqueue_dma source(%dma_start3A_237 : memref<632x32xf32, #tpu.memory_space<vmem_shared>>) target(%dma_start3A_235 : memref<632x32xf32, #tpu.memory_space<hbm>>) target_semaphore(%run_scoped3A_232 : memref<!tpu.dma_semaphore, #tpu.memory_space<semaphore_mem>>)
      %dma_wait3A_238 = arith.constant 0 : i32
      %dma_wait3A_239 = tpu.memref_slice %arg7[%arg0, %mul3A_227, %dma_wait3A_238] : memref<2x10112x32xf32, #tpu.memory_space<hbm>> -> memref<1x632x32xf32, #tpu.memory_space<hbm>>
      %dma_wait3A_240 = tpu.memref_squeeze %dma_wait3A_239 : memref<1x632x32xf32, #tpu.memory_space<hbm>> -> memref<632x32xf32, #tpu.memory_space<hbm>>
      %dma_wait3A_241 = arith.constant 0 : i32
      %dma_wait3A_242 = tpu.memref_slice %arg10[%mul3A_225, %dma_wait3A_241] : memref<10112x32xf32, #tpu.memory_space<vmem_shared>> -> memref<632x32xf32, #tpu.memory_space<vmem_shared>>
      tpu.wait_dma2 semaphore(%run_scoped3A_232 : memref<!tpu.dma_semaphore, #tpu.memory_space<semaphore_mem>>) src(%dma_wait3A_242 : memref<632x32xf32, #tpu.memory_space<vmem_shared>>) dst(%dma_wait3A_240 : memref<632x32xf32, #tpu.memory_space<hbm>>)
      tpu.yield
    }) : () -> ()
    %mul3A_228 = arith.constant 632 : i32
    %mul3A_229 = arith.muli %arg1, %mul3A_228 : i32
    %mul3A_230 = arith.constant 632 : i32
    %mul3A_231 = arith.muli %arg1, %mul3A_230 : i32
    "tpu.region"() ({
      %run_scoped3A_232 = tpu.sem_alloc : memref<!tpu.dma_semaphore, #tpu.memory_space<semaphore_mem>>
      %dma_start3A_233 = arith.constant 0 : i32
      %dma_start3A_234 = tpu.memref_slice %arg8[%arg0, %mul3A_231, %dma_start3A_233] : memref<2x10112x16xf32, #tpu.memory_space<hbm>> -> memref<1x632x16xf32, #tpu.memory_space<hbm>>
      %dma_start3A_235 = tpu.memref_squeeze %dma_start3A_234 : memref<1x632x16xf32, #tpu.memory_space<hbm>> -> memref<632x16xf32, #tpu.memory_space<hbm>>
      %dma_start3A_236 = arith.constant 0 : i32
      %dma_start3A_237 = tpu.memref_slice %arg22[%mul3A_229, %dma_start3A_236] : memref<10112x16xf32, #tpu.memory_space<vmem_shared>> -> memref<632x16xf32, #tpu.memory_space<vmem_shared>>
      tpu.enqueue_dma source(%dma_start3A_237 : memref<632x16xf32, #tpu.memory_space<vmem_shared>>) target(%dma_start3A_235 : memref<632x16xf32, #tpu.memory_space<hbm>>) target_semaphore(%run_scoped3A_232 : memref<!tpu.dma_semaphore, #tpu.memory_space<semaphore_mem>>)
      %dma_wait3A_238 = arith.constant 0 : i32
      %dma_wait3A_239 = tpu.memref_slice %arg8[%arg0, %mul3A_231, %dma_wait3A_238] : memref<2x10112x16xf32, #tpu.memory_space<hbm>> -> memref<1x632x16xf32, #tpu.memory_space<hbm>>
      %dma_wait3A_240 = tpu.memref_squeeze %dma_wait3A_239 : memref<1x632x16xf32, #tpu.memory_space<hbm>> -> memref<632x16xf32, #tpu.memory_space<hbm>>
      %dma_wait3A_241 = arith.constant 0 : i32
      %dma_wait3A_242 = tpu.memref_slice %arg22[%mul3A_229, %dma_wait3A_241] : memref<10112x16xf32, #tpu.memory_space<vmem_shared>> -> memref<632x16xf32, #tpu.memory_space<vmem_shared>>
      tpu.wait_dma2 semaphore(%run_scoped3A_232 : memref<!tpu.dma_semaphore, #tpu.memory_space<semaphore_mem>>) src(%dma_wait3A_242 : memref<632x16xf32, #tpu.memory_space<vmem_shared>>) dst(%dma_wait3A_240 : memref<632x16xf32, #tpu.memory_space<hbm>>)
      tpu.yield
    }) : () -> ()
    return
  }
}

module attributes {stable_mosaic.version = 14 : i64} {
  func.func @_tc1_body(%arg0: i32, %arg1: memref<2528x128xf32, #tpu.memory_space<vmem>>, %arg2: memref<128x64xf32, #tpu.memory_space<vmem>>, %arg3: memref<2528x64xf32, #tpu.memory_space<vmem>>) attributes {dimension_semantics = [#tpu.dimension_semantics<arbitrary>], iteration_bounds = array<i64: 4>, scalar_prefetch = 0 : i64, scratch_operands = 0 : i64, tpu.core_type = #tpu.core_type<tc>, window_params = [{transform_indices = @transform_0, window_bounds = array<i64: 2528, 128>}, {pipeline_mode = #tpu.pipeline_mode<synchronous>, transform_indices = @transform_1, window_bounds = array<i64: 128, 64>}, {transform_indices = @transform_2, window_bounds = array<i64: 2528, 64>}]} {
    %mul3A = arith.constant 2528 : i32
    %mul3A_0 = arith.muli %arg0, %mul3A : i32
    %iota3A = tpu.iota {dimensions = array<i32: 0>} : vector<2528x1xi32>
    %add3A = vector.broadcast %mul3A_0 : i32 to vector<2528x1xi32>
    %add3A_1 = arith.addi %add3A, %iota3A : vector<2528x1xi32>
    %lt3A = arith.constant 10000 : i32
    %lt3A_2 = vector.broadcast %lt3A : i32 to vector<2528x1xi32>
    %lt3A_3 = arith.cmpi slt, %add3A_1, %lt3A_2 : vector<2528x1xi32>
    %get3A = arith.constant 0 : index
    %get3A_4 = arith.constant 0 : index
    %get3A_5 = vector.load %arg1[%get3A, %get3A_4] : memref<2528x128xf32, #tpu.memory_space<vmem>>, vector<2528x128xf32>
    %get3A_6 = arith.constant 0 : index
    %get3A_7 = arith.constant 0 : index
    %get3A_8 = vector.load %arg2[%get3A_6, %get3A_7] : memref<128x64xf32, #tpu.memory_space<vmem>>, vector<128x64xf32>
    %dot_general3A = arith.constant dense<0.000000e+00> : vector<2528x64xf32>
    %dot_general3A_9 = tpu.matmul %get3A_5, %get3A_8, %dot_general3A {dimension_numbers = #tpu.dot_dimension_numbers<[1], [0], [0], [1], [0, 0, 1, 1], [], []>, transpose_lhs_hint = false} : vector<2528x128xf32>, vector<128x64xf32>, vector<2528x64xf32> -> vector<2528x64xf32>
    %jit3A = arith.constant 0.000000e+00 : f32
    %broadcast_in_dim3A = vector.shape_cast %lt3A_3 : vector<2528x1xi1> to vector<2528x1xi1>
    %broadcast_in_dim3A_10 = vector.broadcast %broadcast_in_dim3A : vector<2528x1xi1> to vector<2528x64xi1>
    %broadcast_in_dim3A_11 = vector.broadcast %jit3A : f32 to vector<2528x64xf32>
    %select_n3A = arith.select %broadcast_in_dim3A_10, %dot_general3A_9, %broadcast_in_dim3A_11 : vector<2528x64xi1>, vector<2528x64xf32>
    %swap3A = arith.constant 0 : index
    %swap3A_12 = arith.constant 0 : index
    %swap3A_13 = vector.load %arg3[%swap3A, %swap3A_12] : memref<2528x64xf32, #tpu.memory_space<vmem>>, vector<2528x64xf32>
    tpu.vector_store %arg3[%swap3A, %swap3A_12], %select_n3A {strides = array<i32>} : memref<2528x64xf32, #tpu.memory_space<vmem>>, vector<2528x64xf32>,
    return
  }
  func.func @transform_0(%arg0: i32) -> (i32, i32) {
    %c0_i32 = arith.constant 0 : i32
    %c0_i32_0 = arith.constant 0 : i32
    return %arg0, %c0_i32 : i32, i32
  }
  func.func @transform_1(%arg0: i32) -> (i32, i32) {
    %c0_i32 = arith.constant 0 : i32
    %c0_i32_0 = arith.constant 0 : i32
    %c0_i32_1 = arith.constant 0 : i32
    return %c0_i32, %c0_i32_0 : i32, i32
  }
  func.func @transform_2(%arg0: i32) -> (i32, i32) {
    %c0_i32 = arith.constant 0 : i32
    %c0_i32_0 = arith.constant 0 : i32
    return %arg0, %c0_i32 : i32, i32
  }
}

module attributes {stable_mosaic.version = 14 : i64} {
  func.func @_tc3_body(%arg0: i32, %arg1: memref<2x2528x32xf32, #tpu.memory_space<vmem>>, %arg2: memref<2528x32xf32, #tpu.memory_space<vmem>>, %arg3: memref<32x128xf32, #tpu.memory_space<vmem>>, %arg4: memref<32x128xf32, #tpu.memory_space<vmem>>, %arg5: memref<1x128xf32, #tpu.memory_space<vmem>>, %arg6: memref<2528x128xf32, #tpu.memory_space<vmem>>) attributes {dimension_semantics = [#tpu.dimension_semantics<arbitrary>], iteration_bounds = array<i64: 4>, scalar_prefetch = 0 : i64, scratch_operands = 0 : i64, tpu.core_type = #tpu.core_type<tc>, window_params = [{transform_indices = @transform_0, window_bounds = array<i64: 2, 2528, 32>}, {transform_indices = @transform_1, window_bounds = array<i64: 2528, 32>}, {pipeline_mode = #tpu.pipeline_mode<synchronous>, transform_indices = @transform_2, window_bounds = array<i64: 32, 128>}, {pipeline_mode = #tpu.pipeline_mode<synchronous>, transform_indices = @transform_3, window_bounds = array<i64: 32, 128>}, {pipeline_mode = #tpu.pipeline_mode<synchronous>, transform_indices = @transform_4, window_bounds = array<i64: 1, 128>}, {transform_indices = @transform_5, window_bounds = array<i64: 2528, 128>}]} {
    %get3A = arith.constant 0 : index
    %get3A_0 = arith.constant 0 : index
    %get3A_1 = arith.constant 0 : index
    %get3A_2 = vector.load %arg1[%get3A, %get3A_0, %get3A_1] : memref<2x2528x32xf32, #tpu.memory_space<vmem>>, vector<1x2528x32xf32>
    %get3A_3 = vector.shape_cast %get3A_2 : vector<1x2528x32xf32> to vector<2528x32xf32>
    %get3A_4 = arith.constant 1 : index
    %get3A_5 = arith.constant 0 : index
    %get3A_6 = arith.constant 0 : index
    %get3A_7 = vector.load %arg1[%get3A_4, %get3A_5, %get3A_6] : memref<2x2528x32xf32, #tpu.memory_space<vmem>>, vector<1x2528x32xf32>
    %get3A_8 = vector.shape_cast %get3A_7 : vector<1x2528x32xf32> to vector<2528x32xf32>
    %add3A = arith.addf %get3A_3, %get3A_8 : vector<2528x32xf32>
    %get3A_9 = arith.constant 0 : index
    %get3A_10 = arith.constant 0 : index
    %get3A_11 = vector.load %arg3[%get3A_9, %get3A_10] : memref<32x128xf32, #tpu.memory_space<vmem>>, vector<32x128xf32>
    %dot_general3A = arith.constant dense<0.000000e+00> : vector<2528x128xf32>
    %dot_general3A_12 = tpu.matmul %add3A, %get3A_11, %dot_general3A {dimension_numbers = #tpu.dot_dimension_numbers<[1], [0], [0], [1], [0, 0, 1, 1], [], []>, transpose_lhs_hint = false} : vector<2528x32xf32>, vector<32x128xf32>, vector<2528x128xf32> -> vector<2528x128xf32>
    %get3A_13 = arith.constant 0 : index
    %get3A_14 = arith.constant 0 : index
    %get3A_15 = vector.load %arg2[%get3A_13, %get3A_14] : memref<2528x32xf32, #tpu.memory_space<vmem>>, vector<2528x32xf32>
    %get3A_16 = arith.constant 0 : index
    %get3A_17 = arith.constant 0 : index
    %get3A_18 = vector.load %arg4[%get3A_16, %get3A_17] : memref<32x128xf32, #tpu.memory_space<vmem>>, vector<32x128xf32>
    %dot_general3A_19 = arith.constant dense<0.000000e+00> : vector<2528x128xf32>
    %dot_general3A_20 = tpu.matmul %get3A_15, %get3A_18, %dot_general3A_19 {dimension_numbers = #tpu.dot_dimension_numbers<[1], [0], [0], [1], [0, 0, 1, 1], [], []>, transpose_lhs_hint = false} : vector<2528x32xf32>, vector<32x128xf32>, vector<2528x128xf32> -> vector<2528x128xf32>
    %add3A_21 = arith.addf %dot_general3A_12, %dot_general3A_20 : vector<2528x128xf32>
    %get3A_22 = arith.constant 0 : index
    %get3A_23 = arith.constant 0 : index
    %get3A_24 = vector.load %arg5[%get3A_22, %get3A_23] : memref<1x128xf32, #tpu.memory_space<vmem>>, vector<1x128xf32>
    %add3A_25 = vector.broadcast %get3A_24 : vector<1x128xf32> to vector<2528x128xf32>
    %add3A_26 = arith.addf %add3A_21, %add3A_25 : vector<2528x128xf32>
    %swap3A = arith.constant 0 : index
    %swap3A_27 = arith.constant 0 : index
    %swap3A_28 = vector.load %arg6[%swap3A, %swap3A_27] : memref<2528x128xf32, #tpu.memory_space<vmem>>, vector<2528x128xf32>
    tpu.vector_store %arg6[%swap3A, %swap3A_27], %add3A_26 {strides = array<i32>} : memref<2528x128xf32, #tpu.memory_space<vmem>>, vector<2528x128xf32>,
    return
  }
  func.func @transform_0(%arg0: i32) -> (i32, i32, i32) {
    %c0_i32 = arith.constant 0 : i32
    %c0_i32_0 = arith.constant 0 : i32
    %c0_i32_1 = arith.constant 0 : i32
    return %c0_i32, %arg0, %c0_i32_0 : i32, i32, i32
  }
  func.func @transform_1(%arg0: i32) -> (i32, i32) {
    %c0_i32 = arith.constant 0 : i32
    %c0_i32_0 = arith.constant 0 : i32
    return %arg0, %c0_i32 : i32, i32
  }
  func.func @transform_2(%arg0: i32) -> (i32, i32) {
    %c0_i32 = arith.constant 0 : i32
    %c0_i32_0 = arith.constant 0 : i32
    %c0_i32_1 = arith.constant 0 : i32
    return %c0_i32, %c0_i32_0 : i32, i32
  }
  func.func @transform_3(%arg0: i32) -> (i32, i32) {
    %c0_i32 = arith.constant 0 : i32
    %c0_i32_0 = arith.constant 0 : i32
    %c0_i32_1 = arith.constant 0 : i32
    return %c0_i32, %c0_i32_0 : i32, i32
  }
  func.func @transform_4(%arg0: i32) -> (i32, i32) {
    %c0_i32 = arith.constant 0 : i32
    %c0_i32_0 = arith.constant 0 : i32
    %c0_i32_1 = arith.constant 0 : i32
    return %c0_i32, %c0_i32_0 : i32, i32
  }
  func.func @transform_5(%arg0: i32) -> (i32, i32) {
    %c0_i32 = arith.constant 0 : i32
    %c0_i32_0 = arith.constant 0 : i32
    return %arg0, %c0_i32 : i32, i32
  }
}

</mosaic_0001>

<sc_bundles>
// kernel: kernel.6.cloned.1.call-start
scs
__scs_entry_jumppad:
0x0: {  	(pc) =	sbr.rel $0x88, $3  }
0x1: {  	(tag) =	ssettag $0x0;
	lr =	simm.s32 $0x1  }
0x2: {  	[smem:$0x3F99] =	sst lr;
	_ =	strace $0xD0000000  }
0x3: {  	_ = 	snop  }
0x4: {  	_ = 	snop  }
0x5: {  	_ = 	snop  }
0x6: {  	_ = 	snop  }
0x7: {  	_ = 	snop  }
__scs_overlays_trampoline_lowered:
0x8: {  	[smem:$0x3FA8] =	sst s0  }
0x9: {  	[smem:$0x3FA9] =	sst s1  }
0xa: {  	[smem:$0x3FAA] =	sst s2  }
0xb: {  	[smem:$0x3FAB] =	sst s3  }
0xc: {  	[smem:$0x3FAC] =	sst s4  }
0xd: {  	[smem:$0x3FAD] =	sst s5  }
0xe: {  	[smem:$0x3FAE] =	sst s6  }
0xf: {  	[smem:$0x3FAF] =	sst s7  }
0x10: {  	[smem:$0x3FB0] =	sst s8  }
0x11: {  	[smem:$0x3FB1] =	sst s9;
	s0 =	simm.s32 @!p0 $0x0  }
0x12: {  	s1 =	sld [smem:$0x3F97];
	s0 =	simm.s32 @p0 $0x1  }
0x13: {  	[smem:$0x3FB2] =	sst s0;
	s0 =	simm.s32 @!p1 $0x0  }
0x14: {  	s2 =	sld [smem:$0x3F96];
	s0 =	simm.s32 @p1 $0x1  }
0x15: {  	[smem:$0x3FB3] =	sst s0;
	s0 =	simm.s32 @!p2 $0x0  }
0x16: {  	s3 =	sld [smem:$0x3FDB];
	s0 =	simm.s32 @p2 $0x1  }
0x17: {  	s4 =	simm.s32 $0x1BF5;
	[smem:$0x3FB5] =	sst s0  }
0x18: {  	s0 =	sld [smem:$0x3F98];
	_ =	swait.ge [sflag:s4], $0x0  }
0x19: {  	s7 =	sld [smem:$0x3F99]  }
0x1a: {  	s8 =	sadd.s32 $0xFFFFE003, lr  }
0x1b: {  	s9 =	sadd.s32 $0xFFFFFEF7, lr;
	s5 =	simm.s32 $0xFFFFFFFF;
	p2 =	slt.u32 s8, $0xFFFFF086  }
0x1c: {  	p1 =	slt.u32 s9, $0xF7A;
	s5 =	simm.s32 @!p2 $0x0  }
0x1d: {  	s5 =	simm.s32 @p1 $0x1;
	p0 =	seq.s32 s7, s2  }
0x1e: {  	s7 =	smul.u32 @!p0 $0xF7A, s2;
	p2 =	seq.s32 @!p0 s5, $0x0  }
0x1f: {  	s9 =	smul.u32 $0xF7A, s1;
	s8 =	simm.s32 @!p0 $0x1BF5;
	p2 =	por !p2, p0  }
0x20: {  	[sflag:s8] =	ssyncset.s32 @!p0 $0xFFFFF086;
	s6 =	sadd.s32 @!p0 s3, s7;
	s7 =	simm.s32 @!p0 $0x108  }
0x21: {  	s3 =	sadd.s32 s3, s9;
	s6 =	sadd.s32 @!p0 $0x88, s6;
	s7 =	simm.s32 @p2 $0x1082  }
0x22: {  	[simem:s7], [sflag:s8] =	dma.local @!p0 [hbm:s6], $0xF7A  }
0x23: {  	s9 =	sor.u32 $0xD0000000, s2;
	s6 =	simm.s32 $0x108;
	_ =	swait.ge @!p0 [sflag:s8], $0x0  }
0x24: {  	s3 =	sadd.s32 $0x88, s3;
	s6 =	simm.s32 @!p1 $0x1082;
	[sflag:s4] =	ssyncset.s32 $0xFFFFF086  }
0x25: {  	[simem:s6], [sflag:s4] =	dma.local [hbm:s3], $0xF7A  }
0x26: {  	[smem:$0x3F99] =	sst s1;
	(tag) =	ssettag s2;
	_ =	strace s9  }
0x27: {  	s1 =	sld [smem:$0x3FA9]  }
0x28: {  	s2 =	sld [smem:$0x3FAA]  }
0x29: {  	s4 =	sld [smem:$0x3FAC]  }
0x2a: {  	p0 =	seq.s32 s5, $0x0;
	s5 =	sld [smem:$0x3FAD]  }
0x2b: {  	s6 =	sld [smem:$0x3FAE]  }
0x2c: {  	s7 =	sld [smem:$0x3FAF]  }
0x2d: {  	s3 =	simm.s32 $0x108;
	s8 =	sld [smem:$0x3FB0]  }
0x2e: {  	s3 =	simm.s32 @!p0 $0x1082;
	s9 =	sld [smem:$0x3FB1]  }
0x2f: {  	lr =	sadd.s32 s0, s3;
	s0 =	sld [smem:$0x3FA8]  }
0x30: {  	s3 =	sld [smem:$0x3FAB]  }
0x31: {  	[smem:$0x3FB4] =	sst s10  }
0x32: {  	s10 =	sld [smem:$0x3FB2];
	_ =	sdelay $0x3  }
0x33: {  	p0 =	seq.s32 s10, $0x1;
	s10 =	sld [smem:$0x3FB4];
	_ =	sdelay $0x3  }
0x34: {  	[smem:$0x3FB4] =	sst s10  }
0x35: {  	s10 =	sld [smem:$0x3FB3];
	_ =	sdelay $0x3  }
0x36: {  	p1 =	seq.s32 s10, $0x1;
	s10 =	sld [smem:$0x3FB4];
	_ =	sdelay $0x3  }
0x37: {  	[smem:$0x3FB4] =	sst s10  }
0x38: {  	s10 =	sld [smem:$0x3FB5]  }
0x39: {  	_ = 	snop;
	(pc) =	sbr.ind lr, $3  }
0x3a: {  	_ = 	snop  }
0x3b: {  	_ = 	snop  }
0x3c: {  	p2 =	seq.s32 s10, $0x1;
	s10 =	sld [smem:$0x3FB4]  }
0x3d: {  	_ =	shalt  }
0x3e: {  	_ =	shalt  }
0x3f: {  	_ =	shalt  }
0x40: {  	_ =	shalt  }
0x41: {  	_ =	shalt  }
0x42: {  	_ =	shalt  }
0x43: {  	_ =	shalt  }
0x44: {  	_ =	shalt  }
0x45: {  	_ =	shalt  }
0x46: {  	_ =	shalt  }
0x47: {  	_ =	shalt  }
0x48: {  	_ =	shalt  }
0x49: {  	_ =	shalt  }
0x4a: {  	_ =	shalt  }
0x4b: {  	_ =	shalt  }
0x4c: {  	_ =	shalt  }
0x4d: {  	_ =	shalt  }
0x4e: {  	_ =	shalt  }
0x4f: {  	_ =	shalt  }
0x50: {  	_ =	shalt  }
0x51: {  	_ =	shalt  }
0x52: {  	_ =	shalt  }
0x53: {  	_ =	shalt  }
0x54: {  	_ =	shalt  }
0x55: {  	_ =	shalt  }
0x56: {  	_ =	shalt  }
0x57: {  	_ =	shalt  }
0x58: {  	_ =	shalt  }
0x59: {  	_ =	shalt  }
0x5a: {  	_ =	shalt  }
0x5b: {  	_ =	shalt  }
0x5c: {  	_ =	shalt  }
0x5d: {  	_ =	shalt  }
0x5e: {  	_ =	shalt  }
0x5f: {  	_ =	shalt  }
0x60: {  	_ =	shalt  }
0x61: {  	_ =	shalt  }
0x62: {  	_ =	shalt  }
0x63: {  	_ =	shalt  }
0x64: {  	_ =	shalt  }
0x65: {  	_ =	shalt  }
0x66: {  	_ =	shalt  }
0x67: {  	_ =	shalt  }
0x68: {  	_ =	shalt  }
0x69: {  	_ =	shalt  }
0x6a: {  	_ =	shalt  }
0x6b: {  	_ =	shalt  }
0x6c: {  	_ =	shalt  }
0x6d: {  	_ =	shalt  }
0x6e: {  	_ =	shalt  }
0x6f: {  	_ =	shalt  }
0x70: {  	_ =	shalt  }
0x71: {  	_ =	shalt  }
0x72: {  	_ =	shalt  }
0x73: {  	_ =	shalt  }
0x74: {  	_ =	shalt  }
0x75: {  	_ =	shalt  }
0x76: {  	_ =	shalt  }
0x77: {  	_ =	shalt  }
0x78: {  	_ =	shalt  }
0x79: {  	_ =	shalt  }
0x7a: {  	_ =	shalt  }
0x7b: {  	_ =	shalt  }
0x7c: {  	_ =	shalt  }
0x7d: {  	_ =	shalt  }
0x7e: {  	_ =	shalt  }
0x7f: {  	_ =	shalt  }
0x80: {  	_ =	shalt  }
0x81: {  	_ =	shalt  }
0x82: {  	_ =	shalt  }
0x83: {  	_ =	shalt  }
0x84: {  	_ =	shalt  }
0x85: {  	_ =	shalt  }
0x86: {  	_ =	shalt  }
0x87: {  	_ =	shalt  }
.Lfunc_end0:
.L_simem_size_0:
called_computation_lowered:
.L_overlay_start_0:
0x88: {  	s2 =	sld [smem:$0x3FD9]  }
0x89: {  	s3 =	sld [smem:$0x3FFE];
	_ =	sdelay $0x1  }
0x8a: {  	s1 =	srdreg.scid  }
0x8b: {  	s0 =	sand.u32 $0x1, s1  }
0x8c: {  	s17 =	sshll.u32 s0, $0xA;
	s2 =	sadd.s32 s3, s2  }
0x8d: {  	s2 =	sadd.s32 s2, s17  }
0x8e: {  	[smem:$0x3FC0] =	sst s2  }
0x8f: {  	_ = 	snop  }
0x90: {  	s2 =	sld [smem:$0x3FD0];
	(tm) =	ssettm $0x1  }
0x91: {  	s18 =	sld [smem:$0x3FFB];
	_ =	sdelay $0x3  }
0x92: {  	_ =	strace s18  }
0x93: {  	s3 =	sld [smem:$0x3FFC];
	_ =	sdelay $0x3  }
0x94: {  	_ =	strace s3  }
0x95: {  	s3 =	sld [smem:$0x3FFD];
	_ =	sdelay $0x3  }
0x96: {  	_ =	strace s3  }
0x97: {  	_ =	strace $0x8FFFFFFF  }
0x98: {  	s19 =	sld [smem:$0x3FDB];
	_ =	sdelay $0x1  }
0x99: {  	s4 =	simm.s32 $_scs_section_size  }
0x9a: {  	s5 =	simm.s32 $_size__tile_overlayer_lowered;
	s6 =	simm.s32 $_tile_overlayer_lowered  }
0x9b: {  	s22 =	simm.s32 $0x1BFF;
	s21 =	sshll.u32 s6, $0x1;
	s3 =	sadd.s32 s4, s19  }
0x9c: {  	s7 =	simm.s32 $0x0;
	s20 =	sshll.u32 s5, $0x1;
	s5 =	sadd.s32 s21, s3  }
0x9d: {  	[timem:s7], [sflag:s22] =	dma.local [hbm:s5], s20  }
0x9e: {  	_ =	swait.ge [sflag:s22], s20  }
0x9f: {  	s4 =	ssub.s32 $0x0, s20;
	[sflag:s22] =	ssyncset.done $0x0  }
0xa0: {  	[sflag:s22] =	ssyncadd.s32 s4;
	_ =	sdelay $0x1  }
0xa1: {  	s23 =	simm.s32 $0x1B8B  }
0xa2: {  	_ =	swait.ge [sflag:s23], $0x1  }
0xa3: {  	[sflag:s23] =	ssyncset.done $0x0  }
0xa4: {  	s25 =	simm.s32 $0x1B8E;
	s24 =	sld [smem:$0x3FFE];
	[sflag:s23] =	ssyncadd.s32 $0xFFFFFFFF  }
0xa5: {  	s26 =	simm.s32 $execute0_lowered;
	[smem:$0x3FD2] =	sst s25  }
0xa6: {  	s5 =	sshll.u32 s26, $0x1;
	_ =	strace $0x80000046;
	[dreg:$0x1] =	wrdreg $0xFFFFFFFF  }
0xa7: {  	s28 =	simm.s32 $_size_execute0_lowered;
	s3 =	sadd.s32 s3, s5;
	[dreg:$0x0] =	wrdreg $0x0  }
0xa8: {  	s5 =	sshll.u32 s28, $0x1;
	[dreg:$0x2] =	wrdreg s3  }
0xa9: {  	[dreg:$0x3] =	wrdreg s5  }
0xaa: {  	[dreg:$0x4] =	wrdreg $0xC0  }
0xab: {  	_ =	task [dreg:s7], $0x5FFFF  }
0xac: {  	[dreg:$0x1] =	wrdreg $0xFFFFFFFF  }
0xad: {  	[dreg:$0x0] =	wrdreg $0x60  }
0xae: {  	[dreg:$0x2] =	wrdreg s2  }
0xaf: {  	[dreg:$0x3] =	wrdreg s24  }
0xb0: {  	[dreg:$0x4] =	wrdreg $0x0  }
0xb1: {  	[dreg:$0x5] =	wrdreg $0x4F000  }
0xb2: {  	[dreg:$0x6] =	wrdreg $0x12D000  }
0xb3: {  	[dreg:$0x7] =	wrdreg $0x9  }
0xb4: {  	_ =	task.clear_ibuf [dreg:s7], $0x8FFFF;
	_ =	strace $0x90000046  }
0xb5: {  	s29 =	simm.s32 $0x9;
	_ =	strace $0x80000048  }
0xb6: {  	_ =	swait.ge [sflag:s29], $0x1  }
0xb7: {  	[sflag:s29] =	ssyncadd.s32 $0xFFFFFFFF  }
0xb8: {  	_ =	strace $0x90000048  }
0xb9: {  	_ =	sfence  }
0xba: {  	s30 =	sld [smem:$0x0];
	_ =	sdelay $0x2  }
0xbb: {  	s31 =	sshll.u32 s1, $0xD;
	s1 =	sshrl.u32 s1, $0x2  }
0xbc: {  	s3 =	sand.u32 $0x4000, s31;
	s1 =	sadd.s32 s1, s30  }
0xbd: {  	s0 =	sor.u32 s3, s0;
	s1 =	sshll.u32 s1, $0x11  }
0xbe: {  	s0 =	sor.u32 s1, s0  }
0xbf: {  	s0 =	sadd.s32 $0x8F2B, s0  }
0xc0: {  	[sflag:s0] =	ssyncadd.remote.s32 $0x1  }
0xc1: {  	_ =	sfence.sel $0xFFFF  }
0xc2: {  	[dreg:$0x0] =	wrdreg $0xFFFFFFFF;
	(pc) =	sbr.abs _section_cstart, $3  }
0xc3: {  	[dreg:$0x1] =	wrdreg $0xFFFFFFFF  }
0xc4: {  	_ =	task.clear_ibuf [dreg:s7], $0x2FFFF;
	_ =	strace $0x9FFFFFFF  }
0xc5: {  	(tm) =	ssettm $0x7FFFFFFF  }
tec
execute0_lowered:
.L_overlay_start_1:
0x0: {  	(tag) =	ssettag $0x1  }
0x1: {  	s0 =	rddreg [dreg:$0x0]  }
0x2: {  	s2 =	rddreg [dreg:$0x1]  }
0x3: {  	s1 =	rddreg [dreg:$0x2]  }
0x4: {  	s3 =	rddreg [dreg:$0x3]  }
0x5: {  	s4 =	rddreg [dreg:$0x4]  }
0x6: {  	s5 =	srdreg.scid;
	s15 =	stileid.u32;
	s28 =	simm.s32 $0xED00  }
0x7: {  	s30 =	simm.s32 $0xFD00;
	s31 =	simm.s32 $0x11D00;
	s7 =	smul.u32 $0x4E, s15  }
0x8: {  	s6 =	sand.u32 $0x1, s5;
	s18 =	smax.u32 s15, $0xC;
	s10 =	smul.u32 $0x4F00, s15  }
0x9: {  	s5 =	simm.s32 $0x0;
	s19 =	smul.u32 $0x2780, s15;
	s14 =	sadd.s32 $0x15400, s2  }
0xa: {  	p1 =	sgt.u32 s15, $0xB;
	s29 =	smul.u32 $0x13C0, s15;
	s15 =	sshll.u32 s15, $0x6  }
0xb: {  	s8 =	ssub.s32 $0x0, s6;
	s9 =	sadd.s32 $0x4D4, s18;
	s20 =	smul.u32 $0x4F000, s6  }
0xc: {  	[smem:$0x7FF] =	sst s5;
	s12 =	smul.u32 $0x27800, s6;
	s25 =	ssub.s32 $0x2, s6  }
0xd: {  	p0 =	seq.s32 s6, $0x1;
	s18 =	simm.s32 $0x1;
	s8 =	sand.u32 s9, s8  }
0xe: {  	s11 =	sshrl.u32 s10, $0x3;
	_ =	strace $0x80000047;
	s13 =	sshrl.u32 s19, $0x3  }
0xf: {  	[dreg:$0x6] =	wrdreg s14;
	s26 =	sshrl.u32 s25, $0x1;
	p0 =	por !p1, !p0  }
0x10: {  	s16 =	sadd.s32 s10, s1;
	s0 =	sadd.s32 s0, s29;
	s17 =	sadd.s32 s10, s3  }
0x11: {  	s9 =	sadd.s32 s19, s4;
	s14 =	simm.s32 $0x7;
	s7 =	sadd.s32 s8, s7  }
0x12: {  	s11 =	sadd.s32 s11, s2;
	s8 =	sadd.s32 s10, s20;
	s12 =	sadd.s32 s19, s12  }
0x13: {  	s13 =	sadd.s32 s13, s2;
	s6 =	ssub.s32 s25, s26;
	[dreg:$0x7] =	wrdreg s0  }
0x14: {  	p0 =	por !p0, !p0;
	[dreg:$0x9] =	wrdreg s9;
	s29 =	sshrl.u32 s16, $0x3  }
0x15: {  	s19 =	simm.s32 $0x4;
	s20 =	simm.s32 $0x8;
	s0 =	simm.s32 $0x10D00  }
0x16: {  	s9 =	simm.s32 $0x9;
	s16 =	simm.s32 $0xC;
	s7 =	sshll.u32 s7, $0x4  }
0x17: {  	s8 =	sshrl.u32 s8, $0x3;
	s12 =	sshrl.u32 s12, $0x3;
	s22 =	sadd.s32 $0x1A600, s11  }
0x18: {  	s23 =	sadd.s32 $0x15600, s13;
	s26 =	smax.u32 s6, $0x1;
	[dreg:$0x10] =	wrdreg s29  }
0x19: {  	s6 =	simm.s32 $0x3;
	s11 =	simm.s32 $0x6;
	[dreg:$0x8] =	wrdreg s22  }
0x1a: {  	s7 =	sadd.s32 s7, s2;
	s21 =	sadd.s32 s8, s2;
	[dreg:$0xa] =	wrdreg s23  }
0x1b: {  	s2 =	sadd.s32 s12, s2;
	s8 =	sor.u32 $0x1C0D, s15;
	[dreg:$0xf] =	wrdreg s26  }
0x1c: {  	s22 =	sshrl.u32 s17, $0x3;
	s23 =	simm.s32 $0x15480;
	s24 =	sadd.s32 $0x1A00, s7  }
0x1d: {  	s26 =	simm.s32 $0x80;
	s7 =	sadd.s32 $0xB640, s7;
	[dreg:$0xb] =	wrdreg s24  }
0x1e: {  	s12 =	simm.s32 $0xA;
	s25 =	sadd.s32 $0x24400, s21;
	[dreg:$0xc] =	wrdreg s7  }
0x1f: {  	s15 =	simm.s32 $0xB;
	s2 =	sadd.s32 $0x38000, s2;
	[dreg:$0xd] =	wrdreg s25  }
0x20: {  	s21 =	simm.s32 $0xD;
	[dreg:$0xe] =	wrdreg s2;
	s25 =	simm.s32 $0xC580  }
0x21: {  	s2 =	simm.s32 $0x2;
	s7 =	simm.s32 $0x5;
	s24 =	simm.s32 $0x0  }
.LBB2_1:
0x22: {  	s10 =	rddreg [dreg:$0x7]  }
0x23: {  	s13 =	rddreg [dreg:$0x10]  }
0x24: {  	[spmem:s13@s19], [sflag:s8] =	dma.strided [hbm:s10@s20], $0x9E0, s18, $0x4   }
0x25: {  	_ =	swait.ge [sflag:s21], $0x9E0  }
0x26: {  	[sflag:s21] =	ssyncset.done $0x0  }
0x27: {  	s17 =	rddreg [dreg:$0x8];
	[sflag:s21] =	ssyncadd.s32 $0xFFFFF620  }
0x28: {  	[spmem:s22], [sflag:s8] =	dma.local [hbm:s17], $0x9E0  }
0x29: {  	_ =	swait.ge [sflag:s21], $0x9E0  }
0x2a: {  	[sflag:s21] =	ssyncset.done $0x0;
	s13 =	rddreg [dreg:$0x9]  }
0x2b: {  	s17 =	rddreg [dreg:$0xa];
	[sflag:s21] =	ssyncadd.s32 $0xFFFFF620;
	s29 =	sshrl.u32 s13, $0x3  }
0x2c: {  	[spmem:s29], [sflag:s8] =	dma.local [hbm:s17], $0x4F0  }
0x2d: {  	_ =	swait.ge [sflag:s21], $0x4F0  }
0x2e: {  	[sflag:s21] =	ssyncset.done $0x0  }
0x2f: {  	s13 =	rddreg [dreg:$0x6];
	[sflag:s21] =	ssyncadd.s32 $0xFFFFFB10  }
0x30: {  	[tilespmem:s23], [sflag:$0xD] =	stream.linear.gather [hbm4b:s13+s5], $0x800, $0x38;
	[tilespmem:$0x15C80] =	vst v63  }
0x31: {  	_ =	swait.ge [sflag:s21], $0x800  }
0x32: {  	[sflag:s21] =	ssyncset.done $0x0  }
0x33: {  	s13 =	simm.s32 $0x9E00;
	s17 =	rddreg [dreg:$0xb];
	[sflag:s21] =	ssyncadd.s32 $0xFFFFF800  }
0x34: {  	[tilespmem:s13], [sflag:$0xD] =	stream.linear.gather [hbm4b:s17+s5], $0x2780, $0x38;
	[tilespmem:$0x15C80] =	vst v63  }
0x35: {  	_ =	swait.ge [sflag:s21], $0x2780  }
0x36: {  	[sflag:s21] =	ssyncset.done $0x0  }
0x37: {  	s17 =	rddreg [dreg:$0xc];
	[sflag:s21] =	ssyncadd.s32 $0xFFFFD880  }
0x38: {  	[tilespmem:s25], [sflag:$0xD] =	stream.linear.gather [hbm4b:s17+s5], $0x2780, $0x38;
	[tilespmem:$0x15C80] =	vst v63  }
0x39: {  	_ =	swait.ge [sflag:s21], $0x2780  }
0x3a: {  	[sflag:s21] =	ssyncset.done $0x0  }
0x3b: {  	[sflag:s21] =	ssyncadd.s32 $0xFFFFD880  }
0x3c: {  	[bflag:$0x0] =	sbarrier.arrive $0xFFFF  }
0x3d: {  	[tilespmem:s28], [sflag:$0x1] =	stream.indirect.gather [spmem:s1], $0x20, s13, s26, $0xb8;
	[tilespmem:$0x15C80] =	vst v63  }
0x3e: {  	s17 =	simm.s32 $0x9E80  }
0x3f: {  	[tilespmem:s30], [sflag:$0x2] =	stream.indirect.gather [spmem:s1], $0x20, s17, s26, $0xb8;
	[tilespmem:$0x15C80] =	vst v63  }
0x40: {  	_ =	swait.ge [sflag:s18], $0x1000  }
0x41: {  	[sflag:s18] =	ssyncset.done $0x0  }
0x42: {  	s13 =	simm.s32 $0x9F00;
	[sflag:s18] =	ssyncadd.s32 $0xFFFFF000  }
0x43: {  	[tilespmem:s0], [sflag:$0x3] =	stream.indirect.gather [spmem:s1], $0x20, s13, s26, $0xb8;
	[tilespmem:$0x15C80] =	vst v63  }
0x44: {  	_ = 	snop  }
0x45: {  	[spmem:s3] =	stream.indirect.scatter.add.f32 [tilespmem:s28], [sflag:$0x5], $0x20, s25, s26, $0xb8;
	[tilespmem:$0x15C80] =	vst v63  }
0x46: {  	_ = 	snop  }
0x47: {  	[spmem:s4] =	stream.indirect.scatter.add.f32 [tilespmem:s23], [sflag:$0x9], $0x10, s25, s26, $0xb8;
	[tilespmem:$0x15C80] =	vst v63  }
0x48: {  	_ =	swait.ge [sflag:s2], $0x1000  }
0x49: {  	[sflag:s2] =	ssyncset.done $0x0  }
0x4a: {  	s17 =	simm.s32 $0x9F80;
	[sflag:s2] =	ssyncadd.s32 $0xFFFFF000  }
0x4b: {  	[tilespmem:s31], [sflag:$0x4] =	stream.indirect.gather [spmem:s1], $0x20, s17, s26, $0xb8;
	[tilespmem:$0x15C80] =	vst v63  }
0x4c: {  	s13 =	simm.s32 $0xC600  }
0x4d: {  	[spmem:s3] =	stream.indirect.scatter.add.f32 [tilespmem:s30], [sflag:$0x6], $0x20, s13, s26, $0xb8;
	[tilespmem:$0x15C80] =	vst v63  }
0x4e: {  	_ = 	snop  }
0x4f: {  	[spmem:s4] =	stream.indirect.scatter.add.f32 [tilespmem:s23], [sflag:$0xA], $0x10, s13, s26, $0xb8;
	[tilespmem:$0x15C80] =	vst v63  }
0x50: {  	_ =	swait.ge [sflag:s6], $0x1000  }
0x51: {  	[sflag:s6] =	ssyncset.done $0x0  }
0x52: {  	[sflag:s6] =	ssyncadd.s32 $0xFFFFF000  }
0x53: {  	_ =	swait.ge [sflag:s7], $0x1000  }
0x54: {  	[sflag:s7] =	ssyncset.done $0x0  }
0x55: {  	[sflag:s7] =	ssyncadd.s32 $0xFFFFF000  }
0x56: {  	_ =	swait.ge [sflag:s9], $0x800  }
0x57: {  	[sflag:s9] =	ssyncset.done $0x0  }
0x58: {  	s17 =	simm.s32 $0xA000;
	[sflag:s9] =	ssyncadd.s32 $0xFFFFF800  }
0x59: {  	[tilespmem:s28], [sflag:$0x1] =	stream.indirect.gather [spmem:s1], $0x20, s17, s26, $0xb8;
	[tilespmem:$0x15C80] =	vst v63  }
0x5a: {  	s13 =	simm.s32 $0xC680  }
0x5b: {  	[spmem:s3] =	stream.indirect.scatter.add.f32 [tilespmem:s0], [sflag:$0x7], $0x20, s13, s26, $0xb8;
	[tilespmem:$0x15C80] =	vst v63  }
0x5c: {  	_ = 	snop  }
0x5d: {  	[spmem:s4] =	stream.indirect.scatter.add.f32 [tilespmem:s23], [sflag:$0xB], $0x10, s13, s26, $0xb8;
	[tilespmem:$0x15C80] =	vst v63  }
0x5e: {  	_ =	swait.ge [sflag:s19], $0x1000  }
0x5f: {  	[sflag:s19] =	ssyncset.done $0x0  }
0x60: {  	[sflag:s19] =	ssyncadd.s32 $0xFFFFF000  }
0x61: {  	_ =	swait.ge [sflag:s11], $0x1000  }
0x62: {  	[sflag:s11] =	ssyncset.done $0x0  }
0x63: {  	[sflag:s11] =	ssyncadd.s32 $0xFFFFF000  }
0x64: {  	_ =	swait.ge [sflag:s12], $0x800  }
0x65: {  	[sflag:s12] =	ssyncset.done $0x0  }
0x66: {  	s17 =	simm.s32 $0xA080;
	[sflag:s12] =	ssyncadd.s32 $0xFFFFF800  }
0x67: {  	[tilespmem:s30], [sflag:$0x2] =	stream.indirect.gather [spmem:s1], $0x20, s17, s26, $0xb8;
	[tilespmem:$0x15C80] =	vst v63  }
0x68: {  	s13 =	simm.s32 $0xC700  }
0x69: {  	[spmem:s3] =	stream.indirect.scatter.add.f32 [tilespmem:s31], [sflag:$0x8], $0x20, s13, s26, $0xb8;
	[tilespmem:$0x15C80] =	vst v63  }
0x6a: {  	_ = 	snop  }
0x6b: {  	[spmem:s4] =	stream.indirect.scatter.add.f32 [tilespmem:s23], [sflag:$0xC], $0x10, s13, s26, $0xb8;
	[tilespmem:$0x15C80] =	vst v63  }
0x6c: {  	_ =	swait.ge [sflag:s18], $0x1000  }
0x6d: {  	[sflag:s18] =	ssyncset.done $0x0  }
0x6e: {  	[sflag:s18] =	ssyncadd.s32 $0xFFFFF000  }
0x6f: {  	_ =	swait.ge [sflag:s14], $0x1000  }
0x70: {  	[sflag:s14] =	ssyncset.done $0x0  }
0x71: {  	[sflag:s14] =	ssyncadd.s32 $0xFFFFF000  }
0x72: {  	_ =	swait.ge [sflag:s15], $0x800  }
0x73: {  	[sflag:s15] =	ssyncset.done $0x0  }
0x74: {  	s17 =	simm.s32 $0xA100;
	[sflag:s15] =	ssyncadd.s32 $0xFFFFF800  }
0x75: {  	[tilespmem:s0], [sflag:$0x3] =	stream.indirect.gather [spmem:s1], $0x20, s17, s26, $0xb8;
	[tilespmem:$0x15C80] =	vst v63  }
0x76: {  	s13 =	simm.s32 $0xC780  }
0x77: {  	[spmem:s3] =	stream.indirect.scatter.add.f32 [tilespmem:s28], [sflag:$0x5], $0x20, s13, s26, $0xb8;
	[tilespmem:$0x15C80] =	vst v63  }
0x78: {  	_ = 	snop  }
0x79: {  	[spmem:s4] =	stream.indirect.scatter.add.f32 [tilespmem:s23], [sflag:$0x9], $0x10, s13, s26, $0xb8;
	[tilespmem:$0x15C80] =	vst v63  }
0x7a: {  	_ =	swait.ge [sflag:s2], $0x1000  }
0x7b: {  	[sflag:s2] =	ssyncset.done $0x0  }
0x7c: {  	[sflag:s2] =	ssyncadd.s32 $0xFFFFF000  }
0x7d: {  	_ =	swait.ge [sflag:s20], $0x1000  }
0x7e: {  	[sflag:s20] =	ssyncset.done $0x0  }
0x7f: {  	[sflag:s20] =	ssyncadd.s32 $0xFFFFF000  }
0x80: {  	_ =	swait.ge [sflag:s16], $0x800  }
0x81: {  	[sflag:s16] =	ssyncset.done $0x0  }
0x82: {  	s17 =	simm.s32 $0xA180;
	[sflag:s16] =	ssyncadd.s32 $0xFFFFF800  }
0x83: {  	[tilespmem:s31], [sflag:$0x4] =	stream.indirect.gather [spmem:s1], $0x20, s17, s26, $0xb8;
	[tilespmem:$0x15C80] =	vst v63  }
0x84: {  	s13 =	simm.s32 $0xC800  }
0x85: {  	[spmem:s3] =	stream.indirect.scatter.add.f32 [tilespmem:s30], [sflag:$0x6], $0x20, s13, s26, $0xb8;
	[tilespmem:$0x15C80] =	vst v63  }
0x86: {  	_ = 	snop  }
0x87: {  	[spmem:s4] =	stream.indirect.scatter.add.f32 [tilespmem:s23], [sflag:$0xA], $0x10, s13, s26, $0xb8;
	[tilespmem:$0x15C80] =	vst v63  }
0x88: {  	_ =	swait.ge [sflag:s6], $0x1000  }
0x89: {  	[sflag:s6] =	ssyncset.done $0x0  }
0x8a: {  	[sflag:s6] =	ssyncadd.s32 $0xFFFFF000  }
0x8b: {  	_ =	swait.ge [sflag:s7], $0x1000  }
0x8c: {  	[sflag:s7] =	ssyncset.done $0x0  }
0x8d: {  	[sflag:s7] =	ssyncadd.s32 $0xFFFFF000  }
0x8e: {  	_ =	swait.ge [sflag:s9], $0x800  }
0x8f: {  	[sflag:s9] =	ssyncset.done $0x0  }
0x90: {  	s17 =	simm.s32 $0xA200;
	[sflag:s9] =	ssyncadd.s32 $0xFFFFF800  }
0x91: {  	[tilespmem:s28], [sflag:$0x1] =	stream.indirect.gather [spmem:s1], $0x20, s17, s26, $0xb8;
	[tilespmem:$0x15C80] =	vst v63  }
0x92: {  	s13 =	simm.s32 $0xC880  }
0x93: {  	[spmem:s3] =	stream.indirect.scatter.add.f32 [tilespmem:s0], [sflag:$0x7], $0x20, s13, s26, $0xb8;
	[tilespmem:$0x15C80] =	vst v63  }
0x94: {  	_ = 	snop  }
0x95: {  	[spmem:s4] =	stream.indirect.scatter.add.f32 [tilespmem:s23], [sflag:$0xB], $0x10, s13, s26, $0xb8;
	[tilespmem:$0x15C80] =	vst v63  }
0x96: {  	_ =	swait.ge [sflag:s19], $0x1000  }
0x97: {  	[sflag:s19] =	ssyncset.done $0x0  }
0x98: {  	[sflag:s19] =	ssyncadd.s32 $0xFFFFF000  }
0x99: {  	_ =	swait.ge [sflag:s11], $0x1000  }
0x9a: {  	[sflag:s11] =	ssyncset.done $0x0  }
0x9b: {  	[sflag:s11] =	ssyncadd.s32 $0xFFFFF000  }
0x9c: {  	_ =	swait.ge [sflag:s12], $0x800  }
0x9d: {  	[sflag:s12] =	ssyncset.done $0x0  }
0x9e: {  	s17 =	simm.s32 $0xA280;
	[sflag:s12] =	ssyncadd.s32 $0xFFFFF800  }
0x9f: {  	[tilespmem:s30], [sflag:$0x2] =	stream.indirect.gather [spmem:s1], $0x20, s17, s26, $0xb8;
	[tilespmem:$0x15C80] =	vst v63  }
0xa0: {  	s10 =	simm.s32 $0x800;
	s13 =	simm.s32 $0xC900  }
0xa1: {  	[spmem:s3] =	stream.indirect.scatter.add.f32 [tilespmem:s31], [sflag:$0x8], $0x20, s13, s26, $0xb8;
	[tilespmem:$0x15C80] =	vst v63  }
.LBB2_2:
0xa2: {  	[spmem:s4] =	stream.indirect.scatter.add.f32 [tilespmem:s23], [sflag:$0xC], $0x10, s13, s26, $0xb8;
	[tilespmem:$0x15C80] =	vst v63  }
0xa3: {  	s13 =	smov.u32 s10  }
0xa4: {  	p1 =	sne.s32 s10, $0x8000;
	s10 =	sadd.s32 $0x800, s10;
	_ =	swait.ge [sflag:s18], $0x1000  }
0xa5: {  	[sflag:s18] =	ssyncset.done $0x0  }
0xa6: {  	[sflag:s18] =	ssyncadd.s32 $0xFFFFF000  }
0xa7: {  	_ =	swait.ge [sflag:s14], $0x1000  }
0xa8: {  	[sflag:s14] =	ssyncset.done $0x0  }
0xa9: {  	[sflag:s14] =	ssyncadd.s32 $0xFFFFF000  }
0xaa: {  	_ =	swait.ge [sflag:s15], $0x800  }
0xab: {  	s13 =	sshra.s32 s13, $0x2;
	[sflag:s15] =	ssyncset.done $0x0  }
0xac: {  	s17 =	sadd.s32 $0xA100, s13;
	[sflag:s15] =	ssyncadd.s32 $0xFFFFF800  }
0xad: {  	[tilespmem:s0], [sflag:$0x3] =	stream.indirect.gather [spmem:s1], $0x20, s17, s26, $0xb8;
	[tilespmem:$0x15C80] =	vst v63  }
0xae: {  	s17 =	sadd.s32 $0xC780, s13  }
0xaf: {  	[spmem:s3] =	stream.indirect.scatter.add.f32 [tilespmem:s28], [sflag:$0x5], $0x20, s17, s26, $0xb8;
	[tilespmem:$0x15C80] =	vst v63  }
0xb0: {  	_ = 	snop  }
0xb1: {  	[spmem:s4] =	stream.indirect.scatter.add.f32 [tilespmem:s23], [sflag:$0x9], $0x10, s17, s26, $0xb8;
	[tilespmem:$0x15C80] =	vst v63  }
0xb2: {  	_ =	swait.ge [sflag:s2], $0x1000  }
0xb3: {  	[sflag:s2] =	ssyncset.done $0x0  }
0xb4: {  	[sflag:s2] =	ssyncadd.s32 $0xFFFFF000  }
0xb5: {  	_ =	swait.ge [sflag:s20], $0x1000  }
0xb6: {  	[sflag:s20] =	ssyncset.done $0x0  }
0xb7: {  	[sflag:s20] =	ssyncadd.s32 $0xFFFFF000  }
0xb8: {  	_ =	swait.ge [sflag:s16], $0x800  }
0xb9: {  	[sflag:s16] =	ssyncset.done $0x0  }
0xba: {  	s17 =	sadd.s32 $0xA180, s13;
	[sflag:s16] =	ssyncadd.s32 $0xFFFFF800  }
0xbb: {  	[tilespmem:s31], [sflag:$0x4] =	stream.indirect.gather [spmem:s1], $0x20, s17, s26, $0xb8;
	[tilespmem:$0x15C80] =	vst v63  }
0xbc: {  	s17 =	sadd.s32 $0xC800, s13  }
0xbd: {  	[spmem:s3] =	stream.indirect.scatter.add.f32 [tilespmem:s30], [sflag:$0x6], $0x20, s17, s26, $0xb8;
	[tilespmem:$0x15C80] =	vst v63  }
0xbe: {  	_ = 	snop  }
0xbf: {  	[spmem:s4] =	stream.indirect.scatter.add.f32 [tilespmem:s23], [sflag:$0xA], $0x10, s17, s26, $0xb8;
	[tilespmem:$0x15C80] =	vst v63  }
0xc0: {  	_ =	swait.ge [sflag:s6], $0x1000  }
0xc1: {  	[sflag:s6] =	ssyncset.done $0x0  }
0xc2: {  	[sflag:s6] =	ssyncadd.s32 $0xFFFFF000  }
0xc3: {  	_ =	swait.ge [sflag:s7], $0x1000  }
0xc4: {  	[sflag:s7] =	ssyncset.done $0x0  }
0xc5: {  	[sflag:s7] =	ssyncadd.s32 $0xFFFFF000  }
0xc6: {  	_ =	swait.ge [sflag:s9], $0x800  }
0xc7: {  	[sflag:s9] =	ssyncset.done $0x0  }
0xc8: {  	s17 =	sadd.s32 $0xA200, s13;
	[sflag:s9] =	ssyncadd.s32 $0xFFFFF800  }
0xc9: {  	[tilespmem:s28], [sflag:$0x1] =	stream.indirect.gather [spmem:s1], $0x20, s17, s26, $0xb8;
	[tilespmem:$0x15C80] =	vst v63  }
0xca: {  	s17 =	sadd.s32 $0xC880, s13  }
0xcb: {  	[spmem:s3] =	stream.indirect.scatter.add.f32 [tilespmem:s0], [sflag:$0x7], $0x20, s17, s26, $0xb8;
	[tilespmem:$0x15C80] =	vst v63  }
0xcc: {  	_ = 	snop  }
0xcd: {  	[spmem:s4] =	stream.indirect.scatter.add.f32 [tilespmem:s23], [sflag:$0xB], $0x10, s17, s26, $0xb8;
	[tilespmem:$0x15C80] =	vst v63  }
0xce: {  	_ =	swait.ge [sflag:s19], $0x1000  }
0xcf: {  	[sflag:s19] =	ssyncset.done $0x0  }
0xd0: {  	[sflag:s19] =	ssyncadd.s32 $0xFFFFF000  }
0xd1: {  	_ =	swait.ge [sflag:s11], $0x1000  }
0xd2: {  	[sflag:s11] =	ssyncset.done $0x0  }
0xd3: {  	[sflag:s11] =	ssyncadd.s32 $0xFFFFF000  }
0xd4: {  	_ =	swait.ge [sflag:s12], $0x800  }
.Ltmp0:
0xd5: {  	[sflag:s12] =	ssyncset.done $0x0;
	(pc) =	sbr.rel @p1 .LBB2_2-.Ltmp0, $4  }
0xd6: {  	s17 =	sadd.s32 $0xA280, s13;
	[sflag:s12] =	ssyncadd.s32 $0xFFFFF800  }
0xd7: {  	[tilespmem:s30], [sflag:$0x2] =	stream.indirect.gather [spmem:s1], $0x20, s17, s26, $0xb8;
	[tilespmem:$0x15C80] =	vst v63  }
0xd8: {  	s13 =	sadd.s32 $0xC900, s13  }
0xd9: {  	[spmem:s3] =	stream.indirect.scatter.add.f32 [tilespmem:s31], [sflag:$0x8], $0x20, s13, s26, $0xb8;
	[tilespmem:$0x15C80] =	vst v63  }
0xda: {  	[spmem:s4] =	stream.indirect.scatter.add.f32 [tilespmem:s23], [sflag:$0xC], $0x10, s13, s26, $0xb8;
	[tilespmem:$0x15C80] =	vst v63  }
0xdb: {  	_ =	swait.ge [sflag:s18], $0x1000  }
0xdc: {  	[sflag:s18] =	ssyncset.done $0x0  }
0xdd: {  	[sflag:s18] =	ssyncadd.s32 $0xFFFFF000  }
0xde: {  	_ =	swait.ge [sflag:s14], $0x1000  }
0xdf: {  	[sflag:s14] =	ssyncset.done $0x0  }
0xe0: {  	[sflag:s14] =	ssyncadd.s32 $0xFFFFF000  }
0xe1: {  	_ =	swait.ge [sflag:s15], $0x800  }
0xe2: {  	[sflag:s15] =	ssyncset.done $0x0  }
0xe3: {  	s10 =	simm.s32 $0xC300;
	[sflag:s15] =	ssyncadd.s32 $0xFFFFF800  }
0xe4: {  	[tilespmem:s0], [sflag:$0x3] =	stream.indirect.gather [spmem:s1], $0x20, s10, s26, $0xb8;
	[tilespmem:$0x15C80] =	vst v63  }
0xe5: {  	s17 =	simm.s32 $0xE980  }
0xe6: {  	[spmem:s3] =	stream.indirect.scatter.add.f32 [tilespmem:s28], [sflag:$0x5], $0x20, s17, s26, $0xb8;
	[tilespmem:$0x15C80] =	vst v63  }
0xe7: {  	_ = 	snop  }
0xe8: {  	[spmem:s4] =	stream.indirect.scatter.add.f32 [tilespmem:s23], [sflag:$0x9], $0x10, s17, s26, $0xb8;
	[tilespmem:$0x15C80] =	vst v63  }
0xe9: {  	_ =	swait.ge [sflag:s2], $0x1000  }
0xea: {  	[sflag:s2] =	ssyncset.done $0x0  }
0xeb: {  	[sflag:s2] =	ssyncadd.s32 $0xFFFFF000  }
0xec: {  	_ =	swait.ge [sflag:s20], $0x1000  }
0xed: {  	[sflag:s20] =	ssyncset.done $0x0  }
0xee: {  	[sflag:s20] =	ssyncadd.s32 $0xFFFFF000  }
0xef: {  	_ =	swait.ge [sflag:s16], $0x800  }
0xf0: {  	[sflag:s16] =	ssyncset.done $0x0  }
0xf1: {  	s13 =	simm.s32 $0xC380;
	[sflag:s16] =	ssyncadd.s32 $0xFFFFF800  }
0xf2: {  	[tilespmem:s31], [sflag:$0x4] =	stream.indirect.gather [spmem:s1], $0x20, s13, s26, $0xb8;
	[tilespmem:$0x15C80] =	vst v63  }
0xf3: {  	s17 =	simm.s32 $0xEA00  }
0xf4: {  	[spmem:s3] =	stream.indirect.scatter.add.f32 [tilespmem:s30], [sflag:$0x6], $0x20, s17, s26, $0xb8;
	[tilespmem:$0x15C80] =	vst v63  }
0xf5: {  	_ = 	snop  }
0xf6: {  	[spmem:s4] =	stream.indirect.scatter.add.f32 [tilespmem:s23], [sflag:$0xA], $0x10, s17, s26, $0xb8;
	[tilespmem:$0x15C80] =	vst v63  }
0xf7: {  	_ =	swait.ge [sflag:s6], $0x1000  }
0xf8: {  	[sflag:s6] =	ssyncset.done $0x0  }
0xf9: {  	[sflag:s6] =	ssyncadd.s32 $0xFFFFF000  }
0xfa: {  	_ =	swait.ge [sflag:s7], $0x1000  }
0xfb: {  	[sflag:s7] =	ssyncset.done $0x0  }
0xfc: {  	[sflag:s7] =	ssyncadd.s32 $0xFFFFF000  }
0xfd: {  	_ =	swait.ge [sflag:s9], $0x800  }
0xfe: {  	[sflag:s9] =	ssyncset.done $0x0  }
0xff: {  	s13 =	simm.s32 $0xEA80;
	[sflag:s9] =	ssyncadd.s32 $0xFFFFF800  }
0x100: {  	[spmem:s3] =	stream.indirect.scatter.add.f32 [tilespmem:s0], [sflag:$0x7], $0x20, s13, s26, $0xb8;
	[tilespmem:$0x15C80] =	vst v63  }
0x101: {  	_ = 	snop  }
0x102: {  	[spmem:s4] =	stream.indirect.scatter.add.f32 [tilespmem:s23], [sflag:$0xB], $0x10, s13, s26, $0xb8;
	[tilespmem:$0x15C80] =	vst v63  }
0x103: {  	_ =	swait.ge [sflag:s19], $0x1000  }
0x104: {  	[sflag:s19] =	ssyncset.done $0x0  }
0x105: {  	[sflag:s19] =	ssyncadd.s32 $0xFFFFF000  }
0x106: {  	_ =	swait.ge [sflag:s11], $0x1000  }
0x107: {  	[sflag:s11] =	ssyncset.done $0x0  }
0x108: {  	[sflag:s11] =	ssyncadd.s32 $0xFFFFF000  }
0x109: {  	_ =	swait.ge [sflag:s12], $0x800  }
0x10a: {  	[sflag:s12] =	ssyncset.done $0x0  }
0x10b: {  	s17 =	simm.s32 $0xEB00;
	[sflag:s12] =	ssyncadd.s32 $0xFFFFF800  }
0x10c: {  	[spmem:s3] =	stream.indirect.scatter.add.f32 [tilespmem:s31], [sflag:$0x8], $0x20, s17, s26, $0xb8;
	[tilespmem:$0x15C80] =	vst v63  }
0x10d: {  	_ = 	snop  }
0x10e: {  	[spmem:s4] =	stream.indirect.scatter.add.f32 [tilespmem:s23], [sflag:$0xC], $0x10, s17, s26, $0xb8;
	[tilespmem:$0x15C80] =	vst v63  }
0x10f: {  	s13 =	simm.s32 $0xC400  }
0x110: {  	[tilespmem:s28], [sflag:$0x1] =	stream.indirect.gather [spmem:s1], $0x20, s13, s26, $0xb8;
	[tilespmem:$0x15C80] =	vst v63  }
0x111: {  	s17 =	simm.s32 $0xC480  }
0x112: {  	[tilespmem:s30], [sflag:$0x2] =	stream.indirect.gather [spmem:s1], $0x20, s17, s26, $0xb8;
	[tilespmem:$0x15C80] =	vst v63  }
0x113: {  	_ =	swait.ge [sflag:s18], $0x1000  }
0x114: {  	[sflag:s18] =	ssyncset.done $0x0  }
0x115: {  	[sflag:s18] =	ssyncadd.s32 $0xFFFFF000  }
0x116: {  	_ =	swait.ge [sflag:s14], $0x1000  }
0x117: {  	[sflag:s14] =	ssyncset.done $0x0  }
0x118: {  	[sflag:s14] =	ssyncadd.s32 $0xFFFFF000  }
0x119: {  	_ =	swait.ge [sflag:s15], $0x800  }
0x11a: {  	[sflag:s15] =	ssyncset.done $0x0  }
0x11b: {  	s13 =	simm.s32 $0xEB80;
	[sflag:s15] =	ssyncadd.s32 $0xFFFFF800  }
0x11c: {  	[spmem:s3] =	stream.indirect.scatter.add.f32 [tilespmem:s28], [sflag:$0x5], $0x20, s13, s26, $0xb8;
	[tilespmem:$0x15C80] =	vst v63  }
0x11d: {  	_ = 	snop  }
0x11e: {  	[spmem:s4] =	stream.indirect.scatter.add.f32 [tilespmem:s23], [sflag:$0x9], $0x10, s13, s26, $0xb8;
	[tilespmem:$0x15C80] =	vst v63  }
0x11f: {  	_ =	swait.ge [sflag:s2], $0x1000  }
0x120: {  	[sflag:s2] =	ssyncset.done $0x0  }
0x121: {  	[sflag:s2] =	ssyncadd.s32 $0xFFFFF000  }
0x122: {  	_ =	swait.ge [sflag:s20], $0x1000  }
0x123: {  	[sflag:s20] =	ssyncset.done $0x0  }
0x124: {  	[sflag:s20] =	ssyncadd.s32 $0xFFFFF000  }
0x125: {  	_ =	swait.ge [sflag:s16], $0x800  }
0x126: {  	[sflag:s16] =	ssyncset.done $0x0  }
0x127: {  	s17 =	simm.s32 $0xEC00;
	[sflag:s16] =	ssyncadd.s32 $0xFFFFF800  }
0x128: {  	[spmem:s3] =	stream.indirect.scatter.add.f32 [tilespmem:s30], [sflag:$0x6], $0x20, s17, s26, $0xb8;
	[tilespmem:$0x15C80] =	vst v63  }
0x129: {  	_ = 	snop  }
0x12a: {  	[spmem:s4] =	stream.indirect.scatter.add.f32 [tilespmem:s23], [sflag:$0xA], $0x10, s17, s26, $0xb8;
	[tilespmem:$0x15C80] =	vst v63  }
0x12b: {  	s10 =	simm.s32 @p0 $0x80;
	s13 =	simm.s32 @p0 $0xC500;
	s17 =	simm.s32 @p0 $0x10D00  }
0x12c: {  	[tilespmem:s17], [sflag:$0x3] =	stream.indirect.gather @p0 [spmem:s1], $0x20, s13, s10, $0xb8;
	[tilespmem:$0x15C80] =	vst v63  }
0x12d: {  	s13 =	simm.s32 @p0 $0x3  }
0x12e: {  	_ =	swait.ge @p0 [sflag:s13], $0x1000  }
0x12f: {  	[sflag:s13] =	ssyncset.done @p0 $0x0  }
0x130: {  	[sflag:s13] =	ssyncadd.s32 @p0 $0xFFFFF000;
	s13 =	simm.s32 @p0 $0xEC80  }
0x131: {  	[spmem:s3] =	stream.indirect.scatter.add.f32 @p0 [tilespmem:s17], [sflag:$0x7], $0x20, s13, s10, $0xb8;
	[tilespmem:$0x15C80] =	vst v63  }
0x132: {  	s17 =	simm.s32 @p0 $0x15480  }
0x133: {  	[spmem:s4] =	stream.indirect.scatter.add.f32 @p0 [tilespmem:s17], [sflag:$0xB], $0x10, s13, s10, $0xb8;
	[tilespmem:$0x15C80] =	vst v63  }
0x134: {  	_ =	swait.ge [sflag:s7], $0x1000  }
0x135: {  	[sflag:s7] =	ssyncset.done $0x0  }
0x136: {  	[sflag:s7] =	ssyncadd.s32 $0xFFFFF000  }
0x137: {  	_ =	swait.ge [sflag:s9], $0x800  }
0x138: {  	[sflag:s9] =	ssyncset.done $0x0  }
0x139: {  	[sflag:s9] =	ssyncadd.s32 $0xFFFFF800  }
0x13a: {  	_ =	swait.ge [sflag:s11], $0x1000  }
0x13b: {  	[sflag:s11] =	ssyncset.done $0x0  }
0x13c: {  	[sflag:s11] =	ssyncadd.s32 $0xFFFFF000  }
0x13d: {  	_ =	swait.ge [sflag:s12], $0x800  }
0x13e: {  	[sflag:s12] =	ssyncset.done $0x0  }
0x13f: {  	s10 =	simm.s32 @p0 $0x7;
	[sflag:s12] =	ssyncadd.s32 $0xFFFFF800  }
0x140: {  	_ =	swait.ge @p0 [sflag:s10], $0x1000  }
0x141: {  	[sflag:s10] =	ssyncset.done @p0 $0x0  }
0x142: {  	[sflag:s10] =	ssyncadd.s32 @p0 $0xFFFFF000;
	s10 =	simm.s32 @p0 $0xB  }
0x143: {  	_ =	swait.ge @p0 [sflag:s10], $0x800  }
0x144: {  	[sflag:s10] =	ssyncset.done @p0 $0x0  }
0x145: {  	[sflag:s10] =	ssyncadd.s32 @p0 $0xFFFFF800  }
0x146: {  	[bflag:$0x0] =	sbarrier.arrive $0xFFFF  }
0x147: {  	s13 =	rddreg [dreg:$0xd]  }
0x148: {  	[hbm:s13], [sflag:s8] =	dma.local [spmem:s22], $0x9E0  }
0x149: {  	_ =	swait.ge [sflag:s21], $0x9E0  }
0x14a: {  	[sflag:s21] =	ssyncset.done $0x0  }
0x14b: {  	s17 =	rddreg [dreg:$0xe];
	[sflag:s21] =	ssyncadd.s32 $0xFFFFF620  }
0x14c: {  	[hbm:s17], [sflag:s8] =	dma.local [spmem:s29], $0x4F0  }
0x14d: {  	_ =	swait.ge [sflag:s21], $0x4F0  }
0x14e: {  	s24 =	sadd.s32 $0x1, s24;
	s29 =	rddreg [dreg:$0xf]  }
0x14f: {  	p1 =	sne.s32 s24, s29  }
.Ltmp1:
0x150: {  	_ = 	snop;
	(pc) =	sbr.rel @p1 .LBB2_1-.Ltmp1, $3  }
0x151: {  	_ =	sdelay $0x1  }
0x152: {  	[sflag:s21] =	ssyncset.done $0x0  }
0x153: {  	[sflag:s21] =	ssyncadd.s32 $0xFFFFFB10  }
0x154: {  	_ =	sfence.sel $0x180000  }
0x155: {  	[bflag:$0x0] =	sbarrier.arrive $0xFFFF  }
0x156: {  	_ =	strace $0x90000047  }
0x157: {  	s0 =	stileid.u32;
	[bflag:$0x2] =	sbarrier.arrive $0xFFFF  }
0x158: {  	p0 =	sne.s32 s0, $0x0;
	s0 =	rddreg [dreg:$0x5]  }
0x159: {  	s0 =	sadd.s32 @!p0 $0x100000, s0  }
0x15a: {  	[sflag:s0] =	ssyncadd.tile.s32 @!p0 $0x1;
	_ =	shalt  }
.Lfunc_end2:
_tile_overlayer_lowered:
.L_overlay_start_2:
0x15b: {  	(tag) =	ssettag $0x2  }
0x15c: {  	s0 =	rddreg [dreg:$0x0];
	s2 =	stileid.u32  }
0x15d: {  	s1 =	rddreg [dreg:$0x1];
	p0 =	sne.s32 s2, $0x0  }
0x15e: {  	s3 =	rddreg [dreg:$0x2];
	[bflag:$0x3] =	sbarrier.arrive $0xFFFF;
	s2 =	simm.s32 @!p0 $0x1C0D  }
0x15f: {  	[timem:s3], [sflag:s2] =	dma.local @!p0 [hbm:s0], s1  }
0x160: {  	s0 =	simm.s32 @!p0 $0xD  }
0x161: {  	_ =	swait.ge @!p0 [sflag:s0], s1  }
0x162: {  	s1 =	ssub.s32 @!p0 $0x0, s1;
	[sflag:s0] =	ssyncset.done @!p0 $0x0  }
0x163: {  	[sflag:s0] =	ssyncadd.s32 @!p0 s1  }
0x164: {  	[bflag:$0x3] =	sbarrier.arrive $0xFFFF  }
0x165: {  	_ =	shalt  }

// kernel: kernel.9.cloned.1.call-start
scs
__scs_entry_jumppad:
0x0: {  	(pc) =	sbr.rel $0x88, $3  }
0x1: {  	(tag) =	ssettag $0x0;
	lr =	simm.s32 $0x1  }
0x2: {  	[smem:$0x3F99] =	sst lr;
	_ =	strace $0xD0000000  }
0x3: {  	_ = 	snop  }
0x4: {  	_ = 	snop  }
0x5: {  	_ = 	snop  }
0x6: {  	_ = 	snop  }
0x7: {  	_ = 	snop  }
__scs_overlays_trampoline_lowered:
0x8: {  	[smem:$0x3FA8] =	sst s0  }
0x9: {  	[smem:$0x3FA9] =	sst s1  }
0xa: {  	[smem:$0x3FAA] =	sst s2  }
0xb: {  	[smem:$0x3FAB] =	sst s3  }
0xc: {  	[smem:$0x3FAC] =	sst s4  }
0xd: {  	[smem:$0x3FAD] =	sst s5  }
0xe: {  	[smem:$0x3FAE] =	sst s6  }
0xf: {  	[smem:$0x3FAF] =	sst s7  }
0x10: {  	[smem:$0x3FB0] =	sst s8  }
0x11: {  	[smem:$0x3FB1] =	sst s9;
	s0 =	simm.s32 @!p0 $0x0  }
0x12: {  	s1 =	sld [smem:$0x3F97];
	s0 =	simm.s32 @p0 $0x1  }
0x13: {  	[smem:$0x3FB2] =	sst s0;
	s0 =	simm.s32 @!p1 $0x0  }
0x14: {  	s2 =	sld [smem:$0x3F96];
	s0 =	simm.s32 @p1 $0x1  }
0x15: {  	[smem:$0x3FB3] =	sst s0;
	s0 =	simm.s32 @!p2 $0x0  }
0x16: {  	s3 =	sld [smem:$0x3FDB];
	s0 =	simm.s32 @p2 $0x1  }
0x17: {  	s4 =	simm.s32 $0x1BF5;
	[smem:$0x3FB5] =	sst s0  }
0x18: {  	s0 =	sld [smem:$0x3F98];
	_ =	swait.ge [sflag:s4], $0x0  }
0x19: {  	s7 =	sld [smem:$0x3F99]  }
0x1a: {  	s8 =	sadd.s32 $0xFFFFE003, lr  }
0x1b: {  	s9 =	sadd.s32 $0xFFFFFEF7, lr;
	s5 =	simm.s32 $0xFFFFFFFF;
	p2 =	slt.u32 s8, $0xFFFFF086  }
0x1c: {  	p1 =	slt.u32 s9, $0xF7A;
	s5 =	simm.s32 @!p2 $0x0  }
0x1d: {  	s5 =	simm.s32 @p1 $0x1;
	p0 =	seq.s32 s7, s2  }
0x1e: {  	s7 =	smul.u32 @!p0 $0xF7A, s2;
	p2 =	seq.s32 @!p0 s5, $0x0  }
0x1f: {  	s9 =	smul.u32 $0xF7A, s1;
	s8 =	simm.s32 @!p0 $0x1BF5;
	p2 =	por !p2, p0  }
0x20: {  	[sflag:s8] =	ssyncset.s32 @!p0 $0xFFFFF086;
	s6 =	sadd.s32 @!p0 s3, s7;
	s7 =	simm.s32 @!p0 $0x108  }
0x21: {  	s3 =	sadd.s32 s3, s9;
	s6 =	sadd.s32 @!p0 $0x88, s6;
	s7 =	simm.s32 @p2 $0x1082  }
0x22: {  	[simem:s7], [sflag:s8] =	dma.local @!p0 [hbm:s6], $0xF7A  }
0x23: {  	s9 =	sor.u32 $0xD0000000, s2;
	s6 =	simm.s32 $0x108;
	_ =	swait.ge @!p0 [sflag:s8], $0x0  }
0x24: {  	s3 =	sadd.s32 $0x88, s3;
	s6 =	simm.s32 @!p1 $0x1082;
	[sflag:s4] =	ssyncset.s32 $0xFFFFF086  }
0x25: {  	[simem:s6], [sflag:s4] =	dma.local [hbm:s3], $0xF7A  }
0x26: {  	[smem:$0x3F99] =	sst s1;
	(tag) =	ssettag s2;
	_ =	strace s9  }
0x27: {  	s1 =	sld [smem:$0x3FA9]  }
0x28: {  	s2 =	sld [smem:$0x3FAA]  }
0x29: {  	s4 =	sld [smem:$0x3FAC]  }
0x2a: {  	p0 =	seq.s32 s5, $0x0;
	s5 =	sld [smem:$0x3FAD]  }
0x2b: {  	s6 =	sld [smem:$0x3FAE]  }
0x2c: {  	s7 =	sld [smem:$0x3FAF]  }
0x2d: {  	s3 =	simm.s32 $0x108;
	s8 =	sld [smem:$0x3FB0]  }
0x2e: {  	s3 =	simm.s32 @!p0 $0x1082;
	s9 =	sld [smem:$0x3FB1]  }
0x2f: {  	lr =	sadd.s32 s0, s3;
	s0 =	sld [smem:$0x3FA8]  }
0x30: {  	s3 =	sld [smem:$0x3FAB]  }
0x31: {  	[smem:$0x3FB4] =	sst s10  }
0x32: {  	s10 =	sld [smem:$0x3FB2];
	_ =	sdelay $0x3  }
0x33: {  	p0 =	seq.s32 s10, $0x1;
	s10 =	sld [smem:$0x3FB4];
	_ =	sdelay $0x3  }
0x34: {  	[smem:$0x3FB4] =	sst s10  }
0x35: {  	s10 =	sld [smem:$0x3FB3];
	_ =	sdelay $0x3  }
0x36: {  	p1 =	seq.s32 s10, $0x1;
	s10 =	sld [smem:$0x3FB4];
	_ =	sdelay $0x3  }
0x37: {  	[smem:$0x3FB4] =	sst s10  }
0x38: {  	s10 =	sld [smem:$0x3FB5]  }
0x39: {  	_ = 	snop;
	(pc) =	sbr.ind lr, $3  }
0x3a: {  	_ = 	snop  }
0x3b: {  	_ = 	snop  }
0x3c: {  	p2 =	seq.s32 s10, $0x1;
	s10 =	sld [smem:$0x3FB4]  }
0x3d: {  	_ =	shalt  }
0x3e: {  	_ =	shalt  }
0x3f: {  	_ =	shalt  }
0x40: {  	_ =	shalt  }
0x41: {  	_ =	shalt  }
0x42: {  	_ =	shalt  }
0x43: {  	_ =	shalt  }
0x44: {  	_ =	shalt  }
0x45: {  	_ =	shalt  }
0x46: {  	_ =	shalt  }
0x47: {  	_ =	shalt  }
0x48: {  	_ =	shalt  }
0x49: {  	_ =	shalt  }
0x4a: {  	_ =	shalt  }
0x4b: {  	_ =	shalt  }
0x4c: {  	_ =	shalt  }
0x4d: {  	_ =	shalt  }
0x4e: {  	_ =	shalt  }
0x4f: {  	_ =	shalt  }
0x50: {  	_ =	shalt  }
0x51: {  	_ =	shalt  }
0x52: {  	_ =	shalt  }
0x53: {  	_ =	shalt  }
0x54: {  	_ =	shalt  }
0x55: {  	_ =	shalt  }
0x56: {  	_ =	shalt  }
0x57: {  	_ =	shalt  }
0x58: {  	_ =	shalt  }
0x59: {  	_ =	shalt  }
0x5a: {  	_ =	shalt  }
0x5b: {  	_ =	shalt  }
0x5c: {  	_ =	shalt  }
0x5d: {  	_ =	shalt  }
0x5e: {  	_ =	shalt  }
0x5f: {  	_ =	shalt  }
0x60: {  	_ =	shalt  }
0x61: {  	_ =	shalt  }
0x62: {  	_ =	shalt  }
0x63: {  	_ =	shalt  }
0x64: {  	_ =	shalt  }
0x65: {  	_ =	shalt  }
0x66: {  	_ =	shalt  }
0x67: {  	_ =	shalt  }
0x68: {  	_ =	shalt  }
0x69: {  	_ =	shalt  }
0x6a: {  	_ =	shalt  }
0x6b: {  	_ =	shalt  }
0x6c: {  	_ =	shalt  }
0x6d: {  	_ =	shalt  }
0x6e: {  	_ =	shalt  }
0x6f: {  	_ =	shalt  }
0x70: {  	_ =	shalt  }
0x71: {  	_ =	shalt  }
0x72: {  	_ =	shalt  }
0x73: {  	_ =	shalt  }
0x74: {  	_ =	shalt  }
0x75: {  	_ =	shalt  }
0x76: {  	_ =	shalt  }
0x77: {  	_ =	shalt  }
0x78: {  	_ =	shalt  }
0x79: {  	_ =	shalt  }
0x7a: {  	_ =	shalt  }
0x7b: {  	_ =	shalt  }
0x7c: {  	_ =	shalt  }
0x7d: {  	_ =	shalt  }
0x7e: {  	_ =	shalt  }
0x7f: {  	_ =	shalt  }
0x80: {  	_ =	shalt  }
0x81: {  	_ =	shalt  }
0x82: {  	_ =	shalt  }
0x83: {  	_ =	shalt  }
0x84: {  	_ =	shalt  }
0x85: {  	_ =	shalt  }
0x86: {  	_ =	shalt  }
0x87: {  	_ =	shalt  }
.Lfunc_end0:
.L_simem_size_0:
called_computation.1_lowered:
.L_overlay_start_0:
0x88: {  	s2 =	sld [smem:$0x3FD9]  }
0x89: {  	s3 =	sld [smem:$0x3FFE];
	_ =	sdelay $0x1  }
0x8a: {  	s1 =	srdreg.scid  }
0x8b: {  	s0 =	sand.u32 $0x1, s1  }
0x8c: {  	s17 =	sshll.u32 s0, $0xA;
	s2 =	sadd.s32 s3, s2  }
0x8d: {  	s2 =	sadd.s32 s2, s17  }
0x8e: {  	[smem:$0x3FC0] =	sst s2  }
0x8f: {  	_ = 	snop  }
0x90: {  	s2 =	sld [smem:$0x3FC6]  }
0x91: {  	s18 =	sld [smem:$0x3FD0];
	(tm) =	ssettm $0x1  }
0x92: {  	s4 =	sld [smem:$0x3FFB];
	_ =	sdelay $0x3  }
0x93: {  	_ =	strace s4  }
0x94: {  	s4 =	sld [smem:$0x3FFC];
	_ =	sdelay $0x3  }
0x95: {  	_ =	strace s4  }
0x96: {  	s4 =	sld [smem:$0x3FFD];
	_ =	sdelay $0x3  }
0x97: {  	_ =	strace s4  }
0x98: {  	_ =	strace $0x8FFFFFFF  }
0x99: {  	s19 =	sld [smem:$0x3FDB];
	_ =	sdelay $0x1  }
0x9a: {  	s5 =	simm.s32 $_scs_section_size  }
0x9b: {  	s6 =	simm.s32 $_size__tile_overlayer_lowered;
	s7 =	simm.s32 $_tile_overlayer_lowered  }
0x9c: {  	s22 =	simm.s32 $0x1BFF;
	s21 =	sshll.u32 s7, $0x1;
	s4 =	sadd.s32 s5, s19  }
0x9d: {  	s8 =	simm.s32 $0x0;
	s20 =	sshll.u32 s6, $0x1;
	s6 =	sadd.s32 s21, s4  }
0x9e: {  	[timem:s8], [sflag:s22] =	dma.local [hbm:s6], s20  }
0x9f: {  	_ =	swait.ge [sflag:s22], s20  }
0xa0: {  	s5 =	ssub.s32 $0x0, s20;
	[sflag:s22] =	ssyncset.done $0x0  }
0xa1: {  	[sflag:s22] =	ssyncadd.s32 s5;
	_ =	sdelay $0x1  }
0xa2: {  	s23 =	simm.s32 $0x1B8B  }
0xa3: {  	_ =	swait.ge [sflag:s23], $0x1  }
0xa4: {  	[sflag:s23] =	ssyncset.done $0x0  }
0xa5: {  	s25 =	simm.s32 $0x1B8E;
	s24 =	sld [smem:$0x3FFE];
	[sflag:s23] =	ssyncadd.s32 $0xFFFFFFFF  }
0xa6: {  	s26 =	simm.s32 $execute0_lowered;
	[smem:$0x3FD2] =	sst s25  }
0xa7: {  	s6 =	sshll.u32 s26, $0x1;
	_ =	strace $0x80000049;
	[dreg:$0x1] =	wrdreg $0xFFFFFFFF  }
0xa8: {  	s28 =	simm.s32 $_size_execute0_lowered;
	s4 =	sadd.s32 s4, s6;
	[dreg:$0x0] =	wrdreg $0x0  }
0xa9: {  	s6 =	sshll.u32 s28, $0x1;
	[dreg:$0x2] =	wrdreg s4  }
0xaa: {  	[dreg:$0x3] =	wrdreg s6  }
0xab: {  	[dreg:$0x4] =	wrdreg $0xC0  }
0xac: {  	_ =	task [dreg:s8], $0x5FFFF  }
0xad: {  	[dreg:$0x1] =	wrdreg $0xFFFFFFFF  }
0xae: {  	[dreg:$0x0] =	wrdreg $0x60  }
0xaf: {  	[dreg:$0x2] =	wrdreg s24  }
0xb0: {  	[dreg:$0x3] =	wrdreg s18  }
0xb1: {  	[dreg:$0x4] =	wrdreg s2  }
0xb2: {  	[dreg:$0x5] =	wrdreg $0x0  }
0xb3: {  	[dreg:$0x6] =	wrdreg $0x4F000  }
0xb4: {  	[dreg:$0x7] =	wrdreg $0x9  }
0xb5: {  	_ =	task.clear_ibuf [dreg:s8], $0x8FFFF;
	_ =	strace $0x90000049  }
0xb6: {  	s29 =	simm.s32 $0x9;
	_ =	strace $0x8000004B  }
0xb7: {  	_ =	swait.ge [sflag:s29], $0x1  }
0xb8: {  	[sflag:s29] =	ssyncadd.s32 $0xFFFFFFFF  }
0xb9: {  	_ =	strace $0x9000004B  }
0xba: {  	_ =	sfence  }
0xbb: {  	s30 =	sld [smem:$0x0];
	_ =	sdelay $0x2  }
0xbc: {  	s31 =	sshll.u32 s1, $0xD;
	s1 =	sshrl.u32 s1, $0x2  }
0xbd: {  	s3 =	sand.u32 $0x4000, s31;
	s1 =	sadd.s32 s1, s30  }
0xbe: {  	s0 =	sor.u32 s3, s0;
	s1 =	sshll.u32 s1, $0x11  }
0xbf: {  	s0 =	sor.u32 s1, s0  }
0xc0: {  	s0 =	sadd.s32 $0x8F2B, s0  }
0xc1: {  	[sflag:s0] =	ssyncadd.remote.s32 $0x1  }
0xc2: {  	_ =	sfence.sel $0xFFFF  }
0xc3: {  	[dreg:$0x0] =	wrdreg $0xFFFFFFFF;
	(pc) =	sbr.abs _section_cstart, $3  }
0xc4: {  	[dreg:$0x1] =	wrdreg $0xFFFFFFFF  }
0xc5: {  	_ =	task.clear_ibuf [dreg:s8], $0x2FFFF;
	_ =	strace $0x9FFFFFFF  }
0xc6: {  	(tm) =	ssettm $0x7FFFFFFF  }
0xc7: {  	_ =	shalt  }
tec
execute0_lowered:
.L_overlay_start_1:
0x0: {  	(tag) =	ssettag $0x1  }
0x1: {  	s0 =	rddreg [dreg:$0x0]  }
0x2: {  	s1 =	rddreg [dreg:$0x1]  }
0x3: {  	s3 =	rddreg [dreg:$0x3]  }
0x4: {  	s4 =	rddreg [dreg:$0x4]  }
0x5: {  	s2 =	srdreg.scid;
	s17 =	stileid.u32;
	s5 =	simm.s32 $0x0  }
0x6: {  	s30 =	simm.s32 $0x9;
	s29 =	simm.s32 $0x17C00;
	s31 =	simm.s32 $0x18FC0  }
0x7: {  	s2 =	sand.u32 $0x1, s2;
	s6 =	smax.u32 s17, $0xC;
	s8 =	smul.u32 $0x4E, s17  }
0x8: {  	[smem:$0x7FF] =	sst s5;
	s9 =	sadd.s32 $0x24400, s0;
	s15 =	smul.u32 $0x278, s17  }
0x9: {  	s10 =	sadd.s32 $0x38000, s0;
	s14 =	sadd.s32 $0x41E00, s0;
	s21 =	smul.u32 $0x2780, s17  }
0xa: {  	p1 =	sgt.u32 s17, $0xB;
	s22 =	smul.u32 $0x13C0, s17;
	s1 =	sadd.s32 $0x4, s1  }
0xb: {  	s7 =	ssub.s32 $0x0, s2;
	s6 =	sadd.s32 $0x4D4, s6;
	_ =	strace $0x8000004A  }
0xc: {  	s20 =	ssub.s32 $0x2, s2;
	p0 =	seq.s32 s2, $0x1;
	s6 =	sand.u32 s6, s7  }
0xd: {  	s7 =	smul.u32 $0x4F00, s17;
	s11 =	sshrl.u32 s20, $0x1;
	p0 =	por !p1, !p0  }
0xe: {  	s15 =	sadd.s32 $0x13C, s15;
	p1 =	sne.s32 s2, $0x0;
	s6 =	sadd.s32 s6, s8  }
0xf: {  	s16 =	ssub.s32 s20, s11;
	p0 =	por !p0, !p0;
	s8 =	sshrl.u32 s21, $0x3  }
0x10: {  	s11 =	sadd.s32 s22, s1;
	s17 =	sshll.u32 s15, $0x5;
	s25 =	sshll.u32 s15, $0x1  }
0x11: {  	s20 =	smul.u32 $0x4F000, s2;
	s2 =	simm.s32 $0x1;
	s6 =	sshll.u32 s6, $0x4  }
0x12: {  	s12 =	sshrl.u32 s7, $0x3;
	s26 =	sadd.s32 s10, s8;
	[dreg:$0x8] =	wrdreg s11  }
0x13: {  	s24 =	sadd.s32 s7, s3;
	s8 =	sshll.u32 s15, $0x2;
	s11 =	sadd.s32 s10, s25  }
0x14: {  	s15 =	sshll.u32 s15, $0x3;
	s19 =	sshrl.u32 s17, $0x3;
	s25 =	sadd.s32 s17, s3  }
0x15: {  	s6 =	sadd.s32 s6, s0;
	s13 =	sadd.s32 s12, s0;
	[dreg:$0x9] =	wrdreg s24  }
0x16: {  	s0 =	sadd.s32 $0x4BC00, s0;
	s18 =	sadd.s32 s9, s12;
	[dreg:$0x11] =	wrdreg s25  }
0x17: {  	s1 =	sadd.s32 s15, s1;
	s21 =	sadd.s32 s14, s12;
	[dreg:$0x12] =	wrdreg s11  }
0x18: {  	s22 =	sadd.s32 s9, s19;
	s9 =	sadd.s32 s9, s8;
	[dreg:$0x18] =	wrdreg s26  }
0x19: {  	s24 =	sadd.s32 s7, s20;
	s28 =	sadd.s32 $0x4F00, s26;
	[dreg:$0x6] =	wrdreg s18  }
0x1a: {  	s25 =	sadd.s32 $0x4F00, s11;
	s11 =	simm.s32 $0x12D00;
	[dreg:$0xa] =	wrdreg s1  }
0x1b: {  	s12 =	simm.s32 $0x10D00;
	s15 =	simm.s32 $0x3;
	[dreg:$0xb] =	wrdreg s21  }
0x1c: {  	s19 =	simm.s32 $0x7;
	s23 =	sadd.s32 $0x9E00, s18;
	[dreg:$0xc] =	wrdreg s9  }
0x1d: {  	s1 =	sadd.s32 s20, s17;
	s10 =	sadd.s32 $0x9E00, s22;
	[dreg:$0x19] =	wrdreg s25  }
0x1e: {  	s9 =	sshrl.u32 s24, $0x3;
	s20 =	sadd.s32 $0x1A600, s13;
	[dreg:$0x7] =	wrdreg s23  }
0x1f: {  	s21 =	sadd.s32 $0x1A00, s6;
	s22 =	sadd.s32 $0xB640, s6;
	[dreg:$0xe] =	wrdreg s10  }
0x20: {  	s24 =	smax.u32 s16, $0x1;
	s13 =	simm.s32 $0x2;
	[dreg:$0x13] =	wrdreg s20  }
0x21: {  	s16 =	simm.s32 $0x5;
	s18 =	simm.s32 $0x6;
	[dreg:$0x14] =	wrdreg s21  }
0x22: {  	s23 =	sadd.s32 s14, s8;
	s1 =	sshrl.u32 s1, $0x3;
	[dreg:$0x15] =	wrdreg s22  }
0x23: {  	s9 =	sadd.s32 s0, s9;
	[dreg:$0x17] =	wrdreg s24;
	s10 =	simm.s32 $0xED00  }
0x24: {  	s14 =	simm.s32 $0x11D00;
	s21 =	simm.s32 $0x8;
	[dreg:$0xd] =	wrdreg s23  }
0x25: {  	s22 =	simm.s32 $0x0;
	[dreg:$0xf] =	wrdreg s9;
	s0 =	sadd.s32 s0, s1  }
0x26: {  	s1 =	sadd.s32 s7, s4;
	s23 =	sadd.s32 s17, s4;
	[dreg:$0x10] =	wrdreg s0  }
0x27: {  	s7 =	simm.s32 $0x80;
	s9 =	simm.s32 $0xFD00;
	[dreg:$0x16] =	wrdreg s23  }
0x28: {  	s17 =	simm.s32 $0x4;
	s0 =	simm.s32 $0x15480;
	[dreg:$0x1a] =	wrdreg s1  }
.LBB2_1:
0x29: {  	s1 =	rddreg [dreg:$0x2];
	s6 =	simm.s32 $0x1A380  }
0x2a: {  	[tilespmem:s6], [sflag:$0x9] =	stream.linear.gather [hbm4b:s1+s5], $0x20, $0x38;
	[tilespmem:$0x1A3A0] =	vst v63  }
0x2b: {  	_ =	swait.ge [sflag:s30], $0x20  }
0x2c: {  	[sflag:s30] =	ssyncset.done $0x0  }
0x2d: {  	s23 =	rddreg [dreg:$0x6];
	[sflag:s30] =	ssyncadd.s32 $0xFFFFFFE0  }
0x2e: {  	[tilespmem:s11], [sflag:$0x9] =	stream.linear.gather [hbm4b:s23+s5], $0x2780, $0x38;
	[tilespmem:$0x1A3A0] =	vst v63  }
0x2f: {  	_ =	swait.ge [sflag:s30], $0x2780  }
0x30: {  	[sflag:s30] =	ssyncset.done $0x0  }
0x31: {  	s24 =	rddreg [dreg:$0x7];
	[sflag:s30] =	ssyncadd.s32 $0xFFFFD880  }
0x32: {  	[tilespmem:s0], [sflag:$0x9] =	stream.linear.gather [hbm4b:s24+s5], $0x2780, $0x38;
	[tilespmem:$0x1A3A0] =	vst v63  }
0x33: {  	_ =	swait.ge [sflag:s30], $0x2780  }
0x34: {  	[sflag:s30] =	ssyncset.done $0x0  }
0x35: {  	[sflag:s30] =	ssyncadd.s32 $0xFFFFD880  }
0x36: {  	[tilespmem:s29], [sflag:$0x9] =	stream.linear.gather [hbm4b:s26+s5], $0x13C0, $0x38;
	[tilespmem:$0x1A3A0] =	vst v63  }
0x37: {  	_ =	swait.ge [sflag:s30], $0x13C0  }
0x38: {  	[sflag:s30] =	ssyncset.done $0x0  }
0x39: {  	[sflag:s30] =	ssyncadd.s32 $0xFFFFEC40  }
0x3a: {  	[tilespmem:s31], [sflag:$0x9] =	stream.linear.gather [hbm4b:s28+s5], $0x13C0, $0x38;
	[tilespmem:$0x1A3A0] =	vst v63  }
0x3b: {  	_ =	swait.ge [sflag:s30], $0x13C0  }
0x3c: {  	[sflag:s30] =	ssyncset.done $0x0  }
0x3d: {  	s25 =	simm.s32 $0x12D80;
	[sflag:s30] =	ssyncadd.s32 $0xFFFFEC40  }
0x3e: {  	s20 =	simm.s32 $0x15500;
	v0 =	vld [tilespmem:s25+$0x60]  }
0x3f: {  	v1 =	vld [tilespmem:s20+$0x60]  }
0x40: {  	v2 =	vld [tilespmem:s20+$0xFFFFFF80]  }
0x41: {  	v3 =	vld [tilespmem:s25+$0xFFFFFFA0]  }
0x42: {  	v4 =	vld [tilespmem:s20+$0xFFFFFFA0]  }
0x43: {  	v5 =	vld [tilespmem:s25+$0xFFFFFFC0]  }
0x44: {  	v6 =	vld [tilespmem:s20+$0xFFFFFFC0]  }
0x45: {  	v8 =	vld [tilespmem:s20+$0xFFFFFFE0]  }
0x46: {  	v9 =	vld [tilespmem:s25+$0x0]  }
0x47: {  	v10 =	vld [tilespmem:s20+$0x0]  }
0x48: {  	v11 =	vld [tilespmem:s25+$0x20]  }
0x49: {  	v12 =	vld [tilespmem:s20+$0x20]  }
0x4a: {  	v13 =	vld [tilespmem:s20+$0x40]  }
0x4b: {  	v32 =	vld [tilespmem:s25+$0xFFFFFFB0]  }
0x4c: {  	v33 =	vld [tilespmem:s25+$0xFFFFFFD0]  }
0x4d: {  	v34 =	vld [tilespmem:s25+$0xFFFFFFF0]  }
0x4e: {  	v35 =	vld [tilespmem:s25+$0x10]  }
0x4f: {  	s8 =	smov.u32 s28;
	s28 =	simm.s32 $0x12E80;
	v36 =	vld [tilespmem:s25+$0x50]  }
0x50: {  	v15 =	vld [tilespmem:s28+$0x60]  }
0x51: {  	v18 =	vld [tilespmem:s28+$0xFFFFFFA0]  }
0x52: {  	v20 =	vld [tilespmem:s28+$0xFFFFFFC0]  }
0x53: {  	v42 =	vld [tilespmem:s28+$0xFFFFFFE0]  }
0x54: {  	v43 =	vld [tilespmem:s28+$0x70];
	v0 =	vadd.f32 v1, v0  }
0x55: {  	v24 =	vld [tilespmem:s28+$0x0]  }
0x56: {  	[tilespmem:s25+$0x60] =	vst v0;
	v0 =	vld [tilespmem:s25+$0x70]  }
0x57: {  	v7 =	vld [tilespmem:s20+$0x70]  }
0x58: {  	v26 =	vld [tilespmem:s28+$0x20]  }
0x59: {  	v44 =	vld [tilespmem:s28+$0x40]  }
0x5a: {  	v48 =	vld [tilespmem:s28+$0xFFFFFF80]  }
0x5b: {  	v1 =	vld [tilespmem:s25+$0xFFFFFFE0]  }
0x5c: {  	v53 =	vld [tilespmem:s28+$0xFFFFFFB0];
	v0 =	vadd.f32 v7, v0  }
0x5d: {  	v7 =	vld [tilespmem:s25+$0x40]  }
0x5e: {  	s23 =	simm.s32 $0x17C40;
	[tilespmem:s25+$0x70] =	vst v0;
	v0 =	vadd.f32 v4, v3;
	v4 =	vadd.f32 v6, v5;
	v5 =	vld [tilespmem:s25+$0xFFFFFF80]  }
0x5f: {  	s26 =	simm.s32 $0x19000;
	v3 =	vld [tilespmem:s23+$0x30]  }
0x60: {  	[tilespmem:s25+$0xFFFFFFA0] =	vst v0;
	v0 =	vadd.f32 v8, v1;
	v1 =	vld [tilespmem:s26+$0x30]  }
0x61: {  	[tilespmem:s25+$0xFFFFFFC0] =	vst v4;
	v4 =	vadd.f32 v10, v9;
	v6 =	vld [tilespmem:s20+$0xFFFFFFB0]  }
0x62: {  	v8 =	vld [tilespmem:s20+$0xFFFFFFD0];
	[tilespmem:s25+$0xFFFFFFE0] =	vst v0;
	v0 =	vadd.f32 v12, v11  }
0x63: {  	[tilespmem:s25+$0x0] =	vst v4;
	v4 =	vld [tilespmem:s20+$0xFFFFFFF0]  }
0x64: {  	v2 =	vadd.f32 v2, v5;
	[tilespmem:s25+$0x20] =	vst v0;
	v0 =	vld [tilespmem:s20+$0x10]  }
0x65: {  	v5 =	vadd.f32 v13, v7;
	v7 =	vld [tilespmem:s20+$0x30]  }
0x66: {  	[tilespmem:s25+$0xFFFFFF80] =	vst v2;
	v2 =	vld [tilespmem:s25+$0xFFFFFF90];
	v6 =	vadd.f32 v6, v32  }
0x67: {  	[tilespmem:s25+$0x40] =	vst v5;
	v5 =	vld [tilespmem:s20+$0xFFFFFF90]  }
0x68: {  	v31 =	vld [tilespmem:s20+$0x50];
	v8 =	vadd.f32 v8, v33;
	[tilespmem:s25+$0xFFFFFFB0] =	vst v6  }
0x69: {  	v37 =	vld [tilespmem:s23+$0xFFFFFFD0]  }
0x6a: {  	v4 =	vadd.f32 v4, v34;
	[tilespmem:s25+$0xFFFFFFD0] =	vst v8;
	v8 =	vld [tilespmem:s26+$0xFFFFFFD0]  }
0x6b: {  	v38 =	vld [tilespmem:s23+$0xFFFFFFE0]  }
0x6c: {  	v0 =	vadd.f32 v0, v35;
	[tilespmem:s25+$0xFFFFFFF0] =	vst v4;
	v4 =	vld [tilespmem:s26+$0xFFFFFFE0]  }
0x6d: {  	v2 =	vadd.f32 v5, v2;
	v5 =	vld [tilespmem:s25+$0x30]  }
0x6e: {  	v39 =	vld [tilespmem:s23+$0xFFFFFFF0];
	[tilespmem:s25+$0x10] =	vst v0  }
0x6f: {  	v0 =	vld [tilespmem:s26+$0xFFFFFFF0];
	v9 =	vadd.f32 v31, v36;
	[tilespmem:s25+$0xFFFFFF90] =	vst v2  }
0x70: {  	v2 =	vld [tilespmem:s23+$0xFFFFFFC0]  }
0x71: {  	[tilespmem:s25+$0x50] =	vst v9;
	v6 =	vld [tilespmem:s26+$0xFFFFFFC0]  }
0x72: {  	v14 =	vld [tilespmem:s23+$0x20];
	v5 =	vadd.f32 v7, v5  }
0x73: {  	v7 =	vld [tilespmem:s23+$0x0]  }
0x74: {  	[tilespmem:s25+$0x30] =	vst v5;
	v5 =	vld [tilespmem:s26+$0x0]  }
0x75: {  	v40 =	vld [tilespmem:s23+$0x10]  }
0x76: {  	s25 =	simm.s32 $0x15600;
	v41 =	vld [tilespmem:s26+$0x10]  }
0x77: {  	v1 =	vadd.f32 v1, v3;
	v16 =	vld [tilespmem:s25+$0x60]  }
0x78: {  	v17 =	vld [tilespmem:s25+$0xFFFFFF80]  }
0x79: {  	v1 =	vmax.f32 v1, $1.000000000e+00;
	v19 =	vld [tilespmem:s25+$0xFFFFFFA0]  }
0x7a: {  	(erf) = vrcp.f32 v1;
	v21 =	vld [tilespmem:s25+$0xFFFFFFC0]  }
0x7b: {  	v8 =	vadd.f32 v8, v37;
	v23 =	vld [tilespmem:s25+$0xFFFFFFE0];
	v2 =	vadd.f32 v6, v2  }
0x7c: {  	v4 =	vadd.f32 v4, v38;
	v25 =	vld [tilespmem:s25+$0x0]  }
0x7d: {  	v8 =	vmax.f32 v8, $1.000000000e+00;
	v0 =	vadd.f32 v0, v39;
	v27 =	vld [tilespmem:s25+$0x20];
	v2 =	vmax.f32 v2, $1.000000000e+00  }
0x7e: {  	v4 =	vmax.f32 v4, $1.000000000e+00;
	v45 =	vld [tilespmem:s25+$0x40];
	(erf) = vrcp.f32 v2;
	v15 =	vadd.f32 v16, v15  }
0x7f: {  	(erf) = vrcp.f32 v8;
	v5 =	vadd.f32 v5, v7;
	v7 =	vld [tilespmem:s28+$0xFFFFFFF0];
	v18 =	vadd.f32 v19, v18  }
0x80: {  	v20 =	vadd.f32 v21, v20;
	(erf) = vrcp.f32 v4;
	v4 =	vld [tilespmem:s28+$0xFFFFFFD0];
	[tilespmem:s28+$0x60] =	vst v15  }
0x81: {  	v0 =	vmax.f32 v0, $1.000000000e+00;
	v3 =	vadd.f32 v25, v24;
	[tilespmem:s28+$0xFFFFFFA0] =	vst v18;
	v22 =	vld [tilespmem:s25+$0x70]  }
0x82: {  	v16 =	vadd.f32 v23, v42;
	(erf) = vrcp.f32 v0;
	v0 =	vld [tilespmem:s28+$0x10];
	v5 =	vmax.f32 v5, $1.000000000e+00;
	[tilespmem:s28+$0xFFFFFFC0] =	vst v20  }
0x83: {  	v54 =	vpop (erf);
	[tilespmem:s28+$0x0] =	vst v3;
	v3 =	vadd.f32 v45, v44;
	(erf) = vrcp.f32 v5;
	v5 =	vld [tilespmem:s28+$0x50]  }
0x84: {  	[tilespmem:s28+$0xFFFFFFE0] =	vst v16;
	v49 =	vld [tilespmem:s25+$0xFFFFFFB0]  }
0x85: {  	v51 =	vld [tilespmem:s25+$0xFFFFFFD0];
	[tilespmem:s28+$0x40] =	vst v3;
	v3 =	vadd.f32 v17, v48  }
0x86: {  	v6 =	vld [tilespmem:s25+$0xFFFFFFF0];
	v15 =	vadd.f32 v22, v43  }
0x87: {  	[tilespmem:s28+$0xFFFFFF80] =	vst v3;
	v3 =	vld [tilespmem:s28+$0xFFFFFF90]  }
0x88: {  	s24 =	simm.s32 $0x17CC0;
	v8 =	vld [tilespmem:s25+$0xFFFFFF90];
	[tilespmem:s28+$0x70] =	vst v15  }
0x89: {  	s6 =	simm.s32 $0x19080;
	v50 =	vadd.f32 v27, v26;
	v46 =	vld [tilespmem:s24+$0x30]  }
0x8a: {  	v47 =	vld [tilespmem:s6+$0x30]  }
0x8b: {  	[tilespmem:s28+$0x20] =	vst v50;
	v1 =	vld [tilespmem:s25+$0x10];
	v12 =	vadd.f32 v49, v53  }
0x8c: {  	v52 =	vld [tilespmem:s25+$0x30]  }
0x8d: {  	v9 =	vadd.f32 v41, v40;
	v2 =	vld [tilespmem:s25+$0x50];
	[tilespmem:s28+$0xFFFFFFB0] =	vst v12;
	v3 =	vadd.f32 v8, v3  }
0x8e: {  	v60 =	vld [tilespmem:s24+$0xFFFFFFD0]  }
0x8f: {  	v9 =	vmax.f32 v9, $1.000000000e+00;
	[tilespmem:s28+$0xFFFFFF90] =	vst v3;
	v3 =	vld [tilespmem:s26+$0x20];
	v55 =	vadd.f32 v47, v46  }
0x90: {  	[tilespmem:s23+$0x30] =	vst v54;
	v56 =	vpop (erf);
	(erf) = vrcp.f32 v9;
	v4 =	vadd.f32 v51, v4;
	v57 =	vld [tilespmem:s24+$0xFFFFFFC0]  }
0x91: {  	[tilespmem:s23+$0xFFFFFFC0] =	vst v56;
	v58 =	vpop (erf);
	v0 =	vadd.f32 v1, v0;
	v59 =	vld [tilespmem:s6+$0xFFFFFFC0];
	v10 =	vmax.f32 v55, $1.000000000e+00  }
0x92: {  	v6 =	vadd.f32 v6, v7;
	v7 =	vpop (erf);
	[tilespmem:s28+$0xFFFFFFD0] =	vst v4;
	v8 =	vld [tilespmem:s28+$0x30];
	(erf) = vrcp.f32 v10  }
0x93: {  	[tilespmem:s23+$0xFFFFFFE0] =	vst v7;
	v4 =	vld [tilespmem:s6+$0xFFFFFFD0]  }
0x94: {  	v1 =	vpop (erf);
	[tilespmem:s28+$0xFFFFFFF0] =	vst v6;
	v7 =	vld [tilespmem:s24+$0xFFFFFFE0];
	v3 =	vadd.f32 v3, v14  }
0x95: {  	[tilespmem:s28+$0x10] =	vst v0;
	v6 =	vld [tilespmem:s6+$0xFFFFFFE0];
	v0 =	vpop (erf)  }
0x96: {  	v5 =	vadd.f32 v2, v5;
	v61 =	vld [tilespmem:s24+$0xFFFFFFF0];
	[tilespmem:s23+$0x0] =	vst v0;
	v0 =	vadd.f32 v59, v57;
	v2 =	vmax.f32 v3, $1.000000000e+00  }
0x97: {  	[tilespmem:s23+$0xFFFFFFD0] =	vst v58;
	v62 =	vld [tilespmem:s6+$0xFFFFFFF0];
	v8 =	vadd.f32 v52, v8;
	(erf) = vrcp.f32 v2  }
0x98: {  	[tilespmem:s23+$0xFFFFFFF0] =	vst v1;
	v1 =	vld [tilespmem:s24+$0x0];
	v4 =	vadd.f32 v4, v60;
	v0 =	vmax.f32 v0, $1.000000000e+00  }
0x99: {  	v63 =	vpop (erf);
	[tilespmem:s28+$0x30] =	vst v8;
	v3 =	vld [tilespmem:s6+$0x0];
	(erf) = vrcp.f32 v0  }
0x9a: {  	[tilespmem:s28+$0x50] =	vst v5;
	v6 =	vadd.f32 v6, v7;
	v2 =	vld [tilespmem:s24+$0x10];
	v0 =	vmax.f32 v4, $1.000000000e+00  }
0x9b: {  	s1 =	simm.s32 $0x17B90;
	s29 =	simm.s32 $0x8;
	[tilespmem:s23+$0x10] =	vst v63;
	v4 =	vld [tilespmem:s6+$0x10];
	v7 =	vpop (erf);
	(erf) = vrcp.f32 v0  }
0x9c: {  	s31 =	simm.s32 $0x15410;
	s20 =	simm.s32 $0x12F80;
	s26 =	simm.s32 $0x19080;
	v5 =	vadd.f32 v62, v61;
	v6 =	vmax.f32 v6, $1.000000000e+00;
	v0 =	vld [tilespmem:s24+$0x20];
	[tilespmem:s24+$0x30] =	vst v7  }
.LBB2_2:
0x9d: {  	v7 =	vld [tilespmem:s20+$0x60];
	s25 =	sadd.s32 $0x100, s25;
	(erf) = vrcp.f32 v6  }
0x9e: {  	v6 =	vld [tilespmem:s25+$0x60];
	v5 =	vmax.f32 v5, $1.000000000e+00;
	v1 =	vadd.f32 v3, v1  }
0x9f: {  	s29 =	sadd.s32 $0x8, s29;
	v3 =	vld [tilespmem:s25+$0xFFFFFF80];
	(erf) = vrcp.f32 v5  }
0xa0: {  	p2 =	slt.u32 s29, $0x130;
	v5 =	vld [tilespmem:s20+$0xFFFFFFA0];
	v1 =	vmax.f32 v1, $1.000000000e+00;
	v2 =	vadd.f32 v4, v2;
	v4 =	vpop (erf)  }
0xa1: {  	v8 =	vld [tilespmem:s25+$0xFFFFFFA0];
	(erf) = vrcp.f32 v1;
	[tilespmem:s23+$0x20] =	vst v4;
	s23 =	smov.u32 s24  }
0xa2: {  	v1 =	vld [tilespmem:s20+$0xFFFFFFC0];
	v2 =	vmax.f32 v2, $1.000000000e+00;
	v4 =	vpop (erf)  }
0xa3: {  	v9 =	vld [tilespmem:s25+$0xFFFFFFC0];
	v6 =	vadd.f32 v6, v7;
	[tilespmem:s24+$0xFFFFFFC0] =	vst v4;
	(erf) = vrcp.f32 v2  }
0xa4: {  	v2 =	vld [tilespmem:s20+$0xFFFFFFE0];
	v4 =	vpop (erf)  }
0xa5: {  	[tilespmem:s20+$0x60] =	vst v6;
	v6 =	vld [tilespmem:s20+$0x70]  }
0xa6: {  	v10 =	vadd.f32 v8, v5;
	v7 =	vld [tilespmem:s25+$0x70];
	[tilespmem:s24+$0xFFFFFFD0] =	vst v4;
	v4 =	vpop (erf)  }
0xa7: {  	v8 =	vld [tilespmem:s25+$0xFFFFFFE0];
	[tilespmem:s24+$0xFFFFFFE0] =	vst v4  }
0xa8: {  	[tilespmem:s20+$0xFFFFFFA0] =	vst v10;
	v1 =	vadd.f32 v9, v1;
	v4 =	vld [tilespmem:s20+$0x0];
	v5 =	vpop (erf)  }
0xa9: {  	v9 =	vld [tilespmem:s25+$0x0];
	[tilespmem:s24+$0xFFFFFFF0] =	vst v5  }
0xaa: {  	[tilespmem:s20+$0xFFFFFFC0] =	vst v1;
	v1 =	vld [tilespmem:s20+$0x20];
	v5 =	vpop (erf)  }
0xab: {  	v10 =	vld [tilespmem:s25+$0x20];
	v6 =	vadd.f32 v7, v6;
	[tilespmem:s24+$0x0] =	vst v5  }
0xac: {  	v2 =	vadd.f32 v8, v2;
	v5 =	vld [tilespmem:s20+$0x40];
	v7 =	vpop (erf)  }
0xad: {  	s24 =	sadd.s32 $0x80, s24;
	v8 =	vld [tilespmem:s25+$0x40];
	[tilespmem:s20+$0x70] =	vst v6  }
0xae: {  	s6 =	sadd.s32 $0x80, s6;
	[tilespmem:s20+$0xFFFFFFE0] =	vst v2;
	v2 =	vadd.f32 v9, v4;
	v4 =	vld [tilespmem:s24+$0x30]  }
0xaf: {  	v6 =	vld [tilespmem:s6+$0x30];
	[tilespmem:s23+$0x10] =	vst v7  }
0xb0: {  	v7 =	vld [tilespmem:s20+$0xFFFFFF80];
	[tilespmem:s20+$0x0] =	vst v2;
	v1 =	vadd.f32 v10, v1  }
0xb1: {  	v2 =	vld [tilespmem:s25+$0xFFFFFFB0]  }
0xb2: {  	v9 =	vld [tilespmem:s25+$0xFFFFFFD0];
	[tilespmem:s20+$0x20] =	vst v1;
	v1 =	vadd.f32 v8, v5  }
0xb3: {  	v5 =	vld [tilespmem:s25+$0xFFFFFFF0]  }
0xb4: {  	v8 =	vld [tilespmem:s25+$0x10];
	[tilespmem:s20+$0x40] =	vst v1;
	v1 =	vadd.f32 v6, v4  }
0xb5: {  	v3 =	vadd.f32 v3, v7;
	v4 =	vld [tilespmem:s25+$0x30]  }
0xb6: {  	v6 =	vld [tilespmem:s25+$0x50];
	v1 =	vmax.f32 v1, $1.000000000e+00  }
0xb7: {  	[tilespmem:s20+$0xFFFFFF80] =	vst v3;
	v3 =	vld [tilespmem:s20+$0xFFFFFF90];
	(erf) = vrcp.f32 v1  }
0xb8: {  	v1 =	vld [tilespmem:s25+$0xFFFFFF90]  }
0xb9: {  	v7 =	vld [tilespmem:s20+$0xFFFFFFB0]  }
0xba: {  	v10 =	vld [tilespmem:s20+$0xFFFFFFD0]  }
0xbb: {  	v11 =	vld [tilespmem:s20+$0xFFFFFFF0]  }
0xbc: {  	v12 =	vld [tilespmem:s20+$0x10]  }
0xbd: {  	v1 =	vadd.f32 v1, v3;
	v3 =	vld [tilespmem:s20+$0x30]  }
0xbe: {  	v2 =	vadd.f32 v2, v7;
	v7 =	vld [tilespmem:s20+$0x50]  }
0xbf: {  	[tilespmem:s20+$0xFFFFFF90] =	vst v1;
	v1 =	vadd.f32 v9, v10;
	v9 =	vld [tilespmem:s26+$0x20];
	s26 =	smov.u32 s6  }
0xc0: {  	v10 =	vld [tilespmem:s24+$0xFFFFFFC0];
	[tilespmem:s20+$0xFFFFFFB0] =	vst v2;
	v2 =	vadd.f32 v5, v11;
	v5 =	vpop (erf)  }
0xc1: {  	s28 =	simm.s32 $0x0;
	v11 =	vld [tilespmem:s6+$0xFFFFFFC0];
	v8 =	vadd.f32 v8, v12;
	[tilespmem:s24+$0x30] =	vst v5  }
0xc2: {  	v5 =	vld [tilespmem:s24+$0xFFFFFFD0];
	[tilespmem:s20+$0xFFFFFFD0] =	vst v1;
	v1 =	vadd.f32 v4, v3  }
0xc3: {  	v3 =	vld [tilespmem:s6+$0xFFFFFFD0];
	[tilespmem:s20+$0xFFFFFFF0] =	vst v2;
	v2 =	vadd.f32 v6, v7  }
0xc4: {  	v4 =	vld [tilespmem:s24+$0xFFFFFFE0];
	[tilespmem:s20+$0x10] =	vst v8;
	v0 =	vadd.f32 v9, v0  }
0xc5: {  	v6 =	vld [tilespmem:s6+$0xFFFFFFE0];
	[tilespmem:s20+$0x30] =	vst v1  }
0xc6: {  	v1 =	vadd.f32 v11, v10;
	v7 =	vld [tilespmem:s24+$0xFFFFFFF0];
	[tilespmem:s20+$0x50] =	vst v2;
	v0 =	vmax.f32 v0, $1.000000000e+00  }
0xc7: {  	v8 =	vld [tilespmem:s6+$0xFFFFFFF0];
	(erf) = vrcp.f32 v0  }
.Ltmp0:
0xc8: {  	v0 =	vmax.f32 v1, $1.000000000e+00;
	v2 =	vadd.f32 v3, v5;
	v1 =	vld [tilespmem:s24+$0x0];
	(pc) =	sbr.rel @p2 .LBB2_2-.Ltmp0, $4  }
0xc9: {  	v3 =	vld [tilespmem:s6+$0x0];
	(erf) = vrcp.f32 v0  }
0xca: {  	v0 =	vmax.f32 v2, $1.000000000e+00;
	v5 =	vadd.f32 v6, v4;
	v2 =	vld [tilespmem:s24+$0x10]  }
0xcb: {  	v4 =	vld [tilespmem:s6+$0x10];
	(erf) = vrcp.f32 v0  }
0xcc: {  	s20 =	sadd.s32 $0x100, s20;
	v6 =	vmax.f32 v5, $1.000000000e+00;
	v5 =	vadd.f32 v8, v7;
	v0 =	vld [tilespmem:s24+$0x20]  }
0xcd: {  	v7 =	vld [tilespmem:s26+$0x20];
	_ =	sdelay $0x2  }
0xce: {  	v1 =	vadd.f32 v3, v1  }
0xcf: {  	(erf) = vrcp.f32 v6;
	v54 =	vmax.f32 v5, $1.000000000e+00;
	v2 =	vadd.f32 v4, v2  }
0xd0: {  	(erf) = vrcp.f32 v54;
	v1 =	vmax.f32 v1, $1.000000000e+00;
	v0 =	vadd.f32 v7, v0  }
0xd1: {  	(erf) = vrcp.f32 v1;
	v55 =	vmax.f32 v2, $1.000000000e+00  }
0xd2: {  	(erf) = vrcp.f32 v55;
	v0 =	vmax.f32 v0, $1.000000000e+00  }
0xd3: {  	(erf) = vrcp.f32 v0;
	_ =	sdelay $0x1  }
0xd4: {  	v56 =	vpop (erf)  }
0xd5: {  	[tilespmem:s23+$0x20] =	vst v56;
	v57 =	vpop (erf)  }
0xd6: {  	[tilespmem:s24+$0xFFFFFFC0] =	vst v57;
	v58 =	vpop (erf)  }
0xd7: {  	[tilespmem:s24+$0xFFFFFFD0] =	vst v58;
	v59 =	vpop (erf)  }
0xd8: {  	[tilespmem:s24+$0xFFFFFFE0] =	vst v59;
	v60 =	vpop (erf)  }
0xd9: {  	[tilespmem:s24+$0xFFFFFFF0] =	vst v60;
	v61 =	vpop (erf)  }
0xda: {  	[tilespmem:s24+$0x0] =	vst v61;
	v62 =	vpop (erf)  }
0xdb: {  	[tilespmem:s24+$0x10] =	vst v62;
	v63 =	vpop (erf)  }
0xdc: {  	[tilespmem:s24+$0x20] =	vst v63  }
.LBB2_4:
0xdd: {  	v0 =	vld [tilespmem:s31+$0xFFFFFFF0]  }
0xde: {  	v1 =	vld [tilespmem:s1+$0xFFFFFFF0];
	_ =	sdelay $0x4  }
0xdf: {  	v0 =	vadd.f32 v1, v0;
	_ =	sdelay $0x1  }
0xe0: {  	v61 =	vld [tilespmem:s31+$0x0];
	[tilespmem:s31+$0xFFFFFFF0] =	vst v0  }
0xe1: {  	v62 =	vld [tilespmem:s1+$0x0];
	_ =	sdelay $0x4  }
0xe2: {  	v0 =	vadd.f32 v62, v61;
	_ =	sdelay $0x1  }
0xe3: {  	s6 =	sshra.s32 s28, $0x2;
	[tilespmem:s31+$0x0] =	vst v0  }
0xe4: {  	v0 =	vld [tilespmem:s6+$0x18F80]  }
0xe5: {  	v63 =	vld [tilespmem:s6+$0x1A340];
	_ =	sdelay $0x4  }
0xe6: {  	v0 =	vadd.f32 v63, v0;
	_ =	sdelay $0x1  }
0xe7: {  	v0 =	vmax.f32 v0, $1.000000000e+00  }
0xe8: {  	(erf) = vrcp.f32 v0;
	_ =	sdelay $0x4  }
0xe9: {  	p2 =	sne.s32 s28, $0xC0  }
.Ltmp1:
0xea: {  	_ = 	snop;
	(pc) =	sbr.rel @p2 .LBB2_4-.Ltmp1, $3  }
0xeb: {  	_ =	sdelay $0x1  }
0xec: {  	v0 =	vpop (erf)  }
0xed: {  	s28 =	sadd.s32 $0x40, s28;
	s1 =	sadd.s32 $0x20, s1;
	s31 =	sadd.s32 $0x20, s31;
	[tilespmem:s6+$0x18F80] =	vst v0  }
0xee: {  	s1 =	rddreg [dreg:$0x8];
	s6 =	simm.s32 $0x20;
	s11 =	simm.s32 $0x40  }
0xef: {  	[tilespmem:s0], [sflag:$0x9] =	stream.strided.gather [hbm4b:s1+s6], $0x2780, s11, s6, $0x38;
	[tilespmem:$0x1A3A0] =	vst v63  }
0xf0: {  	_ =	swait.ge [sflag:s30], $0x2780  }
0xf1: {  	[sflag:s30] =	ssyncset.done $0x0  }
0xf2: {  	s29 =	simm.s32 $0x17C40;
	[sflag:s30] =	ssyncadd.s32 $0xFFFFD880  }
0xf3: {  	s23 =	simm.s32 $0x12D80;
	v0 =	vld [tilespmem:s29+$0x30]  }
0xf4: {  	v1 =	vld [tilespmem:s23+$0x60]  }
0xf5: {  	v2 =	vld [tilespmem:s23+$0xFFFFFF80]  }
0xf6: {  	v3 =	vld [tilespmem:$0x1A380]  }
0xf7: {  	s24 =	simm.s32 $0x15500;
	v4 =	vld [tilespmem:s29+$0xFFFFFFD0]  }
0xf8: {  	v5 =	vld [tilespmem:s24+$0x60]  }
0xf9: {  	v6 =	vld [tilespmem:s23+$0xFFFFFFA0]  }
0xfa: {  	v7 =	vld [tilespmem:s29+$0xFFFFFFE0]  }
0xfb: {  	v8 =	vld [tilespmem:s23+$0xFFFFFFC0]  }
0xfc: {  	v9 =	vld [tilespmem:s29+$0xFFFFFFF0]  }
0xfd: {  	v10 =	vld [tilespmem:s23+$0xFFFFFFE0]  }
0xfe: {  	v11 =	vld [tilespmem:s23+$0x70]  }
0xff: {  	v12 =	vld [tilespmem:s23+$0x0]  }
0x100: {  	v13 =	vld [tilespmem:s29+$0x10]  }
0x101: {  	v15 =	vld [tilespmem:s23+$0x20]  }
0x102: {  	v16 =	vld [tilespmem:s29+$0x20]  }
0x103: {  	v17 =	vld [tilespmem:s23+$0x40]  }
0x104: {  	v18 =	vld [tilespmem:s29+$0xFFFFFFC0]  }
0x105: {  	v19 =	vld [tilespmem:s24+$0xFFFFFF80]  }
0x106: {  	v20 =	vld [tilespmem:s24+$0xFFFFFFA0]  }
0x107: {  	v21 =	vld [tilespmem:s24+$0xFFFFFFC0]  }
0x108: {  	v22 =	vld [tilespmem:s24+$0xFFFFFFE0]  }
0x109: {  	v23 =	vld [tilespmem:s24+$0x0]  }
0x10a: {  	v24 =	vld [tilespmem:s24+$0x20]  }
0x10b: {  	v25 =	vld [tilespmem:s24+$0x40];
	v1 =	vmul.f32 v1, v0  }
0x10c: {  	v26 =	vld [tilespmem:s23+$0xFFFFFF90];
	v2 =	vmul.f32 v2, v18  }
0x10d: {  	v27 =	vld [tilespmem:s23+$0xFFFFFFB0];
	v1 =	vadd.f32 v1, v3  }
0x10e: {  	v28 =	vld [tilespmem:s23+$0xFFFFFFD0];
	v2 =	vadd.f32 v3, v2  }
0x10f: {  	v54 =	vld [tilespmem:s23+$0xFFFFFFF0];
	v6 =	vmul.f32 v6, v4;
	v1 =	vadd.f32 v1, v5  }
0x110: {  	v8 =	vmul.f32 v8, v7;
	v5 =	vld [tilespmem:s29+$0x0];
	v2 =	vadd.f32 v19, v2  }
0x111: {  	v55 =	vld [tilespmem:s23+$0x10];
	v10 =	vmul.f32 v10, v9;
	v6 =	vadd.f32 v6, v3;
	v1 =	vmax.f32 v1, $0.0e+00  }
0x112: {  	v56 =	vld [tilespmem:s23+$0x30];
	v15 =	vmul.f32 v15, v13;
	v8 =	vadd.f32 v8, v3;
	v2 =	vmax.f32 v2, $0.0e+00;
	[tilespmem:s23+$0x60] =	vst v1  }
0x113: {  	v10 =	vadd.f32 v10, v3;
	v6 =	vadd.f32 v6, v20;
	[tilespmem:s23+$0xFFFFFF80] =	vst v2;
	v2 =	vld [tilespmem:s23+$0x50]  }
0x114: {  	v15 =	vadd.f32 v15, v3;
	v8 =	vadd.f32 v8, v21;
	v1 =	vld [tilespmem:$0x1A390]  }
0x115: {  	v10 =	vadd.f32 v10, v22;
	v6 =	vmax.f32 v6, $0.0e+00;
	v14 =	vld [tilespmem:s24+$0x70];
	v12 =	vmul.f32 v12, v5  }
0x116: {  	v17 =	vmul.f32 v17, v16;
	[tilespmem:s23+$0xFFFFFFA0] =	vst v6;
	v6 =	vmax.f32 v8, $0.0e+00;
	v57 =	vld [tilespmem:$0x1A390]  }
0x117: {  	[tilespmem:s23+$0xFFFFFFC0] =	vst v6;
	v6 =	vmax.f32 v10, $0.0e+00;
	v10 =	vadd.f32 v15, v24;
	v58 =	vld [tilespmem:$0x1A390];
	v12 =	vadd.f32 v12, v3  }
0x118: {  	v61 =	vld [tilespmem:s24+$0xFFFFFF90];
	v3 =	vadd.f32 v17, v3  }
0x119: {  	v63 =	vld [tilespmem:s24+$0xFFFFFFB0];
	[tilespmem:s23+$0xFFFFFFE0] =	vst v6;
	v10 =	vmax.f32 v10, $0.0e+00;
	v8 =	vadd.f32 v12, v23  }
0x11a: {  	v0 =	vmul.f32 v11, v0;
	v6 =	vld [tilespmem:$0x1A390];
	[tilespmem:s23+$0x20] =	vst v10;
	v3 =	vadd.f32 v3, v25  }
0x11b: {  	v11 =	vld [tilespmem:$0x1A390];
	v8 =	vmax.f32 v8, $0.0e+00  }
0x11c: {  	v59 =	vld [tilespmem:$0x1A390];
	v0 =	vadd.f32 v1, v0;
	v1 =	vmul.f32 v26, v18;
	v3 =	vmax.f32 v3, $0.0e+00;
	[tilespmem:s23+$0x0] =	vst v8  }
0x11d: {  	[tilespmem:s23+$0x40] =	vst v3;
	v10 =	vld [tilespmem:$0x1A390]  }
0x11e: {  	v62 =	vmul.f32 v54, v9;
	v13 =	vmul.f32 v56, v13;
	v12 =	vadd.f32 v57, v1;
	v60 =	vld [tilespmem:$0x1A390]  }
0x11f: {  	v9 =	vld [tilespmem:s24+$0xFFFFFFD0];
	v0 =	vadd.f32 v14, v0;
	v3 =	vmul.f32 v27, v4;
	v4 =	vmul.f32 v28, v7  }
0x120: {  	v5 =	vmul.f32 v55, v5;
	v7 =	vld [tilespmem:s24+$0xFFFFFFF0];
	v1 =	vadd.f32 v11, v13;
	v11 =	vadd.f32 v61, v12  }
0x121: {  	v16 =	vmul.f32 v2, v16;
	v15 =	vadd.f32 v58, v3;
	v8 =	vadd.f32 v6, v4;
	v4 =	vld [tilespmem:s24+$0x10]  }
0x122: {  	s25 =	simm.s32 $0x0;
	s31 =	simm.s32 $0x17CC0;
	v3 =	vadd.f32 v59, v62;
	v6 =	vmax.f32 v0, $0.0e+00;
	v2 =	vadd.f32 v10, v5;
	v5 =	vld [tilespmem:s24+$0x30]  }
0x123: {  	s26 =	simm.s32 $0x17C00;
	s1 =	simm.s32 $0x18F80;
	s6 =	simm.s32 $0x12D80;
	[tilespmem:s23+$0x70] =	vst v6;
	v6 =	vld [tilespmem:s24+$0x50];
	v0 =	vadd.f32 v60, v16;
	v10 =	vadd.f32 v63, v15  }
.LBB2_6:
0x124: {  	v12 =	vld [tilespmem:s31+$0x30];
	v11 =	vmax.f32 v11, $0.0e+00;
	v8 =	vadd.f32 v9, v8;
	s23 =	sadd.s32 $0x100, s23  }
0x125: {  	s25 =	sadd.s32 $0x8, s25;
	v9 =	vld [tilespmem:s23+$0x60];
	[tilespmem:s6+$0xFFFFFF90] =	vst v11;
	v10 =	vmax.f32 v10, $0.0e+00;
	v3 =	vadd.f32 v7, v3  }
0x126: {  	p2 =	slt.u32 s25, $0x130;
	v7 =	vld [tilespmem:s23+$0xFFFFFF80];
	[tilespmem:s6+$0xFFFFFFB0] =	vst v10;
	v8 =	vmax.f32 v8, $0.0e+00;
	v2 =	vadd.f32 v4, v2  }
0x127: {  	v4 =	vld [tilespmem:$0x1A380];
	[tilespmem:s6+$0xFFFFFFD0] =	vst v8;
	v3 =	vmax.f32 v3, $0.0e+00;
	v1 =	vadd.f32 v5, v1  }
0x128: {  	s24 =	sadd.s32 $0x100, s24;
	v5 =	vld [tilespmem:s31+$0xFFFFFFD0];
	[tilespmem:s6+$0xFFFFFFF0] =	vst v3;
	v2 =	vmax.f32 v2, $0.0e+00;
	v0 =	vadd.f32 v6, v0  }
0x129: {  	v3 =	vld [tilespmem:s24+$0x60];
	[tilespmem:s6+$0x10] =	vst v2;
	v1 =	vmax.f32 v1, $0.0e+00  }
0x12a: {  	v2 =	vld [tilespmem:s23+$0xFFFFFFA0];
	v6 =	vmul.f32 v9, v12;
	[tilespmem:s6+$0x30] =	vst v1;
	v0 =	vmax.f32 v0, $0.0e+00  }
0x12b: {  	v1 =	vld [tilespmem:s31+$0xFFFFFFE0];
	[tilespmem:s6+$0x50] =	vst v0;
	s6 =	smov.u32 s23  }
0x12c: {  	v0 =	vld [tilespmem:s23+$0xFFFFFFC0];
	v6 =	vadd.f32 v6, v4  }
0x12d: {  	v8 =	vld [tilespmem:s31+$0xFFFFFFF0]  }
0x12e: {  	v9 =	vld [tilespmem:s23+$0xFFFFFFE0];
	v3 =	vadd.f32 v6, v3  }
0x12f: {  	v2 =	vmul.f32 v2, v5;
	v6 =	vld [tilespmem:s31+$0x0]  }
0x130: {  	v3 =	vmax.f32 v3, $0.0e+00;
	v10 =	vld [tilespmem:s23+$0x70]  }
0x131: {  	v2 =	vadd.f32 v2, v4;
	v0 =	vmul.f32 v0, v1;
	v11 =	vld [tilespmem:s23+$0x0];
	[tilespmem:s23+$0x60] =	vst v3  }
0x132: {  	v3 =	vld [tilespmem:$0x1A390]  }
0x133: {  	v0 =	vadd.f32 v0, v4;
	v9 =	vmul.f32 v9, v8;
	v13 =	vld [tilespmem:s31+$0x10]  }
0x134: {  	v14 =	vld [tilespmem:s24+$0x70]  }
0x135: {  	v9 =	vadd.f32 v9, v4;
	v15 =	vld [tilespmem:s23+$0x20];
	v10 =	vmul.f32 v10, v12  }
0x136: {  	v11 =	vmul.f32 v11, v6;
	v12 =	vld [tilespmem:s31+$0x20]  }
0x137: {  	v16 =	vld [tilespmem:s23+$0x40];
	v3 =	vadd.f32 v3, v10  }
0x138: {  	v10 =	vld [tilespmem:s31+$0xFFFFFFC0];
	v11 =	vadd.f32 v11, v4  }
0x139: {  	v17 =	vld [tilespmem:s24+$0xFFFFFF80];
	v3 =	vadd.f32 v14, v3  }
0x13a: {  	v14 =	vld [tilespmem:s24+$0xFFFFFFA0];
	v15 =	vmul.f32 v15, v13  }
0x13b: {  	v18 =	vld [tilespmem:s24+$0xFFFFFFC0];
	v3 =	vmax.f32 v3, $0.0e+00  }
0x13c: {  	s20 =	simm.s32 $0x0;
	v19 =	vld [tilespmem:s24+$0xFFFFFFE0];
	v15 =	vadd.f32 v15, v4;
	v16 =	vmul.f32 v16, v12;
	[tilespmem:s23+$0x70] =	vst v3  }
0x13d: {  	v3 =	vmul.f32 v7, v10;
	v7 =	vld [tilespmem:s24+$0x0]  }
0x13e: {  	v20 =	vld [tilespmem:s24+$0x20];
	v16 =	vadd.f32 v16, v4  }
0x13f: {  	v3 =	vadd.f32 v4, v3;
	v2 =	vadd.f32 v2, v14;
	v4 =	vld [tilespmem:s24+$0x40]  }
0x140: {  	v14 =	vld [tilespmem:s23+$0xFFFFFF90];
	v0 =	vadd.f32 v0, v18  }
0x141: {  	v3 =	vadd.f32 v17, v3;
	v2 =	vmax.f32 v2, $0.0e+00;
	v17 =	vld [tilespmem:s23+$0xFFFFFFB0];
	v9 =	vadd.f32 v9, v19  }
0x142: {  	[tilespmem:s23+$0xFFFFFFA0] =	vst v2;
	v0 =	vmax.f32 v0, $0.0e+00;
	v2 =	vld [tilespmem:s23+$0xFFFFFFD0];
	v7 =	vadd.f32 v11, v7  }
0x143: {  	v3 =	vmax.f32 v3, $0.0e+00;
	[tilespmem:s23+$0xFFFFFFC0] =	vst v0;
	v0 =	vmax.f32 v9, $0.0e+00;
	v9 =	vld [tilespmem:s23+$0xFFFFFFF0];
	v11 =	vadd.f32 v15, v20  }
0x144: {  	[tilespmem:s23+$0xFFFFFF80] =	vst v3;
	v3 =	vmax.f32 v7, $0.0e+00;
	v7 =	vld [tilespmem:s23+$0x10];
	v4 =	vadd.f32 v16, v4  }
0x145: {  	v10 =	vmul.f32 v14, v10;
	[tilespmem:s23+$0xFFFFFFE0] =	vst v0;
	v0 =	vmax.f32 v11, $0.0e+00;
	v11 =	vld [tilespmem:s23+$0x30]  }
0x146: {  	v5 =	vmul.f32 v17, v5;
	[tilespmem:s23+$0x0] =	vst v3;
	v3 =	vmax.f32 v4, $0.0e+00;
	v4 =	vld [tilespmem:s23+$0x50]  }
0x147: {  	v14 =	vld [tilespmem:$0x1A390];
	v1 =	vmul.f32 v2, v1;
	[tilespmem:s23+$0x20] =	vst v0  }
0x148: {  	v0 =	vld [tilespmem:$0x1A390];
	v2 =	vmul.f32 v9, v8;
	[tilespmem:s23+$0x40] =	vst v3  }
0x149: {  	v3 =	vld [tilespmem:$0x1A390];
	v6 =	vmul.f32 v7, v6  }
0x14a: {  	v7 =	vld [tilespmem:$0x1A390];
	v11 =	vmul.f32 v11, v13  }
0x14b: {  	v13 =	vld [tilespmem:$0x1A390];
	v12 =	vmul.f32 v4, v12  }
0x14c: {  	v10 =	vadd.f32 v14, v10;
	v4 =	vld [tilespmem:$0x1A390]  }
0x14d: {  	v14 =	vadd.f32 v0, v5;
	v0 =	vld [tilespmem:$0x1A390]  }
0x14e: {  	v5 =	vld [tilespmem:s24+$0xFFFFFF90];
	v8 =	vadd.f32 v3, v1  }
0x14f: {  	v15 =	vld [tilespmem:s24+$0xFFFFFFB0];
	v3 =	vadd.f32 v7, v2  }
.Ltmp2:
0x150: {  	v9 =	vld [tilespmem:s24+$0xFFFFFFD0];
	v2 =	vadd.f32 v13, v6;
	(pc) =	sbr.rel @p2 .LBB2_6-.Ltmp2, $4  }
0x151: {  	v7 =	vld [tilespmem:s24+$0xFFFFFFF0];
	v1 =	vadd.f32 v4, v11  }
0x152: {  	v4 =	vld [tilespmem:s24+$0x10];
	v0 =	vadd.f32 v0, v12  }
0x153: {  	v11 =	vadd.f32 v5, v10;
	v5 =	vld [tilespmem:s24+$0x30]  }
0x154: {  	s31 =	sadd.s32 $0x80, s31;
	v10 =	vadd.f32 v15, v14;
	v6 =	vld [tilespmem:s24+$0x50]  }
0x155: {  	v11 =	vmax.f32 v11, $0.0e+00;
	v8 =	vadd.f32 v9, v8  }
0x156: {  	[tilespmem:s6+$0xFFFFFF90] =	vst v11;
	v62 =	vmax.f32 v10, $0.0e+00;
	v3 =	vadd.f32 v7, v3  }
0x157: {  	[tilespmem:s6+$0xFFFFFFB0] =	vst v62;
	v63 =	vmax.f32 v8, $0.0e+00;
	v2 =	vadd.f32 v4, v2  }
0x158: {  	[tilespmem:s6+$0xFFFFFFD0] =	vst v63;
	v3 =	vmax.f32 v3, $0.0e+00;
	v1 =	vadd.f32 v5, v1  }
0x159: {  	[tilespmem:s6+$0xFFFFFFF0] =	vst v3;
	v2 =	vmax.f32 v2, $0.0e+00;
	v0 =	vadd.f32 v6, v0  }
0x15a: {  	[tilespmem:s6+$0x10] =	vst v2;
	v1 =	vmax.f32 v1, $0.0e+00  }
0x15b: {  	[tilespmem:s6+$0x30] =	vst v1;
	v0 =	vmax.f32 v0, $0.0e+00  }
0x15c: {  	[tilespmem:s6+$0x50] =	vst v0  }
.LBB2_8:
0x15d: {  	v0 =	vld [tilespmem:s1+$0x0];
	s6 =	sshra.s32 s20, $0x2  }
0x15e: {  	v1 =	vld [tilespmem:s6+$0x15400];
	_ =	sdelay $0x1  }
0x15f: {  	v2 =	vld [tilespmem:$0x1A380];
	_ =	sdelay $0x1  }
0x160: {  	v3 =	vld [tilespmem:s6+$0x17B80]  }
0x161: {  	v1 =	vmul.f32 v1, v0;
	_ =	sdelay $0x1  }
0x162: {  	v1 =	vadd.f32 v2, v1;
	_ =	sdelay $0x1  }
0x163: {  	v1 =	vadd.f32 v3, v1;
	_ =	sdelay $0x1  }
0x164: {  	v62 =	vld [tilespmem:s6+$0x15410];
	v1 =	vmax.f32 v1, $0.0e+00  }
0x165: {  	[tilespmem:s6+$0x15400] =	vst v1  }
0x166: {  	v1 =	vld [tilespmem:$0x1A390];
	_ =	sdelay $0x1  }
0x167: {  	v63 =	vld [tilespmem:s6+$0x17B90]  }
0x168: {  	v0 =	vmul.f32 v62, v0;
	_ =	sdelay $0x1  }
0x169: {  	p2 =	sne.s32 s20, $0x180;
	v0 =	vadd.f32 v1, v0  }
.Ltmp3:
0x16a: {  	_ = 	snop;
	(pc) =	sbr.rel @p2 .LBB2_8-.Ltmp3, $3  }
0x16b: {  	v0 =	vadd.f32 v63, v0;
	_ =	sdelay $0x1  }
0x16c: {  	v0 =	vmax.f32 v0, $0.0e+00  }
0x16d: {  	s1 =	sadd.s32 $0x10, s1;
	s20 =	sadd.s32 $0x80, s20;
	[tilespmem:s6+$0x15410] =	vst v0  }
0x16e: {  	s1 =	rddreg [dreg:$0x9];
	s23 =	simm.s32 $0x12D00  }
0x16f: {  	[spmem:s1] =	stream.linear.scatter [tilespmem:s23], [sflag:$0x9], $0x2780, $0x38;
	[tilespmem:$0x1A3A0] =	vst v63  }
0x170: {  	_ =	swait.ge [sflag:s30], $0x2780  }
0x171: {  	s6 =	simm.s32 @!p1 $0x12D00;
	[sflag:s30] =	ssyncset.done $0x0  }
0x172: {  	s1 =	simm.s32 @!p1 $0x0;
	s20 =	rddreg [dreg:$0xb];
	[sflag:s30] =	ssyncadd.s32 $0xFFFFD880  }
0x173: {  	[hbm4b:s20+s1] =	stream.linear.scatter @!p1 [tilespmem:s6], [sflag:$0x9], $0x2780, $0x38;
	[tilespmem:$0x1A3A0] =	vst v63  }
0x174: {  	s1 =	simm.s32 @!p1 $0x9  }
0x175: {  	_ =	swait.ge @!p1 [sflag:s1], $0x2780  }
0x176: {  	[sflag:s1] =	ssyncset.done @!p1 $0x0  }
0x177: {  	s25 =	rddreg [dreg:$0xc];
	[sflag:s1] =	ssyncadd.s32 @!p1 $0xFFFFD880  }
0x178: {  	[tilespmem:s23], [sflag:$0x9] =	stream.linear.gather [hbm4b:s25+s5], $0x2780, $0x38;
	[tilespmem:$0x1A3A0] =	vst v63  }
0x179: {  	_ =	swait.ge [sflag:s30], $0x2780  }
0x17a: {  	[sflag:s30] =	ssyncset.done $0x0  }
0x17b: {  	s28 =	rddreg [dreg:$0xe];
	[sflag:s30] =	ssyncadd.s32 $0xFFFFD880  }
0x17c: {  	[tilespmem:s0], [sflag:$0x9] =	stream.linear.gather [hbm4b:s28+s5], $0x2780, $0x38;
	[tilespmem:$0x1A3A0] =	vst v63  }
0x17d: {  	_ =	swait.ge [sflag:s30], $0x2780  }
0x17e: {  	[sflag:s30] =	ssyncset.done $0x0  }
0x17f: {  	s6 =	rddreg [dreg:$0x12];
	[sflag:s30] =	ssyncadd.s32 $0xFFFFD880  }
0x180: {  	[tilespmem:s26], [sflag:$0x9] =	stream.linear.gather [hbm4b:s6+s5], $0x13C0, $0x38;
	[tilespmem:$0x1A3A0] =	vst v63  }
0x181: {  	_ =	swait.ge [sflag:s30], $0x13C0  }
0x182: {  	[sflag:s30] =	ssyncset.done $0x0  }
0x183: {  	s23 =	simm.s32 $0x18FC0;
	s20 =	rddreg [dreg:$0x19];
	[sflag:s30] =	ssyncadd.s32 $0xFFFFEC40  }
0x184: {  	[tilespmem:s23], [sflag:$0x9] =	stream.linear.gather [hbm4b:s20+s5], $0x13C0, $0x38;
	[tilespmem:$0x1A3A0] =	vst v63  }
0x185: {  	_ =	swait.ge [sflag:s30], $0x13C0  }
0x186: {  	[sflag:s30] =	ssyncset.done $0x0  }
0x187: {  	s24 =	simm.s32 $0x12D80;
	[sflag:s30] =	ssyncadd.s32 $0xFFFFEC40  }
0x188: {  	s25 =	simm.s32 $0x15500;
	v0 =	vld [tilespmem:s24+$0x60]  }
0x189: {  	v1 =	vld [tilespmem:s25+$0x60]  }
0x18a: {  	v2 =	vld [tilespmem:s25+$0xFFFFFF80]  }
0x18b: {  	v3 =	vld [tilespmem:s24+$0xFFFFFFA0]  }
0x18c: {  	v4 =	vld [tilespmem:s25+$0xFFFFFFA0]  }
0x18d: {  	v5 =	vld [tilespmem:s24+$0xFFFFFFC0]  }
0x18e: {  	v6 =	vld [tilespmem:s25+$0xFFFFFFC0]  }
0x18f: {  	v8 =	vld [tilespmem:s25+$0xFFFFFFE0]  }
0x190: {  	v9 =	vld [tilespmem:s24+$0x0]  }
0x191: {  	v10 =	vld [tilespmem:s25+$0x0]  }
0x192: {  	v11 =	vld [tilespmem:s24+$0x20]  }
0x193: {  	v12 =	vld [tilespmem:s25+$0x20]  }
0x194: {  	v13 =	vld [tilespmem:s25+$0x40]  }
0x195: {  	v32 =	vld [tilespmem:s24+$0xFFFFFFB0]  }
0x196: {  	v33 =	vld [tilespmem:s24+$0xFFFFFFD0]  }
0x197: {  	v34 =	vld [tilespmem:s24+$0xFFFFFFF0]  }
0x198: {  	v35 =	vld [tilespmem:s24+$0x10]  }
0x199: {  	s28 =	simm.s32 $0x12E80;
	v36 =	vld [tilespmem:s24+$0x50]  }
0x19a: {  	v15 =	vld [tilespmem:s28+$0x60]  }
0x19b: {  	v18 =	vld [tilespmem:s28+$0xFFFFFFA0]  }
0x19c: {  	v20 =	vld [tilespmem:s28+$0xFFFFFFC0]  }
0x19d: {  	v42 =	vld [tilespmem:s28+$0xFFFFFFE0]  }
0x19e: {  	v43 =	vld [tilespmem:s28+$0x70];
	v0 =	vadd.f32 v1, v0  }
0x19f: {  	v24 =	vld [tilespmem:s28+$0x0]  }
0x1a0: {  	[tilespmem:s24+$0x60] =	vst v0;
	v0 =	vld [tilespmem:s24+$0x70]  }
0x1a1: {  	v7 =	vld [tilespmem:s25+$0x70]  }
0x1a2: {  	v26 =	vld [tilespmem:s28+$0x20]  }
0x1a3: {  	v44 =	vld [tilespmem:s28+$0x40]  }
0x1a4: {  	v48 =	vld [tilespmem:s28+$0xFFFFFF80]  }
0x1a5: {  	v1 =	vld [tilespmem:s24+$0xFFFFFFE0]  }
0x1a6: {  	v53 =	vld [tilespmem:s28+$0xFFFFFFB0];
	v0 =	vadd.f32 v7, v0  }
0x1a7: {  	v7 =	vld [tilespmem:s24+$0x40]  }
0x1a8: {  	s23 =	simm.s32 $0x17C40;
	[tilespmem:s24+$0x70] =	vst v0;
	v0 =	vadd.f32 v4, v3;
	v4 =	vadd.f32 v6, v5;
	v5 =	vld [tilespmem:s24+$0xFFFFFF80]  }
0x1a9: {  	s26 =	simm.s32 $0x19000;
	v3 =	vld [tilespmem:s23+$0x30]  }
0x1aa: {  	[tilespmem:s24+$0xFFFFFFA0] =	vst v0;
	v0 =	vadd.f32 v8, v1;
	v1 =	vld [tilespmem:s26+$0x30]  }
0x1ab: {  	[tilespmem:s24+$0xFFFFFFC0] =	vst v4;
	v4 =	vadd.f32 v10, v9;
	v6 =	vld [tilespmem:s25+$0xFFFFFFB0]  }
0x1ac: {  	v8 =	vld [tilespmem:s25+$0xFFFFFFD0];
	[tilespmem:s24+$0xFFFFFFE0] =	vst v0;
	v0 =	vadd.f32 v12, v11  }
0x1ad: {  	[tilespmem:s24+$0x0] =	vst v4;
	v4 =	vld [tilespmem:s25+$0xFFFFFFF0]  }
0x1ae: {  	v2 =	vadd.f32 v2, v5;
	[tilespmem:s24+$0x20] =	vst v0;
	v0 =	vld [tilespmem:s25+$0x10]  }
0x1af: {  	v5 =	vadd.f32 v13, v7;
	v7 =	vld [tilespmem:s25+$0x30]  }
0x1b0: {  	[tilespmem:s24+$0xFFFFFF80] =	vst v2;
	v2 =	vld [tilespmem:s24+$0xFFFFFF90]  }
0x1b1: {  	[tilespmem:s24+$0x40] =	vst v5;
	v5 =	vld [tilespmem:s25+$0xFFFFFF90]  }
0x1b2: {  	v31 =	vld [tilespmem:s25+$0x50];
	s25 =	simm.s32 $0x15600  }
0x1b3: {  	v16 =	vld [tilespmem:s25+$0x60]  }
0x1b4: {  	v17 =	vld [tilespmem:s25+$0xFFFFFF80]  }
0x1b5: {  	v19 =	vld [tilespmem:s25+$0xFFFFFFA0]  }
0x1b6: {  	v21 =	vld [tilespmem:s25+$0xFFFFFFC0]  }
0x1b7: {  	v23 =	vld [tilespmem:s25+$0xFFFFFFE0]  }
0x1b8: {  	v6 =	vadd.f32 v6, v32;
	v25 =	vld [tilespmem:s25+$0x0]  }
0x1b9: {  	v27 =	vld [tilespmem:s25+$0x20]  }
0x1ba: {  	v8 =	vadd.f32 v8, v33;
	v45 =	vld [tilespmem:s25+$0x40];
	[tilespmem:s24+$0xFFFFFFB0] =	vst v6  }
0x1bb: {  	v37 =	vld [tilespmem:s23+$0xFFFFFFD0]  }
0x1bc: {  	v4 =	vadd.f32 v4, v34;
	[tilespmem:s24+$0xFFFFFFD0] =	vst v8;
	v8 =	vld [tilespmem:s26+$0xFFFFFFD0]  }
0x1bd: {  	v38 =	vld [tilespmem:s23+$0xFFFFFFE0]  }
0x1be: {  	v0 =	vadd.f32 v0, v35;
	[tilespmem:s24+$0xFFFFFFF0] =	vst v4;
	v4 =	vld [tilespmem:s26+$0xFFFFFFE0]  }
0x1bf: {  	v2 =	vadd.f32 v5, v2;
	v5 =	vld [tilespmem:s24+$0x30]  }
0x1c0: {  	v39 =	vld [tilespmem:s23+$0xFFFFFFF0];
	[tilespmem:s24+$0x10] =	vst v0  }
0x1c1: {  	v0 =	vld [tilespmem:s26+$0xFFFFFFF0];
	v9 =	vadd.f32 v31, v36;
	[tilespmem:s24+$0xFFFFFF90] =	vst v2  }
0x1c2: {  	v15 =	vadd.f32 v16, v15;
	v2 =	vld [tilespmem:s23+$0xFFFFFFC0]  }
0x1c3: {  	v18 =	vadd.f32 v19, v18;
	[tilespmem:s24+$0x50] =	vst v9;
	v6 =	vld [tilespmem:s26+$0xFFFFFFC0]  }
0x1c4: {  	v20 =	vadd.f32 v21, v20;
	v14 =	vld [tilespmem:s23+$0x20];
	[tilespmem:s28+$0x60] =	vst v15  }
0x1c5: {  	v1 =	vadd.f32 v1, v3;
	v3 =	vadd.f32 v25, v24;
	[tilespmem:s28+$0xFFFFFFA0] =	vst v18;
	v22 =	vld [tilespmem:s25+$0x70]  }
0x1c6: {  	v50 =	vadd.f32 v27, v26;
	[tilespmem:s28+$0xFFFFFFC0] =	vst v20;
	v49 =	vld [tilespmem:s25+$0xFFFFFFB0]  }
0x1c7: {  	v1 =	vmax.f32 v1, $1.000000000e+00;
	[tilespmem:s28+$0x0] =	vst v3;
	v51 =	vld [tilespmem:s25+$0xFFFFFFD0]  }
0x1c8: {  	(erf) = vrcp.f32 v1;
	v3 =	vadd.f32 v45, v44;
	[tilespmem:s28+$0x20] =	vst v50;
	v1 =	vld [tilespmem:s25+$0x10]  }
0x1c9: {  	v52 =	vld [tilespmem:s25+$0x30];
	v5 =	vadd.f32 v7, v5  }
0x1ca: {  	v7 =	vld [tilespmem:s23+$0x0];
	[tilespmem:s28+$0x40] =	vst v3;
	v3 =	vadd.f32 v17, v48  }
0x1cb: {  	[tilespmem:s24+$0x30] =	vst v5;
	v5 =	vld [tilespmem:s26+$0x0]  }
0x1cc: {  	v16 =	vadd.f32 v23, v42;
	[tilespmem:s28+$0xFFFFFF80] =	vst v3;
	v3 =	vld [tilespmem:s28+$0xFFFFFF90]  }
0x1cd: {  	v40 =	vld [tilespmem:s23+$0x10];
	v2 =	vadd.f32 v6, v2  }
0x1ce: {  	[tilespmem:s28+$0xFFFFFFE0] =	vst v16;
	v41 =	vld [tilespmem:s26+$0x10];
	v15 =	vadd.f32 v22, v43  }
0x1cf: {  	v8 =	vadd.f32 v8, v37;
	v6 =	vld [tilespmem:s25+$0xFFFFFFF0];
	v2 =	vmax.f32 v2, $1.000000000e+00  }
0x1d0: {  	s24 =	simm.s32 $0x17CC0;
	[tilespmem:s28+$0x70] =	vst v15;
	(erf) = vrcp.f32 v2;
	v2 =	vld [tilespmem:s25+$0x50]  }
0x1d1: {  	v4 =	vadd.f32 v4, v38;
	v8 =	vmax.f32 v8, $1.000000000e+00;
	v46 =	vld [tilespmem:s24+$0x30]  }
0x1d2: {  	s6 =	simm.s32 $0x19080;
	v0 =	vadd.f32 v0, v39;
	(erf) = vrcp.f32 v8;
	v8 =	vld [tilespmem:s25+$0xFFFFFF90]  }
0x1d3: {  	v4 =	vmax.f32 v4, $1.000000000e+00;
	v47 =	vld [tilespmem:s6+$0x30];
	v5 =	vadd.f32 v5, v7  }
0x1d4: {  	v0 =	vmax.f32 v0, $1.000000000e+00;
	v12 =	vadd.f32 v49, v53;
	v7 =	vld [tilespmem:s28+$0xFFFFFFF0];
	(erf) = vrcp.f32 v4  }
0x1d5: {  	v4 =	vld [tilespmem:s28+$0xFFFFFFD0];
	(erf) = vrcp.f32 v0;
	v5 =	vmax.f32 v5, $1.000000000e+00  }
0x1d6: {  	v54 =	vpop (erf);
	[tilespmem:s28+$0xFFFFFFB0] =	vst v12;
	v0 =	vld [tilespmem:s28+$0x10];
	(erf) = vrcp.f32 v5  }
0x1d7: {  	v60 =	vld [tilespmem:s24+$0xFFFFFFD0];
	v9 =	vadd.f32 v41, v40;
	v3 =	vadd.f32 v8, v3  }
0x1d8: {  	v5 =	vld [tilespmem:s28+$0x50]  }
0x1d9: {  	v9 =	vmax.f32 v9, $1.000000000e+00;
	v55 =	vadd.f32 v47, v46;
	v6 =	vadd.f32 v6, v7;
	[tilespmem:s28+$0xFFFFFF90] =	vst v3;
	v3 =	vld [tilespmem:s26+$0x20]  }
0x1da: {  	[tilespmem:s23+$0x30] =	vst v54;
	v4 =	vadd.f32 v51, v4;
	v56 =	vpop (erf);
	(erf) = vrcp.f32 v9;
	v57 =	vld [tilespmem:s24+$0xFFFFFFC0]  }
0x1db: {  	v10 =	vmax.f32 v55, $1.000000000e+00;
	v0 =	vadd.f32 v1, v0;
	[tilespmem:s28+$0xFFFFFFF0] =	vst v6;
	v59 =	vld [tilespmem:s6+$0xFFFFFFC0]  }
0x1dc: {  	v8 =	vld [tilespmem:s28+$0x30];
	[tilespmem:s28+$0xFFFFFFD0] =	vst v4;
	v58 =	vpop (erf);
	(erf) = vrcp.f32 v10  }
0x1dd: {  	v4 =	vld [tilespmem:s6+$0xFFFFFFD0];
	[tilespmem:s23+$0xFFFFFFC0] =	vst v56;
	v7 =	vpop (erf)  }
0x1de: {  	v6 =	vld [tilespmem:s6+$0xFFFFFFE0];
	[tilespmem:s28+$0x10] =	vst v0;
	v1 =	vpop (erf);
	v3 =	vadd.f32 v3, v14  }
0x1df: {  	[tilespmem:s23+$0xFFFFFFE0] =	vst v7;
	v7 =	vld [tilespmem:s24+$0xFFFFFFE0];
	v0 =	vpop (erf)  }
0x1e0: {  	v61 =	vld [tilespmem:s24+$0xFFFFFFF0];
	v5 =	vadd.f32 v2, v5;
	[tilespmem:s23+$0x0] =	vst v0;
	v0 =	vadd.f32 v59, v57;
	v2 =	vmax.f32 v3, $1.000000000e+00  }
0x1e1: {  	v62 =	vld [tilespmem:s6+$0xFFFFFFF0];
	[tilespmem:s23+$0xFFFFFFD0] =	vst v58;
	v8 =	vadd.f32 v52, v8;
	(erf) = vrcp.f32 v2  }
0x1e2: {  	[tilespmem:s23+$0xFFFFFFF0] =	vst v1;
	v1 =	vld [tilespmem:s24+$0x0];
	v4 =	vadd.f32 v4, v60;
	v0 =	vmax.f32 v0, $1.000000000e+00  }
0x1e3: {  	[tilespmem:s28+$0x30] =	vst v8;
	v3 =	vld [tilespmem:s6+$0x0];
	v63 =	vpop (erf);
	(erf) = vrcp.f32 v0  }
0x1e4: {  	[tilespmem:s28+$0x50] =	vst v5;
	v2 =	vld [tilespmem:s24+$0x10];
	v6 =	vadd.f32 v6, v7;
	v0 =	vmax.f32 v4, $1.000000000e+00  }
0x1e5: {  	s11 =	simm.s32 $0x12D00;
	v4 =	vld [tilespmem:s6+$0x10];
	[tilespmem:s23+$0x10] =	vst v63;
	v7 =	vpop (erf);
	(erf) = vrcp.f32 v0  }
0x1e6: {  	s29 =	simm.s32 $0x12F80;
	s31 =	simm.s32 $0x19080;
	s1 =	simm.s32 $0x8;
	v5 =	vadd.f32 v62, v61;
	v6 =	vmax.f32 v6, $1.000000000e+00;
	v0 =	vld [tilespmem:s24+$0x20];
	[tilespmem:s24+$0x30] =	vst v7  }
.LBB2_10:
0x1e7: {  	v7 =	vld [tilespmem:s29+$0x60];
	s25 =	sadd.s32 $0x100, s25;
	(erf) = vrcp.f32 v6  }
0x1e8: {  	v6 =	vld [tilespmem:s25+$0x60];
	v5 =	vmax.f32 v5, $1.000000000e+00;
	v1 =	vadd.f32 v3, v1  }
0x1e9: {  	s1 =	sadd.s32 $0x8, s1;
	v3 =	vld [tilespmem:s25+$0xFFFFFF80];
	(erf) = vrcp.f32 v5  }
0x1ea: {  	p2 =	slt.u32 s1, $0x130;
	v5 =	vld [tilespmem:s29+$0xFFFFFFA0];
	v1 =	vmax.f32 v1, $1.000000000e+00;
	v2 =	vadd.f32 v4, v2;
	v4 =	vpop (erf)  }
0x1eb: {  	v8 =	vld [tilespmem:s25+$0xFFFFFFA0];
	(erf) = vrcp.f32 v1;
	[tilespmem:s23+$0x20] =	vst v4;
	s23 =	smov.u32 s24  }
0x1ec: {  	v1 =	vld [tilespmem:s29+$0xFFFFFFC0];
	v2 =	vmax.f32 v2, $1.000000000e+00;
	v4 =	vpop (erf)  }
0x1ed: {  	v9 =	vld [tilespmem:s25+$0xFFFFFFC0];
	v6 =	vadd.f32 v6, v7;
	[tilespmem:s24+$0xFFFFFFC0] =	vst v4;
	(erf) = vrcp.f32 v2  }
0x1ee: {  	v2 =	vld [tilespmem:s29+$0xFFFFFFE0];
	v4 =	vpop (erf)  }
0x1ef: {  	[tilespmem:s29+$0x60] =	vst v6;
	v6 =	vld [tilespmem:s29+$0x70]  }
0x1f0: {  	v10 =	vadd.f32 v8, v5;
	v7 =	vld [tilespmem:s25+$0x70];
	[tilespmem:s24+$0xFFFFFFD0] =	vst v4;
	v4 =	vpop (erf)  }
0x1f1: {  	v8 =	vld [tilespmem:s25+$0xFFFFFFE0];
	[tilespmem:s24+$0xFFFFFFE0] =	vst v4  }
0x1f2: {  	[tilespmem:s29+$0xFFFFFFA0] =	vst v10;
	v1 =	vadd.f32 v9, v1;
	v4 =	vld [tilespmem:s29+$0x0];
	v5 =	vpop (erf)  }
0x1f3: {  	v9 =	vld [tilespmem:s25+$0x0];
	[tilespmem:s24+$0xFFFFFFF0] =	vst v5  }
0x1f4: {  	[tilespmem:s29+$0xFFFFFFC0] =	vst v1;
	v1 =	vld [tilespmem:s29+$0x20];
	v5 =	vpop (erf)  }
0x1f5: {  	v10 =	vld [tilespmem:s25+$0x20];
	v6 =	vadd.f32 v7, v6;
	[tilespmem:s24+$0x0] =	vst v5  }
0x1f6: {  	v2 =	vadd.f32 v8, v2;
	v5 =	vld [tilespmem:s29+$0x40];
	v7 =	vpop (erf)  }
0x1f7: {  	s24 =	sadd.s32 $0x80, s24;
	v8 =	vld [tilespmem:s25+$0x40];
	[tilespmem:s29+$0x70] =	vst v6  }
0x1f8: {  	s6 =	sadd.s32 $0x80, s6;
	[tilespmem:s29+$0xFFFFFFE0] =	vst v2;
	v2 =	vadd.f32 v9, v4;
	v4 =	vld [tilespmem:s24+$0x30]  }
0x1f9: {  	v6 =	vld [tilespmem:s6+$0x30];
	[tilespmem:s23+$0x10] =	vst v7  }
0x1fa: {  	v7 =	vld [tilespmem:s29+$0xFFFFFF80];
	[tilespmem:s29+$0x0] =	vst v2;
	v1 =	vadd.f32 v10, v1  }
0x1fb: {  	v2 =	vld [tilespmem:s25+$0xFFFFFFB0]  }
0x1fc: {  	v9 =	vld [tilespmem:s25+$0xFFFFFFD0];
	[tilespmem:s29+$0x20] =	vst v1;
	v1 =	vadd.f32 v8, v5  }
0x1fd: {  	v5 =	vld [tilespmem:s25+$0xFFFFFFF0]  }
0x1fe: {  	v8 =	vld [tilespmem:s25+$0x10];
	[tilespmem:s29+$0x40] =	vst v1;
	v1 =	vadd.f32 v6, v4  }
0x1ff: {  	v3 =	vadd.f32 v3, v7;
	v4 =	vld [tilespmem:s25+$0x30]  }
0x200: {  	v6 =	vld [tilespmem:s25+$0x50];
	v1 =	vmax.f32 v1, $1.000000000e+00  }
0x201: {  	[tilespmem:s29+$0xFFFFFF80] =	vst v3;
	v3 =	vld [tilespmem:s29+$0xFFFFFF90];
	(erf) = vrcp.f32 v1  }
0x202: {  	v1 =	vld [tilespmem:s25+$0xFFFFFF90]  }
0x203: {  	v7 =	vld [tilespmem:s29+$0xFFFFFFB0]  }
0x204: {  	v10 =	vld [tilespmem:s29+$0xFFFFFFD0]  }
0x205: {  	v11 =	vld [tilespmem:s29+$0xFFFFFFF0]  }
0x206: {  	v12 =	vld [tilespmem:s29+$0x10]  }
0x207: {  	v1 =	vadd.f32 v1, v3;
	v3 =	vld [tilespmem:s29+$0x30]  }
0x208: {  	v2 =	vadd.f32 v2, v7;
	v7 =	vld [tilespmem:s29+$0x50]  }
0x209: {  	[tilespmem:s29+$0xFFFFFF90] =	vst v1;
	v1 =	vadd.f32 v9, v10;
	v9 =	vld [tilespmem:s31+$0x20];
	s31 =	smov.u32 s6  }
0x20a: {  	v10 =	vld [tilespmem:s24+$0xFFFFFFC0];
	[tilespmem:s29+$0xFFFFFFB0] =	vst v2;
	v2 =	vadd.f32 v5, v11;
	v5 =	vpop (erf)  }
0x20b: {  	s20 =	simm.s32 $0x0;
	s26 =	simm.s32 $0x15410;
	s28 =	simm.s32 $0x17B90;
	v11 =	vld [tilespmem:s6+$0xFFFFFFC0];
	v8 =	vadd.f32 v8, v12;
	[tilespmem:s24+$0x30] =	vst v5  }
0x20c: {  	v5 =	vld [tilespmem:s24+$0xFFFFFFD0];
	[tilespmem:s29+$0xFFFFFFD0] =	vst v1;
	v1 =	vadd.f32 v4, v3  }
0x20d: {  	v3 =	vld [tilespmem:s6+$0xFFFFFFD0];
	[tilespmem:s29+$0xFFFFFFF0] =	vst v2;
	v2 =	vadd.f32 v6, v7  }
0x20e: {  	v4 =	vld [tilespmem:s24+$0xFFFFFFE0];
	[tilespmem:s29+$0x10] =	vst v8;
	v0 =	vadd.f32 v9, v0  }
0x20f: {  	v6 =	vld [tilespmem:s6+$0xFFFFFFE0];
	[tilespmem:s29+$0x30] =	vst v1  }
0x210: {  	v1 =	vadd.f32 v11, v10;
	v7 =	vld [tilespmem:s24+$0xFFFFFFF0];
	[tilespmem:s29+$0x50] =	vst v2;
	v0 =	vmax.f32 v0, $1.000000000e+00  }
0x211: {  	v8 =	vld [tilespmem:s6+$0xFFFFFFF0];
	(erf) = vrcp.f32 v0  }
.Ltmp4:
0x212: {  	v0 =	vmax.f32 v1, $1.000000000e+00;
	v2 =	vadd.f32 v3, v5;
	v1 =	vld [tilespmem:s24+$0x0];
	(pc) =	sbr.rel @p2 .LBB2_10-.Ltmp4, $4  }
0x213: {  	v3 =	vld [tilespmem:s6+$0x0];
	(erf) = vrcp.f32 v0  }
0x214: {  	v0 =	vmax.f32 v2, $1.000000000e+00;
	v5 =	vadd.f32 v6, v4;
	v2 =	vld [tilespmem:s24+$0x10]  }
0x215: {  	v4 =	vld [tilespmem:s6+$0x10];
	(erf) = vrcp.f32 v0  }
0x216: {  	s29 =	sadd.s32 $0x100, s29;
	v6 =	vmax.f32 v5, $1.000000000e+00;
	v5 =	vadd.f32 v8, v7;
	v0 =	vld [tilespmem:s24+$0x20]  }
0x217: {  	v7 =	vld [tilespmem:s31+$0x20];
	_ =	sdelay $0x2  }
0x218: {  	v1 =	vadd.f32 v3, v1  }
0x219: {  	(erf) = vrcp.f32 v6;
	v54 =	vmax.f32 v5, $1.000000000e+00;
	v2 =	vadd.f32 v4, v2  }
0x21a: {  	(erf) = vrcp.f32 v54;
	v1 =	vmax.f32 v1, $1.000000000e+00;
	v0 =	vadd.f32 v7, v0  }
0x21b: {  	(erf) = vrcp.f32 v1;
	v55 =	vmax.f32 v2, $1.000000000e+00  }
0x21c: {  	(erf) = vrcp.f32 v55;
	v0 =	vmax.f32 v0, $1.000000000e+00  }
0x21d: {  	(erf) = vrcp.f32 v0;
	_ =	sdelay $0x1  }
0x21e: {  	v56 =	vpop (erf)  }
0x21f: {  	[tilespmem:s23+$0x20] =	vst v56;
	v57 =	vpop (erf)  }
0x220: {  	[tilespmem:s24+$0xFFFFFFC0] =	vst v57;
	v58 =	vpop (erf)  }
0x221: {  	[tilespmem:s24+$0xFFFFFFD0] =	vst v58;
	v59 =	vpop (erf)  }
0x222: {  	[tilespmem:s24+$0xFFFFFFE0] =	vst v59;
	v60 =	vpop (erf)  }
0x223: {  	[tilespmem:s24+$0xFFFFFFF0] =	vst v60;
	v61 =	vpop (erf)  }
0x224: {  	[tilespmem:s24+$0x0] =	vst v61;
	v62 =	vpop (erf)  }
0x225: {  	[tilespmem:s24+$0x10] =	vst v62;
	v63 =	vpop (erf)  }
0x226: {  	[tilespmem:s24+$0x20] =	vst v63  }
.LBB2_12:
0x227: {  	v0 =	vld [tilespmem:s26+$0xFFFFFFF0]  }
0x228: {  	v1 =	vld [tilespmem:s28+$0xFFFFFFF0];
	_ =	sdelay $0x4  }
0x229: {  	v0 =	vadd.f32 v1, v0;
	_ =	sdelay $0x1  }
0x22a: {  	v61 =	vld [tilespmem:s26+$0x0];
	[tilespmem:s26+$0xFFFFFFF0] =	vst v0  }
0x22b: {  	v62 =	vld [tilespmem:s28+$0x0];
	_ =	sdelay $0x4  }
0x22c: {  	v0 =	vadd.f32 v62, v61;
	_ =	sdelay $0x1  }
0x22d: {  	s1 =	sshra.s32 s20, $0x2;
	[tilespmem:s26+$0x0] =	vst v0  }
0x22e: {  	v0 =	vld [tilespmem:s1+$0x18F80]  }
0x22f: {  	v63 =	vld [tilespmem:s1+$0x1A340];
	_ =	sdelay $0x4  }
0x230: {  	v0 =	vadd.f32 v63, v0;
	_ =	sdelay $0x1  }
0x231: {  	v0 =	vmax.f32 v0, $1.000000000e+00  }
0x232: {  	(erf) = vrcp.f32 v0;
	_ =	sdelay $0x4  }
0x233: {  	p2 =	sne.s32 s20, $0xC0  }
.Ltmp5:
0x234: {  	_ = 	snop;
	(pc) =	sbr.rel @p2 .LBB2_12-.Ltmp5, $3  }
0x235: {  	_ =	sdelay $0x1  }
0x236: {  	v0 =	vpop (erf)  }
0x237: {  	s20 =	sadd.s32 $0x40, s20;
	s28 =	sadd.s32 $0x20, s28;
	s26 =	sadd.s32 $0x20, s26;
	[tilespmem:s1+$0x18F80] =	vst v0  }
0x238: {  	s1 =	rddreg [dreg:$0xa];
	s6 =	simm.s32 $0x20;
	s20 =	simm.s32 $0x40  }
0x239: {  	[tilespmem:s0], [sflag:$0x9] =	stream.strided.gather [hbm4b:s1+s6], $0x2780, s20, s6, $0x38;
	[tilespmem:$0x1A3A0] =	vst v63  }
0x23a: {  	_ =	swait.ge [sflag:s30], $0x2780  }
0x23b: {  	[sflag:s30] =	ssyncset.done $0x0  }
0x23c: {  	s28 =	simm.s32 $0x17C40;
	[sflag:s30] =	ssyncadd.s32 $0xFFFFD880  }
0x23d: {  	s23 =	simm.s32 $0x12D80;
	v0 =	vld [tilespmem:s28+$0x30]  }
0x23e: {  	v1 =	vld [tilespmem:s23+$0x60]  }
0x23f: {  	v2 =	vld [tilespmem:s23+$0xFFFFFF80]  }
0x240: {  	v3 =	vld [tilespmem:$0x1A380]  }
0x241: {  	s24 =	simm.s32 $0x15500;
	v4 =	vld [tilespmem:s28+$0xFFFFFFD0]  }
0x242: {  	v5 =	vld [tilespmem:s24+$0x60]  }
0x243: {  	v6 =	vld [tilespmem:s23+$0xFFFFFFA0]  }
0x244: {  	v7 =	vld [tilespmem:s28+$0xFFFFFFE0]  }
0x245: {  	v8 =	vld [tilespmem:s23+$0xFFFFFFC0]  }
0x246: {  	v9 =	vld [tilespmem:s28+$0xFFFFFFF0]  }
0x247: {  	v10 =	vld [tilespmem:s23+$0xFFFFFFE0]  }
0x248: {  	v11 =	vld [tilespmem:s23+$0x70]  }
0x249: {  	v12 =	vld [tilespmem:s23+$0x0]  }
0x24a: {  	v13 =	vld [tilespmem:s28+$0x10]  }
0x24b: {  	v15 =	vld [tilespmem:s23+$0x20]  }
0x24c: {  	v16 =	vld [tilespmem:s28+$0x20]  }
0x24d: {  	v17 =	vld [tilespmem:s23+$0x40]  }
0x24e: {  	v18 =	vld [tilespmem:s28+$0xFFFFFFC0]  }
0x24f: {  	v19 =	vld [tilespmem:s24+$0xFFFFFF80]  }
0x250: {  	v20 =	vld [tilespmem:s24+$0xFFFFFFA0]  }
0x251: {  	v21 =	vld [tilespmem:s24+$0xFFFFFFC0]  }
0x252: {  	v22 =	vld [tilespmem:s24+$0xFFFFFFE0]  }
0x253: {  	v23 =	vld [tilespmem:s24+$0x0]  }
0x254: {  	v24 =	vld [tilespmem:s24+$0x20]  }
0x255: {  	v25 =	vld [tilespmem:s24+$0x40];
	v1 =	vmul.f32 v1, v0  }
0x256: {  	v26 =	vld [tilespmem:s23+$0xFFFFFF90];
	v2 =	vmul.f32 v2, v18  }
0x257: {  	v27 =	vld [tilespmem:s23+$0xFFFFFFB0];
	v1 =	vadd.f32 v1, v3  }
0x258: {  	v28 =	vld [tilespmem:s23+$0xFFFFFFD0];
	v2 =	vadd.f32 v3, v2  }
0x259: {  	v54 =	vld [tilespmem:s23+$0xFFFFFFF0];
	v6 =	vmul.f32 v6, v4;
	v1 =	vadd.f32 v1, v5  }
0x25a: {  	v8 =	vmul.f32 v8, v7;
	v5 =	vld [tilespmem:s28+$0x0];
	v2 =	vadd.f32 v19, v2  }
0x25b: {  	v55 =	vld [tilespmem:s23+$0x10];
	v10 =	vmul.f32 v10, v9;
	v6 =	vadd.f32 v6, v3;
	v1 =	vmax.f32 v1, $0.0e+00  }
0x25c: {  	v56 =	vld [tilespmem:s23+$0x30];
	v15 =	vmul.f32 v15, v13;
	v8 =	vadd.f32 v8, v3;
	v2 =	vmax.f32 v2, $0.0e+00;
	[tilespmem:s23+$0x60] =	vst v1  }
0x25d: {  	v10 =	vadd.f32 v10, v3;
	v6 =	vadd.f32 v6, v20;
	[tilespmem:s23+$0xFFFFFF80] =	vst v2;
	v2 =	vld [tilespmem:s23+$0x50]  }
0x25e: {  	v15 =	vadd.f32 v15, v3;
	v8 =	vadd.f32 v8, v21;
	v1 =	vld [tilespmem:$0x1A390]  }
0x25f: {  	v10 =	vadd.f32 v10, v22;
	v6 =	vmax.f32 v6, $0.0e+00;
	v14 =	vld [tilespmem:s24+$0x70];
	v12 =	vmul.f32 v12, v5  }
0x260: {  	v17 =	vmul.f32 v17, v16;
	[tilespmem:s23+$0xFFFFFFA0] =	vst v6;
	v6 =	vmax.f32 v8, $0.0e+00;
	v57 =	vld [tilespmem:$0x1A390]  }
0x261: {  	[tilespmem:s23+$0xFFFFFFC0] =	vst v6;
	v6 =	vmax.f32 v10, $0.0e+00;
	v10 =	vadd.f32 v15, v24;
	v58 =	vld [tilespmem:$0x1A390];
	v12 =	vadd.f32 v12, v3  }
0x262: {  	v61 =	vld [tilespmem:s24+$0xFFFFFF90];
	v3 =	vadd.f32 v17, v3  }
0x263: {  	v63 =	vld [tilespmem:s24+$0xFFFFFFB0];
	[tilespmem:s23+$0xFFFFFFE0] =	vst v6;
	v10 =	vmax.f32 v10, $0.0e+00;
	v8 =	vadd.f32 v12, v23  }
0x264: {  	v0 =	vmul.f32 v11, v0;
	v6 =	vld [tilespmem:$0x1A390];
	[tilespmem:s23+$0x20] =	vst v10;
	v3 =	vadd.f32 v3, v25  }
0x265: {  	v11 =	vld [tilespmem:$0x1A390];
	v8 =	vmax.f32 v8, $0.0e+00  }
0x266: {  	v59 =	vld [tilespmem:$0x1A390];
	v0 =	vadd.f32 v1, v0;
	v1 =	vmul.f32 v26, v18;
	v3 =	vmax.f32 v3, $0.0e+00;
	[tilespmem:s23+$0x0] =	vst v8  }
0x267: {  	[tilespmem:s23+$0x40] =	vst v3;
	v10 =	vld [tilespmem:$0x1A390]  }
0x268: {  	v62 =	vmul.f32 v54, v9;
	v13 =	vmul.f32 v56, v13;
	v12 =	vadd.f32 v57, v1;
	v60 =	vld [tilespmem:$0x1A390]  }
0x269: {  	v9 =	vld [tilespmem:s24+$0xFFFFFFD0];
	v0 =	vadd.f32 v14, v0;
	v3 =	vmul.f32 v27, v4;
	v4 =	vmul.f32 v28, v7  }
0x26a: {  	v5 =	vmul.f32 v55, v5;
	v7 =	vld [tilespmem:s24+$0xFFFFFFF0];
	v1 =	vadd.f32 v11, v13;
	v11 =	vadd.f32 v61, v12  }
0x26b: {  	v16 =	vmul.f32 v2, v16;
	v15 =	vadd.f32 v58, v3;
	v8 =	vadd.f32 v6, v4;
	v4 =	vld [tilespmem:s24+$0x10]  }
0x26c: {  	s25 =	simm.s32 $0x17CC0;
	s29 =	simm.s32 $0x17C00;
	v3 =	vadd.f32 v59, v62;
	v6 =	vmax.f32 v0, $0.0e+00;
	v2 =	vadd.f32 v10, v5;
	v5 =	vld [tilespmem:s24+$0x30]  }
0x26d: {  	s31 =	simm.s32 $0x18FC0;
	s6 =	simm.s32 $0x0;
	s1 =	simm.s32 $0x12D80;
	[tilespmem:s23+$0x70] =	vst v6;
	v6 =	vld [tilespmem:s24+$0x50];
	v0 =	vadd.f32 v60, v16;
	v10 =	vadd.f32 v63, v15  }
.LBB2_14:
0x26e: {  	v12 =	vld [tilespmem:s25+$0x30];
	v11 =	vmax.f32 v11, $0.0e+00;
	v8 =	vadd.f32 v9, v8;
	s23 =	sadd.s32 $0x100, s23  }
0x26f: {  	s6 =	sadd.s32 $0x8, s6;
	v9 =	vld [tilespmem:s23+$0x60];
	[tilespmem:s1+$0xFFFFFF90] =	vst v11;
	v10 =	vmax.f32 v10, $0.0e+00;
	v3 =	vadd.f32 v7, v3  }
0x270: {  	p2 =	slt.u32 s6, $0x130;
	v7 =	vld [tilespmem:s23+$0xFFFFFF80];
	[tilespmem:s1+$0xFFFFFFB0] =	vst v10;
	v8 =	vmax.f32 v8, $0.0e+00;
	v2 =	vadd.f32 v4, v2  }
0x271: {  	v4 =	vld [tilespmem:$0x1A380];
	[tilespmem:s1+$0xFFFFFFD0] =	vst v8;
	v3 =	vmax.f32 v3, $0.0e+00;
	v1 =	vadd.f32 v5, v1  }
0x272: {  	s24 =	sadd.s32 $0x100, s24;
	v5 =	vld [tilespmem:s25+$0xFFFFFFD0];
	[tilespmem:s1+$0xFFFFFFF0] =	vst v3;
	v2 =	vmax.f32 v2, $0.0e+00;
	v0 =	vadd.f32 v6, v0  }
0x273: {  	v3 =	vld [tilespmem:s24+$0x60];
	[tilespmem:s1+$0x10] =	vst v2;
	v1 =	vmax.f32 v1, $0.0e+00  }
0x274: {  	v2 =	vld [tilespmem:s23+$0xFFFFFFA0];
	v6 =	vmul.f32 v9, v12;
	[tilespmem:s1+$0x30] =	vst v1;
	v0 =	vmax.f32 v0, $0.0e+00  }
0x275: {  	v1 =	vld [tilespmem:s25+$0xFFFFFFE0];
	[tilespmem:s1+$0x50] =	vst v0;
	s1 =	smov.u32 s23  }
0x276: {  	v0 =	vld [tilespmem:s23+$0xFFFFFFC0];
	v6 =	vadd.f32 v6, v4  }
0x277: {  	v8 =	vld [tilespmem:s25+$0xFFFFFFF0]  }
0x278: {  	v9 =	vld [tilespmem:s23+$0xFFFFFFE0];
	v3 =	vadd.f32 v6, v3  }
0x279: {  	v2 =	vmul.f32 v2, v5;
	v6 =	vld [tilespmem:s25+$0x0]  }
0x27a: {  	v3 =	vmax.f32 v3, $0.0e+00;
	v10 =	vld [tilespmem:s23+$0x70]  }
0x27b: {  	v2 =	vadd.f32 v2, v4;
	v0 =	vmul.f32 v0, v1;
	v11 =	vld [tilespmem:s23+$0x0];
	[tilespmem:s23+$0x60] =	vst v3  }
0x27c: {  	v3 =	vld [tilespmem:$0x1A390]  }
0x27d: {  	v0 =	vadd.f32 v0, v4;
	v9 =	vmul.f32 v9, v8;
	v13 =	vld [tilespmem:s25+$0x10]  }
0x27e: {  	v14 =	vld [tilespmem:s24+$0x70]  }
0x27f: {  	v9 =	vadd.f32 v9, v4;
	v15 =	vld [tilespmem:s23+$0x20];
	v10 =	vmul.f32 v10, v12  }
0x280: {  	v11 =	vmul.f32 v11, v6;
	v12 =	vld [tilespmem:s25+$0x20]  }
0x281: {  	v16 =	vld [tilespmem:s23+$0x40];
	v3 =	vadd.f32 v3, v10  }
0x282: {  	v10 =	vld [tilespmem:s25+$0xFFFFFFC0];
	v11 =	vadd.f32 v11, v4  }
0x283: {  	v17 =	vld [tilespmem:s24+$0xFFFFFF80];
	v3 =	vadd.f32 v14, v3  }
0x284: {  	v14 =	vld [tilespmem:s24+$0xFFFFFFA0];
	v15 =	vmul.f32 v15, v13  }
0x285: {  	v18 =	vld [tilespmem:s24+$0xFFFFFFC0];
	v3 =	vmax.f32 v3, $0.0e+00  }
0x286: {  	s20 =	simm.s32 $0x0;
	s26 =	simm.s32 $0x18F80;
	v19 =	vld [tilespmem:s24+$0xFFFFFFE0];
	v15 =	vadd.f32 v15, v4;
	v16 =	vmul.f32 v16, v12;
	[tilespmem:s23+$0x70] =	vst v3  }
0x287: {  	v3 =	vmul.f32 v7, v10;
	v7 =	vld [tilespmem:s24+$0x0]  }
0x288: {  	v20 =	vld [tilespmem:s24+$0x20];
	v16 =	vadd.f32 v16, v4  }
0x289: {  	v3 =	vadd.f32 v4, v3;
	v2 =	vadd.f32 v2, v14;
	v4 =	vld [tilespmem:s24+$0x40]  }
0x28a: {  	v14 =	vld [tilespmem:s23+$0xFFFFFF90];
	v0 =	vadd.f32 v0, v18  }
0x28b: {  	v3 =	vadd.f32 v17, v3;
	v2 =	vmax.f32 v2, $0.0e+00;
	v17 =	vld [tilespmem:s23+$0xFFFFFFB0];
	v9 =	vadd.f32 v9, v19  }
0x28c: {  	[tilespmem:s23+$0xFFFFFFA0] =	vst v2;
	v0 =	vmax.f32 v0, $0.0e+00;
	v2 =	vld [tilespmem:s23+$0xFFFFFFD0];
	v7 =	vadd.f32 v11, v7  }
0x28d: {  	v3 =	vmax.f32 v3, $0.0e+00;
	[tilespmem:s23+$0xFFFFFFC0] =	vst v0;
	v0 =	vmax.f32 v9, $0.0e+00;
	v9 =	vld [tilespmem:s23+$0xFFFFFFF0];
	v11 =	vadd.f32 v15, v20  }
0x28e: {  	[tilespmem:s23+$0xFFFFFF80] =	vst v3;
	v3 =	vmax.f32 v7, $0.0e+00;
	v7 =	vld [tilespmem:s23+$0x10];
	v4 =	vadd.f32 v16, v4  }
0x28f: {  	v10 =	vmul.f32 v14, v10;
	[tilespmem:s23+$0xFFFFFFE0] =	vst v0;
	v0 =	vmax.f32 v11, $0.0e+00;
	v11 =	vld [tilespmem:s23+$0x30]  }
0x290: {  	v5 =	vmul.f32 v17, v5;
	[tilespmem:s23+$0x0] =	vst v3;
	v3 =	vmax.f32 v4, $0.0e+00;
	v4 =	vld [tilespmem:s23+$0x50]  }
0x291: {  	v14 =	vld [tilespmem:$0x1A390];
	v1 =	vmul.f32 v2, v1;
	[tilespmem:s23+$0x20] =	vst v0  }
0x292: {  	v0 =	vld [tilespmem:$0x1A390];
	v2 =	vmul.f32 v9, v8;
	[tilespmem:s23+$0x40] =	vst v3  }
0x293: {  	v3 =	vld [tilespmem:$0x1A390];
	v6 =	vmul.f32 v7, v6  }
0x294: {  	v7 =	vld [tilespmem:$0x1A390];
	v11 =	vmul.f32 v11, v13  }
0x295: {  	v13 =	vld [tilespmem:$0x1A390];
	v12 =	vmul.f32 v4, v12  }
0x296: {  	v10 =	vadd.f32 v14, v10;
	v4 =	vld [tilespmem:$0x1A390]  }
0x297: {  	v14 =	vadd.f32 v0, v5;
	v0 =	vld [tilespmem:$0x1A390]  }
0x298: {  	v5 =	vld [tilespmem:s24+$0xFFFFFF90];
	v8 =	vadd.f32 v3, v1  }
0x299: {  	v15 =	vld [tilespmem:s24+$0xFFFFFFB0];
	v3 =	vadd.f32 v7, v2  }
.Ltmp6:
0x29a: {  	v9 =	vld [tilespmem:s24+$0xFFFFFFD0];
	v2 =	vadd.f32 v13, v6;
	(pc) =	sbr.rel @p2 .LBB2_14-.Ltmp6, $4  }
0x29b: {  	v7 =	vld [tilespmem:s24+$0xFFFFFFF0];
	v1 =	vadd.f32 v4, v11  }
0x29c: {  	v4 =	vld [tilespmem:s24+$0x10];
	v0 =	vadd.f32 v0, v12  }
0x29d: {  	v11 =	vadd.f32 v5, v10;
	v5 =	vld [tilespmem:s24+$0x30]  }
0x29e: {  	s25 =	sadd.s32 $0x80, s25;
	v10 =	vadd.f32 v15, v14;
	v6 =	vld [tilespmem:s24+$0x50]  }
0x29f: {  	v11 =	vmax.f32 v11, $0.0e+00;
	v8 =	vadd.f32 v9, v8  }
0x2a0: {  	[tilespmem:s1+$0xFFFFFF90] =	vst v11;
	v62 =	vmax.f32 v10, $0.0e+00;
	v3 =	vadd.f32 v7, v3  }
0x2a1: {  	[tilespmem:s1+$0xFFFFFFB0] =	vst v62;
	v63 =	vmax.f32 v8, $0.0e+00;
	v2 =	vadd.f32 v4, v2  }
0x2a2: {  	[tilespmem:s1+$0xFFFFFFD0] =	vst v63;
	v3 =	vmax.f32 v3, $0.0e+00;
	v1 =	vadd.f32 v5, v1  }
0x2a3: {  	[tilespmem:s1+$0xFFFFFFF0] =	vst v3;
	v2 =	vmax.f32 v2, $0.0e+00;
	v0 =	vadd.f32 v6, v0  }
0x2a4: {  	[tilespmem:s1+$0x10] =	vst v2;
	v1 =	vmax.f32 v1, $0.0e+00  }
0x2a5: {  	[tilespmem:s1+$0x30] =	vst v1;
	v0 =	vmax.f32 v0, $0.0e+00  }
0x2a6: {  	s28 =	smov.u32 s8;
	[tilespmem:s1+$0x50] =	vst v0  }
.LBB2_16:
0x2a7: {  	v0 =	vld [tilespmem:s26+$0x0];
	s1 =	sshra.s32 s20, $0x2  }
0x2a8: {  	v1 =	vld [tilespmem:s1+$0x15400];
	_ =	sdelay $0x1  }
0x2a9: {  	v2 =	vld [tilespmem:$0x1A380];
	_ =	sdelay $0x1  }
0x2aa: {  	v3 =	vld [tilespmem:s1+$0x17B80]  }
0x2ab: {  	v1 =	vmul.f32 v1, v0;
	_ =	sdelay $0x1  }
0x2ac: {  	v1 =	vadd.f32 v2, v1;
	_ =	sdelay $0x1  }
0x2ad: {  	v1 =	vadd.f32 v3, v1;
	_ =	sdelay $0x1  }
0x2ae: {  	v62 =	vld [tilespmem:s1+$0x15410];
	v1 =	vmax.f32 v1, $0.0e+00  }
0x2af: {  	[tilespmem:s1+$0x15400] =	vst v1  }
0x2b0: {  	v1 =	vld [tilespmem:$0x1A390];
	_ =	sdelay $0x1  }
0x2b1: {  	v63 =	vld [tilespmem:s1+$0x17B90]  }
0x2b2: {  	v0 =	vmul.f32 v62, v0;
	_ =	sdelay $0x1  }
0x2b3: {  	p2 =	sne.s32 s20, $0x180;
	v0 =	vadd.f32 v1, v0  }
.Ltmp7:
0x2b4: {  	_ = 	snop;
	(pc) =	sbr.rel @p2 .LBB2_16-.Ltmp7, $3  }
0x2b5: {  	v0 =	vadd.f32 v63, v0;
	_ =	sdelay $0x1  }
0x2b6: {  	v0 =	vmax.f32 v0, $0.0e+00  }
0x2b7: {  	s26 =	sadd.s32 $0x10, s26;
	s20 =	sadd.s32 $0x80, s20;
	[tilespmem:s1+$0x15410] =	vst v0  }
0x2b8: {  	s1 =	rddreg [dreg:$0x11]  }
0x2b9: {  	[spmem:s1] =	stream.linear.scatter [tilespmem:s11], [sflag:$0x9], $0x2780, $0x38;
	[tilespmem:$0x1A3A0] =	vst v63  }
0x2ba: {  	_ =	swait.ge [sflag:s30], $0x2780  }
0x2bb: {  	s6 =	simm.s32 @!p1 $0x12D00;
	[sflag:s30] =	ssyncset.done $0x0  }
0x2bc: {  	s1 =	simm.s32 @!p1 $0x0;
	s20 =	rddreg [dreg:$0xd];
	[sflag:s30] =	ssyncadd.s32 $0xFFFFD880  }
0x2bd: {  	[hbm4b:s20+s1] =	stream.linear.scatter @!p1 [tilespmem:s6], [sflag:$0x9], $0x2780, $0x38;
	[tilespmem:$0x1A3A0] =	vst v63  }
0x2be: {  	s26 =	stileid.u32;
	s1 =	simm.s32 @!p1 $0x9  }
0x2bf: {  	s6 =	sshll.u32 s26, $0x6;
	_ =	swait.ge @!p1 [sflag:s1], $0x2780  }
0x2c0: {  	s6 =	sor.u32 $0x1C09, s6;
	[sflag:s1] =	ssyncset.done @!p1 $0x0;
	s8 =	rddreg [dreg:$0x1a]  }
0x2c1: {  	s23 =	rddreg [dreg:$0x13];
	[sflag:s1] =	ssyncadd.s32 @!p1 $0xFFFFD880;
	s20 =	sshrl.u32 s8, $0x3  }
0x2c2: {  	[spmem:s20], [sflag:s6] =	dma.local [hbm:s23], $0x9E0  }
0x2c3: {  	_ =	swait.ge [sflag:s30], $0x9E0  }
0x2c4: {  	s25 =	simm.s32 $0x9E00;
	[sflag:s30] =	ssyncset.done $0x0  }
0x2c5: {  	s1 =	simm.s32 $0x0;
	s24 =	rddreg [dreg:$0x14];
	[sflag:s30] =	ssyncadd.s32 $0xFFFFF620  }
0x2c6: {  	[tilespmem:s25], [sflag:$0x9] =	stream.linear.gather [hbm4b:s24+s1], $0x2780, $0x38;
	[tilespmem:$0x1A3A0] =	vst v63  }
0x2c7: {  	_ =	swait.ge [sflag:s30], $0x2780  }
0x2c8: {  	[sflag:s30] =	ssyncset.done $0x0  }
0x2c9: {  	s23 =	simm.s32 $0xC580;
	s26 =	rddreg [dreg:$0x15];
	[sflag:s30] =	ssyncadd.s32 $0xFFFFD880  }
0x2ca: {  	[tilespmem:s23], [sflag:$0x9] =	stream.linear.gather [hbm4b:s26+s1], $0x2780, $0x38;
	[tilespmem:$0x1A3A0] =	vst v63  }
0x2cb: {  	_ =	swait.ge [sflag:s30], $0x2780  }
0x2cc: {  	[sflag:s30] =	ssyncset.done $0x0  }
0x2cd: {  	[sflag:s30] =	ssyncadd.s32 $0xFFFFD880  }
0x2ce: {  	[bflag:$0x0] =	sbarrier.arrive $0xFFFF  }
0x2cf: {  	[tilespmem:s10], [sflag:$0x1] =	stream.indirect.gather [spmem:s3], $0x20, s25, s7, $0xb8;
	[tilespmem:$0x1A3A0] =	vst v63  }
0x2d0: {  	s24 =	simm.s32 $0x9E80  }
0x2d1: {  	[tilespmem:s9], [sflag:$0x2] =	stream.indirect.gather [spmem:s3], $0x20, s24, s7, $0xb8;
	[tilespmem:$0x1A3A0] =	vst v63  }
0x2d2: {  	_ =	swait.ge [sflag:s2], $0x1000  }
0x2d3: {  	[sflag:s2] =	ssyncset.done $0x0  }
0x2d4: {  	s25 =	simm.s32 $0x9F00;
	[sflag:s2] =	ssyncadd.s32 $0xFFFFF000  }
0x2d5: {  	[tilespmem:s12], [sflag:$0x3] =	stream.indirect.gather [spmem:s3], $0x20, s25, s7, $0xb8;
	[tilespmem:$0x1A3A0] =	vst v63  }
0x2d6: {  	_ = 	snop  }
0x2d7: {  	[spmem:s4] =	stream.indirect.scatter.add.f32 [tilespmem:s10], [sflag:$0x5], $0x20, s23, s7, $0xb8;
	[tilespmem:$0x1A3A0] =	vst v63  }
0x2d8: {  	_ =	swait.ge [sflag:s13], $0x1000  }
0x2d9: {  	[sflag:s13] =	ssyncset.done $0x0  }
0x2da: {  	s26 =	simm.s32 $0x9F80;
	[sflag:s13] =	ssyncadd.s32 $0xFFFFF000  }
0x2db: {  	[tilespmem:s14], [sflag:$0x4] =	stream.indirect.gather [spmem:s3], $0x20, s26, s7, $0xb8;
	[tilespmem:$0x1A3A0] =	vst v63  }
0x2dc: {  	s20 =	simm.s32 $0xC600  }
0x2dd: {  	[spmem:s4] =	stream.indirect.scatter.add.f32 [tilespmem:s9], [sflag:$0x6], $0x20, s20, s7, $0xb8;
	[tilespmem:$0x1A3A0] =	vst v63  }
0x2de: {  	_ =	swait.ge [sflag:s15], $0x1000  }
0x2df: {  	[sflag:s15] =	ssyncset.done $0x0  }
0x2e0: {  	[sflag:s15] =	ssyncadd.s32 $0xFFFFF000  }
0x2e1: {  	_ =	swait.ge [sflag:s16], $0x1000  }
0x2e2: {  	[sflag:s16] =	ssyncset.done $0x0  }
0x2e3: {  	s23 =	simm.s32 $0xA000;
	[sflag:s16] =	ssyncadd.s32 $0xFFFFF000  }
0x2e4: {  	[tilespmem:s10], [sflag:$0x1] =	stream.indirect.gather [spmem:s3], $0x20, s23, s7, $0xb8;
	[tilespmem:$0x1A3A0] =	vst v63  }
0x2e5: {  	s24 =	simm.s32 $0xC680  }
0x2e6: {  	[spmem:s4] =	stream.indirect.scatter.add.f32 [tilespmem:s12], [sflag:$0x7], $0x20, s24, s7, $0xb8;
	[tilespmem:$0x1A3A0] =	vst v63  }
0x2e7: {  	_ =	swait.ge [sflag:s17], $0x1000  }
0x2e8: {  	[sflag:s17] =	ssyncset.done $0x0  }
0x2e9: {  	[sflag:s17] =	ssyncadd.s32 $0xFFFFF000  }
0x2ea: {  	_ =	swait.ge [sflag:s18], $0x1000  }
0x2eb: {  	[sflag:s18] =	ssyncset.done $0x0  }
0x2ec: {  	s25 =	simm.s32 $0xA080;
	[sflag:s18] =	ssyncadd.s32 $0xFFFFF000  }
0x2ed: {  	[tilespmem:s9], [sflag:$0x2] =	stream.indirect.gather [spmem:s3], $0x20, s25, s7, $0xb8;
	[tilespmem:$0x1A3A0] =	vst v63  }
0x2ee: {  	s26 =	simm.s32 $0xC700  }
0x2ef: {  	[spmem:s4] =	stream.indirect.scatter.add.f32 [tilespmem:s14], [sflag:$0x8], $0x20, s26, s7, $0xb8;
	[tilespmem:$0x1A3A0] =	vst v63  }
0x2f0: {  	s26 =	rddreg [dreg:$0x18]  }
.LBB2_18:
0x2f1: {  	_ =	swait.ge [sflag:s2], $0x1000  }
0x2f2: {  	[sflag:s2] =	ssyncset.done $0x0  }
0x2f3: {  	[sflag:s2] =	ssyncadd.s32 $0xFFFFF000  }
0x2f4: {  	_ =	swait.ge [sflag:s19], $0x1000  }
0x2f5: {  	s6 =	sshra.s32 s1, $0x2;
	[sflag:s19] =	ssyncset.done $0x0  }
0x2f6: {  	s20 =	sadd.s32 $0xA100, s6;
	[sflag:s19] =	ssyncadd.s32 $0xFFFFF000  }
0x2f7: {  	[tilespmem:s12], [sflag:$0x3] =	stream.indirect.gather [spmem:s3], $0x20, s20, s7, $0xb8;
	[tilespmem:$0x1A3A0] =	vst v63  }
0x2f8: {  	s23 =	sadd.s32 $0xC780, s6  }
0x2f9: {  	[spmem:s4] =	stream.indirect.scatter.add.f32 [tilespmem:s10], [sflag:$0x5], $0x20, s23, s7, $0xb8;
	[tilespmem:$0x1A3A0] =	vst v63  }
0x2fa: {  	_ =	swait.ge [sflag:s13], $0x1000  }
0x2fb: {  	[sflag:s13] =	ssyncset.done $0x0  }
0x2fc: {  	[sflag:s13] =	ssyncadd.s32 $0xFFFFF000  }
0x2fd: {  	_ =	swait.ge [sflag:s21], $0x1000  }
0x2fe: {  	[sflag:s21] =	ssyncset.done $0x0  }
0x2ff: {  	s24 =	sadd.s32 $0xA180, s6;
	[sflag:s21] =	ssyncadd.s32 $0xFFFFF000  }
0x300: {  	[tilespmem:s14], [sflag:$0x4] =	stream.indirect.gather [spmem:s3], $0x20, s24, s7, $0xb8;
	[tilespmem:$0x1A3A0] =	vst v63  }
0x301: {  	s25 =	sadd.s32 $0xC800, s6  }
0x302: {  	[spmem:s4] =	stream.indirect.scatter.add.f32 [tilespmem:s9], [sflag:$0x6], $0x20, s25, s7, $0xb8;
	[tilespmem:$0x1A3A0] =	vst v63  }
0x303: {  	p2 =	seq.s32 s1, $0x8800;
	_ =	swait.ge [sflag:s15], $0x1000  }
.Ltmp8:
0x304: {  	[sflag:s15] =	ssyncset.done $0x0;
	(pc) =	sbr.rel @p2 .LBB2_20-.Ltmp8, $4  }
0x305: {  	[sflag:s15] =	ssyncadd.s32 $0xFFFFF000  }
0x306: {  	_ =	swait.ge [sflag:s16], $0x1000  }
0x307: {  	[sflag:s16] =	ssyncset.done $0x0  }
0x308: {  	s20 =	sadd.s32 $0xC880, s6;
	[sflag:s16] =	ssyncadd.s32 $0xFFFFF000  }
0x309: {  	s23 =	sadd.s32 $0xA200, s6  }
0x30a: {  	[tilespmem:s10], [sflag:$0x1] =	stream.indirect.gather [spmem:s3], $0x20, s23, s7, $0xb8;
	[tilespmem:$0x1A3A0] =	vst v63  }
0x30b: {  	_ = 	snop  }
0x30c: {  	[spmem:s4] =	stream.indirect.scatter.add.f32 [tilespmem:s12], [sflag:$0x7], $0x20, s20, s7, $0xb8;
	[tilespmem:$0x1A3A0] =	vst v63  }
0x30d: {  	_ =	swait.ge [sflag:s17], $0x1000  }
0x30e: {  	[sflag:s17] =	ssyncset.done $0x0  }
0x30f: {  	[sflag:s17] =	ssyncadd.s32 $0xFFFFF000  }
0x310: {  	_ =	swait.ge [sflag:s18], $0x1000  }
.Ltmp9:
0x311: {  	[sflag:s18] =	ssyncset.done $0x0;
	(pc) =	sbr.rel .LBB2_18-.Ltmp9, $4  }
0x312: {  	s24 =	sadd.s32 $0xA280, s6;
	[sflag:s18] =	ssyncadd.s32 $0xFFFFF000  }
0x313: {  	[tilespmem:s9], [sflag:$0x2] =	stream.indirect.gather [spmem:s3], $0x20, s24, s7, $0xb8;
	[tilespmem:$0x1A3A0] =	vst v63  }
0x314: {  	s25 =	sadd.s32 $0xC900, s6;
	s1 =	sadd.s32 $0x800, s1  }
0x315: {  	[spmem:s4] =	stream.indirect.scatter.add.f32 [tilespmem:s14], [sflag:$0x8], $0x20, s25, s7, $0xb8;
	[tilespmem:$0x1A3A0] =	vst v63  }
.LBB2_20:
0x316: {  	[spmem:s4] =	stream.indirect.scatter.add.f32 [tilespmem:s12], [sflag:$0x7], $0x20, s20, s7, $0xb8;
	[tilespmem:$0x1A3A0] =	vst v63  }
0x317: {  	_ =	swait.ge [sflag:s17], $0x1000  }
0x318: {  	[sflag:s17] =	ssyncset.done $0x0  }
0x319: {  	[sflag:s17] =	ssyncadd.s32 $0xFFFFF000  }
0x31a: {  	_ =	swait.ge [sflag:s18], $0x1000  }
0x31b: {  	[sflag:s18] =	ssyncset.done $0x0  }
0x31c: {  	s1 =	sadd.s32 $0xC900, s6;
	[sflag:s18] =	ssyncadd.s32 $0xFFFFF000  }
0x31d: {  	[spmem:s4] =	stream.indirect.scatter.add.f32 [tilespmem:s14], [sflag:$0x8], $0x20, s1, s7, $0xb8;
	[tilespmem:$0x1A3A0] =	vst v63  }
0x31e: {  	s6 =	simm.s32 $0xC400  }
0x31f: {  	[tilespmem:s10], [sflag:$0x1] =	stream.indirect.gather [spmem:s3], $0x20, s6, s7, $0xb8;
	[tilespmem:$0x1A3A0] =	vst v63  }
0x320: {  	s20 =	simm.s32 $0xC480  }
0x321: {  	[tilespmem:s9], [sflag:$0x2] =	stream.indirect.gather [spmem:s3], $0x20, s20, s7, $0xb8;
	[tilespmem:$0x1A3A0] =	vst v63  }
0x322: {  	_ =	swait.ge [sflag:s2], $0x1000  }
0x323: {  	[sflag:s2] =	ssyncset.done $0x0  }
0x324: {  	[sflag:s2] =	ssyncadd.s32 $0xFFFFF000  }
0x325: {  	_ =	swait.ge [sflag:s19], $0x1000  }
0x326: {  	[sflag:s19] =	ssyncset.done $0x0  }
0x327: {  	s23 =	simm.s32 $0xEB80;
	[sflag:s19] =	ssyncadd.s32 $0xFFFFF000  }
0x328: {  	[spmem:s4] =	stream.indirect.scatter.add.f32 [tilespmem:s10], [sflag:$0x5], $0x20, s23, s7, $0xb8;
	[tilespmem:$0x1A3A0] =	vst v63  }
0x329: {  	_ =	swait.ge [sflag:s13], $0x1000  }
0x32a: {  	[sflag:s13] =	ssyncset.done $0x0  }
0x32b: {  	[sflag:s13] =	ssyncadd.s32 $0xFFFFF000  }
0x32c: {  	_ =	swait.ge [sflag:s21], $0x1000  }
0x32d: {  	[sflag:s21] =	ssyncset.done $0x0  }
0x32e: {  	s24 =	simm.s32 $0xEC00;
	[sflag:s21] =	ssyncadd.s32 $0xFFFFF000  }
0x32f: {  	[spmem:s4] =	stream.indirect.scatter.add.f32 [tilespmem:s9], [sflag:$0x6], $0x20, s24, s7, $0xb8;
	[tilespmem:$0x1A3A0] =	vst v63  }
0x330: {  	s1 =	simm.s32 @p0 $0x80;
	s6 =	simm.s32 @p0 $0xC500;
	s20 =	simm.s32 @p0 $0x10D00  }
0x331: {  	[tilespmem:s20], [sflag:$0x3] =	stream.indirect.gather @p0 [spmem:s3], $0x20, s6, s1, $0xb8;
	[tilespmem:$0x1A3A0] =	vst v63  }
0x332: {  	s6 =	simm.s32 @p0 $0x3  }
0x333: {  	_ =	swait.ge @p0 [sflag:s6], $0x1000  }
0x334: {  	[sflag:s6] =	ssyncset.done @p0 $0x0  }
0x335: {  	[sflag:s6] =	ssyncadd.s32 @p0 $0xFFFFF000;
	s6 =	simm.s32 @p0 $0xEC80  }
0x336: {  	[spmem:s4] =	stream.indirect.scatter.add.f32 @p0 [tilespmem:s20], [sflag:$0x7], $0x20, s6, s1, $0xb8;
	[tilespmem:$0x1A3A0] =	vst v63  }
0x337: {  	s1 =	simm.s32 @p0 $0x5  }
0x338: {  	_ =	swait.ge @p0 [sflag:s1], $0x1000  }
0x339: {  	s6 =	simm.s32 $0x5;
	[sflag:s1] =	ssyncset.done @p0 $0x0  }
0x33a: {  	s6 =	simm.s32 @p0 $0x6;
	[sflag:s1] =	ssyncadd.s32 @p0 $0xFFFFF000  }
0x33b: {  	_ =	swait.ge [sflag:s6], $0x1000  }
0x33c: {  	s1 =	simm.s32 $0x6;
	[sflag:s6] =	ssyncset.done $0x0  }
0x33d: {  	s1 =	simm.s32 @p0 $0x7;
	[sflag:s6] =	ssyncadd.s32 $0xFFFFF000  }
0x33e: {  	_ =	swait.ge [sflag:s1], $0x1000  }
0x33f: {  	[sflag:s1] =	ssyncset.done $0x0  }
0x340: {  	[sflag:s1] =	ssyncadd.s32 $0xFFFFF000  }
0x341: {  	[bflag:$0x0] =	sbarrier.arrive $0xFFFF  }
0x342: {  	[tilespmem:s0], [sflag:$0x9] =	stream.linear.gather [spmem:s8], $0x2780, $0x38;
	[tilespmem:$0x1A3A0] =	vst v63  }
0x343: {  	_ =	swait.ge [sflag:s30], $0x2780  }
0x344: {  	[sflag:s30] =	ssyncset.done $0x0  }
0x345: {  	[sflag:s30] =	ssyncadd.s32 $0xFFFFD880  }
0x346: {  	[tilespmem:s29], [sflag:$0x9] =	stream.linear.gather [hbm4b:s26+s5], $0x13C0, $0x38;
	[tilespmem:$0x1A3A0] =	vst v63  }
0x347: {  	_ =	swait.ge [sflag:s30], $0x13C0  }
0x348: {  	[sflag:s30] =	ssyncset.done $0x0  }
0x349: {  	[sflag:s30] =	ssyncadd.s32 $0xFFFFEC40  }
0x34a: {  	[tilespmem:s31], [sflag:$0x9] =	stream.linear.gather [hbm4b:s28+s5], $0x13C0, $0x38;
	[tilespmem:$0x1A3A0] =	vst v63  }
0x34b: {  	_ =	swait.ge [sflag:s30], $0x13C0  }
0x34c: {  	[sflag:s30] =	ssyncset.done $0x0  }
0x34d: {  	s25 =	simm.s32 $0x17C40;
	[sflag:s30] =	ssyncadd.s32 $0xFFFFEC40  }
0x34e: {  	s6 =	simm.s32 $0x19000;
	v0 =	vld [tilespmem:s25+$0x30]  }
0x34f: {  	v1 =	vld [tilespmem:s6+$0x30]  }
0x350: {  	v2 =	vld [tilespmem:s25+$0xFFFFFFD0]  }
0x351: {  	v4 =	vld [tilespmem:s6+$0xFFFFFFD0]  }
0x352: {  	v5 =	vld [tilespmem:s25+$0xFFFFFFE0]  }
0x353: {  	v6 =	vld [tilespmem:s6+$0xFFFFFFE0]  }
0x354: {  	v7 =	vld [tilespmem:s25+$0xFFFFFFF0]  }
0x355: {  	v8 =	vld [tilespmem:s6+$0xFFFFFFF0]  }
0x356: {  	v9 =	vld [tilespmem:s25+$0x0];
	v0 =	vadd.f32 v1, v0  }
0x357: {  	v10 =	vld [tilespmem:s6+$0x0];
	v1 =	vadd.f32 v4, v2  }
0x358: {  	v11 =	vld [tilespmem:s6+$0x10];
	v0 =	vmax.f32 v0, $1.000000000e+00  }
0x359: {  	v4 =	vld [tilespmem:s25+$0x10];
	(erf) = vrcp.f32 v0;
	v0 =	vmax.f32 v1, $1.000000000e+00;
	v1 =	vadd.f32 v6, v5  }
0x35a: {  	(erf) = vrcp.f32 v0  }
0x35b: {  	s1 =	simm.s32 $0x15500;
	v3 =	vld [tilespmem:s6+$0xFFFFFFC0];
	v0 =	vmax.f32 v1, $1.000000000e+00;
	v1 =	vadd.f32 v8, v7  }
0x35c: {  	v9 =	vadd.f32 v10, v9;
	v10 =	vld [tilespmem:s1+$0xFFFFFFB0]  }
0x35d: {  	v5 =	vld [tilespmem:s25+$0x20];
	(erf) = vrcp.f32 v0;
	v0 =	vmax.f32 v1, $1.000000000e+00  }
0x35e: {  	v6 =	vld [tilespmem:s1+$0x70];
	(erf) = vrcp.f32 v0;
	v0 =	vadd.f32 v11, v4  }
0x35f: {  	v7 =	vld [tilespmem:s6+$0x20]  }
0x360: {  	v8 =	vld [tilespmem:s25+$0xFFFFFFC0]  }
0x361: {  	v9 =	vmax.f32 v9, $1.000000000e+00  }
0x362: {  	v13 =	vld [tilespmem:s1+$0xFFFFFFE0];
	(erf) = vrcp.f32 v9;
	v9 =	vmax.f32 v0, $1.000000000e+00;
	v0 =	vpop (erf)  }
0x363: {  	v4 =	vld [tilespmem:s1+$0xFFFFFFA0];
	v12 =	vpop (erf)  }
0x364: {  	v14 =	vld [tilespmem:s1+$0xFFFFFFF0];
	v5 =	vadd.f32 v7, v5;
	v10 =	vmul.f32 v12, v10  }
0x365: {  	v11 =	vld [tilespmem:s1+$0xFFFFFFC0];
	v3 =	vadd.f32 v3, v8;
	v6 =	vmul.f32 v0, v6  }
0x366: {  	(erf) = vrcp.f32 v9;
	v9 =	vld [tilespmem:s1+$0xFFFFFFD0];
	[tilespmem:s1+$0xFFFFFFB0] =	vst v10;
	v10 =	vmax.f32 v5, $1.000000000e+00  }
0x367: {  	v63 =	vld [tilespmem:s1+$0x0];
	(erf) = vrcp.f32 v10;
	v10 =	vmax.f32 v3, $1.000000000e+00  }
0x368: {  	v2 =	vld [tilespmem:s1+$0xFFFFFF90];
	v4 =	vmul.f32 v12, v4;
	(erf) = vrcp.f32 v10  }
0x369: {  	v1 =	vld [tilespmem:s1+$0xFFFFFF80];
	[tilespmem:s1+$0x70] =	vst v6;
	v6 =	vpop (erf)  }
0x36a: {  	v7 =	vld [tilespmem:s1+$0x10];
	[tilespmem:s1+$0xFFFFFFA0] =	vst v4;
	v4 =	vmul.f32 v6, v11  }
0x36b: {  	v8 =	vpop (erf);
	v9 =	vmul.f32 v6, v9;
	v6 =	vld [tilespmem:s1+$0x20]  }
0x36c: {  	v5 =	vld [tilespmem:s1+$0x30];
	[tilespmem:s1+$0xFFFFFFC0] =	vst v4;
	v4 =	vmul.f32 v8, v13  }
0x36d: {  	v3 =	vld [tilespmem:s1+$0x40];
	v11 =	vpop (erf);
	[tilespmem:s1+$0xFFFFFFD0] =	vst v9;
	v9 =	vmul.f32 v8, v14  }
0x36e: {  	v10 =	vmul.f32 v11, v63;
	[tilespmem:s1+$0xFFFFFFE0] =	vst v4;
	v4 =	vld [tilespmem:s1+$0x50]  }
0x36f: {  	s23 =	simm.s32 $0x17CC0;
	s20 =	simm.s32 $0x0;
	v8 =	vpop (erf);
	[tilespmem:s1+$0xFFFFFFF0] =	vst v9;
	v9 =	vmul.f32 v11, v7;
	v7 =	vld [tilespmem:s1+$0x60]  }
.LBB2_21:
0x370: {  	v11 =	vld [tilespmem:s23+$0x30];
	[tilespmem:s1+$0x0] =	vst v10;
	v6 =	vmul.f32 v8, v6;
	s6 =	sadd.s32 $0x80, s6;
	v10 =	vpop (erf)  }
0x371: {  	s20 =	sadd.s32 $0x8, s20;
	v12 =	vld [tilespmem:s6+$0x30];
	[tilespmem:s1+$0x10] =	vst v9;
	v5 =	vmul.f32 v8, v5;
	v8 =	vpop (erf)  }
0x372: {  	p2 =	slt.u32 s20, $0x130;
	v9 =	vld [tilespmem:s6+$0xFFFFFFC0];
	v1 =	vmul.f32 v8, v1;
	v2 =	vmul.f32 v8, v2;
	[tilespmem:s1+$0x20] =	vst v6  }
0x373: {  	v3 =	vmul.f32 v10, v3;
	v6 =	vld [tilespmem:s23+$0xFFFFFFD0];
	[tilespmem:s1+$0x30] =	vst v5;
	v4 =	vmul.f32 v10, v4  }
0x374: {  	v5 =	vld [tilespmem:s6+$0xFFFFFFD0];
	[tilespmem:s1+$0xFFFFFF80] =	vst v1;
	v0 =	vmul.f32 v0, v7  }
0x375: {  	v1 =	vld [tilespmem:s23+$0xFFFFFFE0];
	[tilespmem:s1+$0xFFFFFF90] =	vst v2  }
0x376: {  	v2 =	vld [tilespmem:s6+$0xFFFFFFE0];
	v7 =	vadd.f32 v12, v11;
	[tilespmem:s1+$0x40] =	vst v3  }
0x377: {  	v3 =	vld [tilespmem:s23+$0xFFFFFFF0];
	[tilespmem:s1+$0x50] =	vst v4  }
0x378: {  	v4 =	vld [tilespmem:s6+$0xFFFFFFF0];
	v7 =	vmax.f32 v7, $1.000000000e+00;
	[tilespmem:s1+$0x60] =	vst v0  }
0x379: {  	v0 =	vadd.f32 v5, v6;
	v5 =	vld [tilespmem:s23+$0x0];
	(erf) = vrcp.f32 v7  }
0x37a: {  	v6 =	vld [tilespmem:s6+$0x0]  }
0x37b: {  	v0 =	vmax.f32 v0, $1.000000000e+00;
	v1 =	vadd.f32 v2, v1;
	v2 =	vld [tilespmem:s23+$0x10]  }
0x37c: {  	v7 =	vld [tilespmem:s6+$0x10];
	(erf) = vrcp.f32 v0  }
0x37d: {  	s1 =	sadd.s32 $0x100, s1;
	v0 =	vmax.f32 v1, $1.000000000e+00;
	v1 =	vadd.f32 v4, v3;
	v3 =	vld [tilespmem:s23+$0x20]  }
0x37e: {  	v4 =	vld [tilespmem:s1+$0x70];
	(erf) = vrcp.f32 v0  }
0x37f: {  	v0 =	vmax.f32 v1, $1.000000000e+00;
	v5 =	vadd.f32 v6, v5;
	v6 =	vld [tilespmem:s6+$0x20]  }
0x380: {  	v8 =	vld [tilespmem:s23+$0xFFFFFFC0];
	(erf) = vrcp.f32 v0  }
0x381: {  	v1 =	vld [tilespmem:s1+$0xFFFFFF80];
	v10 =	vmax.f32 v5, $1.000000000e+00;
	v5 =	vadd.f32 v7, v2  }
0x382: {  	v2 =	vld [tilespmem:s1+$0xFFFFFF90];
	(erf) = vrcp.f32 v10;
	v0 =	vpop (erf)  }
0x383: {  	v7 =	vld [tilespmem:s1+$0xFFFFFFA0];
	v5 =	vmax.f32 v5, $1.000000000e+00;
	v11 =	vmul.f32 v0, v4  }
0x384: {  	v10 =	vld [tilespmem:s1+$0xFFFFFFB0];
	v3 =	vadd.f32 v6, v3;
	(erf) = vrcp.f32 v5  }
0x385: {  	s24 =	simm.s32 $0x0;
	s25 =	simm.s32 $0x17B90;
	v5 =	vadd.f32 v9, v8;
	v6 =	vld [tilespmem:s1+$0xFFFFFFC0];
	[tilespmem:s1+$0x70] =	vst v11;
	v4 =	vpop (erf)  }
0x386: {  	v8 =	vld [tilespmem:s1+$0xFFFFFFD0];
	v3 =	vmax.f32 v3, $1.000000000e+00  }
0x387: {  	v5 =	vmax.f32 v5, $1.000000000e+00;
	v9 =	vld [tilespmem:s1+$0xFFFFFFE0];
	v11 =	vpop (erf);
	(erf) = vrcp.f32 v3  }
0x388: {  	v3 =	vmul.f32 v4, v7;
	v7 =	vld [tilespmem:s1+$0xFFFFFFF0];
	(erf) = vrcp.f32 v5  }
0x389: {  	v4 =	vmul.f32 v4, v10;
	v10 =	vld [tilespmem:s1+$0x0];
	v12 =	vpop (erf)  }
0x38a: {  	[tilespmem:s1+$0xFFFFFFA0] =	vst v3;
	v3 =	vmul.f32 v11, v6;
	v13 =	vld [tilespmem:s1+$0x10]  }
.Ltmp10:
0x38b: {  	[tilespmem:s1+$0xFFFFFFB0] =	vst v4;
	v4 =	vmul.f32 v11, v8;
	v6 =	vld [tilespmem:s1+$0x20];
	v11 =	vpop (erf);
	(pc) =	sbr.rel @p2 .LBB2_21-.Ltmp10, $4  }
0x38c: {  	[tilespmem:s1+$0xFFFFFFC0] =	vst v3;
	v9 =	vmul.f32 v12, v9;
	v5 =	vld [tilespmem:s1+$0x30]  }
0x38d: {  	[tilespmem:s1+$0xFFFFFFD0] =	vst v4;
	v7 =	vmul.f32 v12, v7;
	v3 =	vld [tilespmem:s1+$0x40];
	v8 =	vpop (erf)  }
0x38e: {  	[tilespmem:s1+$0xFFFFFFE0] =	vst v9;
	v10 =	vmul.f32 v11, v10;
	v4 =	vld [tilespmem:s1+$0x50]  }
0x38f: {  	s23 =	sadd.s32 $0x80, s23;
	[tilespmem:s1+$0xFFFFFFF0] =	vst v7;
	v9 =	vmul.f32 v11, v13;
	v7 =	vld [tilespmem:s1+$0x60]  }
0x390: {  	[tilespmem:s1+$0x0] =	vst v10;
	v6 =	vmul.f32 v8, v6;
	v61 =	vpop (erf)  }
0x391: {  	[tilespmem:s1+$0x10] =	vst v9;
	v5 =	vmul.f32 v8, v5;
	v62 =	vpop (erf)  }
0x392: {  	v1 =	vmul.f32 v62, v1;
	[tilespmem:s1+$0x20] =	vst v6  }
0x393: {  	v2 =	vmul.f32 v62, v2;
	[tilespmem:s1+$0x30] =	vst v5  }
0x394: {  	v3 =	vmul.f32 v61, v3;
	[tilespmem:s1+$0xFFFFFF80] =	vst v1  }
0x395: {  	v63 =	vmul.f32 v61, v4;
	[tilespmem:s1+$0xFFFFFF90] =	vst v2  }
0x396: {  	v0 =	vmul.f32 v0, v7;
	[tilespmem:s1+$0x40] =	vst v3  }
0x397: {  	[tilespmem:s1+$0x50] =	vst v63  }
0x398: {  	[tilespmem:s1+$0x60] =	vst v0  }
.LBB2_23:
0x399: {  	s1 =	sshra.s32 s24, $0x2  }
0x39a: {  	v0 =	vld [tilespmem:s1+$0x18F80]  }
0x39b: {  	v1 =	vld [tilespmem:s1+$0x1A340];
	_ =	sdelay $0x4  }
0x39c: {  	v0 =	vadd.f32 v1, v0;
	_ =	sdelay $0x1  }
0x39d: {  	v0 =	vmax.f32 v0, $1.000000000e+00  }
0x39e: {  	(erf) = vrcp.f32 v0;
	_ =	sdelay $0x4  }
0x39f: {  	v61 =	vld [tilespmem:s25+$0xFFFFFFF0];
	_ =	sdelay $0x1  }
0x3a0: {  	v63 =	vld [tilespmem:s25+$0x0];
	_ =	sdelay $0x1  }
0x3a1: {  	p2 =	sne.s32 s24, $0xC0;
	v62 =	vpop (erf)  }
.Ltmp11:
0x3a2: {  	v0 =	vmul.f32 v62, v61;
	(pc) =	sbr.rel @p2 .LBB2_23-.Ltmp11, $3  }
0x3a3: {  	_ = 	snop  }
0x3a4: {  	[tilespmem:s25+$0xFFFFFFF0] =	vst v0;
	v0 =	vmul.f32 v62, v63;
	_ =	sdelay $0x1  }
0x3a5: {  	s24 =	sadd.s32 $0x40, s24;
	[tilespmem:s25+$0x0] =	vst v0;
	s25 =	sadd.s32 $0x20, s25  }
0x3a6: {  	s1 =	rddreg [dreg:$0xf]  }
0x3a7: {  	[hbm4b:s1+s5] =	stream.linear.scatter [tilespmem:s0], [sflag:$0x9], $0x2780, $0x38;
	[tilespmem:$0x1A3A0] =	vst v63  }
0x3a8: {  	_ =	swait.ge [sflag:s30], $0x2780  }
0x3a9: {  	[sflag:s30] =	ssyncset.done $0x0  }
0x3aa: {  	s23 =	rddreg [dreg:$0x16];
	[sflag:s30] =	ssyncadd.s32 $0xFFFFD880  }
0x3ab: {  	[tilespmem:s0], [sflag:$0x9] =	stream.linear.gather [spmem:s23], $0x2780, $0x38;
	[tilespmem:$0x1A3A0] =	vst v63  }
0x3ac: {  	_ =	swait.ge [sflag:s30], $0x2780  }
0x3ad: {  	[sflag:s30] =	ssyncset.done $0x0  }
0x3ae: {  	s24 =	rddreg [dreg:$0x12];
	[sflag:s30] =	ssyncadd.s32 $0xFFFFD880  }
0x3af: {  	[tilespmem:s29], [sflag:$0x9] =	stream.linear.gather [hbm4b:s24+s5], $0x13C0, $0x38;
	[tilespmem:$0x1A3A0] =	vst v63  }
0x3b0: {  	_ =	swait.ge [sflag:s30], $0x13C0  }
0x3b1: {  	[sflag:s30] =	ssyncset.done $0x0  }
0x3b2: {  	s25 =	rddreg [dreg:$0x19];
	[sflag:s30] =	ssyncadd.s32 $0xFFFFEC40  }
0x3b3: {  	[tilespmem:s31], [sflag:$0x9] =	stream.linear.gather [hbm4b:s25+s5], $0x13C0, $0x38;
	[tilespmem:$0x1A3A0] =	vst v63  }
0x3b4: {  	_ =	swait.ge [sflag:s30], $0x13C0  }
0x3b5: {  	[sflag:s30] =	ssyncset.done $0x0  }
0x3b6: {  	s20 =	simm.s32 $0x17C40;
	[sflag:s30] =	ssyncadd.s32 $0xFFFFEC40  }
0x3b7: {  	s6 =	simm.s32 $0x19000;
	v0 =	vld [tilespmem:s20+$0x30]  }
0x3b8: {  	v1 =	vld [tilespmem:s6+$0x30]  }
0x3b9: {  	v2 =	vld [tilespmem:s20+$0xFFFFFFD0]  }
0x3ba: {  	v4 =	vld [tilespmem:s6+$0xFFFFFFD0]  }
0x3bb: {  	v5 =	vld [tilespmem:s20+$0xFFFFFFE0]  }
0x3bc: {  	v6 =	vld [tilespmem:s6+$0xFFFFFFE0]  }
0x3bd: {  	v7 =	vld [tilespmem:s20+$0xFFFFFFF0]  }
0x3be: {  	v8 =	vld [tilespmem:s6+$0xFFFFFFF0]  }
0x3bf: {  	v9 =	vld [tilespmem:s20+$0x0];
	v0 =	vadd.f32 v1, v0  }
0x3c0: {  	v10 =	vld [tilespmem:s6+$0x0];
	v1 =	vadd.f32 v4, v2  }
0x3c1: {  	v11 =	vld [tilespmem:s6+$0x10];
	v0 =	vmax.f32 v0, $1.000000000e+00  }
0x3c2: {  	v4 =	vld [tilespmem:s20+$0x10];
	(erf) = vrcp.f32 v0;
	v0 =	vmax.f32 v1, $1.000000000e+00;
	v1 =	vadd.f32 v6, v5  }
0x3c3: {  	(erf) = vrcp.f32 v0  }
0x3c4: {  	s1 =	simm.s32 $0x15500;
	v3 =	vld [tilespmem:s6+$0xFFFFFFC0];
	v0 =	vmax.f32 v1, $1.000000000e+00;
	v1 =	vadd.f32 v8, v7  }
0x3c5: {  	v9 =	vadd.f32 v10, v9;
	v10 =	vld [tilespmem:s1+$0xFFFFFFB0]  }
0x3c6: {  	v5 =	vld [tilespmem:s20+$0x20];
	(erf) = vrcp.f32 v0;
	v0 =	vmax.f32 v1, $1.000000000e+00  }
0x3c7: {  	v6 =	vld [tilespmem:s1+$0x70];
	(erf) = vrcp.f32 v0;
	v0 =	vadd.f32 v11, v4  }
0x3c8: {  	v7 =	vld [tilespmem:s6+$0x20]  }
0x3c9: {  	v8 =	vld [tilespmem:s20+$0xFFFFFFC0]  }
0x3ca: {  	v9 =	vmax.f32 v9, $1.000000000e+00  }
0x3cb: {  	v13 =	vld [tilespmem:s1+$0xFFFFFFE0];
	(erf) = vrcp.f32 v9;
	v9 =	vmax.f32 v0, $1.000000000e+00;
	v0 =	vpop (erf)  }
0x3cc: {  	v4 =	vld [tilespmem:s1+$0xFFFFFFA0];
	v12 =	vpop (erf)  }
0x3cd: {  	v14 =	vld [tilespmem:s1+$0xFFFFFFF0];
	v5 =	vadd.f32 v7, v5;
	v10 =	vmul.f32 v12, v10  }
0x3ce: {  	v11 =	vld [tilespmem:s1+$0xFFFFFFC0];
	v3 =	vadd.f32 v3, v8;
	v6 =	vmul.f32 v0, v6  }
0x3cf: {  	(erf) = vrcp.f32 v9;
	v9 =	vld [tilespmem:s1+$0xFFFFFFD0];
	[tilespmem:s1+$0xFFFFFFB0] =	vst v10;
	v10 =	vmax.f32 v5, $1.000000000e+00  }
0x3d0: {  	v63 =	vld [tilespmem:s1+$0x0];
	(erf) = vrcp.f32 v10;
	v10 =	vmax.f32 v3, $1.000000000e+00  }
0x3d1: {  	v2 =	vld [tilespmem:s1+$0xFFFFFF90];
	v4 =	vmul.f32 v12, v4;
	(erf) = vrcp.f32 v10  }
0x3d2: {  	v1 =	vld [tilespmem:s1+$0xFFFFFF80];
	[tilespmem:s1+$0x70] =	vst v6;
	v6 =	vpop (erf)  }
0x3d3: {  	v7 =	vld [tilespmem:s1+$0x10];
	[tilespmem:s1+$0xFFFFFFA0] =	vst v4;
	v4 =	vmul.f32 v6, v11  }
0x3d4: {  	v8 =	vpop (erf);
	v9 =	vmul.f32 v6, v9;
	v6 =	vld [tilespmem:s1+$0x20]  }
0x3d5: {  	v5 =	vld [tilespmem:s1+$0x30];
	[tilespmem:s1+$0xFFFFFFC0] =	vst v4;
	v4 =	vmul.f32 v8, v13  }
0x3d6: {  	v3 =	vld [tilespmem:s1+$0x40];
	v11 =	vpop (erf);
	[tilespmem:s1+$0xFFFFFFD0] =	vst v9;
	v9 =	vmul.f32 v8, v14  }
0x3d7: {  	v10 =	vmul.f32 v11, v63;
	[tilespmem:s1+$0xFFFFFFE0] =	vst v4;
	v4 =	vld [tilespmem:s1+$0x50]  }
0x3d8: {  	s23 =	simm.s32 $0x17CC0;
	s20 =	simm.s32 $0x0;
	v8 =	vpop (erf);
	[tilespmem:s1+$0xFFFFFFF0] =	vst v9;
	v9 =	vmul.f32 v11, v7;
	v7 =	vld [tilespmem:s1+$0x60]  }
.LBB2_25:
0x3d9: {  	v11 =	vld [tilespmem:s23+$0x30];
	[tilespmem:s1+$0x0] =	vst v10;
	v6 =	vmul.f32 v8, v6;
	s6 =	sadd.s32 $0x80, s6;
	v10 =	vpop (erf)  }
0x3da: {  	s20 =	sadd.s32 $0x8, s20;
	v12 =	vld [tilespmem:s6+$0x30];
	[tilespmem:s1+$0x10] =	vst v9;
	v5 =	vmul.f32 v8, v5;
	v8 =	vpop (erf)  }
0x3db: {  	p2 =	slt.u32 s20, $0x130;
	v9 =	vld [tilespmem:s6+$0xFFFFFFC0];
	v1 =	vmul.f32 v8, v1;
	v2 =	vmul.f32 v8, v2;
	[tilespmem:s1+$0x20] =	vst v6  }
0x3dc: {  	v3 =	vmul.f32 v10, v3;
	v6 =	vld [tilespmem:s23+$0xFFFFFFD0];
	[tilespmem:s1+$0x30] =	vst v5;
	v4 =	vmul.f32 v10, v4  }
0x3dd: {  	v5 =	vld [tilespmem:s6+$0xFFFFFFD0];
	[tilespmem:s1+$0xFFFFFF80] =	vst v1;
	v0 =	vmul.f32 v0, v7  }
0x3de: {  	v1 =	vld [tilespmem:s23+$0xFFFFFFE0];
	[tilespmem:s1+$0xFFFFFF90] =	vst v2  }
0x3df: {  	v2 =	vld [tilespmem:s6+$0xFFFFFFE0];
	v7 =	vadd.f32 v12, v11;
	[tilespmem:s1+$0x40] =	vst v3  }
0x3e0: {  	v3 =	vld [tilespmem:s23+$0xFFFFFFF0];
	[tilespmem:s1+$0x50] =	vst v4  }
0x3e1: {  	v4 =	vld [tilespmem:s6+$0xFFFFFFF0];
	v7 =	vmax.f32 v7, $1.000000000e+00;
	[tilespmem:s1+$0x60] =	vst v0  }
0x3e2: {  	v0 =	vadd.f32 v5, v6;
	v5 =	vld [tilespmem:s23+$0x0];
	(erf) = vrcp.f32 v7  }
0x3e3: {  	v6 =	vld [tilespmem:s6+$0x0]  }
0x3e4: {  	v0 =	vmax.f32 v0, $1.000000000e+00;
	v1 =	vadd.f32 v2, v1;
	v2 =	vld [tilespmem:s23+$0x10]  }
0x3e5: {  	v7 =	vld [tilespmem:s6+$0x10];
	(erf) = vrcp.f32 v0  }
0x3e6: {  	s1 =	sadd.s32 $0x100, s1;
	v0 =	vmax.f32 v1, $1.000000000e+00;
	v1 =	vadd.f32 v4, v3;
	v3 =	vld [tilespmem:s23+$0x20]  }
0x3e7: {  	v4 =	vld [tilespmem:s1+$0x70];
	(erf) = vrcp.f32 v0  }
0x3e8: {  	v0 =	vmax.f32 v1, $1.000000000e+00;
	v5 =	vadd.f32 v6, v5;
	v6 =	vld [tilespmem:s6+$0x20]  }
0x3e9: {  	v8 =	vld [tilespmem:s23+$0xFFFFFFC0];
	(erf) = vrcp.f32 v0  }
0x3ea: {  	v1 =	vld [tilespmem:s1+$0xFFFFFF80];
	v10 =	vmax.f32 v5, $1.000000000e+00;
	v5 =	vadd.f32 v7, v2  }
0x3eb: {  	v2 =	vld [tilespmem:s1+$0xFFFFFF90];
	(erf) = vrcp.f32 v10;
	v0 =	vpop (erf)  }
0x3ec: {  	v7 =	vld [tilespmem:s1+$0xFFFFFFA0];
	v5 =	vmax.f32 v5, $1.000000000e+00;
	v11 =	vmul.f32 v0, v4  }
0x3ed: {  	v10 =	vld [tilespmem:s1+$0xFFFFFFB0];
	v3 =	vadd.f32 v6, v3;
	(erf) = vrcp.f32 v5  }
0x3ee: {  	s24 =	simm.s32 $0x0;
	s25 =	simm.s32 $0x17B90;
	v5 =	vadd.f32 v9, v8;
	v6 =	vld [tilespmem:s1+$0xFFFFFFC0];
	[tilespmem:s1+$0x70] =	vst v11;
	v4 =	vpop (erf)  }
0x3ef: {  	v8 =	vld [tilespmem:s1+$0xFFFFFFD0];
	v3 =	vmax.f32 v3, $1.000000000e+00  }
0x3f0: {  	v5 =	vmax.f32 v5, $1.000000000e+00;
	v9 =	vld [tilespmem:s1+$0xFFFFFFE0];
	v11 =	vpop (erf);
	(erf) = vrcp.f32 v3  }
0x3f1: {  	v3 =	vmul.f32 v4, v7;
	v7 =	vld [tilespmem:s1+$0xFFFFFFF0];
	(erf) = vrcp.f32 v5  }
0x3f2: {  	v4 =	vmul.f32 v4, v10;
	v10 =	vld [tilespmem:s1+$0x0];
	v12 =	vpop (erf)  }
0x3f3: {  	[tilespmem:s1+$0xFFFFFFA0] =	vst v3;
	v3 =	vmul.f32 v11, v6;
	v13 =	vld [tilespmem:s1+$0x10]  }
.Ltmp12:
0x3f4: {  	[tilespmem:s1+$0xFFFFFFB0] =	vst v4;
	v4 =	vmul.f32 v11, v8;
	v6 =	vld [tilespmem:s1+$0x20];
	v11 =	vpop (erf);
	(pc) =	sbr.rel @p2 .LBB2_25-.Ltmp12, $4  }
0x3f5: {  	[tilespmem:s1+$0xFFFFFFC0] =	vst v3;
	v9 =	vmul.f32 v12, v9;
	v5 =	vld [tilespmem:s1+$0x30]  }
0x3f6: {  	[tilespmem:s1+$0xFFFFFFD0] =	vst v4;
	v7 =	vmul.f32 v12, v7;
	v3 =	vld [tilespmem:s1+$0x40];
	v8 =	vpop (erf)  }
0x3f7: {  	[tilespmem:s1+$0xFFFFFFE0] =	vst v9;
	v10 =	vmul.f32 v11, v10;
	v4 =	vld [tilespmem:s1+$0x50]  }
0x3f8: {  	s23 =	sadd.s32 $0x80, s23;
	[tilespmem:s1+$0xFFFFFFF0] =	vst v7;
	v9 =	vmul.f32 v11, v13;
	v7 =	vld [tilespmem:s1+$0x60]  }
0x3f9: {  	[tilespmem:s1+$0x0] =	vst v10;
	v6 =	vmul.f32 v8, v6;
	v61 =	vpop (erf)  }
0x3fa: {  	[tilespmem:s1+$0x10] =	vst v9;
	v5 =	vmul.f32 v8, v5;
	v62 =	vpop (erf)  }
0x3fb: {  	v1 =	vmul.f32 v62, v1;
	[tilespmem:s1+$0x20] =	vst v6  }
0x3fc: {  	v2 =	vmul.f32 v62, v2;
	[tilespmem:s1+$0x30] =	vst v5  }
0x3fd: {  	v3 =	vmul.f32 v61, v3;
	[tilespmem:s1+$0xFFFFFF80] =	vst v1  }
0x3fe: {  	v63 =	vmul.f32 v61, v4;
	[tilespmem:s1+$0xFFFFFF90] =	vst v2  }
0x3ff: {  	v0 =	vmul.f32 v0, v7;
	[tilespmem:s1+$0x40] =	vst v3  }
0x400: {  	[tilespmem:s1+$0x50] =	vst v63  }
0x401: {  	[tilespmem:s1+$0x60] =	vst v0  }
.LBB2_27:
0x402: {  	s1 =	sshra.s32 s24, $0x2  }
0x403: {  	v0 =	vld [tilespmem:s1+$0x18F80]  }
0x404: {  	v1 =	vld [tilespmem:s1+$0x1A340];
	_ =	sdelay $0x4  }
0x405: {  	v0 =	vadd.f32 v1, v0;
	_ =	sdelay $0x1  }
0x406: {  	v0 =	vmax.f32 v0, $1.000000000e+00  }
0x407: {  	(erf) = vrcp.f32 v0;
	_ =	sdelay $0x4  }
0x408: {  	v61 =	vld [tilespmem:s25+$0xFFFFFFF0];
	_ =	sdelay $0x1  }
0x409: {  	v63 =	vld [tilespmem:s25+$0x0];
	_ =	sdelay $0x1  }
0x40a: {  	p2 =	sne.s32 s24, $0xC0;
	v62 =	vpop (erf)  }
.Ltmp13:
0x40b: {  	v0 =	vmul.f32 v62, v61;
	(pc) =	sbr.rel @p2 .LBB2_27-.Ltmp13, $3  }
0x40c: {  	_ = 	snop  }
0x40d: {  	[tilespmem:s25+$0xFFFFFFF0] =	vst v0;
	v0 =	vmul.f32 v62, v63;
	_ =	sdelay $0x1  }
0x40e: {  	s24 =	sadd.s32 $0x40, s24;
	[tilespmem:s25+$0x0] =	vst v0;
	s25 =	sadd.s32 $0x20, s25  }
0x40f: {  	s1 =	rddreg [dreg:$0x10]  }
0x410: {  	[hbm4b:s1+s5] =	stream.linear.scatter [tilespmem:s0], [sflag:$0x9], $0x2780, $0x38;
	[tilespmem:$0x1A3A0] =	vst v63  }
0x411: {  	_ =	swait.ge [sflag:s30], $0x2780  }
0x412: {  	s22 =	sadd.s32 $0x1, s22;
	s25 =	rddreg [dreg:$0x17]  }
0x413: {  	p2 =	sne.s32 s22, s25  }
.Ltmp14:
0x414: {  	_ = 	snop;
	(pc) =	sbr.rel @p2 .LBB2_1-.Ltmp14, $3  }
0x415: {  	_ =	sdelay $0x1  }
0x416: {  	[sflag:s30] =	ssyncset.done $0x0  }
0x417: {  	[sflag:s30] =	ssyncadd.s32 $0xFFFFD880  }
0x418: {  	_ =	sfence.sel $0x180000  }
0x419: {  	[bflag:$0x0] =	sbarrier.arrive $0xFFFF  }
0x41a: {  	_ =	strace $0x9000004A  }
0x41b: {  	s0 =	stileid.u32;
	[bflag:$0x2] =	sbarrier.arrive $0xFFFF  }
0x41c: {  	p0 =	sne.s32 s0, $0x0;
	s0 =	rddreg [dreg:$0x5]  }
0x41d: {  	s0 =	sadd.s32 @!p0 $0x100000, s0  }
0x41e: {  	[sflag:s0] =	ssyncadd.tile.s32 @!p0 $0x1;
	_ =	shalt  }
.Lfunc_end2:
_tile_overlayer_lowered:
.L_overlay_start_2:
0x41f: {  	(tag) =	ssettag $0x2  }
0x420: {  	s0 =	rddreg [dreg:$0x0];
	s2 =	stileid.u32  }
0x421: {  	s1 =	rddreg [dreg:$0x1];
	p0 =	sne.s32 s2, $0x0  }
0x422: {  	s3 =	rddreg [dreg:$0x2];
	[bflag:$0x3] =	sbarrier.arrive $0xFFFF;
	s2 =	simm.s32 @!p0 $0x1C09  }
0x423: {  	[timem:s3], [sflag:s2] =	dma.local @!p0 [hbm:s0], s1  }
0x424: {  	s0 =	simm.s32 @!p0 $0x9  }
0x425: {  	_ =	swait.ge @!p0 [sflag:s0], s1  }
0x426: {  	s1 =	ssub.s32 @!p0 $0x0, s1;
	[sflag:s0] =	ssyncset.done @!p0 $0x0  }
0x427: {  	[sflag:s0] =	ssyncadd.s32 @!p0 s1  }
0x428: {  	[bflag:$0x3] =	sbarrier.arrive $0xFFFF  }
0x429: {  	_ =	shalt  }

</sc_bundles>
